<compile_context>
chip_gen: v7x
topology: tpu7x:2x2x1
jax: 0.10.2.dev20260603
libtpu: 0.0.44.dev20260713+nightly
codegen_flags: <defaults>
</compile_context>

<pallas_src>
import functools

import jax
import jax.numpy as jnp
from jax import lax
from jax.experimental import pallas as pl
from jax.experimental.pallas import tpu as pltpu
from jax.experimental.pallas import tpu_sc as plsc

B = 64
C = 64
HW = 1024
K = 512
N = B * HW
NELEM = N * C
BB = 16
SA = B // BB
NW = 32


def _tc_body(z_ref, emb_ref, idx_ref, loss_ref, embt_ref,
             acc, mean_s, std_s, n2emb_s, esq_s, err_s):
    i = pl.program_id(0)

    @pl.when(i == 0)
    def _init():
        acc[...] = jnp.zeros_like(acc)

    @pl.when(i < SA)
    def _phase_sum():
        for j in range(BB):
            acc[...] += z_ref[(i % SA) * BB + j]

    @pl.when(i == SA)
    def _fin_mean():
        mean_s[...] = jnp.sum(acc[...], axis=1, keepdims=True) / N
        acc[...] = jnp.zeros_like(acc)

    @pl.when(jnp.logical_and(i >= SA, i < 2 * SA))
    def _phase_sq():
        for j in range(BB):
            d = z_ref[(i % SA) * BB + j] - mean_s[...]
            acc[...] += d * d

    @pl.when(i == 2 * SA)
    def _fin_std():
        var = jnp.sum(acc[...], axis=1, keepdims=True) / (N - 1)
        std_s[...] = jnp.maximum(jnp.sqrt(var), 1e-5)
        emb = emb_ref[...]
        embt_ref[...] = emb.T
        n2emb_s[...] = emb * -2.0
        esq_s[...] = jnp.sum(emb * emb, axis=1, keepdims=True)
        err_s[0, 0] = 0.0

    @pl.when(i >= 2 * SA)
    def _phase_main():
        kio = lax.broadcasted_iota(jnp.int32, (K, HW), 0)
        for j in range(BB):
            zn = z_ref[(i % SA) * BB + j] / std_s[...]
            mm2 = lax.dot_general(n2emb_s[...], zn, (((1,), (0,)), ((), ())),
                                  preferred_element_type=jnp.float32)
            zsq = jnp.sum(zn * zn, axis=0, keepdims=True)
            dist = (zsq + mm2) + esq_s[...]
            md = jnp.min(dist, axis=0)
            idx = jnp.argmin(dist, axis=0).astype(jnp.int32)
            err_s[0, 0] += jnp.sum(md)
            idx_ref[j, :] = idx

    @pl.when(i == 3 * SA - 1)
    def _finalize():
        loss_ref[0, 0] = 1.25 * err_s[0, 0] / NELEM


def _sc_body(embt_hbm, idx_hbm, out_hbm, cnt_hbm, embt_v, idx_v, obuf, cnt_v):
    cid = lax.axis_index("c")
    sid = lax.axis_index("s")
    wid = sid * 2 + cid
    pltpu.sync_copy(embt_hbm, embt_v)

    def zero_cnt(g, carry):
        cnt_v[pl.ds(g * 16, 16)] = jnp.zeros((16,), jnp.float32)
        return carry

    lax.fori_loop(0, K // 16, zero_cnt, 0)

    def per_batch(bl, carry):
        b = wid * 2 + bl
        pltpu.sync_copy(idx_hbm.at[b], idx_v)

        @plsc.parallel_loop(0, HW // 16, unroll=2)
        def per_group(g):
            ids = idx_v[pl.ds(g * 16, 16)]
            for c in range(C):
                obuf[c, pl.ds(g * 16, 16)] = plsc.load_gather(embt_v, [ids + c * K])

        def hist(g, carry2):
            ids = idx_v[pl.ds(g * 16, 16)]
            plsc.addupdate_scatter(cnt_v, [ids], jnp.ones((16,), jnp.float32))
            return carry2

        lax.fori_loop(0, HW // 16, hist, 0)
        pltpu.sync_copy(obuf, out_hbm.at[b])
        return carry

    lax.fori_loop(0, 2, per_batch, 0)
    pltpu.sync_copy(cnt_v, cnt_hbm.at[wid])


def _make_sc_gather():
    mesh = plsc.VectorSubcoreMesh(core_axis_name="c", subcore_axis_name="s")
    return functools.partial(
        pl.kernel,
        mesh=mesh,
        compiler_params=pltpu.CompilerParams(needs_layout_passes=False),
        out_type=[
            jax.ShapeDtypeStruct((B, C, HW), jnp.float32),
            jax.ShapeDtypeStruct((NW, K), jnp.float32),
        ],
        scratch_types=[
            pltpu.VMEM((C * K,), jnp.float32),
            pltpu.VMEM((HW,), jnp.int32),
            pltpu.VMEM((C, HW), jnp.float32),
            pltpu.VMEM((K,), jnp.float32),
        ],
    )(_sc_body)


def _perp_body(cnt_ref, perp_ref):
    p = jnp.sum(cnt_ref[...], axis=0, keepdims=True) / N
    plogp = p * jnp.log(jnp.maximum(p, 1e-10))
    perp_ref[0, 0] = jnp.exp(-jnp.sum(plogp))


def kernel(z_e, emb_w):
    z3 = z_e.reshape(B, C, HW)
    idx2, loss, embt = pl.pallas_call(
        _tc_body,
        grid=(3 * SA,),
        in_specs=[
            pl.BlockSpec((B, C, HW), lambda i: (0, 0, 0)),
            pl.BlockSpec((K, C), lambda i: (0, 0)),
        ],
        out_specs=[
            pl.BlockSpec((BB, HW), lambda i: (jnp.maximum(i - 2 * SA, 0), 0)),
            pl.BlockSpec(memory_space=pltpu.SMEM),
            pl.BlockSpec((C, K), lambda i: (0, 0)),
        ],
        out_shape=[
            jax.ShapeDtypeStruct((B, HW), jnp.int32),
            jax.ShapeDtypeStruct((1, 1), jnp.float32),
            jax.ShapeDtypeStruct((C, K), jnp.float32),
        ],
        scratch_shapes=[
            pltpu.VMEM((C, HW), jnp.float32),
            pltpu.VMEM((C, 1), jnp.float32),
            pltpu.VMEM((C, 1), jnp.float32),
            pltpu.VMEM((K, C), jnp.float32),
            pltpu.VMEM((K, 1), jnp.float32),
            pltpu.SMEM((1, 1), jnp.float32),
        ],
    )(z3, emb_w)
    zq, cnts = _make_sc_gather()(embt.reshape(-1), idx2)
    perp = pl.pallas_call(
        _perp_body,
        out_specs=pl.BlockSpec(memory_space=pltpu.SMEM),
        out_shape=jax.ShapeDtypeStruct((1, 1), jnp.float32),
    )(cnts)
    z_q_st = zq.reshape(z_e.shape)
    indices = idx2.reshape(B, 32, 32)
    return (z_q_st, loss[0, 0], perp[0, 0], indices)

# --- scband reference (transcript-rebuilt; emitter-appended) ---
"""Pipeline reference for scband-vqvae-17669495456260 (READ-ONLY COPY).

The authoritative reference and input builder live on the scoring server;
editing this copy changes nothing except your own understanding.
"""

import jax, jax.numpy as jnp
import numpy as np

K = 512
D = 64

def setup_inputs(seed: int = 0) -> dict:
    key = jax.random.key(seed)
    k1, k2 = jax.random.split(key)
    z_e = jax.random.normal(k1, (64, 64, 32, 32), dtype=jnp.float32)
    emb_w = jax.random.uniform(k2, (K, D), minval=-1.0 / D, maxval=1.0 / D, dtype=jnp.float32)
    return {"z_e": z_e, "emb_w": emb_w}

def reference(z_e, emb_w):
    eps = 1e-5
    commitment_cost = 0.25
    b, c, h, w = z_e.shape
    z32 = z_e.astype(jnp.float32)
    # torch .std() is unbiased (ddof=1), computed under no_grad
    std = jax.lax.stop_gradient(jnp.clip(jnp.std(z32, axis=(0, 2, 3), keepdims=True, ddof=1), eps, None))
    z32 = z32 / std
    z_flat = jnp.transpose(z32, (0, 2, 3, 1)).reshape(-1, c)
    emb = emb_w.astype(jnp.float32)
    distances = jnp.sum(z_flat ** 2, axis=1, keepdims=True) - 2.0 * (z_flat @ emb.T) + jnp.sum(emb ** 2, axis=1)
    encoding_indices = jnp.argmin(distances, axis=1)
    z_q = jnp.take(emb, encoding_indices, axis=0).reshape(b, h, w, c).transpose(0, 3, 1, 2)
    commitment = commitment_cost * jnp.mean((jax.lax.stop_gradient(z32) - z_q) ** 2)
    # eval path: codebook loss = mse(z_e.detach(), z_q)
    codebook = jnp.mean((jax.lax.stop_gradient(z32) - z_q) ** 2)
    vq_loss = commitment + codebook
    z_q_st = (z32 + jax.lax.stop_gradient(z_q - z32)).astype(z_e.dtype)
    avg_probs = jnp.bincount(encoding_indices, length=K).astype(jnp.float32) / encoding_indices.shape[0]
    perplexity = jnp.exp(-jnp.sum(avg_probs * jnp.log(jnp.clip(avg_probs, 1e-10, None))))
    indices = encoding_indices.reshape(b, h, w)
    return (z_q_st, vq_loss, perplexity, indices)

if __name__ == "__main__":
    import jax
    _d = setup_inputs()
    print(jax.jit(kernel)(*tuple(_d.values())))

</pallas_src>

<mosaic_0001>
#map = affine_map<(d0, d1) -> (0)>
#map1 = affine_map<(d0, d1) -> (0, 0)>
#map2 = affine_map<(d0, d1) -> (0, 0, 0)>
module attributes {stable_mosaic.version = 14 : i64} {
  func.func @_sc_body(%arg0: i32, %arg1: i32, %arg2: memref<32768xf32, #tpu.memory_space<hbm>>, %arg3: memref<64x1024xi32, #tpu.memory_space<hbm>>, %arg4: memref<64x64x1024xf32, #tpu.memory_space<hbm>>, %arg5: memref<32x512xf32, #tpu.memory_space<hbm>>, %arg6: memref<32768xf32, #tpu.memory_space<vmem>>, %arg7: memref<1024xi32, #tpu.memory_space<vmem>>, %arg8: memref<64x1024xf32, #tpu.memory_space<vmem>>, %arg9: memref<512xf32, #tpu.memory_space<vmem>>) attributes {dimension_semantics = [#tpu.dimension_semantics<core_parallel>, #tpu.dimension_semantics<subcore_parallel>], iteration_bounds = array<i64: 2, 16>, scalar_prefetch = 0 : i64, scratch_operands = 4 : i64, tpu.core_type = #tpu.core_type<sc_vector_subcore>, window_params = [{transform_indices = #map}, {transform_indices = #map1}, {transform_indices = #map2}, {transform_indices = #map1}]} {
    %mul3A = arith.constant 2 : i32
    %mul3A_0 = arith.muli %arg1, %mul3A : i32
    %add3A = arith.addi %mul3A_0, %arg0 : i32
    "tpu.region"() ({
      %run_scoped3A = tpu.sem_alloc : memref<!tpu.dma_semaphore, #tpu.memory_space<semaphore_mem>>
      tpu.enqueue_dma source(%arg2 : memref<32768xf32, #tpu.memory_space<hbm>>) target(%arg6 : memref<32768xf32, #tpu.memory_space<vmem>>) target_semaphore(%run_scoped3A : memref<!tpu.dma_semaphore, #tpu.memory_space<semaphore_mem>>)
      tpu.wait_dma2 semaphore(%run_scoped3A : memref<!tpu.dma_semaphore, #tpu.memory_space<semaphore_mem>>) src(%arg2 : memref<32768xf32, #tpu.memory_space<hbm>>) dst(%arg6 : memref<32768xf32, #tpu.memory_space<vmem>>)
      tpu.yield
    }) : () -> ()
    %scan3A = arith.constant 0 : i32
    %scan3A_1 = arith.constant 0 : i32
    %scan3A_2 = arith.constant 32 : i32
    %scan3A_3 = arith.addi %scan3A_1, %scan3A_2 : i32
    %scan3A_4 = arith.constant 1 : i32
    scf.for %scan3A_12 = %scan3A_1 to %scan3A_3 step %scan3A_4  : i32 {
      %broadcast_in_dim3A = arith.constant 0.000000e+00 : f32
      %broadcast_in_dim3A_13 = vector.broadcast %broadcast_in_dim3A : f32 to vector<16xf32>
      %mul3A_14 = arith.constant 16 : i32
      %mul3A_15 = arith.muli %scan3A_12, %mul3A_14 : i32
      %swap3A = arith.index_cast %mul3A_15 : i32 to index
      %swap3A_16 = tpu.vector_load %arg9[%swap3A] {strides = array<i32>} : memref<512xf32, #tpu.memory_space<vmem>>, vector<16xf32>,
      tpu.vector_store %arg9[%swap3A], %broadcast_in_dim3A_13 {strides = array<i32>} : memref<512xf32, #tpu.memory_space<vmem>>, vector<16xf32>,
    }
    %scan3A_5 = arith.constant 32 : i32
    %scan3A_6 = arith.constant 0 : i32
    %scan3A_7 = arith.constant 0 : i32
    %scan3A_8 = arith.constant 2 : i32
    %scan3A_9 = arith.addi %scan3A_7, %scan3A_8 : i32
    %scan3A_10 = arith.constant 1 : i32
    scf.for %scan3A_12 = %scan3A_7 to %scan3A_9 step %scan3A_10  : i32 {
      %mul3A_13 = arith.constant 2 : i32
      %mul3A_14 = arith.muli %add3A, %mul3A_13 : i32
      %add3A_15 = arith.addi %mul3A_14, %scan3A_12 : i32
      "tpu.region"() ({
        %run_scoped3A = tpu.sem_alloc : memref<!tpu.dma_semaphore, #tpu.memory_space<semaphore_mem>>
        %dma_start3A = arith.constant 0 : i32
        %dma_start3A_24 = tpu.memref_slice %arg3[%add3A_15, %dma_start3A] : memref<64x1024xi32, #tpu.memory_space<hbm>> -> memref<1x1024xi32, #tpu.memory_space<hbm>>
        %dma_start3A_25 = tpu.memref_squeeze %dma_start3A_24 : memref<1x1024xi32, #tpu.memory_space<hbm>> -> memref<1024xi32, #tpu.memory_space<hbm>>
        %dma_start3A_26 = arith.constant 0 : i32
        %dma_start3A_27 = tpu.memref_slice %arg3[%add3A_15, %dma_start3A_26] : memref<64x1024xi32, #tpu.memory_space<hbm>> -> memref<1x1024xi32, #tpu.memory_space<hbm>>
        %dma_start3A_28 = tpu.memref_squeeze %dma_start3A_27 : memref<1x1024xi32, #tpu.memory_space<hbm>> -> memref<1024xi32, #tpu.memory_space<hbm>>
        tpu.enqueue_dma source(%dma_start3A_28 : memref<1024xi32, #tpu.memory_space<hbm>>) target(%arg7 : memref<1024xi32, #tpu.memory_space<vmem>>) target_semaphore(%run_scoped3A : memref<!tpu.dma_semaphore, #tpu.memory_space<semaphore_mem>>)
        %dma_wait3A = arith.constant 0 : i32
        %dma_wait3A_29 = tpu.memref_slice %arg3[%add3A_15, %dma_wait3A] : memref<64x1024xi32, #tpu.memory_space<hbm>> -> memref<1x1024xi32, #tpu.memory_space<hbm>>
        %dma_wait3A_30 = tpu.memref_squeeze %dma_wait3A_29 : memref<1x1024xi32, #tpu.memory_space<hbm>> -> memref<1024xi32, #tpu.memory_space<hbm>>
        %dma_wait3A_31 = arith.constant 0 : i32
        %dma_wait3A_32 = tpu.memref_slice %arg3[%add3A_15, %dma_wait3A_31] : memref<64x1024xi32, #tpu.memory_space<hbm>> -> memref<1x1024xi32, #tpu.memory_space<hbm>>
        %dma_wait3A_33 = tpu.memref_squeeze %dma_wait3A_32 : memref<1x1024xi32, #tpu.memory_space<hbm>> -> memref<1024xi32, #tpu.memory_space<hbm>>
        tpu.wait_dma2 semaphore(%run_scoped3A : memref<!tpu.dma_semaphore, #tpu.memory_space<semaphore_mem>>) src(%dma_wait3A_33 : memref<1024xi32, #tpu.memory_space<hbm>>) dst(%arg7 : memref<1024xi32, #tpu.memory_space<vmem>>)
        tpu.yield
      }) : () -> ()
      %parallel_loop3A = arith.constant 0 : i32
      %parallel_loop3A_16 = arith.constant 64 : i32
      %parallel_loop3A_17 = arith.constant 1 : i32
      scf.for %parallel_loop3A_24 = %parallel_loop3A to %parallel_loop3A_16 step %parallel_loop3A_17  : i32 {
        %parallel_loop3A_25 = arith.constant 16 : i32
        %parallel_loop3A_26 = arith.muli %parallel_loop3A_24, %parallel_loop3A_25 : i32
        %parallel_loop3A_27 = arith.index_cast %parallel_loop3A_26 : i32 to index
        %parallel_loop3A_28 = tpu.vector_load %arg7[%parallel_loop3A_27] {strides = array<i32>} : memref<1024xi32, #tpu.memory_space<vmem>>, vector<16xi32>,
        %parallel_loop3A_29 = arith.constant 0 : i32
        %parallel_loop3A_30 = vector.broadcast %parallel_loop3A_29 : i32 to vector<16xi32>
        %parallel_loop3A_31 = arith.addi %parallel_loop3A_28, %parallel_loop3A_30 : vector<16xi32>
        %parallel_loop3A_32 = tpu.vector_load_idx %arg6[%parallel_loop3A_31] : memref<32768xf32, #tpu.memory_space<vmem>>[vector<16xi32>], vector<16xf32>,
        %parallel_loop3A_33 = arith.constant 16 : i32
        %parallel_loop3A_34 = arith.muli %parallel_loop3A_24, %parallel_loop3A_33 : i32
        %parallel_loop3A_35 = arith.constant 0 : i32
        %parallel_loop3A_36 = arith.index_cast %parallel_loop3A_35 : i32 to index
        %parallel_loop3A_37 = arith.index_cast %parallel_loop3A_34 : i32 to index
        %parallel_loop3A_38 = tpu.vector_load %arg8[%parallel_loop3A_36, %parallel_loop3A_37] {strides = array<i32>} : memref<64x1024xf32, #tpu.memory_space<vmem>>, vector<16xf32>,
        tpu.vector_store %arg8[%parallel_loop3A_36, %parallel_loop3A_37], %parallel_loop3A_32 {strides = array<i32>} : memref<64x1024xf32, #tpu.memory_space<vmem>>, vector<16xf32>,
        %parallel_loop3A_39 = arith.constant 512 : i32
        %parallel_loop3A_40 = vector.broadcast %parallel_loop3A_39 : i32 to vector<16xi32>
        %parallel_loop3A_41 = arith.addi %parallel_loop3A_28, %parallel_loop3A_40 : vector<16xi32>
        %parallel_loop3A_42 = tpu.vector_load_idx %arg6[%parallel_loop3A_41] : memref<32768xf32, #tpu.memory_space<vmem>>[vector<16xi32>], vector<16xf32>,
        %parallel_loop3A_43 = arith.constant 16 : i32
        %parallel_loop3A_44 = arith.muli %parallel_loop3A_24, %parallel_loop3A_43 : i32
        %parallel_loop3A_45 = arith.constant 1 : i32
        %parallel_loop3A_46 = arith.index_cast %parallel_loop3A_45 : i32 to index
        %parallel_loop3A_47 = arith.index_cast %parallel_loop3A_44 : i32 to index
        %parallel_loop3A_48 = tpu.vector_load %arg8[%parallel_loop3A_46, %parallel_loop3A_47] {strides = array<i32>} : memref<64x1024xf32, #tpu.memory_space<vmem>>, vector<16xf32>,
        tpu.vector_store %arg8[%parallel_loop3A_46, %parallel_loop3A_47], %parallel_loop3A_42 {strides = array<i32>} : memref<64x1024xf32, #tpu.memory_space<vmem>>, vector<16xf32>,
        %parallel_loop3A_49 = arith.constant 1024 : i32
        %parallel_loop3A_50 = vector.broadcast %parallel_loop3A_49 : i32 to vector<16xi32>
        %parallel_loop3A_51 = arith.addi %parallel_loop3A_28, %parallel_loop3A_50 : vector<16xi32>
        %parallel_loop3A_52 = tpu.vector_load_idx %arg6[%parallel_loop3A_51] : memref<32768xf32, #tpu.memory_space<vmem>>[vector<16xi32>], vector<16xf32>,
        %parallel_loop3A_53 = arith.constant 16 : i32
        %parallel_loop3A_54 = arith.muli %parallel_loop3A_24, %parallel_loop3A_53 : i32
        %parallel_loop3A_55 = arith.constant 2 : i32
        %parallel_loop3A_56 = arith.index_cast %parallel_loop3A_55 : i32 to index
        %parallel_loop3A_57 = arith.index_cast %parallel_loop3A_54 : i32 to index
        %parallel_loop3A_58 = tpu.vector_load %arg8[%parallel_loop3A_56, %parallel_loop3A_57] {strides = array<i32>} : memref<64x1024xf32, #tpu.memory_space<vmem>>, vector<16xf32>,
        tpu.vector_store %arg8[%parallel_loop3A_56, %parallel_loop3A_57], %parallel_loop3A_52 {strides = array<i32>} : memref<64x1024xf32, #tpu.memory_space<vmem>>, vector<16xf32>,
        %parallel_loop3A_59 = arith.constant 1536 : i32
        %parallel_loop3A_60 = vector.broadcast %parallel_loop3A_59 : i32 to vector<16xi32>
        %parallel_loop3A_61 = arith.addi %parallel_loop3A_28, %parallel_loop3A_60 : vector<16xi32>
        %parallel_loop3A_62 = tpu.vector_load_idx %arg6[%parallel_loop3A_61] : memref<32768xf32, #tpu.memory_space<vmem>>[vector<16xi32>], vector<16xf32>,
        %parallel_loop3A_63 = arith.constant 16 : i32
        %parallel_loop3A_64 = arith.muli %parallel_loop3A_24, %parallel_loop3A_63 : i32
        %parallel_loop3A_65 = arith.constant 3 : i32
        %parallel_loop3A_66 = arith.index_cast %parallel_loop3A_65 : i32 to index
        %parallel_loop3A_67 = arith.index_cast %parallel_loop3A_64 : i32 to index
        %parallel_loop3A_68 = tpu.vector_load %arg8[%parallel_loop3A_66, %parallel_loop3A_67] {strides = array<i32>} : memref<64x1024xf32, #tpu.memory_space<vmem>>, vector<16xf32>,
        tpu.vector_store %arg8[%parallel_loop3A_66, %parallel_loop3A_67], %parallel_loop3A_62 {strides = array<i32>} : memref<64x1024xf32, #tpu.memory_space<vmem>>, vector<16xf32>,
        %parallel_loop3A_69 = arith.constant 2048 : i32
        %parallel_loop3A_70 = vector.broadcast %parallel_loop3A_69 : i32 to vector<16xi32>
        %parallel_loop3A_71 = arith.addi %parallel_loop3A_28, %parallel_loop3A_70 : vector<16xi32>
        %parallel_loop3A_72 = tpu.vector_load_idx %arg6[%parallel_loop3A_71] : memref<32768xf32, #tpu.memory_space<vmem>>[vector<16xi32>], vector<16xf32>,
        %parallel_loop3A_73 = arith.constant 16 : i32
        %parallel_loop3A_74 = arith.muli %parallel_loop3A_24, %parallel_loop3A_73 : i32
        %parallel_loop3A_75 = arith.constant 4 : i32
        %parallel_loop3A_76 = arith.index_cast %parallel_loop3A_75 : i32 to index
        %parallel_loop3A_77 = arith.index_cast %parallel_loop3A_74 : i32 to index
        %parallel_loop3A_78 = tpu.vector_load %arg8[%parallel_loop3A_76, %parallel_loop3A_77] {strides = array<i32>} : memref<64x1024xf32, #tpu.memory_space<vmem>>, vector<16xf32>,
        tpu.vector_store %arg8[%parallel_loop3A_76, %parallel_loop3A_77], %parallel_loop3A_72 {strides = array<i32>} : memref<64x1024xf32, #tpu.memory_space<vmem>>, vector<16xf32>,
        %parallel_loop3A_79 = arith.constant 2560 : i32
        %parallel_loop3A_80 = vector.broadcast %parallel_loop3A_79 : i32 to vector<16xi32>
        %parallel_loop3A_81 = arith.addi %parallel_loop3A_28, %parallel_loop3A_80 : vector<16xi32>
        %parallel_loop3A_82 = tpu.vector_load_idx %arg6[%parallel_loop3A_81] : memref<32768xf32, #tpu.memory_space<vmem>>[vector<16xi32>], vector<16xf32>,
        %parallel_loop3A_83 = arith.constant 16 : i32
        %parallel_loop3A_84 = arith.muli %parallel_loop3A_24, %parallel_loop3A_83 : i32
        %parallel_loop3A_85 = arith.constant 5 : i32
        %parallel_loop3A_86 = arith.index_cast %parallel_loop3A_85 : i32 to index
        %parallel_loop3A_87 = arith.index_cast %parallel_loop3A_84 : i32 to index
        %parallel_loop3A_88 = tpu.vector_load %arg8[%parallel_loop3A_86, %parallel_loop3A_87] {strides = array<i32>} : memref<64x1024xf32, #tpu.memory_space<vmem>>, vector<16xf32>,
        tpu.vector_store %arg8[%parallel_loop3A_86, %parallel_loop3A_87], %parallel_loop3A_82 {strides = array<i32>} : memref<64x1024xf32, #tpu.memory_space<vmem>>, vector<16xf32>,
        %parallel_loop3A_89 = arith.constant 3072 : i32
        %parallel_loop3A_90 = vector.broadcast %parallel_loop3A_89 : i32 to vector<16xi32>
        %parallel_loop3A_91 = arith.addi %parallel_loop3A_28, %parallel_loop3A_90 : vector<16xi32>
        %parallel_loop3A_92 = tpu.vector_load_idx %arg6[%parallel_loop3A_91] : memref<32768xf32, #tpu.memory_space<vmem>>[vector<16xi32>], vector<16xf32>,
        %parallel_loop3A_93 = arith.constant 16 : i32
        %parallel_loop3A_94 = arith.muli %parallel_loop3A_24, %parallel_loop3A_93 : i32
        %parallel_loop3A_95 = arith.constant 6 : i32
        %parallel_loop3A_96 = arith.index_cast %parallel_loop3A_95 : i32 to index
        %parallel_loop3A_97 = arith.index_cast %parallel_loop3A_94 : i32 to index
        %parallel_loop3A_98 = tpu.vector_load %arg8[%parallel_loop3A_96, %parallel_loop3A_97] {strides = array<i32>} : memref<64x1024xf32, #tpu.memory_space<vmem>>, vector<16xf32>,
        tpu.vector_store %arg8[%parallel_loop3A_96, %parallel_loop3A_97], %parallel_loop3A_92 {strides = array<i32>} : memref<64x1024xf32, #tpu.memory_space<vmem>>, vector<16xf32>,
        %parallel_loop3A_99 = arith.constant 3584 : i32
        %parallel_loop3A_100 = vector.broadcast %parallel_loop3A_99 : i32 to vector<16xi32>
        %parallel_loop3A_101 = arith.addi %parallel_loop3A_28, %parallel_loop3A_100 : vector<16xi32>
        %parallel_loop3A_102 = tpu.vector_load_idx %arg6[%parallel_loop3A_101] : memref<32768xf32, #tpu.memory_space<vmem>>[vector<16xi32>], vector<16xf32>,
        %parallel_loop3A_103 = arith.constant 16 : i32
        %parallel_loop3A_104 = arith.muli %parallel_loop3A_24, %parallel_loop3A_103 : i32
        %parallel_loop3A_105 = arith.constant 7 : i32
        %parallel_loop3A_106 = arith.index_cast %parallel_loop3A_105 : i32 to index
        %parallel_loop3A_107 = arith.index_cast %parallel_loop3A_104 : i32 to index
        %parallel_loop3A_108 = tpu.vector_load %arg8[%parallel_loop3A_106, %parallel_loop3A_107] {strides = array<i32>} : memref<64x1024xf32, #tpu.memory_space<vmem>>, vector<16xf32>,
        tpu.vector_store %arg8[%parallel_loop3A_106, %parallel_loop3A_107], %parallel_loop3A_102 {strides = array<i32>} : memref<64x1024xf32, #tpu.memory_space<vmem>>, vector<16xf32>,
        %parallel_loop3A_109 = arith.constant 4096 : i32
        %parallel_loop3A_110 = vector.broadcast %parallel_loop3A_109 : i32 to vector<16xi32>
        %parallel_loop3A_111 = arith.addi %parallel_loop3A_28, %parallel_loop3A_110 : vector<16xi32>
        %parallel_loop3A_112 = tpu.vector_load_idx %arg6[%parallel_loop3A_111] : memref<32768xf32, #tpu.memory_space<vmem>>[vector<16xi32>], vector<16xf32>,
        %parallel_loop3A_113 = arith.constant 16 : i32
        %parallel_loop3A_114 = arith.muli %parallel_loop3A_24, %parallel_loop3A_113 : i32
        %parallel_loop3A_115 = arith.constant 8 : i32
        %parallel_loop3A_116 = arith.index_cast %parallel_loop3A_115 : i32 to index
        %parallel_loop3A_117 = arith.index_cast %parallel_loop3A_114 : i32 to index
        %parallel_loop3A_118 = tpu.vector_load %arg8[%parallel_loop3A_116, %parallel_loop3A_117] {strides = array<i32>} : memref<64x1024xf32, #tpu.memory_space<vmem>>, vector<16xf32>,
        tpu.vector_store %arg8[%parallel_loop3A_116, %parallel_loop3A_117], %parallel_loop3A_112 {strides = array<i32>} : memref<64x1024xf32, #tpu.memory_space<vmem>>, vector<16xf32>,
        %parallel_loop3A_119 = arith.constant 4608 : i32
        %parallel_loop3A_120 = vector.broadcast %parallel_loop3A_119 : i32 to vector<16xi32>
        %parallel_loop3A_121 = arith.addi %parallel_loop3A_28, %parallel_loop3A_120 : vector<16xi32>
        %parallel_loop3A_122 = tpu.vector_load_idx %arg6[%parallel_loop3A_121] : memref<32768xf32, #tpu.memory_space<vmem>>[vector<16xi32>], vector<16xf32>,
        %parallel_loop3A_123 = arith.constant 16 : i32
        %parallel_loop3A_124 = arith.muli %parallel_loop3A_24, %parallel_loop3A_123 : i32
        %parallel_loop3A_125 = arith.constant 9 : i32
        %parallel_loop3A_126 = arith.index_cast %parallel_loop3A_125 : i32 to index
        %parallel_loop3A_127 = arith.index_cast %parallel_loop3A_124 : i32 to index
        %parallel_loop3A_128 = tpu.vector_load %arg8[%parallel_loop3A_126, %parallel_loop3A_127] {strides = array<i32>} : memref<64x1024xf32, #tpu.memory_space<vmem>>, vector<16xf32>,
        tpu.vector_store %arg8[%parallel_loop3A_126, %parallel_loop3A_127], %parallel_loop3A_122 {strides = array<i32>} : memref<64x1024xf32, #tpu.memory_space<vmem>>, vector<16xf32>,
        %parallel_loop3A_129 = arith.constant 5120 : i32
        %parallel_loop3A_130 = vector.broadcast %parallel_loop3A_129 : i32 to vector<16xi32>
        %parallel_loop3A_131 = arith.addi %parallel_loop3A_28, %parallel_loop3A_130 : vector<16xi32>
        %parallel_loop3A_132 = tpu.vector_load_idx %arg6[%parallel_loop3A_131] : memref<32768xf32, #tpu.memory_space<vmem>>[vector<16xi32>], vector<16xf32>,
        %parallel_loop3A_133 = arith.constant 16 : i32
        %parallel_loop3A_134 = arith.muli %parallel_loop3A_24, %parallel_loop3A_133 : i32
        %parallel_loop3A_135 = arith.constant 10 : i32
        %parallel_loop3A_136 = arith.index_cast %parallel_loop3A_135 : i32 to index
        %parallel_loop3A_137 = arith.index_cast %parallel_loop3A_134 : i32 to index
        %parallel_loop3A_138 = tpu.vector_load %arg8[%parallel_loop3A_136, %parallel_loop3A_137] {strides = array<i32>} : memref<64x1024xf32, #tpu.memory_space<vmem>>, vector<16xf32>,
        tpu.vector_store %arg8[%parallel_loop3A_136, %parallel_loop3A_137], %parallel_loop3A_132 {strides = array<i32>} : memref<64x1024xf32, #tpu.memory_space<vmem>>, vector<16xf32>,
        %parallel_loop3A_139 = arith.constant 5632 : i32
        %parallel_loop3A_140 = vector.broadcast %parallel_loop3A_139 : i32 to vector<16xi32>
        %parallel_loop3A_141 = arith.addi %parallel_loop3A_28, %parallel_loop3A_140 : vector<16xi32>
        %parallel_loop3A_142 = tpu.vector_load_idx %arg6[%parallel_loop3A_141] : memref<32768xf32, #tpu.memory_space<vmem>>[vector<16xi32>], vector<16xf32>,
        %parallel_loop3A_143 = arith.constant 16 : i32
        %parallel_loop3A_144 = arith.muli %parallel_loop3A_24, %parallel_loop3A_143 : i32
        %parallel_loop3A_145 = arith.constant 11 : i32
        %parallel_loop3A_146 = arith.index_cast %parallel_loop3A_145 : i32 to index
        %parallel_loop3A_147 = arith.index_cast %parallel_loop3A_144 : i32 to index
        %parallel_loop3A_148 = tpu.vector_load %arg8[%parallel_loop3A_146, %parallel_loop3A_147] {strides = array<i32>} : memref<64x1024xf32, #tpu.memory_space<vmem>>, vector<16xf32>,
        tpu.vector_store %arg8[%parallel_loop3A_146, %parallel_loop3A_147], %parallel_loop3A_142 {strides = array<i32>} : memref<64x1024xf32, #tpu.memory_space<vmem>>, vector<16xf32>,
        %parallel_loop3A_149 = arith.constant 6144 : i32
        %parallel_loop3A_150 = vector.broadcast %parallel_loop3A_149 : i32 to vector<16xi32>
        %parallel_loop3A_151 = arith.addi %parallel_loop3A_28, %parallel_loop3A_150 : vector<16xi32>
        %parallel_loop3A_152 = tpu.vector_load_idx %arg6[%parallel_loop3A_151] : memref<32768xf32, #tpu.memory_space<vmem>>[vector<16xi32>], vector<16xf32>,
        %parallel_loop3A_153 = arith.constant 16 : i32
        %parallel_loop3A_154 = arith.muli %parallel_loop3A_24, %parallel_loop3A_153 : i32
        %parallel_loop3A_155 = arith.constant 12 : i32
        %parallel_loop3A_156 = arith.index_cast %parallel_loop3A_155 : i32 to index
        %parallel_loop3A_157 = arith.index_cast %parallel_loop3A_154 : i32 to index
        %parallel_loop3A_158 = tpu.vector_load %arg8[%parallel_loop3A_156, %parallel_loop3A_157] {strides = array<i32>} : memref<64x1024xf32, #tpu.memory_space<vmem>>, vector<16xf32>,
        tpu.vector_store %arg8[%parallel_loop3A_156, %parallel_loop3A_157], %parallel_loop3A_152 {strides = array<i32>} : memref<64x1024xf32, #tpu.memory_space<vmem>>, vector<16xf32>,
        %parallel_loop3A_159 = arith.constant 6656 : i32
        %parallel_loop3A_160 = vector.broadcast %parallel_loop3A_159 : i32 to vector<16xi32>
        %parallel_loop3A_161 = arith.addi %parallel_loop3A_28, %parallel_loop3A_160 : vector<16xi32>
        %parallel_loop3A_162 = tpu.vector_load_idx %arg6[%parallel_loop3A_161] : memref<32768xf32, #tpu.memory_space<vmem>>[vector<16xi32>], vector<16xf32>,
        %parallel_loop3A_163 = arith.constant 16 : i32
        %parallel_loop3A_164 = arith.muli %parallel_loop3A_24, %parallel_loop3A_163 : i32
        %parallel_loop3A_165 = arith.constant 13 : i32
        %parallel_loop3A_166 = arith.index_cast %parallel_loop3A_165 : i32 to index
        %parallel_loop3A_167 = arith.index_cast %parallel_loop3A_164 : i32 to index
        %parallel_loop3A_168 = tpu.vector_load %arg8[%parallel_loop3A_166, %parallel_loop3A_167] {strides = array<i32>} : memref<64x1024xf32, #tpu.memory_space<vmem>>, vector<16xf32>,
        tpu.vector_store %arg8[%parallel_loop3A_166, %parallel_loop3A_167], %parallel_loop3A_162 {strides = array<i32>} : memref<64x1024xf32, #tpu.memory_space<vmem>>, vector<16xf32>,
        %parallel_loop3A_169 = arith.constant 7168 : i32
        %parallel_loop3A_170 = vector.broadcast %parallel_loop3A_169 : i32 to vector<16xi32>
        %parallel_loop3A_171 = arith.addi %parallel_loop3A_28, %parallel_loop3A_170 : vector<16xi32>
        %parallel_loop3A_172 = tpu.vector_load_idx %arg6[%parallel_loop3A_171] : memref<32768xf32, #tpu.memory_space<vmem>>[vector<16xi32>], vector<16xf32>,
        %parallel_loop3A_173 = arith.constant 16 : i32
        %parallel_loop3A_174 = arith.muli %parallel_loop3A_24, %parallel_loop3A_173 : i32
        %parallel_loop3A_175 = arith.constant 14 : i32
        %parallel_loop3A_176 = arith.index_cast %parallel_loop3A_175 : i32 to index
        %parallel_loop3A_177 = arith.index_cast %parallel_loop3A_174 : i32 to index
        %parallel_loop3A_178 = tpu.vector_load %arg8[%parallel_loop3A_176, %parallel_loop3A_177] {strides = array<i32>} : memref<64x1024xf32, #tpu.memory_space<vmem>>, vector<16xf32>,
        tpu.vector_store %arg8[%parallel_loop3A_176, %parallel_loop3A_177], %parallel_loop3A_172 {strides = array<i32>} : memref<64x1024xf32, #tpu.memory_space<vmem>>, vector<16xf32>,
        %parallel_loop3A_179 = arith.constant 7680 : i32
        %parallel_loop3A_180 = vector.broadcast %parallel_loop3A_179 : i32 to vector<16xi32>
        %parallel_loop3A_181 = arith.addi %parallel_loop3A_28, %parallel_loop3A_180 : vector<16xi32>
        %parallel_loop3A_182 = tpu.vector_load_idx %arg6[%parallel_loop3A_181] : memref<32768xf32, #tpu.memory_space<vmem>>[vector<16xi32>], vector<16xf32>,
        %parallel_loop3A_183 = arith.constant 16 : i32
        %parallel_loop3A_184 = arith.muli %parallel_loop3A_24, %parallel_loop3A_183 : i32
        %parallel_loop3A_185 = arith.constant 15 : i32
        %parallel_loop3A_186 = arith.index_cast %parallel_loop3A_185 : i32 to index
        %parallel_loop3A_187 = arith.index_cast %parallel_loop3A_184 : i32 to index
        %parallel_loop3A_188 = tpu.vector_load %arg8[%parallel_loop3A_186, %parallel_loop3A_187] {strides = array<i32>} : memref<64x1024xf32, #tpu.memory_space<vmem>>, vector<16xf32>,
        tpu.vector_store %arg8[%parallel_loop3A_186, %parallel_loop3A_187], %parallel_loop3A_182 {strides = array<i32>} : memref<64x1024xf32, #tpu.memory_space<vmem>>, vector<16xf32>,
        %parallel_loop3A_189 = arith.constant 8192 : i32
        %parallel_loop3A_190 = vector.broadcast %parallel_loop3A_189 : i32 to vector<16xi32>
        %parallel_loop3A_191 = arith.addi %parallel_loop3A_28, %parallel_loop3A_190 : vector<16xi32>
        %parallel_loop3A_192 = tpu.vector_load_idx %arg6[%parallel_loop3A_191] : memref<32768xf32, #tpu.memory_space<vmem>>[vector<16xi32>], vector<16xf32>,
        %parallel_loop3A_193 = arith.constant 16 : i32
        %parallel_loop3A_194 = arith.muli %parallel_loop3A_24, %parallel_loop3A_193 : i32
        %parallel_loop3A_195 = arith.constant 16 : i32
        %parallel_loop3A_196 = arith.index_cast %parallel_loop3A_195 : i32 to index
        %parallel_loop3A_197 = arith.index_cast %parallel_loop3A_194 : i32 to index
        %parallel_loop3A_198 = tpu.vector_load %arg8[%parallel_loop3A_196, %parallel_loop3A_197] {strides = array<i32>} : memref<64x1024xf32, #tpu.memory_space<vmem>>, vector<16xf32>,
        tpu.vector_store %arg8[%parallel_loop3A_196, %parallel_loop3A_197], %parallel_loop3A_192 {strides = array<i32>} : memref<64x1024xf32, #tpu.memory_space<vmem>>, vector<16xf32>,
        %parallel_loop3A_199 = arith.constant 8704 : i32
        %parallel_loop3A_200 = vector.broadcast %parallel_loop3A_199 : i32 to vector<16xi32>
        %parallel_loop3A_201 = arith.addi %parallel_loop3A_28, %parallel_loop3A_200 : vector<16xi32>
        %parallel_loop3A_202 = tpu.vector_load_idx %arg6[%parallel_loop3A_201] : memref<32768xf32, #tpu.memory_space<vmem>>[vector<16xi32>], vector<16xf32>,
        %parallel_loop3A_203 = arith.constant 16 : i32
        %parallel_loop3A_204 = arith.muli %parallel_loop3A_24, %parallel_loop3A_203 : i32
        %parallel_loop3A_205 = arith.constant 17 : i32
        %parallel_loop3A_206 = arith.index_cast %parallel_loop3A_205 : i32 to index
        %parallel_loop3A_207 = arith.index_cast %parallel_loop3A_204 : i32 to index
        %parallel_loop3A_208 = tpu.vector_load %arg8[%parallel_loop3A_206, %parallel_loop3A_207] {strides = array<i32>} : memref<64x1024xf32, #tpu.memory_space<vmem>>, vector<16xf32>,
        tpu.vector_store %arg8[%parallel_loop3A_206, %parallel_loop3A_207], %parallel_loop3A_202 {strides = array<i32>} : memref<64x1024xf32, #tpu.memory_space<vmem>>, vector<16xf32>,
        %parallel_loop3A_209 = arith.constant 9216 : i32
        %parallel_loop3A_210 = vector.broadcast %parallel_loop3A_209 : i32 to vector<16xi32>
        %parallel_loop3A_211 = arith.addi %parallel_loop3A_28, %parallel_loop3A_210 : vector<16xi32>
        %parallel_loop3A_212 = tpu.vector_load_idx %arg6[%parallel_loop3A_211] : memref<32768xf32, #tpu.memory_space<vmem>>[vector<16xi32>], vector<16xf32>,
        %parallel_loop3A_213 = arith.constant 16 : i32
        %parallel_loop3A_214 = arith.muli %parallel_loop3A_24, %parallel_loop3A_213 : i32
        %parallel_loop3A_215 = arith.constant 18 : i32
        %parallel_loop3A_216 = arith.index_cast %parallel_loop3A_215 : i32 to index
        %parallel_loop3A_217 = arith.index_cast %parallel_loop3A_214 : i32 to index
        %parallel_loop3A_218 = tpu.vector_load %arg8[%parallel_loop3A_216, %parallel_loop3A_217] {strides = array<i32>} : memref<64x1024xf32, #tpu.memory_space<vmem>>, vector<16xf32>,
        tpu.vector_store %arg8[%parallel_loop3A_216, %parallel_loop3A_217], %parallel_loop3A_212 {strides = array<i32>} : memref<64x1024xf32, #tpu.memory_space<vmem>>, vector<16xf32>,
        %parallel_loop3A_219 = arith.constant 9728 : i32
        %parallel_loop3A_220 = vector.broadcast %parallel_loop3A_219 : i32 to vector<16xi32>
        %parallel_loop3A_221 = arith.addi %parallel_loop3A_28, %parallel_loop3A_220 : vector<16xi32>
        %parallel_loop3A_222 = tpu.vector_load_idx %arg6[%parallel_loop3A_221] : memref<32768xf32, #tpu.memory_space<vmem>>[vector<16xi32>], vector<16xf32>,
        %parallel_loop3A_223 = arith.constant 16 : i32
        %parallel_loop3A_224 = arith.muli %parallel_loop3A_24, %parallel_loop3A_223 : i32
        %parallel_loop3A_225 = arith.constant 19 : i32
        %parallel_loop3A_226 = arith.index_cast %parallel_loop3A_225 : i32 to index
        %parallel_loop3A_227 = arith.index_cast %parallel_loop3A_224 : i32 to index
        %parallel_loop3A_228 = tpu.vector_load %arg8[%parallel_loop3A_226, %parallel_loop3A_227] {strides = array<i32>} : memref<64x1024xf32, #tpu.memory_space<vmem>>, vector<16xf32>,
        tpu.vector_store %arg8[%parallel_loop3A_226, %parallel_loop3A_227], %parallel_loop3A_222 {strides = array<i32>} : memref<64x1024xf32, #tpu.memory_space<vmem>>, vector<16xf32>,
        %parallel_loop3A_229 = arith.constant 10240 : i32
        %parallel_loop3A_230 = vector.broadcast %parallel_loop3A_229 : i32 to vector<16xi32>
        %parallel_loop3A_231 = arith.addi %parallel_loop3A_28, %parallel_loop3A_230 : vector<16xi32>
        %parallel_loop3A_232 = tpu.vector_load_idx %arg6[%parallel_loop3A_231] : memref<32768xf32, #tpu.memory_space<vmem>>[vector<16xi32>], vector<16xf32>,
        %parallel_loop3A_233 = arith.constant 16 : i32
        %parallel_loop3A_234 = arith.muli %parallel_loop3A_24, %parallel_loop3A_233 : i32
        %parallel_loop3A_235 = arith.constant 20 : i32
        %parallel_loop3A_236 = arith.index_cast %parallel_loop3A_235 : i32 to index
        %parallel_loop3A_237 = arith.index_cast %parallel_loop3A_234 : i32 to index
        %parallel_loop3A_238 = tpu.vector_load %arg8[%parallel_loop3A_236, %parallel_loop3A_237] {strides = array<i32>} : memref<64x1024xf32, #tpu.memory_space<vmem>>, vector<16xf32>,
        tpu.vector_store %arg8[%parallel_loop3A_236, %parallel_loop3A_237], %parallel_loop3A_232 {strides = array<i32>} : memref<64x1024xf32, #tpu.memory_space<vmem>>, vector<16xf32>,
        %parallel_loop3A_239 = arith.constant 10752 : i32
        %parallel_loop3A_240 = vector.broadcast %parallel_loop3A_239 : i32 to vector<16xi32>
        %parallel_loop3A_241 = arith.addi %parallel_loop3A_28, %parallel_loop3A_240 : vector<16xi32>
        %parallel_loop3A_242 = tpu.vector_load_idx %arg6[%parallel_loop3A_241] : memref<32768xf32, #tpu.memory_space<vmem>>[vector<16xi32>], vector<16xf32>,
        %parallel_loop3A_243 = arith.constant 16 : i32
        %parallel_loop3A_244 = arith.muli %parallel_loop3A_24, %parallel_loop3A_243 : i32
        %parallel_loop3A_245 = arith.constant 21 : i32
        %parallel_loop3A_246 = arith.index_cast %parallel_loop3A_245 : i32 to index
        %parallel_loop3A_247 = arith.index_cast %parallel_loop3A_244 : i32 to index
        %parallel_loop3A_248 = tpu.vector_load %arg8[%parallel_loop3A_246, %parallel_loop3A_247] {strides = array<i32>} : memref<64x1024xf32, #tpu.memory_space<vmem>>, vector<16xf32>,
        tpu.vector_store %arg8[%parallel_loop3A_246, %parallel_loop3A_247], %parallel_loop3A_242 {strides = array<i32>} : memref<64x1024xf32, #tpu.memory_space<vmem>>, vector<16xf32>,
        %parallel_loop3A_249 = arith.constant 11264 : i32
        %parallel_loop3A_250 = vector.broadcast %parallel_loop3A_249 : i32 to vector<16xi32>
        %parallel_loop3A_251 = arith.addi %parallel_loop3A_28, %parallel_loop3A_250 : vector<16xi32>
        %parallel_loop3A_252 = tpu.vector_load_idx %arg6[%parallel_loop3A_251] : memref<32768xf32, #tpu.memory_space<vmem>>[vector<16xi32>], vector<16xf32>,
        %parallel_loop3A_253 = arith.constant 16 : i32
        %parallel_loop3A_254 = arith.muli %parallel_loop3A_24, %parallel_loop3A_253 : i32
        %parallel_loop3A_255 = arith.constant 22 : i32
        %parallel_loop3A_256 = arith.index_cast %parallel_loop3A_255 : i32 to index
        %parallel_loop3A_257 = arith.index_cast %parallel_loop3A_254 : i32 to index
        %parallel_loop3A_258 = tpu.vector_load %arg8[%parallel_loop3A_256, %parallel_loop3A_257] {strides = array<i32>} : memref<64x1024xf32, #tpu.memory_space<vmem>>, vector<16xf32>,
        tpu.vector_store %arg8[%parallel_loop3A_256, %parallel_loop3A_257], %parallel_loop3A_252 {strides = array<i32>} : memref<64x1024xf32, #tpu.memory_space<vmem>>, vector<16xf32>,
        %parallel_loop3A_259 = arith.constant 11776 : i32
        %parallel_loop3A_260 = vector.broadcast %parallel_loop3A_259 : i32 to vector<16xi32>
        %parallel_loop3A_261 = arith.addi %parallel_loop3A_28, %parallel_loop3A_260 : vector<16xi32>
        %parallel_loop3A_262 = tpu.vector_load_idx %arg6[%parallel_loop3A_261] : memref<32768xf32, #tpu.memory_space<vmem>>[vector<16xi32>], vector<16xf32>,
        %parallel_loop3A_263 = arith.constant 16 : i32
        %parallel_loop3A_264 = arith.muli %parallel_loop3A_24, %parallel_loop3A_263 : i32
        %parallel_loop3A_265 = arith.constant 23 : i32
        %parallel_loop3A_266 = arith.index_cast %parallel_loop3A_265 : i32 to index
        %parallel_loop3A_267 = arith.index_cast %parallel_loop3A_264 : i32 to index
        %parallel_loop3A_268 = tpu.vector_load %arg8[%parallel_loop3A_266, %parallel_loop3A_267] {strides = array<i32>} : memref<64x1024xf32, #tpu.memory_space<vmem>>, vector<16xf32>,
        tpu.vector_store %arg8[%parallel_loop3A_266, %parallel_loop3A_267], %parallel_loop3A_262 {strides = array<i32>} : memref<64x1024xf32, #tpu.memory_space<vmem>>, vector<16xf32>,
        %parallel_loop3A_269 = arith.constant 12288 : i32
        %parallel_loop3A_270 = vector.broadcast %parallel_loop3A_269 : i32 to vector<16xi32>
        %parallel_loop3A_271 = arith.addi %parallel_loop3A_28, %parallel_loop3A_270 : vector<16xi32>
        %parallel_loop3A_272 = tpu.vector_load_idx %arg6[%parallel_loop3A_271] : memref<32768xf32, #tpu.memory_space<vmem>>[vector<16xi32>], vector<16xf32>,
        %parallel_loop3A_273 = arith.constant 16 : i32
        %parallel_loop3A_274 = arith.muli %parallel_loop3A_24, %parallel_loop3A_273 : i32
        %parallel_loop3A_275 = arith.constant 24 : i32
        %parallel_loop3A_276 = arith.index_cast %parallel_loop3A_275 : i32 to index
        %parallel_loop3A_277 = arith.index_cast %parallel_loop3A_274 : i32 to index
        %parallel_loop3A_278 = tpu.vector_load %arg8[%parallel_loop3A_276, %parallel_loop3A_277] {strides = array<i32>} : memref<64x1024xf32, #tpu.memory_space<vmem>>, vector<16xf32>,
        tpu.vector_store %arg8[%parallel_loop3A_276, %parallel_loop3A_277], %parallel_loop3A_272 {strides = array<i32>} : memref<64x1024xf32, #tpu.memory_space<vmem>>, vector<16xf32>,
        %parallel_loop3A_279 = arith.constant 12800 : i32
        %parallel_loop3A_280 = vector.broadcast %parallel_loop3A_279 : i32 to vector<16xi32>
        %parallel_loop3A_281 = arith.addi %parallel_loop3A_28, %parallel_loop3A_280 : vector<16xi32>
        %parallel_loop3A_282 = tpu.vector_load_idx %arg6[%parallel_loop3A_281] : memref<32768xf32, #tpu.memory_space<vmem>>[vector<16xi32>], vector<16xf32>,
        %parallel_loop3A_283 = arith.constant 16 : i32
        %parallel_loop3A_284 = arith.muli %parallel_loop3A_24, %parallel_loop3A_283 : i32
        %parallel_loop3A_285 = arith.constant 25 : i32
        %parallel_loop3A_286 = arith.index_cast %parallel_loop3A_285 : i32 to index
        %parallel_loop3A_287 = arith.index_cast %parallel_loop3A_284 : i32 to index
        %parallel_loop3A_288 = tpu.vector_load %arg8[%parallel_loop3A_286, %parallel_loop3A_287] {strides = array<i32>} : memref<64x1024xf32, #tpu.memory_space<vmem>>, vector<16xf32>,
        tpu.vector_store %arg8[%parallel_loop3A_286, %parallel_loop3A_287], %parallel_loop3A_282 {strides = array<i32>} : memref<64x1024xf32, #tpu.memory_space<vmem>>, vector<16xf32>,
        %parallel_loop3A_289 = arith.constant 13312 : i32
        %parallel_loop3A_290 = vector.broadcast %parallel_loop3A_289 : i32 to vector<16xi32>
        %parallel_loop3A_291 = arith.addi %parallel_loop3A_28, %parallel_loop3A_290 : vector<16xi32>
        %parallel_loop3A_292 = tpu.vector_load_idx %arg6[%parallel_loop3A_291] : memref<32768xf32, #tpu.memory_space<vmem>>[vector<16xi32>], vector<16xf32>,
        %parallel_loop3A_293 = arith.constant 16 : i32
        %parallel_loop3A_294 = arith.muli %parallel_loop3A_24, %parallel_loop3A_293 : i32
        %parallel_loop3A_295 = arith.constant 26 : i32
        %parallel_loop3A_296 = arith.index_cast %parallel_loop3A_295 : i32 to index
        %parallel_loop3A_297 = arith.index_cast %parallel_loop3A_294 : i32 to index
        %parallel_loop3A_298 = tpu.vector_load %arg8[%parallel_loop3A_296, %parallel_loop3A_297] {strides = array<i32>} : memref<64x1024xf32, #tpu.memory_space<vmem>>, vector<16xf32>,
        tpu.vector_store %arg8[%parallel_loop3A_296, %parallel_loop3A_297], %parallel_loop3A_292 {strides = array<i32>} : memref<64x1024xf32, #tpu.memory_space<vmem>>, vector<16xf32>,
        %parallel_loop3A_299 = arith.constant 13824 : i32
        %parallel_loop3A_300 = vector.broadcast %parallel_loop3A_299 : i32 to vector<16xi32>
        %parallel_loop3A_301 = arith.addi %parallel_loop3A_28, %parallel_loop3A_300 : vector<16xi32>
        %parallel_loop3A_302 = tpu.vector_load_idx %arg6[%parallel_loop3A_301] : memref<32768xf32, #tpu.memory_space<vmem>>[vector<16xi32>], vector<16xf32>,
        %parallel_loop3A_303 = arith.constant 16 : i32
        %parallel_loop3A_304 = arith.muli %parallel_loop3A_24, %parallel_loop3A_303 : i32
        %parallel_loop3A_305 = arith.constant 27 : i32
        %parallel_loop3A_306 = arith.index_cast %parallel_loop3A_305 : i32 to index
        %parallel_loop3A_307 = arith.index_cast %parallel_loop3A_304 : i32 to index
        %parallel_loop3A_308 = tpu.vector_load %arg8[%parallel_loop3A_306, %parallel_loop3A_307] {strides = array<i32>} : memref<64x1024xf32, #tpu.memory_space<vmem>>, vector<16xf32>,
        tpu.vector_store %arg8[%parallel_loop3A_306, %parallel_loop3A_307], %parallel_loop3A_302 {strides = array<i32>} : memref<64x1024xf32, #tpu.memory_space<vmem>>, vector<16xf32>,
        %parallel_loop3A_309 = arith.constant 14336 : i32
        %parallel_loop3A_310 = vector.broadcast %parallel_loop3A_309 : i32 to vector<16xi32>
        %parallel_loop3A_311 = arith.addi %parallel_loop3A_28, %parallel_loop3A_310 : vector<16xi32>
        %parallel_loop3A_312 = tpu.vector_load_idx %arg6[%parallel_loop3A_311] : memref<32768xf32, #tpu.memory_space<vmem>>[vector<16xi32>], vector<16xf32>,
        %parallel_loop3A_313 = arith.constant 16 : i32
        %parallel_loop3A_314 = arith.muli %parallel_loop3A_24, %parallel_loop3A_313 : i32
        %parallel_loop3A_315 = arith.constant 28 : i32
        %parallel_loop3A_316 = arith.index_cast %parallel_loop3A_315 : i32 to index
        %parallel_loop3A_317 = arith.index_cast %parallel_loop3A_314 : i32 to index
        %parallel_loop3A_318 = tpu.vector_load %arg8[%parallel_loop3A_316, %parallel_loop3A_317] {strides = array<i32>} : memref<64x1024xf32, #tpu.memory_space<vmem>>, vector<16xf32>,
        tpu.vector_store %arg8[%parallel_loop3A_316, %parallel_loop3A_317], %parallel_loop3A_312 {strides = array<i32>} : memref<64x1024xf32, #tpu.memory_space<vmem>>, vector<16xf32>,
        %parallel_loop3A_319 = arith.constant 14848 : i32
        %parallel_loop3A_320 = vector.broadcast %parallel_loop3A_319 : i32 to vector<16xi32>
        %parallel_loop3A_321 = arith.addi %parallel_loop3A_28, %parallel_loop3A_320 : vector<16xi32>
        %parallel_loop3A_322 = tpu.vector_load_idx %arg6[%parallel_loop3A_321] : memref<32768xf32, #tpu.memory_space<vmem>>[vector<16xi32>], vector<16xf32>,
        %parallel_loop3A_323 = arith.constant 16 : i32
        %parallel_loop3A_324 = arith.muli %parallel_loop3A_24, %parallel_loop3A_323 : i32
        %parallel_loop3A_325 = arith.constant 29 : i32
        %parallel_loop3A_326 = arith.index_cast %parallel_loop3A_325 : i32 to index
        %parallel_loop3A_327 = arith.index_cast %parallel_loop3A_324 : i32 to index
        %parallel_loop3A_328 = tpu.vector_load %arg8[%parallel_loop3A_326, %parallel_loop3A_327] {strides = array<i32>} : memref<64x1024xf32, #tpu.memory_space<vmem>>, vector<16xf32>,
        tpu.vector_store %arg8[%parallel_loop3A_326, %parallel_loop3A_327], %parallel_loop3A_322 {strides = array<i32>} : memref<64x1024xf32, #tpu.memory_space<vmem>>, vector<16xf32>,
        %parallel_loop3A_329 = arith.constant 15360 : i32
        %parallel_loop3A_330 = vector.broadcast %parallel_loop3A_329 : i32 to vector<16xi32>
        %parallel_loop3A_331 = arith.addi %parallel_loop3A_28, %parallel_loop3A_330 : vector<16xi32>
        %parallel_loop3A_332 = tpu.vector_load_idx %arg6[%parallel_loop3A_331] : memref<32768xf32, #tpu.memory_space<vmem>>[vector<16xi32>], vector<16xf32>,
        %parallel_loop3A_333 = arith.constant 16 : i32
        %parallel_loop3A_334 = arith.muli %parallel_loop3A_24, %parallel_loop3A_333 : i32
        %parallel_loop3A_335 = arith.constant 30 : i32
        %parallel_loop3A_336 = arith.index_cast %parallel_loop3A_335 : i32 to index
        %parallel_loop3A_337 = arith.index_cast %parallel_loop3A_334 : i32 to index
        %parallel_loop3A_338 = tpu.vector_load %arg8[%parallel_loop3A_336, %parallel_loop3A_337] {strides = array<i32>} : memref<64x1024xf32, #tpu.memory_space<vmem>>, vector<16xf32>,
        tpu.vector_store %arg8[%parallel_loop3A_336, %parallel_loop3A_337], %parallel_loop3A_332 {strides = array<i32>} : memref<64x1024xf32, #tpu.memory_space<vmem>>, vector<16xf32>,
        %parallel_loop3A_339 = arith.constant 15872 : i32
        %parallel_loop3A_340 = vector.broadcast %parallel_loop3A_339 : i32 to vector<16xi32>
        %parallel_loop3A_341 = arith.addi %parallel_loop3A_28, %parallel_loop3A_340 : vector<16xi32>
        %parallel_loop3A_342 = tpu.vector_load_idx %arg6[%parallel_loop3A_341] : memref<32768xf32, #tpu.memory_space<vmem>>[vector<16xi32>], vector<16xf32>,
        %parallel_loop3A_343 = arith.constant 16 : i32
        %parallel_loop3A_344 = arith.muli %parallel_loop3A_24, %parallel_loop3A_343 : i32
        %parallel_loop3A_345 = arith.constant 31 : i32
        %parallel_loop3A_346 = arith.index_cast %parallel_loop3A_345 : i32 to index
        %parallel_loop3A_347 = arith.index_cast %parallel_loop3A_344 : i32 to index
        %parallel_loop3A_348 = tpu.vector_load %arg8[%parallel_loop3A_346, %parallel_loop3A_347] {strides = array<i32>} : memref<64x1024xf32, #tpu.memory_space<vmem>>, vector<16xf32>,
        tpu.vector_store %arg8[%parallel_loop3A_346, %parallel_loop3A_347], %parallel_loop3A_342 {strides = array<i32>} : memref<64x1024xf32, #tpu.memory_space<vmem>>, vector<16xf32>,
        %parallel_loop3A_349 = arith.constant 16384 : i32
        %parallel_loop3A_350 = vector.broadcast %parallel_loop3A_349 : i32 to vector<16xi32>
        %parallel_loop3A_351 = arith.addi %parallel_loop3A_28, %parallel_loop3A_350 : vector<16xi32>
        %parallel_loop3A_352 = tpu.vector_load_idx %arg6[%parallel_loop3A_351] : memref<32768xf32, #tpu.memory_space<vmem>>[vector<16xi32>], vector<16xf32>,
        %parallel_loop3A_353 = arith.constant 16 : i32
        %parallel_loop3A_354 = arith.muli %parallel_loop3A_24, %parallel_loop3A_353 : i32
        %parallel_loop3A_355 = arith.constant 32 : i32
        %parallel_loop3A_356 = arith.index_cast %parallel_loop3A_355 : i32 to index
        %parallel_loop3A_357 = arith.index_cast %parallel_loop3A_354 : i32 to index
        %parallel_loop3A_358 = tpu.vector_load %arg8[%parallel_loop3A_356, %parallel_loop3A_357] {strides = array<i32>} : memref<64x1024xf32, #tpu.memory_space<vmem>>, vector<16xf32>,
        tpu.vector_store %arg8[%parallel_loop3A_356, %parallel_loop3A_357], %parallel_loop3A_352 {strides = array<i32>} : memref<64x1024xf32, #tpu.memory_space<vmem>>, vector<16xf32>,
        %parallel_loop3A_359 = arith.constant 16896 : i32
        %parallel_loop3A_360 = vector.broadcast %parallel_loop3A_359 : i32 to vector<16xi32>
        %parallel_loop3A_361 = arith.addi %parallel_loop3A_28, %parallel_loop3A_360 : vector<16xi32>
        %parallel_loop3A_362 = tpu.vector_load_idx %arg6[%parallel_loop3A_361] : memref<32768xf32, #tpu.memory_space<vmem>>[vector<16xi32>], vector<16xf32>,
        %parallel_loop3A_363 = arith.constant 16 : i32
        %parallel_loop3A_364 = arith.muli %parallel_loop3A_24, %parallel_loop3A_363 : i32
        %parallel_loop3A_365 = arith.constant 33 : i32
        %parallel_loop3A_366 = arith.index_cast %parallel_loop3A_365 : i32 to index
        %parallel_loop3A_367 = arith.index_cast %parallel_loop3A_364 : i32 to index
        %parallel_loop3A_368 = tpu.vector_load %arg8[%parallel_loop3A_366, %parallel_loop3A_367] {strides = array<i32>} : memref<64x1024xf32, #tpu.memory_space<vmem>>, vector<16xf32>,
        tpu.vector_store %arg8[%parallel_loop3A_366, %parallel_loop3A_367], %parallel_loop3A_362 {strides = array<i32>} : memref<64x1024xf32, #tpu.memory_space<vmem>>, vector<16xf32>,
        %parallel_loop3A_369 = arith.constant 17408 : i32
        %parallel_loop3A_370 = vector.broadcast %parallel_loop3A_369 : i32 to vector<16xi32>
        %parallel_loop3A_371 = arith.addi %parallel_loop3A_28, %parallel_loop3A_370 : vector<16xi32>
        %parallel_loop3A_372 = tpu.vector_load_idx %arg6[%parallel_loop3A_371] : memref<32768xf32, #tpu.memory_space<vmem>>[vector<16xi32>], vector<16xf32>,
        %parallel_loop3A_373 = arith.constant 16 : i32
        %parallel_loop3A_374 = arith.muli %parallel_loop3A_24, %parallel_loop3A_373 : i32
        %parallel_loop3A_375 = arith.constant 34 : i32
        %parallel_loop3A_376 = arith.index_cast %parallel_loop3A_375 : i32 to index
        %parallel_loop3A_377 = arith.index_cast %parallel_loop3A_374 : i32 to index
        %parallel_loop3A_378 = tpu.vector_load %arg8[%parallel_loop3A_376, %parallel_loop3A_377] {strides = array<i32>} : memref<64x1024xf32, #tpu.memory_space<vmem>>, vector<16xf32>,
        tpu.vector_store %arg8[%parallel_loop3A_376, %parallel_loop3A_377], %parallel_loop3A_372 {strides = array<i32>} : memref<64x1024xf32, #tpu.memory_space<vmem>>, vector<16xf32>,
        %parallel_loop3A_379 = arith.constant 17920 : i32
        %parallel_loop3A_380 = vector.broadcast %parallel_loop3A_379 : i32 to vector<16xi32>
        %parallel_loop3A_381 = arith.addi %parallel_loop3A_28, %parallel_loop3A_380 : vector<16xi32>
        %parallel_loop3A_382 = tpu.vector_load_idx %arg6[%parallel_loop3A_381] : memref<32768xf32, #tpu.memory_space<vmem>>[vector<16xi32>], vector<16xf32>,
        %parallel_loop3A_383 = arith.constant 16 : i32
        %parallel_loop3A_384 = arith.muli %parallel_loop3A_24, %parallel_loop3A_383 : i32
        %parallel_loop3A_385 = arith.constant 35 : i32
        %parallel_loop3A_386 = arith.index_cast %parallel_loop3A_385 : i32 to index
        %parallel_loop3A_387 = arith.index_cast %parallel_loop3A_384 : i32 to index
        %parallel_loop3A_388 = tpu.vector_load %arg8[%parallel_loop3A_386, %parallel_loop3A_387] {strides = array<i32>} : memref<64x1024xf32, #tpu.memory_space<vmem>>, vector<16xf32>,
        tpu.vector_store %arg8[%parallel_loop3A_386, %parallel_loop3A_387], %parallel_loop3A_382 {strides = array<i32>} : memref<64x1024xf32, #tpu.memory_space<vmem>>, vector<16xf32>,
        %parallel_loop3A_389 = arith.constant 18432 : i32
        %parallel_loop3A_390 = vector.broadcast %parallel_loop3A_389 : i32 to vector<16xi32>
        %parallel_loop3A_391 = arith.addi %parallel_loop3A_28, %parallel_loop3A_390 : vector<16xi32>
        %parallel_loop3A_392 = tpu.vector_load_idx %arg6[%parallel_loop3A_391] : memref<32768xf32, #tpu.memory_space<vmem>>[vector<16xi32>], vector<16xf32>,
        %parallel_loop3A_393 = arith.constant 16 : i32
        %parallel_loop3A_394 = arith.muli %parallel_loop3A_24, %parallel_loop3A_393 : i32
        %parallel_loop3A_395 = arith.constant 36 : i32
        %parallel_loop3A_396 = arith.index_cast %parallel_loop3A_395 : i32 to index
        %parallel_loop3A_397 = arith.index_cast %parallel_loop3A_394 : i32 to index
        %parallel_loop3A_398 = tpu.vector_load %arg8[%parallel_loop3A_396, %parallel_loop3A_397] {strides = array<i32>} : memref<64x1024xf32, #tpu.memory_space<vmem>>, vector<16xf32>,
        tpu.vector_store %arg8[%parallel_loop3A_396, %parallel_loop3A_397], %parallel_loop3A_392 {strides = array<i32>} : memref<64x1024xf32, #tpu.memory_space<vmem>>, vector<16xf32>,
        %parallel_loop3A_399 = arith.constant 18944 : i32
        %parallel_loop3A_400 = vector.broadcast %parallel_loop3A_399 : i32 to vector<16xi32>
        %parallel_loop3A_401 = arith.addi %parallel_loop3A_28, %parallel_loop3A_400 : vector<16xi32>
        %parallel_loop3A_402 = tpu.vector_load_idx %arg6[%parallel_loop3A_401] : memref<32768xf32, #tpu.memory_space<vmem>>[vector<16xi32>], vector<16xf32>,
        %parallel_loop3A_403 = arith.constant 16 : i32
        %parallel_loop3A_404 = arith.muli %parallel_loop3A_24, %parallel_loop3A_403 : i32
        %parallel_loop3A_405 = arith.constant 37 : i32
        %parallel_loop3A_406 = arith.index_cast %parallel_loop3A_405 : i32 to index
        %parallel_loop3A_407 = arith.index_cast %parallel_loop3A_404 : i32 to index
        %parallel_loop3A_408 = tpu.vector_load %arg8[%parallel_loop3A_406, %parallel_loop3A_407] {strides = array<i32>} : memref<64x1024xf32, #tpu.memory_space<vmem>>, vector<16xf32>,
        tpu.vector_store %arg8[%parallel_loop3A_406, %parallel_loop3A_407], %parallel_loop3A_402 {strides = array<i32>} : memref<64x1024xf32, #tpu.memory_space<vmem>>, vector<16xf32>,
        %parallel_loop3A_409 = arith.constant 19456 : i32
        %parallel_loop3A_410 = vector.broadcast %parallel_loop3A_409 : i32 to vector<16xi32>
        %parallel_loop3A_411 = arith.addi %parallel_loop3A_28, %parallel_loop3A_410 : vector<16xi32>
        %parallel_loop3A_412 = tpu.vector_load_idx %arg6[%parallel_loop3A_411] : memref<32768xf32, #tpu.memory_space<vmem>>[vector<16xi32>], vector<16xf32>,
        %parallel_loop3A_413 = arith.constant 16 : i32
        %parallel_loop3A_414 = arith.muli %parallel_loop3A_24, %parallel_loop3A_413 : i32
        %parallel_loop3A_415 = arith.constant 38 : i32
        %parallel_loop3A_416 = arith.index_cast %parallel_loop3A_415 : i32 to index
        %parallel_loop3A_417 = arith.index_cast %parallel_loop3A_414 : i32 to index
        %parallel_loop3A_418 = tpu.vector_load %arg8[%parallel_loop3A_416, %parallel_loop3A_417] {strides = array<i32>} : memref<64x1024xf32, #tpu.memory_space<vmem>>, vector<16xf32>,
        tpu.vector_store %arg8[%parallel_loop3A_416, %parallel_loop3A_417], %parallel_loop3A_412 {strides = array<i32>} : memref<64x1024xf32, #tpu.memory_space<vmem>>, vector<16xf32>,
        %parallel_loop3A_419 = arith.constant 19968 : i32
        %parallel_loop3A_420 = vector.broadcast %parallel_loop3A_419 : i32 to vector<16xi32>
        %parallel_loop3A_421 = arith.addi %parallel_loop3A_28, %parallel_loop3A_420 : vector<16xi32>
        %parallel_loop3A_422 = tpu.vector_load_idx %arg6[%parallel_loop3A_421] : memref<32768xf32, #tpu.memory_space<vmem>>[vector<16xi32>], vector<16xf32>,
        %parallel_loop3A_423 = arith.constant 16 : i32
        %parallel_loop3A_424 = arith.muli %parallel_loop3A_24, %parallel_loop3A_423 : i32
        %parallel_loop3A_425 = arith.constant 39 : i32
        %parallel_loop3A_426 = arith.index_cast %parallel_loop3A_425 : i32 to index
        %parallel_loop3A_427 = arith.index_cast %parallel_loop3A_424 : i32 to index
        %parallel_loop3A_428 = tpu.vector_load %arg8[%parallel_loop3A_426, %parallel_loop3A_427] {strides = array<i32>} : memref<64x1024xf32, #tpu.memory_space<vmem>>, vector<16xf32>,
        tpu.vector_store %arg8[%parallel_loop3A_426, %parallel_loop3A_427], %parallel_loop3A_422 {strides = array<i32>} : memref<64x1024xf32, #tpu.memory_space<vmem>>, vector<16xf32>,
        %parallel_loop3A_429 = arith.constant 20480 : i32
        %parallel_loop3A_430 = vector.broadcast %parallel_loop3A_429 : i32 to vector<16xi32>
        %parallel_loop3A_431 = arith.addi %parallel_loop3A_28, %parallel_loop3A_430 : vector<16xi32>
        %parallel_loop3A_432 = tpu.vector_load_idx %arg6[%parallel_loop3A_431] : memref<32768xf32, #tpu.memory_space<vmem>>[vector<16xi32>], vector<16xf32>,
        %parallel_loop3A_433 = arith.constant 16 : i32
        %parallel_loop3A_434 = arith.muli %parallel_loop3A_24, %parallel_loop3A_433 : i32
        %parallel_loop3A_435 = arith.constant 40 : i32
        %parallel_loop3A_436 = arith.index_cast %parallel_loop3A_435 : i32 to index
        %parallel_loop3A_437 = arith.index_cast %parallel_loop3A_434 : i32 to index
        %parallel_loop3A_438 = tpu.vector_load %arg8[%parallel_loop3A_436, %parallel_loop3A_437] {strides = array<i32>} : memref<64x1024xf32, #tpu.memory_space<vmem>>, vector<16xf32>,
        tpu.vector_store %arg8[%parallel_loop3A_436, %parallel_loop3A_437], %parallel_loop3A_432 {strides = array<i32>} : memref<64x1024xf32, #tpu.memory_space<vmem>>, vector<16xf32>,
        %parallel_loop3A_439 = arith.constant 20992 : i32
        %parallel_loop3A_440 = vector.broadcast %parallel_loop3A_439 : i32 to vector<16xi32>
        %parallel_loop3A_441 = arith.addi %parallel_loop3A_28, %parallel_loop3A_440 : vector<16xi32>
        %parallel_loop3A_442 = tpu.vector_load_idx %arg6[%parallel_loop3A_441] : memref<32768xf32, #tpu.memory_space<vmem>>[vector<16xi32>], vector<16xf32>,
        %parallel_loop3A_443 = arith.constant 16 : i32
        %parallel_loop3A_444 = arith.muli %parallel_loop3A_24, %parallel_loop3A_443 : i32
        %parallel_loop3A_445 = arith.constant 41 : i32
        %parallel_loop3A_446 = arith.index_cast %parallel_loop3A_445 : i32 to index
        %parallel_loop3A_447 = arith.index_cast %parallel_loop3A_444 : i32 to index
        %parallel_loop3A_448 = tpu.vector_load %arg8[%parallel_loop3A_446, %parallel_loop3A_447] {strides = array<i32>} : memref<64x1024xf32, #tpu.memory_space<vmem>>, vector<16xf32>,
        tpu.vector_store %arg8[%parallel_loop3A_446, %parallel_loop3A_447], %parallel_loop3A_442 {strides = array<i32>} : memref<64x1024xf32, #tpu.memory_space<vmem>>, vector<16xf32>,
        %parallel_loop3A_449 = arith.constant 21504 : i32
        %parallel_loop3A_450 = vector.broadcast %parallel_loop3A_449 : i32 to vector<16xi32>
        %parallel_loop3A_451 = arith.addi %parallel_loop3A_28, %parallel_loop3A_450 : vector<16xi32>
        %parallel_loop3A_452 = tpu.vector_load_idx %arg6[%parallel_loop3A_451] : memref<32768xf32, #tpu.memory_space<vmem>>[vector<16xi32>], vector<16xf32>,
        %parallel_loop3A_453 = arith.constant 16 : i32
        %parallel_loop3A_454 = arith.muli %parallel_loop3A_24, %parallel_loop3A_453 : i32
        %parallel_loop3A_455 = arith.constant 42 : i32
        %parallel_loop3A_456 = arith.index_cast %parallel_loop3A_455 : i32 to index
        %parallel_loop3A_457 = arith.index_cast %parallel_loop3A_454 : i32 to index
        %parallel_loop3A_458 = tpu.vector_load %arg8[%parallel_loop3A_456, %parallel_loop3A_457] {strides = array<i32>} : memref<64x1024xf32, #tpu.memory_space<vmem>>, vector<16xf32>,
        tpu.vector_store %arg8[%parallel_loop3A_456, %parallel_loop3A_457], %parallel_loop3A_452 {strides = array<i32>} : memref<64x1024xf32, #tpu.memory_space<vmem>>, vector<16xf32>,
        %parallel_loop3A_459 = arith.constant 22016 : i32
        %parallel_loop3A_460 = vector.broadcast %parallel_loop3A_459 : i32 to vector<16xi32>
        %parallel_loop3A_461 = arith.addi %parallel_loop3A_28, %parallel_loop3A_460 : vector<16xi32>
        %parallel_loop3A_462 = tpu.vector_load_idx %arg6[%parallel_loop3A_461] : memref<32768xf32, #tpu.memory_space<vmem>>[vector<16xi32>], vector<16xf32>,
        %parallel_loop3A_463 = arith.constant 16 : i32
        %parallel_loop3A_464 = arith.muli %parallel_loop3A_24, %parallel_loop3A_463 : i32
        %parallel_loop3A_465 = arith.constant 43 : i32
        %parallel_loop3A_466 = arith.index_cast %parallel_loop3A_465 : i32 to index
        %parallel_loop3A_467 = arith.index_cast %parallel_loop3A_464 : i32 to index
        %parallel_loop3A_468 = tpu.vector_load %arg8[%parallel_loop3A_466, %parallel_loop3A_467] {strides = array<i32>} : memref<64x1024xf32, #tpu.memory_space<vmem>>, vector<16xf32>,
        tpu.vector_store %arg8[%parallel_loop3A_466, %parallel_loop3A_467], %parallel_loop3A_462 {strides = array<i32>} : memref<64x1024xf32, #tpu.memory_space<vmem>>, vector<16xf32>,
        %parallel_loop3A_469 = arith.constant 22528 : i32
        %parallel_loop3A_470 = vector.broadcast %parallel_loop3A_469 : i32 to vector<16xi32>
        %parallel_loop3A_471 = arith.addi %parallel_loop3A_28, %parallel_loop3A_470 : vector<16xi32>
        %parallel_loop3A_472 = tpu.vector_load_idx %arg6[%parallel_loop3A_471] : memref<32768xf32, #tpu.memory_space<vmem>>[vector<16xi32>], vector<16xf32>,
        %parallel_loop3A_473 = arith.constant 16 : i32
        %parallel_loop3A_474 = arith.muli %parallel_loop3A_24, %parallel_loop3A_473 : i32
        %parallel_loop3A_475 = arith.constant 44 : i32
        %parallel_loop3A_476 = arith.index_cast %parallel_loop3A_475 : i32 to index
        %parallel_loop3A_477 = arith.index_cast %parallel_loop3A_474 : i32 to index
        %parallel_loop3A_478 = tpu.vector_load %arg8[%parallel_loop3A_476, %parallel_loop3A_477] {strides = array<i32>} : memref<64x1024xf32, #tpu.memory_space<vmem>>, vector<16xf32>,
        tpu.vector_store %arg8[%parallel_loop3A_476, %parallel_loop3A_477], %parallel_loop3A_472 {strides = array<i32>} : memref<64x1024xf32, #tpu.memory_space<vmem>>, vector<16xf32>,
        %parallel_loop3A_479 = arith.constant 23040 : i32
        %parallel_loop3A_480 = vector.broadcast %parallel_loop3A_479 : i32 to vector<16xi32>
        %parallel_loop3A_481 = arith.addi %parallel_loop3A_28, %parallel_loop3A_480 : vector<16xi32>
        %parallel_loop3A_482 = tpu.vector_load_idx %arg6[%parallel_loop3A_481] : memref<32768xf32, #tpu.memory_space<vmem>>[vector<16xi32>], vector<16xf32>,
        %parallel_loop3A_483 = arith.constant 16 : i32
        %parallel_loop3A_484 = arith.muli %parallel_loop3A_24, %parallel_loop3A_483 : i32
        %parallel_loop3A_485 = arith.constant 45 : i32
        %parallel_loop3A_486 = arith.index_cast %parallel_loop3A_485 : i32 to index
        %parallel_loop3A_487 = arith.index_cast %parallel_loop3A_484 : i32 to index
        %parallel_loop3A_488 = tpu.vector_load %arg8[%parallel_loop3A_486, %parallel_loop3A_487] {strides = array<i32>} : memref<64x1024xf32, #tpu.memory_space<vmem>>, vector<16xf32>,
        tpu.vector_store %arg8[%parallel_loop3A_486, %parallel_loop3A_487], %parallel_loop3A_482 {strides = array<i32>} : memref<64x1024xf32, #tpu.memory_space<vmem>>, vector<16xf32>,
        %parallel_loop3A_489 = arith.constant 23552 : i32
        %parallel_loop3A_490 = vector.broadcast %parallel_loop3A_489 : i32 to vector<16xi32>
        %parallel_loop3A_491 = arith.addi %parallel_loop3A_28, %parallel_loop3A_490 : vector<16xi32>
        %parallel_loop3A_492 = tpu.vector_load_idx %arg6[%parallel_loop3A_491] : memref<32768xf32, #tpu.memory_space<vmem>>[vector<16xi32>], vector<16xf32>,
        %parallel_loop3A_493 = arith.constant 16 : i32
        %parallel_loop3A_494 = arith.muli %parallel_loop3A_24, %parallel_loop3A_493 : i32
        %parallel_loop3A_495 = arith.constant 46 : i32
        %parallel_loop3A_496 = arith.index_cast %parallel_loop3A_495 : i32 to index
        %parallel_loop3A_497 = arith.index_cast %parallel_loop3A_494 : i32 to index
        %parallel_loop3A_498 = tpu.vector_load %arg8[%parallel_loop3A_496, %parallel_loop3A_497] {strides = array<i32>} : memref<64x1024xf32, #tpu.memory_space<vmem>>, vector<16xf32>,
        tpu.vector_store %arg8[%parallel_loop3A_496, %parallel_loop3A_497], %parallel_loop3A_492 {strides = array<i32>} : memref<64x1024xf32, #tpu.memory_space<vmem>>, vector<16xf32>,
        %parallel_loop3A_499 = arith.constant 24064 : i32
        %parallel_loop3A_500 = vector.broadcast %parallel_loop3A_499 : i32 to vector<16xi32>
        %parallel_loop3A_501 = arith.addi %parallel_loop3A_28, %parallel_loop3A_500 : vector<16xi32>
        %parallel_loop3A_502 = tpu.vector_load_idx %arg6[%parallel_loop3A_501] : memref<32768xf32, #tpu.memory_space<vmem>>[vector<16xi32>], vector<16xf32>,
        %parallel_loop3A_503 = arith.constant 16 : i32
        %parallel_loop3A_504 = arith.muli %parallel_loop3A_24, %parallel_loop3A_503 : i32
        %parallel_loop3A_505 = arith.constant 47 : i32
        %parallel_loop3A_506 = arith.index_cast %parallel_loop3A_505 : i32 to index
        %parallel_loop3A_507 = arith.index_cast %parallel_loop3A_504 : i32 to index
        %parallel_loop3A_508 = tpu.vector_load %arg8[%parallel_loop3A_506, %parallel_loop3A_507] {strides = array<i32>} : memref<64x1024xf32, #tpu.memory_space<vmem>>, vector<16xf32>,
        tpu.vector_store %arg8[%parallel_loop3A_506, %parallel_loop3A_507], %parallel_loop3A_502 {strides = array<i32>} : memref<64x1024xf32, #tpu.memory_space<vmem>>, vector<16xf32>,
        %parallel_loop3A_509 = arith.constant 24576 : i32
        %parallel_loop3A_510 = vector.broadcast %parallel_loop3A_509 : i32 to vector<16xi32>
        %parallel_loop3A_511 = arith.addi %parallel_loop3A_28, %parallel_loop3A_510 : vector<16xi32>
        %parallel_loop3A_512 = tpu.vector_load_idx %arg6[%parallel_loop3A_511] : memref<32768xf32, #tpu.memory_space<vmem>>[vector<16xi32>], vector<16xf32>,
        %parallel_loop3A_513 = arith.constant 16 : i32
        %parallel_loop3A_514 = arith.muli %parallel_loop3A_24, %parallel_loop3A_513 : i32
        %parallel_loop3A_515 = arith.constant 48 : i32
        %parallel_loop3A_516 = arith.index_cast %parallel_loop3A_515 : i32 to index
        %parallel_loop3A_517 = arith.index_cast %parallel_loop3A_514 : i32 to index
        %parallel_loop3A_518 = tpu.vector_load %arg8[%parallel_loop3A_516, %parallel_loop3A_517] {strides = array<i32>} : memref<64x1024xf32, #tpu.memory_space<vmem>>, vector<16xf32>,
        tpu.vector_store %arg8[%parallel_loop3A_516, %parallel_loop3A_517], %parallel_loop3A_512 {strides = array<i32>} : memref<64x1024xf32, #tpu.memory_space<vmem>>, vector<16xf32>,
        %parallel_loop3A_519 = arith.constant 25088 : i32
        %parallel_loop3A_520 = vector.broadcast %parallel_loop3A_519 : i32 to vector<16xi32>
        %parallel_loop3A_521 = arith.addi %parallel_loop3A_28, %parallel_loop3A_520 : vector<16xi32>
        %parallel_loop3A_522 = tpu.vector_load_idx %arg6[%parallel_loop3A_521] : memref<32768xf32, #tpu.memory_space<vmem>>[vector<16xi32>], vector<16xf32>,
        %parallel_loop3A_523 = arith.constant 16 : i32
        %parallel_loop3A_524 = arith.muli %parallel_loop3A_24, %parallel_loop3A_523 : i32
        %parallel_loop3A_525 = arith.constant 49 : i32
        %parallel_loop3A_526 = arith.index_cast %parallel_loop3A_525 : i32 to index
        %parallel_loop3A_527 = arith.index_cast %parallel_loop3A_524 : i32 to index
        %parallel_loop3A_528 = tpu.vector_load %arg8[%parallel_loop3A_526, %parallel_loop3A_527] {strides = array<i32>} : memref<64x1024xf32, #tpu.memory_space<vmem>>, vector<16xf32>,
        tpu.vector_store %arg8[%parallel_loop3A_526, %parallel_loop3A_527], %parallel_loop3A_522 {strides = array<i32>} : memref<64x1024xf32, #tpu.memory_space<vmem>>, vector<16xf32>,
        %parallel_loop3A_529 = arith.constant 25600 : i32
        %parallel_loop3A_530 = vector.broadcast %parallel_loop3A_529 : i32 to vector<16xi32>
        %parallel_loop3A_531 = arith.addi %parallel_loop3A_28, %parallel_loop3A_530 : vector<16xi32>
        %parallel_loop3A_532 = tpu.vector_load_idx %arg6[%parallel_loop3A_531] : memref<32768xf32, #tpu.memory_space<vmem>>[vector<16xi32>], vector<16xf32>,
        %parallel_loop3A_533 = arith.constant 16 : i32
        %parallel_loop3A_534 = arith.muli %parallel_loop3A_24, %parallel_loop3A_533 : i32
        %parallel_loop3A_535 = arith.constant 50 : i32
        %parallel_loop3A_536 = arith.index_cast %parallel_loop3A_535 : i32 to index
        %parallel_loop3A_537 = arith.index_cast %parallel_loop3A_534 : i32 to index
        %parallel_loop3A_538 = tpu.vector_load %arg8[%parallel_loop3A_536, %parallel_loop3A_537] {strides = array<i32>} : memref<64x1024xf32, #tpu.memory_space<vmem>>, vector<16xf32>,
        tpu.vector_store %arg8[%parallel_loop3A_536, %parallel_loop3A_537], %parallel_loop3A_532 {strides = array<i32>} : memref<64x1024xf32, #tpu.memory_space<vmem>>, vector<16xf32>,
        %parallel_loop3A_539 = arith.constant 26112 : i32
        %parallel_loop3A_540 = vector.broadcast %parallel_loop3A_539 : i32 to vector<16xi32>
        %parallel_loop3A_541 = arith.addi %parallel_loop3A_28, %parallel_loop3A_540 : vector<16xi32>
        %parallel_loop3A_542 = tpu.vector_load_idx %arg6[%parallel_loop3A_541] : memref<32768xf32, #tpu.memory_space<vmem>>[vector<16xi32>], vector<16xf32>,
        %parallel_loop3A_543 = arith.constant 16 : i32
        %parallel_loop3A_544 = arith.muli %parallel_loop3A_24, %parallel_loop3A_543 : i32
        %parallel_loop3A_545 = arith.constant 51 : i32
        %parallel_loop3A_546 = arith.index_cast %parallel_loop3A_545 : i32 to index
        %parallel_loop3A_547 = arith.index_cast %parallel_loop3A_544 : i32 to index
        %parallel_loop3A_548 = tpu.vector_load %arg8[%parallel_loop3A_546, %parallel_loop3A_547] {strides = array<i32>} : memref<64x1024xf32, #tpu.memory_space<vmem>>, vector<16xf32>,
        tpu.vector_store %arg8[%parallel_loop3A_546, %parallel_loop3A_547], %parallel_loop3A_542 {strides = array<i32>} : memref<64x1024xf32, #tpu.memory_space<vmem>>, vector<16xf32>,
        %parallel_loop3A_549 = arith.constant 26624 : i32
        %parallel_loop3A_550 = vector.broadcast %parallel_loop3A_549 : i32 to vector<16xi32>
        %parallel_loop3A_551 = arith.addi %parallel_loop3A_28, %parallel_loop3A_550 : vector<16xi32>
        %parallel_loop3A_552 = tpu.vector_load_idx %arg6[%parallel_loop3A_551] : memref<32768xf32, #tpu.memory_space<vmem>>[vector<16xi32>], vector<16xf32>,
        %parallel_loop3A_553 = arith.constant 16 : i32
        %parallel_loop3A_554 = arith.muli %parallel_loop3A_24, %parallel_loop3A_553 : i32
        %parallel_loop3A_555 = arith.constant 52 : i32
        %parallel_loop3A_556 = arith.index_cast %parallel_loop3A_555 : i32 to index
        %parallel_loop3A_557 = arith.index_cast %parallel_loop3A_554 : i32 to index
        %parallel_loop3A_558 = tpu.vector_load %arg8[%parallel_loop3A_556, %parallel_loop3A_557] {strides = array<i32>} : memref<64x1024xf32, #tpu.memory_space<vmem>>, vector<16xf32>,
        tpu.vector_store %arg8[%parallel_loop3A_556, %parallel_loop3A_557], %parallel_loop3A_552 {strides = array<i32>} : memref<64x1024xf32, #tpu.memory_space<vmem>>, vector<16xf32>,
        %parallel_loop3A_559 = arith.constant 27136 : i32
        %parallel_loop3A_560 = vector.broadcast %parallel_loop3A_559 : i32 to vector<16xi32>
        %parallel_loop3A_561 = arith.addi %parallel_loop3A_28, %parallel_loop3A_560 : vector<16xi32>
        %parallel_loop3A_562 = tpu.vector_load_idx %arg6[%parallel_loop3A_561] : memref<32768xf32, #tpu.memory_space<vmem>>[vector<16xi32>], vector<16xf32>,
        %parallel_loop3A_563 = arith.constant 16 : i32
        %parallel_loop3A_564 = arith.muli %parallel_loop3A_24, %parallel_loop3A_563 : i32
        %parallel_loop3A_565 = arith.constant 53 : i32
        %parallel_loop3A_566 = arith.index_cast %parallel_loop3A_565 : i32 to index
        %parallel_loop3A_567 = arith.index_cast %parallel_loop3A_564 : i32 to index
        %parallel_loop3A_568 = tpu.vector_load %arg8[%parallel_loop3A_566, %parallel_loop3A_567] {strides = array<i32>} : memref<64x1024xf32, #tpu.memory_space<vmem>>, vector<16xf32>,
        tpu.vector_store %arg8[%parallel_loop3A_566, %parallel_loop3A_567], %parallel_loop3A_562 {strides = array<i32>} : memref<64x1024xf32, #tpu.memory_space<vmem>>, vector<16xf32>,
        %parallel_loop3A_569 = arith.constant 27648 : i32
        %parallel_loop3A_570 = vector.broadcast %parallel_loop3A_569 : i32 to vector<16xi32>
        %parallel_loop3A_571 = arith.addi %parallel_loop3A_28, %parallel_loop3A_570 : vector<16xi32>
        %parallel_loop3A_572 = tpu.vector_load_idx %arg6[%parallel_loop3A_571] : memref<32768xf32, #tpu.memory_space<vmem>>[vector<16xi32>], vector<16xf32>,
        %parallel_loop3A_573 = arith.constant 16 : i32
        %parallel_loop3A_574 = arith.muli %parallel_loop3A_24, %parallel_loop3A_573 : i32
        %parallel_loop3A_575 = arith.constant 54 : i32
        %parallel_loop3A_576 = arith.index_cast %parallel_loop3A_575 : i32 to index
        %parallel_loop3A_577 = arith.index_cast %parallel_loop3A_574 : i32 to index
        %parallel_loop3A_578 = tpu.vector_load %arg8[%parallel_loop3A_576, %parallel_loop3A_577] {strides = array<i32>} : memref<64x1024xf32, #tpu.memory_space<vmem>>, vector<16xf32>,
        tpu.vector_store %arg8[%parallel_loop3A_576, %parallel_loop3A_577], %parallel_loop3A_572 {strides = array<i32>} : memref<64x1024xf32, #tpu.memory_space<vmem>>, vector<16xf32>,
        %parallel_loop3A_579 = arith.constant 28160 : i32
        %parallel_loop3A_580 = vector.broadcast %parallel_loop3A_579 : i32 to vector<16xi32>
        %parallel_loop3A_581 = arith.addi %parallel_loop3A_28, %parallel_loop3A_580 : vector<16xi32>
        %parallel_loop3A_582 = tpu.vector_load_idx %arg6[%parallel_loop3A_581] : memref<32768xf32, #tpu.memory_space<vmem>>[vector<16xi32>], vector<16xf32>,
        %parallel_loop3A_583 = arith.constant 16 : i32
        %parallel_loop3A_584 = arith.muli %parallel_loop3A_24, %parallel_loop3A_583 : i32
        %parallel_loop3A_585 = arith.constant 55 : i32
        %parallel_loop3A_586 = arith.index_cast %parallel_loop3A_585 : i32 to index
        %parallel_loop3A_587 = arith.index_cast %parallel_loop3A_584 : i32 to index
        %parallel_loop3A_588 = tpu.vector_load %arg8[%parallel_loop3A_586, %parallel_loop3A_587] {strides = array<i32>} : memref<64x1024xf32, #tpu.memory_space<vmem>>, vector<16xf32>,
        tpu.vector_store %arg8[%parallel_loop3A_586, %parallel_loop3A_587], %parallel_loop3A_582 {strides = array<i32>} : memref<64x1024xf32, #tpu.memory_space<vmem>>, vector<16xf32>,
        %parallel_loop3A_589 = arith.constant 28672 : i32
        %parallel_loop3A_590 = vector.broadcast %parallel_loop3A_589 : i32 to vector<16xi32>
        %parallel_loop3A_591 = arith.addi %parallel_loop3A_28, %parallel_loop3A_590 : vector<16xi32>
        %parallel_loop3A_592 = tpu.vector_load_idx %arg6[%parallel_loop3A_591] : memref<32768xf32, #tpu.memory_space<vmem>>[vector<16xi32>], vector<16xf32>,
        %parallel_loop3A_593 = arith.constant 16 : i32
        %parallel_loop3A_594 = arith.muli %parallel_loop3A_24, %parallel_loop3A_593 : i32
        %parallel_loop3A_595 = arith.constant 56 : i32
        %parallel_loop3A_596 = arith.index_cast %parallel_loop3A_595 : i32 to index
        %parallel_loop3A_597 = arith.index_cast %parallel_loop3A_594 : i32 to index
        %parallel_loop3A_598 = tpu.vector_load %arg8[%parallel_loop3A_596, %parallel_loop3A_597] {strides = array<i32>} : memref<64x1024xf32, #tpu.memory_space<vmem>>, vector<16xf32>,
        tpu.vector_store %arg8[%parallel_loop3A_596, %parallel_loop3A_597], %parallel_loop3A_592 {strides = array<i32>} : memref<64x1024xf32, #tpu.memory_space<vmem>>, vector<16xf32>,
        %parallel_loop3A_599 = arith.constant 29184 : i32
        %parallel_loop3A_600 = vector.broadcast %parallel_loop3A_599 : i32 to vector<16xi32>
        %parallel_loop3A_601 = arith.addi %parallel_loop3A_28, %parallel_loop3A_600 : vector<16xi32>
        %parallel_loop3A_602 = tpu.vector_load_idx %arg6[%parallel_loop3A_601] : memref<32768xf32, #tpu.memory_space<vmem>>[vector<16xi32>], vector<16xf32>,
        %parallel_loop3A_603 = arith.constant 16 : i32
        %parallel_loop3A_604 = arith.muli %parallel_loop3A_24, %parallel_loop3A_603 : i32
        %parallel_loop3A_605 = arith.constant 57 : i32
        %parallel_loop3A_606 = arith.index_cast %parallel_loop3A_605 : i32 to index
        %parallel_loop3A_607 = arith.index_cast %parallel_loop3A_604 : i32 to index
        %parallel_loop3A_608 = tpu.vector_load %arg8[%parallel_loop3A_606, %parallel_loop3A_607] {strides = array<i32>} : memref<64x1024xf32, #tpu.memory_space<vmem>>, vector<16xf32>,
        tpu.vector_store %arg8[%parallel_loop3A_606, %parallel_loop3A_607], %parallel_loop3A_602 {strides = array<i32>} : memref<64x1024xf32, #tpu.memory_space<vmem>>, vector<16xf32>,
        %parallel_loop3A_609 = arith.constant 29696 : i32
        %parallel_loop3A_610 = vector.broadcast %parallel_loop3A_609 : i32 to vector<16xi32>
        %parallel_loop3A_611 = arith.addi %parallel_loop3A_28, %parallel_loop3A_610 : vector<16xi32>
        %parallel_loop3A_612 = tpu.vector_load_idx %arg6[%parallel_loop3A_611] : memref<32768xf32, #tpu.memory_space<vmem>>[vector<16xi32>], vector<16xf32>,
        %parallel_loop3A_613 = arith.constant 16 : i32
        %parallel_loop3A_614 = arith.muli %parallel_loop3A_24, %parallel_loop3A_613 : i32
        %parallel_loop3A_615 = arith.constant 58 : i32
        %parallel_loop3A_616 = arith.index_cast %parallel_loop3A_615 : i32 to index
        %parallel_loop3A_617 = arith.index_cast %parallel_loop3A_614 : i32 to index
        %parallel_loop3A_618 = tpu.vector_load %arg8[%parallel_loop3A_616, %parallel_loop3A_617] {strides = array<i32>} : memref<64x1024xf32, #tpu.memory_space<vmem>>, vector<16xf32>,
        tpu.vector_store %arg8[%parallel_loop3A_616, %parallel_loop3A_617], %parallel_loop3A_612 {strides = array<i32>} : memref<64x1024xf32, #tpu.memory_space<vmem>>, vector<16xf32>,
        %parallel_loop3A_619 = arith.constant 30208 : i32
        %parallel_loop3A_620 = vector.broadcast %parallel_loop3A_619 : i32 to vector<16xi32>
        %parallel_loop3A_621 = arith.addi %parallel_loop3A_28, %parallel_loop3A_620 : vector<16xi32>
        %parallel_loop3A_622 = tpu.vector_load_idx %arg6[%parallel_loop3A_621] : memref<32768xf32, #tpu.memory_space<vmem>>[vector<16xi32>], vector<16xf32>,
        %parallel_loop3A_623 = arith.constant 16 : i32
        %parallel_loop3A_624 = arith.muli %parallel_loop3A_24, %parallel_loop3A_623 : i32
        %parallel_loop3A_625 = arith.constant 59 : i32
        %parallel_loop3A_626 = arith.index_cast %parallel_loop3A_625 : i32 to index
        %parallel_loop3A_627 = arith.index_cast %parallel_loop3A_624 : i32 to index
        %parallel_loop3A_628 = tpu.vector_load %arg8[%parallel_loop3A_626, %parallel_loop3A_627] {strides = array<i32>} : memref<64x1024xf32, #tpu.memory_space<vmem>>, vector<16xf32>,
        tpu.vector_store %arg8[%parallel_loop3A_626, %parallel_loop3A_627], %parallel_loop3A_622 {strides = array<i32>} : memref<64x1024xf32, #tpu.memory_space<vmem>>, vector<16xf32>,
        %parallel_loop3A_629 = arith.constant 30720 : i32
        %parallel_loop3A_630 = vector.broadcast %parallel_loop3A_629 : i32 to vector<16xi32>
        %parallel_loop3A_631 = arith.addi %parallel_loop3A_28, %parallel_loop3A_630 : vector<16xi32>
        %parallel_loop3A_632 = tpu.vector_load_idx %arg6[%parallel_loop3A_631] : memref<32768xf32, #tpu.memory_space<vmem>>[vector<16xi32>], vector<16xf32>,
        %parallel_loop3A_633 = arith.constant 16 : i32
        %parallel_loop3A_634 = arith.muli %parallel_loop3A_24, %parallel_loop3A_633 : i32
        %parallel_loop3A_635 = arith.constant 60 : i32
        %parallel_loop3A_636 = arith.index_cast %parallel_loop3A_635 : i32 to index
        %parallel_loop3A_637 = arith.index_cast %parallel_loop3A_634 : i32 to index
        %parallel_loop3A_638 = tpu.vector_load %arg8[%parallel_loop3A_636, %parallel_loop3A_637] {strides = array<i32>} : memref<64x1024xf32, #tpu.memory_space<vmem>>, vector<16xf32>,
        tpu.vector_store %arg8[%parallel_loop3A_636, %parallel_loop3A_637], %parallel_loop3A_632 {strides = array<i32>} : memref<64x1024xf32, #tpu.memory_space<vmem>>, vector<16xf32>,
        %parallel_loop3A_639 = arith.constant 31232 : i32
        %parallel_loop3A_640 = vector.broadcast %parallel_loop3A_639 : i32 to vector<16xi32>
        %parallel_loop3A_641 = arith.addi %parallel_loop3A_28, %parallel_loop3A_640 : vector<16xi32>
        %parallel_loop3A_642 = tpu.vector_load_idx %arg6[%parallel_loop3A_641] : memref<32768xf32, #tpu.memory_space<vmem>>[vector<16xi32>], vector<16xf32>,
        %parallel_loop3A_643 = arith.constant 16 : i32
        %parallel_loop3A_644 = arith.muli %parallel_loop3A_24, %parallel_loop3A_643 : i32
        %parallel_loop3A_645 = arith.constant 61 : i32
        %parallel_loop3A_646 = arith.index_cast %parallel_loop3A_645 : i32 to index
        %parallel_loop3A_647 = arith.index_cast %parallel_loop3A_644 : i32 to index
        %parallel_loop3A_648 = tpu.vector_load %arg8[%parallel_loop3A_646, %parallel_loop3A_647] {strides = array<i32>} : memref<64x1024xf32, #tpu.memory_space<vmem>>, vector<16xf32>,
        tpu.vector_store %arg8[%parallel_loop3A_646, %parallel_loop3A_647], %parallel_loop3A_642 {strides = array<i32>} : memref<64x1024xf32, #tpu.memory_space<vmem>>, vector<16xf32>,
        %parallel_loop3A_649 = arith.constant 31744 : i32
        %parallel_loop3A_650 = vector.broadcast %parallel_loop3A_649 : i32 to vector<16xi32>
        %parallel_loop3A_651 = arith.addi %parallel_loop3A_28, %parallel_loop3A_650 : vector<16xi32>
        %parallel_loop3A_652 = tpu.vector_load_idx %arg6[%parallel_loop3A_651] : memref<32768xf32, #tpu.memory_space<vmem>>[vector<16xi32>], vector<16xf32>,
        %parallel_loop3A_653 = arith.constant 16 : i32
        %parallel_loop3A_654 = arith.muli %parallel_loop3A_24, %parallel_loop3A_653 : i32
        %parallel_loop3A_655 = arith.constant 62 : i32
        %parallel_loop3A_656 = arith.index_cast %parallel_loop3A_655 : i32 to index
        %parallel_loop3A_657 = arith.index_cast %parallel_loop3A_654 : i32 to index
        %parallel_loop3A_658 = tpu.vector_load %arg8[%parallel_loop3A_656, %parallel_loop3A_657] {strides = array<i32>} : memref<64x1024xf32, #tpu.memory_space<vmem>>, vector<16xf32>,
        tpu.vector_store %arg8[%parallel_loop3A_656, %parallel_loop3A_657], %parallel_loop3A_652 {strides = array<i32>} : memref<64x1024xf32, #tpu.memory_space<vmem>>, vector<16xf32>,
        %parallel_loop3A_659 = arith.constant 32256 : i32
        %parallel_loop3A_660 = vector.broadcast %parallel_loop3A_659 : i32 to vector<16xi32>
        %parallel_loop3A_661 = arith.addi %parallel_loop3A_28, %parallel_loop3A_660 : vector<16xi32>
        %parallel_loop3A_662 = tpu.vector_load_idx %arg6[%parallel_loop3A_661] : memref<32768xf32, #tpu.memory_space<vmem>>[vector<16xi32>], vector<16xf32>,
        %parallel_loop3A_663 = arith.constant 16 : i32
        %parallel_loop3A_664 = arith.muli %parallel_loop3A_24, %parallel_loop3A_663 : i32
        %parallel_loop3A_665 = arith.constant 63 : i32
        %parallel_loop3A_666 = arith.index_cast %parallel_loop3A_665 : i32 to index
        %parallel_loop3A_667 = arith.index_cast %parallel_loop3A_664 : i32 to index
        %parallel_loop3A_668 = tpu.vector_load %arg8[%parallel_loop3A_666, %parallel_loop3A_667] {strides = array<i32>} : memref<64x1024xf32, #tpu.memory_space<vmem>>, vector<16xf32>,
        tpu.vector_store %arg8[%parallel_loop3A_666, %parallel_loop3A_667], %parallel_loop3A_662 {strides = array<i32>} : memref<64x1024xf32, #tpu.memory_space<vmem>>, vector<16xf32>,
      } {sc.loop_unroll_factor = 2 : i64, sc.parallel_access}
      %scan3A_18 = arith.constant 0 : i32
      %scan3A_19 = arith.constant 0 : i32
      %scan3A_20 = arith.constant 64 : i32
      %scan3A_21 = arith.addi %scan3A_19, %scan3A_20 : i32
      %scan3A_22 = arith.constant 1 : i32
      scf.for %scan3A_24 = %scan3A_19 to %scan3A_21 step %scan3A_22  : i32 {
        %mul3A_25 = arith.constant 16 : i32
        %mul3A_26 = arith.muli %scan3A_24, %mul3A_25 : i32
        %get3A = arith.index_cast %mul3A_26 : i32 to index
        %get3A_27 = tpu.vector_load %arg7[%get3A] {strides = array<i32>} : memref<1024xi32, #tpu.memory_space<vmem>>, vector<16xi32>,
        %broadcast_in_dim3A = arith.constant 1.000000e+00 : f32
        %broadcast_in_dim3A_28 = vector.broadcast %broadcast_in_dim3A : f32 to vector<16xf32>
        tpu.vector_store_idx %arg9[%get3A_27], %broadcast_in_dim3A_28 {add = true} : memref<512xf32, #tpu.memory_space<vmem>>[vector<16xi32>], vector<16xf32>,
      }
      %scan3A_23 = arith.constant 64 : i32
      "tpu.region"() ({
        %run_scoped3A = tpu.sem_alloc : memref<!tpu.dma_semaphore, #tpu.memory_space<semaphore_mem>>
        %dma_start3A = arith.constant 0 : i32
        %dma_start3A_24 = arith.constant 0 : i32
        %dma_start3A_25 = tpu.memref_slice %arg4[%add3A_15, %dma_start3A, %dma_start3A_24] : memref<64x64x1024xf32, #tpu.memory_space<hbm>> -> memref<1x64x1024xf32, #tpu.memory_space<hbm>>
        %dma_start3A_26 = tpu.memref_squeeze %dma_start3A_25 : memref<1x64x1024xf32, #tpu.memory_space<hbm>> -> memref<64x1024xf32, #tpu.memory_space<hbm>>
        %dma_start3A_27 = arith.constant 0 : i32
        %dma_start3A_28 = arith.constant 0 : i32
        %dma_start3A_29 = tpu.memref_slice %arg4[%add3A_15, %dma_start3A_27, %dma_start3A_28] : memref<64x64x1024xf32, #tpu.memory_space<hbm>> -> memref<1x64x1024xf32, #tpu.memory_space<hbm>>
        %dma_start3A_30 = tpu.memref_squeeze %dma_start3A_29 : memref<1x64x1024xf32, #tpu.memory_space<hbm>> -> memref<64x1024xf32, #tpu.memory_space<hbm>>
        tpu.enqueue_dma source(%arg8 : memref<64x1024xf32, #tpu.memory_space<vmem>>) target(%dma_start3A_30 : memref<64x1024xf32, #tpu.memory_space<hbm>>) target_semaphore(%run_scoped3A : memref<!tpu.dma_semaphore, #tpu.memory_space<semaphore_mem>>)
        %dma_wait3A = arith.constant 0 : i32
        %dma_wait3A_31 = arith.constant 0 : i32
        %dma_wait3A_32 = tpu.memref_slice %arg4[%add3A_15, %dma_wait3A, %dma_wait3A_31] : memref<64x64x1024xf32, #tpu.memory_space<hbm>> -> memref<1x64x1024xf32, #tpu.memory_space<hbm>>
        %dma_wait3A_33 = tpu.memref_squeeze %dma_wait3A_32 : memref<1x64x1024xf32, #tpu.memory_space<hbm>> -> memref<64x1024xf32, #tpu.memory_space<hbm>>
        %dma_wait3A_34 = arith.constant 0 : i32
        %dma_wait3A_35 = arith.constant 0 : i32
        %dma_wait3A_36 = tpu.memref_slice %arg4[%add3A_15, %dma_wait3A_34, %dma_wait3A_35] : memref<64x64x1024xf32, #tpu.memory_space<hbm>> -> memref<1x64x1024xf32, #tpu.memory_space<hbm>>
        %dma_wait3A_37 = tpu.memref_squeeze %dma_wait3A_36 : memref<1x64x1024xf32, #tpu.memory_space<hbm>> -> memref<64x1024xf32, #tpu.memory_space<hbm>>
        tpu.wait_dma2 semaphore(%run_scoped3A : memref<!tpu.dma_semaphore, #tpu.memory_space<semaphore_mem>>) src(%arg8 : memref<64x1024xf32, #tpu.memory_space<vmem>>) dst(%dma_wait3A_37 : memref<64x1024xf32, #tpu.memory_space<hbm>>)
        tpu.yield
      }) : () -> ()
    }
    %scan3A_11 = arith.constant 2 : i32
    "tpu.region"() ({
      %run_scoped3A = tpu.sem_alloc : memref<!tpu.dma_semaphore, #tpu.memory_space<semaphore_mem>>
      %dma_start3A = arith.constant 0 : i32
      %dma_start3A_12 = tpu.memref_slice %arg5[%add3A, %dma_start3A] : memref<32x512xf32, #tpu.memory_space<hbm>> -> memref<1x512xf32, #tpu.memory_space<hbm>>
      %dma_start3A_13 = tpu.memref_squeeze %dma_start3A_12 : memref<1x512xf32, #tpu.memory_space<hbm>> -> memref<512xf32, #tpu.memory_space<hbm>>
      %dma_start3A_14 = arith.constant 0 : i32
      %dma_start3A_15 = tpu.memref_slice %arg5[%add3A, %dma_start3A_14] : memref<32x512xf32, #tpu.memory_space<hbm>> -> memref<1x512xf32, #tpu.memory_space<hbm>>
      %dma_start3A_16 = tpu.memref_squeeze %dma_start3A_15 : memref<1x512xf32, #tpu.memory_space<hbm>> -> memref<512xf32, #tpu.memory_space<hbm>>
      tpu.enqueue_dma source(%arg9 : memref<512xf32, #tpu.memory_space<vmem>>) target(%dma_start3A_16 : memref<512xf32, #tpu.memory_space<hbm>>) target_semaphore(%run_scoped3A : memref<!tpu.dma_semaphore, #tpu.memory_space<semaphore_mem>>)
      %dma_wait3A = arith.constant 0 : i32
      %dma_wait3A_17 = tpu.memref_slice %arg5[%add3A, %dma_wait3A] : memref<32x512xf32, #tpu.memory_space<hbm>> -> memref<1x512xf32, #tpu.memory_space<hbm>>
      %dma_wait3A_18 = tpu.memref_squeeze %dma_wait3A_17 : memref<1x512xf32, #tpu.memory_space<hbm>> -> memref<512xf32, #tpu.memory_space<hbm>>
      %dma_wait3A_19 = arith.constant 0 : i32
      %dma_wait3A_20 = tpu.memref_slice %arg5[%add3A, %dma_wait3A_19] : memref<32x512xf32, #tpu.memory_space<hbm>> -> memref<1x512xf32, #tpu.memory_space<hbm>>
      %dma_wait3A_21 = tpu.memref_squeeze %dma_wait3A_20 : memref<1x512xf32, #tpu.memory_space<hbm>> -> memref<512xf32, #tpu.memory_space<hbm>>
      tpu.wait_dma2 semaphore(%run_scoped3A : memref<!tpu.dma_semaphore, #tpu.memory_space<semaphore_mem>>) src(%arg9 : memref<512xf32, #tpu.memory_space<vmem>>) dst(%dma_wait3A_21 : memref<512xf32, #tpu.memory_space<hbm>>)
      tpu.yield
    }) : () -> ()
    return
  }
}

module attributes {stable_mosaic.version = 14 : i64} {
  func.func @_perp_body(%arg0: memref<32x512xf32, #tpu.memory_space<vmem>>, %arg1: memref<1x1xf32, #tpu.memory_space<smem>>) attributes {dimension_semantics = [], scalar_prefetch = 0 : i64, scratch_operands = 0 : i64, tpu.core_type = #tpu.core_type<tc>} {
    %get3A = arith.constant 0 : index
    %get3A_0 = arith.constant 0 : index
    %get3A_1 = vector.load %arg0[%get3A, %get3A_0] : memref<32x512xf32, #tpu.memory_space<vmem>>, vector<32x512xf32>
    %reduce_sum3A = arith.constant dense<0.000000e+00> : vector<512xf32>
    %reduce_sum3A_2 = vector.multi_reduction <add>, %get3A_1, %reduce_sum3A [0] : vector<32x512xf32> to vector<512xf32>
    %broadcast_in_dim3A = vector.shape_cast %reduce_sum3A_2 : vector<512xf32> to vector<1x512xf32>
    %div3A = arith.constant 6.553600e+04 : f32
    %div3A_3 = vector.broadcast %div3A : f32 to vector<1x512xf32>
    %div3A_4 = arith.divf %broadcast_in_dim3A, %div3A_3 : vector<1x512xf32>
    %max3A = arith.constant 1.000000e-10 : f32
    %max3A_5 = vector.broadcast %max3A : f32 to vector<1x512xf32>
    %max3A_6 = arith.maximumf %div3A_4, %max3A_5 : vector<1x512xf32>
    %log3A = math.log %max3A_6 : vector<1x512xf32>
    %mul3A = arith.mulf %div3A_4, %log3A : vector<1x512xf32>
    %reduce_sum3A_7 = vector.shape_cast %mul3A : vector<1x512xf32> to vector<1x1x512xf32>
    %reduce_sum3A_8 = arith.constant dense<0.000000e+00> : vector<1xf32>
    %reduce_sum3A_9 = vector.multi_reduction <add>, %reduce_sum3A_7, %reduce_sum3A_8 [1, 2] : vector<1x1x512xf32> to vector<1xf32>
    %reduce_sum3A_10 = vector.shape_cast %reduce_sum3A_9 : vector<1xf32> to vector<1x1x1xf32>
    %reduce_sum3A_11 = vector.extract %reduce_sum3A_10[0, 0, 0] : f32 from vector<1x1x1xf32>
    %neg3A = arith.constant 0.000000e+00 : f32
    %neg3A_12 = arith.subf %neg3A, %reduce_sum3A_11 : f32
    %exp3A = math.exp %neg3A_12 : f32
    %swap3A = arith.constant 0 : index
    %swap3A_13 = arith.constant 0 : index
    %swap3A_14 = memref.load %arg1[%swap3A, %swap3A_13] : memref<1x1xf32, #tpu.memory_space<smem>>
    memref.store %exp3A, %arg1[%swap3A, %swap3A_13] : memref<1x1xf32, #tpu.memory_space<smem>>
    return
  }
}

module attributes {stable_mosaic.version = 14 : i64} {
  func.func @_tc_body(%arg0: i32, %arg1: memref<64x64x1024xf32, #tpu.memory_space<vmem>>, %arg2: memref<512x64xf32, #tpu.memory_space<vmem>>, %arg3: memref<16x1024xi32, #tpu.memory_space<vmem>>, %arg4: memref<1x1xf32, #tpu.memory_space<smem>>, %arg5: memref<64x512xf32, #tpu.memory_space<vmem>>, %arg6: memref<64x1024xf32, #tpu.memory_space<vmem>>, %arg7: memref<64x1xf32, #tpu.memory_space<vmem>>, %arg8: memref<64x1xf32, #tpu.memory_space<vmem>>, %arg9: memref<512x64xf32, #tpu.memory_space<vmem>>, %arg10: memref<512x1xf32, #tpu.memory_space<vmem>>, %arg11: memref<1x1xf32, #tpu.memory_space<smem>>) attributes {dimension_semantics = [#tpu.dimension_semantics<arbitrary>], iteration_bounds = array<i64: 12>, scalar_prefetch = 0 : i64, scratch_operands = 6 : i64, tpu.core_type = #tpu.core_type<tc>, window_params = [{pipeline_mode = #tpu.pipeline_mode<synchronous>, transform_indices = @transform_0, window_bounds = array<i64: 64, 64, 1024>}, {pipeline_mode = #tpu.pipeline_mode<synchronous>, transform_indices = @transform_1, window_bounds = array<i64: 512, 64>}, {transform_indices = @transform_2, window_bounds = array<i64: 16, 1024>}, {transform_indices = @transform_3, window_bounds = array<i64: 1, 1>}, {pipeline_mode = #tpu.pipeline_mode<synchronous>, transform_indices = @transform_4, window_bounds = array<i64: 64, 512>}]} {
    %eq3A = arith.constant 0 : i32
    %eq3A_0 = arith.cmpi eq, %arg0, %eq3A : i32
    %convert_element_type3A = arith.extui %eq3A_0 : i1 to i32
    %cond3A = arith.constant 0 : i32
    %cond3A_1 = arith.cmpi ne, %convert_element_type3A, %cond3A : i32
    scf.if %cond3A_1 {
      %broadcast_in_dim3A = arith.constant 0.000000e+00 : f32
      %broadcast_in_dim3A_32 = vector.broadcast %broadcast_in_dim3A : f32 to vector<64x1024xf32>
      %swap3A = arith.constant 0 : index
      %swap3A_33 = arith.constant 0 : index
      %swap3A_34 = vector.load %arg6[%swap3A, %swap3A_33] : memref<64x1024xf32, #tpu.memory_space<vmem>>, vector<64x1024xf32>
      tpu.vector_store %arg6[%swap3A, %swap3A_33], %broadcast_in_dim3A_32 {strides = array<i32>} : memref<64x1024xf32, #tpu.memory_space<vmem>>, vector<64x1024xf32>,
    } else {
    }
    %lt3A = arith.constant 4 : i32
    %lt3A_2 = arith.cmpi slt, %arg0, %lt3A : i32
    %convert_element_type3A_3 = arith.extui %lt3A_2 : i1 to i32
    %cond3A_4 = arith.constant 0 : i32
    %cond3A_5 = arith.cmpi ne, %convert_element_type3A_3, %cond3A_4 : i32
    scf.if %cond3A_5 {
      %get3A = arith.constant 0 : index
      %get3A_32 = arith.constant 0 : index
      %get3A_33 = vector.load %arg6[%get3A, %get3A_32] : memref<64x1024xf32, #tpu.memory_space<vmem>>, vector<64x1024xf32>
      %jit3A = arith.constant 4 : i32
      %eq3A_34 = arith.constant 0 : i32
      %eq3A_35 = arith.cmpi eq, %jit3A, %eq3A_34 : i32
      %jit3A_36 = arith.constant 1 : i32
      %select_n3A = arith.select %eq3A_35, %jit3A_36, %jit3A : i32
      %rem3A = arith.remsi %arg0, %select_n3A : i32
      %ne3A = arith.constant 0 : i32
      %ne3A_37 = arith.cmpi ne, %rem3A, %ne3A : i32
      %lt3A_38 = arith.constant 0 : i32
      %lt3A_39 = arith.cmpi slt, %rem3A, %lt3A_38 : i32
      %lt3A_40 = arith.constant 0 : i32
      %lt3A_41 = arith.cmpi slt, %select_n3A, %lt3A_40 : i32
      %ne3A_42 = arith.xori %lt3A_39, %lt3A_41 : i1
      %and3A_43 = arith.andi %ne3A_42, %ne3A_37 : i1
      %add3A = arith.addi %rem3A, %select_n3A : i32
      %select_n3A_44 = arith.select %and3A_43, %add3A, %rem3A : i32
      %mul3A = arith.constant 16 : i32
      %mul3A_45 = arith.muli %select_n3A_44, %mul3A : i32
      %add3A_46 = arith.constant 0 : i32
      %add3A_47 = arith.addi %mul3A_45, %add3A_46 : i32
      %get3A_48 = arith.index_cast %add3A_47 : i32 to index
      %get3A_49 = arith.constant 0 : index
      %get3A_50 = arith.constant 0 : index
      %get3A_51 = vector.load %arg1[%get3A_48, %get3A_49, %get3A_50] : memref<64x64x1024xf32, #tpu.memory_space<vmem>>, vector<1x64x1024xf32>
      %get3A_52 = vector.shape_cast %get3A_51 : vector<1x64x1024xf32> to vector<64x1024xf32>
      %add3A_53 = arith.addf %get3A_33, %get3A_52 : vector<64x1024xf32>
      %swap3A = arith.constant 0 : index
      %swap3A_54 = arith.constant 0 : index
      %swap3A_55 = vector.load %arg6[%swap3A, %swap3A_54] : memref<64x1024xf32, #tpu.memory_space<vmem>>, vector<64x1024xf32>
      tpu.vector_store %arg6[%swap3A, %swap3A_54], %add3A_53 {strides = array<i32>} : memref<64x1024xf32, #tpu.memory_space<vmem>>, vector<64x1024xf32>,
      %get3A_56 = arith.constant 0 : index
      %get3A_57 = arith.constant 0 : index
      %get3A_58 = vector.load %arg6[%get3A_56, %get3A_57] : memref<64x1024xf32, #tpu.memory_space<vmem>>, vector<64x1024xf32>
      %jit3A_59 = arith.constant 4 : i32
      %eq3A_60 = arith.constant 0 : i32
      %eq3A_61 = arith.cmpi eq, %jit3A_59, %eq3A_60 : i32
      %jit3A_62 = arith.constant 1 : i32
      %select_n3A_63 = arith.select %eq3A_61, %jit3A_62, %jit3A_59 : i32
      %rem3A_64 = arith.remsi %arg0, %select_n3A_63 : i32
      %ne3A_65 = arith.constant 0 : i32
      %ne3A_66 = arith.cmpi ne, %rem3A_64, %ne3A_65 : i32
      %lt3A_67 = arith.constant 0 : i32
      %lt3A_68 = arith.cmpi slt, %rem3A_64, %lt3A_67 : i32
      %lt3A_69 = arith.constant 0 : i32
      %lt3A_70 = arith.cmpi slt, %select_n3A_63, %lt3A_69 : i32
      %ne3A_71 = arith.xori %lt3A_68, %lt3A_70 : i1
      %and3A_72 = arith.andi %ne3A_71, %ne3A_66 : i1
      %add3A_73 = arith.addi %rem3A_64, %select_n3A_63 : i32
      %select_n3A_74 = arith.select %and3A_72, %add3A_73, %rem3A_64 : i32
      %mul3A_75 = arith.constant 16 : i32
      %mul3A_76 = arith.muli %select_n3A_74, %mul3A_75 : i32
      %add3A_77 = arith.constant 1 : i32
      %add3A_78 = arith.addi %mul3A_76, %add3A_77 : i32
      %get3A_79 = arith.index_cast %add3A_78 : i32 to index
      %get3A_80 = arith.constant 0 : index
      %get3A_81 = arith.constant 0 : index
      %get3A_82 = vector.load %arg1[%get3A_79, %get3A_80, %get3A_81] : memref<64x64x1024xf32, #tpu.memory_space<vmem>>, vector<1x64x1024xf32>
      %get3A_83 = vector.shape_cast %get3A_82 : vector<1x64x1024xf32> to vector<64x1024xf32>
      %add3A_84 = arith.addf %get3A_58, %get3A_83 : vector<64x1024xf32>
      %swap3A_85 = arith.constant 0 : index
      %swap3A_86 = arith.constant 0 : index
      %swap3A_87 = vector.load %arg6[%swap3A_85, %swap3A_86] : memref<64x1024xf32, #tpu.memory_space<vmem>>, vector<64x1024xf32>
      tpu.vector_store %arg6[%swap3A_85, %swap3A_86], %add3A_84 {strides = array<i32>} : memref<64x1024xf32, #tpu.memory_space<vmem>>, vector<64x1024xf32>,
      %get3A_88 = arith.constant 0 : index
      %get3A_89 = arith.constant 0 : index
      %get3A_90 = vector.load %arg6[%get3A_88, %get3A_89] : memref<64x1024xf32, #tpu.memory_space<vmem>>, vector<64x1024xf32>
      %jit3A_91 = arith.constant 4 : i32
      %eq3A_92 = arith.constant 0 : i32
      %eq3A_93 = arith.cmpi eq, %jit3A_91, %eq3A_92 : i32
      %jit3A_94 = arith.constant 1 : i32
      %select_n3A_95 = arith.select %eq3A_93, %jit3A_94, %jit3A_91 : i32
      %rem3A_96 = arith.remsi %arg0, %select_n3A_95 : i32
      %ne3A_97 = arith.constant 0 : i32
      %ne3A_98 = arith.cmpi ne, %rem3A_96, %ne3A_97 : i32
      %lt3A_99 = arith.constant 0 : i32
      %lt3A_100 = arith.cmpi slt, %rem3A_96, %lt3A_99 : i32
      %lt3A_101 = arith.constant 0 : i32
      %lt3A_102 = arith.cmpi slt, %select_n3A_95, %lt3A_101 : i32
      %ne3A_103 = arith.xori %lt3A_100, %lt3A_102 : i1
      %and3A_104 = arith.andi %ne3A_103, %ne3A_98 : i1
      %add3A_105 = arith.addi %rem3A_96, %select_n3A_95 : i32
      %select_n3A_106 = arith.select %and3A_104, %add3A_105, %rem3A_96 : i32
      %mul3A_107 = arith.constant 16 : i32
      %mul3A_108 = arith.muli %select_n3A_106, %mul3A_107 : i32
      %add3A_109 = arith.constant 2 : i32
      %add3A_110 = arith.addi %mul3A_108, %add3A_109 : i32
      %get3A_111 = arith.index_cast %add3A_110 : i32 to index
      %get3A_112 = arith.constant 0 : index
      %get3A_113 = arith.constant 0 : index
      %get3A_114 = vector.load %arg1[%get3A_111, %get3A_112, %get3A_113] : memref<64x64x1024xf32, #tpu.memory_space<vmem>>, vector<1x64x1024xf32>
      %get3A_115 = vector.shape_cast %get3A_114 : vector<1x64x1024xf32> to vector<64x1024xf32>
      %add3A_116 = arith.addf %get3A_90, %get3A_115 : vector<64x1024xf32>
      %swap3A_117 = arith.constant 0 : index
      %swap3A_118 = arith.constant 0 : index
      %swap3A_119 = vector.load %arg6[%swap3A_117, %swap3A_118] : memref<64x1024xf32, #tpu.memory_space<vmem>>, vector<64x1024xf32>
      tpu.vector_store %arg6[%swap3A_117, %swap3A_118], %add3A_116 {strides = array<i32>} : memref<64x1024xf32, #tpu.memory_space<vmem>>, vector<64x1024xf32>,
      %get3A_120 = arith.constant 0 : index
      %get3A_121 = arith.constant 0 : index
      %get3A_122 = vector.load %arg6[%get3A_120, %get3A_121] : memref<64x1024xf32, #tpu.memory_space<vmem>>, vector<64x1024xf32>
      %jit3A_123 = arith.constant 4 : i32
      %eq3A_124 = arith.constant 0 : i32
      %eq3A_125 = arith.cmpi eq, %jit3A_123, %eq3A_124 : i32
      %jit3A_126 = arith.constant 1 : i32
      %select_n3A_127 = arith.select %eq3A_125, %jit3A_126, %jit3A_123 : i32
      %rem3A_128 = arith.remsi %arg0, %select_n3A_127 : i32
      %ne3A_129 = arith.constant 0 : i32
      %ne3A_130 = arith.cmpi ne, %rem3A_128, %ne3A_129 : i32
      %lt3A_131 = arith.constant 0 : i32
      %lt3A_132 = arith.cmpi slt, %rem3A_128, %lt3A_131 : i32
      %lt3A_133 = arith.constant 0 : i32
      %lt3A_134 = arith.cmpi slt, %select_n3A_127, %lt3A_133 : i32
      %ne3A_135 = arith.xori %lt3A_132, %lt3A_134 : i1
      %and3A_136 = arith.andi %ne3A_135, %ne3A_130 : i1
      %add3A_137 = arith.addi %rem3A_128, %select_n3A_127 : i32
      %select_n3A_138 = arith.select %and3A_136, %add3A_137, %rem3A_128 : i32
      %mul3A_139 = arith.constant 16 : i32
      %mul3A_140 = arith.muli %select_n3A_138, %mul3A_139 : i32
      %add3A_141 = arith.constant 3 : i32
      %add3A_142 = arith.addi %mul3A_140, %add3A_141 : i32
      %get3A_143 = arith.index_cast %add3A_142 : i32 to index
      %get3A_144 = arith.constant 0 : index
      %get3A_145 = arith.constant 0 : index
      %get3A_146 = vector.load %arg1[%get3A_143, %get3A_144, %get3A_145] : memref<64x64x1024xf32, #tpu.memory_space<vmem>>, vector<1x64x1024xf32>
      %get3A_147 = vector.shape_cast %get3A_146 : vector<1x64x1024xf32> to vector<64x1024xf32>
      %add3A_148 = arith.addf %get3A_122, %get3A_147 : vector<64x1024xf32>
      %swap3A_149 = arith.constant 0 : index
      %swap3A_150 = arith.constant 0 : index
      %swap3A_151 = vector.load %arg6[%swap3A_149, %swap3A_150] : memref<64x1024xf32, #tpu.memory_space<vmem>>, vector<64x1024xf32>
      tpu.vector_store %arg6[%swap3A_149, %swap3A_150], %add3A_148 {strides = array<i32>} : memref<64x1024xf32, #tpu.memory_space<vmem>>, vector<64x1024xf32>,
      %get3A_152 = arith.constant 0 : index
      %get3A_153 = arith.constant 0 : index
      %get3A_154 = vector.load %arg6[%get3A_152, %get3A_153] : memref<64x1024xf32, #tpu.memory_space<vmem>>, vector<64x1024xf32>
      %jit3A_155 = arith.constant 4 : i32
      %eq3A_156 = arith.constant 0 : i32
      %eq3A_157 = arith.cmpi eq, %jit3A_155, %eq3A_156 : i32
      %jit3A_158 = arith.constant 1 : i32
      %select_n3A_159 = arith.select %eq3A_157, %jit3A_158, %jit3A_155 : i32
      %rem3A_160 = arith.remsi %arg0, %select_n3A_159 : i32
      %ne3A_161 = arith.constant 0 : i32
      %ne3A_162 = arith.cmpi ne, %rem3A_160, %ne3A_161 : i32
      %lt3A_163 = arith.constant 0 : i32
      %lt3A_164 = arith.cmpi slt, %rem3A_160, %lt3A_163 : i32
      %lt3A_165 = arith.constant 0 : i32
      %lt3A_166 = arith.cmpi slt, %select_n3A_159, %lt3A_165 : i32
      %ne3A_167 = arith.xori %lt3A_164, %lt3A_166 : i1
      %and3A_168 = arith.andi %ne3A_167, %ne3A_162 : i1
      %add3A_169 = arith.addi %rem3A_160, %select_n3A_159 : i32
      %select_n3A_170 = arith.select %and3A_168, %add3A_169, %rem3A_160 : i32
      %mul3A_171 = arith.constant 16 : i32
      %mul3A_172 = arith.muli %select_n3A_170, %mul3A_171 : i32
      %add3A_173 = arith.constant 4 : i32
      %add3A_174 = arith.addi %mul3A_172, %add3A_173 : i32
      %get3A_175 = arith.index_cast %add3A_174 : i32 to index
      %get3A_176 = arith.constant 0 : index
      %get3A_177 = arith.constant 0 : index
      %get3A_178 = vector.load %arg1[%get3A_175, %get3A_176, %get3A_177] : memref<64x64x1024xf32, #tpu.memory_space<vmem>>, vector<1x64x1024xf32>
      %get3A_179 = vector.shape_cast %get3A_178 : vector<1x64x1024xf32> to vector<64x1024xf32>
      %add3A_180 = arith.addf %get3A_154, %get3A_179 : vector<64x1024xf32>
      %swap3A_181 = arith.constant 0 : index
      %swap3A_182 = arith.constant 0 : index
      %swap3A_183 = vector.load %arg6[%swap3A_181, %swap3A_182] : memref<64x1024xf32, #tpu.memory_space<vmem>>, vector<64x1024xf32>
      tpu.vector_store %arg6[%swap3A_181, %swap3A_182], %add3A_180 {strides = array<i32>} : memref<64x1024xf32, #tpu.memory_space<vmem>>, vector<64x1024xf32>,
      %get3A_184 = arith.constant 0 : index
      %get3A_185 = arith.constant 0 : index
      %get3A_186 = vector.load %arg6[%get3A_184, %get3A_185] : memref<64x1024xf32, #tpu.memory_space<vmem>>, vector<64x1024xf32>
      %jit3A_187 = arith.constant 4 : i32
      %eq3A_188 = arith.constant 0 : i32
      %eq3A_189 = arith.cmpi eq, %jit3A_187, %eq3A_188 : i32
      %jit3A_190 = arith.constant 1 : i32
      %select_n3A_191 = arith.select %eq3A_189, %jit3A_190, %jit3A_187 : i32
      %rem3A_192 = arith.remsi %arg0, %select_n3A_191 : i32
      %ne3A_193 = arith.constant 0 : i32
      %ne3A_194 = arith.cmpi ne, %rem3A_192, %ne3A_193 : i32
      %lt3A_195 = arith.constant 0 : i32
      %lt3A_196 = arith.cmpi slt, %rem3A_192, %lt3A_195 : i32
      %lt3A_197 = arith.constant 0 : i32
      %lt3A_198 = arith.cmpi slt, %select_n3A_191, %lt3A_197 : i32
      %ne3A_199 = arith.xori %lt3A_196, %lt3A_198 : i1
      %and3A_200 = arith.andi %ne3A_199, %ne3A_194 : i1
      %add3A_201 = arith.addi %rem3A_192, %select_n3A_191 : i32
      %select_n3A_202 = arith.select %and3A_200, %add3A_201, %rem3A_192 : i32
      %mul3A_203 = arith.constant 16 : i32
      %mul3A_204 = arith.muli %select_n3A_202, %mul3A_203 : i32
      %add3A_205 = arith.constant 5 : i32
      %add3A_206 = arith.addi %mul3A_204, %add3A_205 : i32
      %get3A_207 = arith.index_cast %add3A_206 : i32 to index
      %get3A_208 = arith.constant 0 : index
      %get3A_209 = arith.constant 0 : index
      %get3A_210 = vector.load %arg1[%get3A_207, %get3A_208, %get3A_209] : memref<64x64x1024xf32, #tpu.memory_space<vmem>>, vector<1x64x1024xf32>
      %get3A_211 = vector.shape_cast %get3A_210 : vector<1x64x1024xf32> to vector<64x1024xf32>
      %add3A_212 = arith.addf %get3A_186, %get3A_211 : vector<64x1024xf32>
      %swap3A_213 = arith.constant 0 : index
      %swap3A_214 = arith.constant 0 : index
      %swap3A_215 = vector.load %arg6[%swap3A_213, %swap3A_214] : memref<64x1024xf32, #tpu.memory_space<vmem>>, vector<64x1024xf32>
      tpu.vector_store %arg6[%swap3A_213, %swap3A_214], %add3A_212 {strides = array<i32>} : memref<64x1024xf32, #tpu.memory_space<vmem>>, vector<64x1024xf32>,
      %get3A_216 = arith.constant 0 : index
      %get3A_217 = arith.constant 0 : index
      %get3A_218 = vector.load %arg6[%get3A_216, %get3A_217] : memref<64x1024xf32, #tpu.memory_space<vmem>>, vector<64x1024xf32>
      %jit3A_219 = arith.constant 4 : i32
      %eq3A_220 = arith.constant 0 : i32
      %eq3A_221 = arith.cmpi eq, %jit3A_219, %eq3A_220 : i32
      %jit3A_222 = arith.constant 1 : i32
      %select_n3A_223 = arith.select %eq3A_221, %jit3A_222, %jit3A_219 : i32
      %rem3A_224 = arith.remsi %arg0, %select_n3A_223 : i32
      %ne3A_225 = arith.constant 0 : i32
      %ne3A_226 = arith.cmpi ne, %rem3A_224, %ne3A_225 : i32
      %lt3A_227 = arith.constant 0 : i32
      %lt3A_228 = arith.cmpi slt, %rem3A_224, %lt3A_227 : i32
      %lt3A_229 = arith.constant 0 : i32
      %lt3A_230 = arith.cmpi slt, %select_n3A_223, %lt3A_229 : i32
      %ne3A_231 = arith.xori %lt3A_228, %lt3A_230 : i1
      %and3A_232 = arith.andi %ne3A_231, %ne3A_226 : i1
      %add3A_233 = arith.addi %rem3A_224, %select_n3A_223 : i32
      %select_n3A_234 = arith.select %and3A_232, %add3A_233, %rem3A_224 : i32
      %mul3A_235 = arith.constant 16 : i32
      %mul3A_236 = arith.muli %select_n3A_234, %mul3A_235 : i32
      %add3A_237 = arith.constant 6 : i32
      %add3A_238 = arith.addi %mul3A_236, %add3A_237 : i32
      %get3A_239 = arith.index_cast %add3A_238 : i32 to index
      %get3A_240 = arith.constant 0 : index
      %get3A_241 = arith.constant 0 : index
      %get3A_242 = vector.load %arg1[%get3A_239, %get3A_240, %get3A_241] : memref<64x64x1024xf32, #tpu.memory_space<vmem>>, vector<1x64x1024xf32>
      %get3A_243 = vector.shape_cast %get3A_242 : vector<1x64x1024xf32> to vector<64x1024xf32>
      %add3A_244 = arith.addf %get3A_218, %get3A_243 : vector<64x1024xf32>
      %swap3A_245 = arith.constant 0 : index
      %swap3A_246 = arith.constant 0 : index
      %swap3A_247 = vector.load %arg6[%swap3A_245, %swap3A_246] : memref<64x1024xf32, #tpu.memory_space<vmem>>, vector<64x1024xf32>
      tpu.vector_store %arg6[%swap3A_245, %swap3A_246], %add3A_244 {strides = array<i32>} : memref<64x1024xf32, #tpu.memory_space<vmem>>, vector<64x1024xf32>,
      %get3A_248 = arith.constant 0 : index
      %get3A_249 = arith.constant 0 : index
      %get3A_250 = vector.load %arg6[%get3A_248, %get3A_249] : memref<64x1024xf32, #tpu.memory_space<vmem>>, vector<64x1024xf32>
      %jit3A_251 = arith.constant 4 : i32
      %eq3A_252 = arith.constant 0 : i32
      %eq3A_253 = arith.cmpi eq, %jit3A_251, %eq3A_252 : i32
      %jit3A_254 = arith.constant 1 : i32
      %select_n3A_255 = arith.select %eq3A_253, %jit3A_254, %jit3A_251 : i32
      %rem3A_256 = arith.remsi %arg0, %select_n3A_255 : i32
      %ne3A_257 = arith.constant 0 : i32
      %ne3A_258 = arith.cmpi ne, %rem3A_256, %ne3A_257 : i32
      %lt3A_259 = arith.constant 0 : i32
      %lt3A_260 = arith.cmpi slt, %rem3A_256, %lt3A_259 : i32
      %lt3A_261 = arith.constant 0 : i32
      %lt3A_262 = arith.cmpi slt, %select_n3A_255, %lt3A_261 : i32
      %ne3A_263 = arith.xori %lt3A_260, %lt3A_262 : i1
      %and3A_264 = arith.andi %ne3A_263, %ne3A_258 : i1
      %add3A_265 = arith.addi %rem3A_256, %select_n3A_255 : i32
      %select_n3A_266 = arith.select %and3A_264, %add3A_265, %rem3A_256 : i32
      %mul3A_267 = arith.constant 16 : i32
      %mul3A_268 = arith.muli %select_n3A_266, %mul3A_267 : i32
      %add3A_269 = arith.constant 7 : i32
      %add3A_270 = arith.addi %mul3A_268, %add3A_269 : i32
      %get3A_271 = arith.index_cast %add3A_270 : i32 to index
      %get3A_272 = arith.constant 0 : index
      %get3A_273 = arith.constant 0 : index
      %get3A_274 = vector.load %arg1[%get3A_271, %get3A_272, %get3A_273] : memref<64x64x1024xf32, #tpu.memory_space<vmem>>, vector<1x64x1024xf32>
      %get3A_275 = vector.shape_cast %get3A_274 : vector<1x64x1024xf32> to vector<64x1024xf32>
      %add3A_276 = arith.addf %get3A_250, %get3A_275 : vector<64x1024xf32>
      %swap3A_277 = arith.constant 0 : index
      %swap3A_278 = arith.constant 0 : index
      %swap3A_279 = vector.load %arg6[%swap3A_277, %swap3A_278] : memref<64x1024xf32, #tpu.memory_space<vmem>>, vector<64x1024xf32>
      tpu.vector_store %arg6[%swap3A_277, %swap3A_278], %add3A_276 {strides = array<i32>} : memref<64x1024xf32, #tpu.memory_space<vmem>>, vector<64x1024xf32>,
      %get3A_280 = arith.constant 0 : index
      %get3A_281 = arith.constant 0 : index
      %get3A_282 = vector.load %arg6[%get3A_280, %get3A_281] : memref<64x1024xf32, #tpu.memory_space<vmem>>, vector<64x1024xf32>
      %jit3A_283 = arith.constant 4 : i32
      %eq3A_284 = arith.constant 0 : i32
      %eq3A_285 = arith.cmpi eq, %jit3A_283, %eq3A_284 : i32
      %jit3A_286 = arith.constant 1 : i32
      %select_n3A_287 = arith.select %eq3A_285, %jit3A_286, %jit3A_283 : i32
      %rem3A_288 = arith.remsi %arg0, %select_n3A_287 : i32
      %ne3A_289 = arith.constant 0 : i32
      %ne3A_290 = arith.cmpi ne, %rem3A_288, %ne3A_289 : i32
      %lt3A_291 = arith.constant 0 : i32
      %lt3A_292 = arith.cmpi slt, %rem3A_288, %lt3A_291 : i32
      %lt3A_293 = arith.constant 0 : i32
      %lt3A_294 = arith.cmpi slt, %select_n3A_287, %lt3A_293 : i32
      %ne3A_295 = arith.xori %lt3A_292, %lt3A_294 : i1
      %and3A_296 = arith.andi %ne3A_295, %ne3A_290 : i1
      %add3A_297 = arith.addi %rem3A_288, %select_n3A_287 : i32
      %select_n3A_298 = arith.select %and3A_296, %add3A_297, %rem3A_288 : i32
      %mul3A_299 = arith.constant 16 : i32
      %mul3A_300 = arith.muli %select_n3A_298, %mul3A_299 : i32
      %add3A_301 = arith.constant 8 : i32
      %add3A_302 = arith.addi %mul3A_300, %add3A_301 : i32
      %get3A_303 = arith.index_cast %add3A_302 : i32 to index
      %get3A_304 = arith.constant 0 : index
      %get3A_305 = arith.constant 0 : index
      %get3A_306 = vector.load %arg1[%get3A_303, %get3A_304, %get3A_305] : memref<64x64x1024xf32, #tpu.memory_space<vmem>>, vector<1x64x1024xf32>
      %get3A_307 = vector.shape_cast %get3A_306 : vector<1x64x1024xf32> to vector<64x1024xf32>
      %add3A_308 = arith.addf %get3A_282, %get3A_307 : vector<64x1024xf32>
      %swap3A_309 = arith.constant 0 : index
      %swap3A_310 = arith.constant 0 : index
      %swap3A_311 = vector.load %arg6[%swap3A_309, %swap3A_310] : memref<64x1024xf32, #tpu.memory_space<vmem>>, vector<64x1024xf32>
      tpu.vector_store %arg6[%swap3A_309, %swap3A_310], %add3A_308 {strides = array<i32>} : memref<64x1024xf32, #tpu.memory_space<vmem>>, vector<64x1024xf32>,
      %get3A_312 = arith.constant 0 : index
      %get3A_313 = arith.constant 0 : index
      %get3A_314 = vector.load %arg6[%get3A_312, %get3A_313] : memref<64x1024xf32, #tpu.memory_space<vmem>>, vector<64x1024xf32>
      %jit3A_315 = arith.constant 4 : i32
      %eq3A_316 = arith.constant 0 : i32
      %eq3A_317 = arith.cmpi eq, %jit3A_315, %eq3A_316 : i32
      %jit3A_318 = arith.constant 1 : i32
      %select_n3A_319 = arith.select %eq3A_317, %jit3A_318, %jit3A_315 : i32
      %rem3A_320 = arith.remsi %arg0, %select_n3A_319 : i32
      %ne3A_321 = arith.constant 0 : i32
      %ne3A_322 = arith.cmpi ne, %rem3A_320, %ne3A_321 : i32
      %lt3A_323 = arith.constant 0 : i32
      %lt3A_324 = arith.cmpi slt, %rem3A_320, %lt3A_323 : i32
      %lt3A_325 = arith.constant 0 : i32
      %lt3A_326 = arith.cmpi slt, %select_n3A_319, %lt3A_325 : i32
      %ne3A_327 = arith.xori %lt3A_324, %lt3A_326 : i1
      %and3A_328 = arith.andi %ne3A_327, %ne3A_322 : i1
      %add3A_329 = arith.addi %rem3A_320, %select_n3A_319 : i32
      %select_n3A_330 = arith.select %and3A_328, %add3A_329, %rem3A_320 : i32
      %mul3A_331 = arith.constant 16 : i32
      %mul3A_332 = arith.muli %select_n3A_330, %mul3A_331 : i32
      %add3A_333 = arith.constant 9 : i32
      %add3A_334 = arith.addi %mul3A_332, %add3A_333 : i32
      %get3A_335 = arith.index_cast %add3A_334 : i32 to index
      %get3A_336 = arith.constant 0 : index
      %get3A_337 = arith.constant 0 : index
      %get3A_338 = vector.load %arg1[%get3A_335, %get3A_336, %get3A_337] : memref<64x64x1024xf32, #tpu.memory_space<vmem>>, vector<1x64x1024xf32>
      %get3A_339 = vector.shape_cast %get3A_338 : vector<1x64x1024xf32> to vector<64x1024xf32>
      %add3A_340 = arith.addf %get3A_314, %get3A_339 : vector<64x1024xf32>
      %swap3A_341 = arith.constant 0 : index
      %swap3A_342 = arith.constant 0 : index
      %swap3A_343 = vector.load %arg6[%swap3A_341, %swap3A_342] : memref<64x1024xf32, #tpu.memory_space<vmem>>, vector<64x1024xf32>
      tpu.vector_store %arg6[%swap3A_341, %swap3A_342], %add3A_340 {strides = array<i32>} : memref<64x1024xf32, #tpu.memory_space<vmem>>, vector<64x1024xf32>,
      %get3A_344 = arith.constant 0 : index
      %get3A_345 = arith.constant 0 : index
      %get3A_346 = vector.load %arg6[%get3A_344, %get3A_345] : memref<64x1024xf32, #tpu.memory_space<vmem>>, vector<64x1024xf32>
      %jit3A_347 = arith.constant 4 : i32
      %eq3A_348 = arith.constant 0 : i32
      %eq3A_349 = arith.cmpi eq, %jit3A_347, %eq3A_348 : i32
      %jit3A_350 = arith.constant 1 : i32
      %select_n3A_351 = arith.select %eq3A_349, %jit3A_350, %jit3A_347 : i32
      %rem3A_352 = arith.remsi %arg0, %select_n3A_351 : i32
      %ne3A_353 = arith.constant 0 : i32
      %ne3A_354 = arith.cmpi ne, %rem3A_352, %ne3A_353 : i32
      %lt3A_355 = arith.constant 0 : i32
      %lt3A_356 = arith.cmpi slt, %rem3A_352, %lt3A_355 : i32
      %lt3A_357 = arith.constant 0 : i32
      %lt3A_358 = arith.cmpi slt, %select_n3A_351, %lt3A_357 : i32
      %ne3A_359 = arith.xori %lt3A_356, %lt3A_358 : i1
      %and3A_360 = arith.andi %ne3A_359, %ne3A_354 : i1
      %add3A_361 = arith.addi %rem3A_352, %select_n3A_351 : i32
      %select_n3A_362 = arith.select %and3A_360, %add3A_361, %rem3A_352 : i32
      %mul3A_363 = arith.constant 16 : i32
      %mul3A_364 = arith.muli %select_n3A_362, %mul3A_363 : i32
      %add3A_365 = arith.constant 10 : i32
      %add3A_366 = arith.addi %mul3A_364, %add3A_365 : i32
      %get3A_367 = arith.index_cast %add3A_366 : i32 to index
      %get3A_368 = arith.constant 0 : index
      %get3A_369 = arith.constant 0 : index
      %get3A_370 = vector.load %arg1[%get3A_367, %get3A_368, %get3A_369] : memref<64x64x1024xf32, #tpu.memory_space<vmem>>, vector<1x64x1024xf32>
      %get3A_371 = vector.shape_cast %get3A_370 : vector<1x64x1024xf32> to vector<64x1024xf32>
      %add3A_372 = arith.addf %get3A_346, %get3A_371 : vector<64x1024xf32>
      %swap3A_373 = arith.constant 0 : index
      %swap3A_374 = arith.constant 0 : index
      %swap3A_375 = vector.load %arg6[%swap3A_373, %swap3A_374] : memref<64x1024xf32, #tpu.memory_space<vmem>>, vector<64x1024xf32>
      tpu.vector_store %arg6[%swap3A_373, %swap3A_374], %add3A_372 {strides = array<i32>} : memref<64x1024xf32, #tpu.memory_space<vmem>>, vector<64x1024xf32>,
      %get3A_376 = arith.constant 0 : index
      %get3A_377 = arith.constant 0 : index
      %get3A_378 = vector.load %arg6[%get3A_376, %get3A_377] : memref<64x1024xf32, #tpu.memory_space<vmem>>, vector<64x1024xf32>
      %jit3A_379 = arith.constant 4 : i32
      %eq3A_380 = arith.constant 0 : i32
      %eq3A_381 = arith.cmpi eq, %jit3A_379, %eq3A_380 : i32
      %jit3A_382 = arith.constant 1 : i32
      %select_n3A_383 = arith.select %eq3A_381, %jit3A_382, %jit3A_379 : i32
      %rem3A_384 = arith.remsi %arg0, %select_n3A_383 : i32
      %ne3A_385 = arith.constant 0 : i32
      %ne3A_386 = arith.cmpi ne, %rem3A_384, %ne3A_385 : i32
      %lt3A_387 = arith.constant 0 : i32
      %lt3A_388 = arith.cmpi slt, %rem3A_384, %lt3A_387 : i32
      %lt3A_389 = arith.constant 0 : i32
      %lt3A_390 = arith.cmpi slt, %select_n3A_383, %lt3A_389 : i32
      %ne3A_391 = arith.xori %lt3A_388, %lt3A_390 : i1
      %and3A_392 = arith.andi %ne3A_391, %ne3A_386 : i1
      %add3A_393 = arith.addi %rem3A_384, %select_n3A_383 : i32
      %select_n3A_394 = arith.select %and3A_392, %add3A_393, %rem3A_384 : i32
      %mul3A_395 = arith.constant 16 : i32
      %mul3A_396 = arith.muli %select_n3A_394, %mul3A_395 : i32
      %add3A_397 = arith.constant 11 : i32
      %add3A_398 = arith.addi %mul3A_396, %add3A_397 : i32
      %get3A_399 = arith.index_cast %add3A_398 : i32 to index
      %get3A_400 = arith.constant 0 : index
      %get3A_401 = arith.constant 0 : index
      %get3A_402 = vector.load %arg1[%get3A_399, %get3A_400, %get3A_401] : memref<64x64x1024xf32, #tpu.memory_space<vmem>>, vector<1x64x1024xf32>
      %get3A_403 = vector.shape_cast %get3A_402 : vector<1x64x1024xf32> to vector<64x1024xf32>
      %add3A_404 = arith.addf %get3A_378, %get3A_403 : vector<64x1024xf32>
      %swap3A_405 = arith.constant 0 : index
      %swap3A_406 = arith.constant 0 : index
      %swap3A_407 = vector.load %arg6[%swap3A_405, %swap3A_406] : memref<64x1024xf32, #tpu.memory_space<vmem>>, vector<64x1024xf32>
      tpu.vector_store %arg6[%swap3A_405, %swap3A_406], %add3A_404 {strides = array<i32>} : memref<64x1024xf32, #tpu.memory_space<vmem>>, vector<64x1024xf32>,
      %get3A_408 = arith.constant 0 : index
      %get3A_409 = arith.constant 0 : index
      %get3A_410 = vector.load %arg6[%get3A_408, %get3A_409] : memref<64x1024xf32, #tpu.memory_space<vmem>>, vector<64x1024xf32>
      %jit3A_411 = arith.constant 4 : i32
      %eq3A_412 = arith.constant 0 : i32
      %eq3A_413 = arith.cmpi eq, %jit3A_411, %eq3A_412 : i32
      %jit3A_414 = arith.constant 1 : i32
      %select_n3A_415 = arith.select %eq3A_413, %jit3A_414, %jit3A_411 : i32
      %rem3A_416 = arith.remsi %arg0, %select_n3A_415 : i32
      %ne3A_417 = arith.constant 0 : i32
      %ne3A_418 = arith.cmpi ne, %rem3A_416, %ne3A_417 : i32
      %lt3A_419 = arith.constant 0 : i32
      %lt3A_420 = arith.cmpi slt, %rem3A_416, %lt3A_419 : i32
      %lt3A_421 = arith.constant 0 : i32
      %lt3A_422 = arith.cmpi slt, %select_n3A_415, %lt3A_421 : i32
      %ne3A_423 = arith.xori %lt3A_420, %lt3A_422 : i1
      %and3A_424 = arith.andi %ne3A_423, %ne3A_418 : i1
      %add3A_425 = arith.addi %rem3A_416, %select_n3A_415 : i32
      %select_n3A_426 = arith.select %and3A_424, %add3A_425, %rem3A_416 : i32
      %mul3A_427 = arith.constant 16 : i32
      %mul3A_428 = arith.muli %select_n3A_426, %mul3A_427 : i32
      %add3A_429 = arith.constant 12 : i32
      %add3A_430 = arith.addi %mul3A_428, %add3A_429 : i32
      %get3A_431 = arith.index_cast %add3A_430 : i32 to index
      %get3A_432 = arith.constant 0 : index
      %get3A_433 = arith.constant 0 : index
      %get3A_434 = vector.load %arg1[%get3A_431, %get3A_432, %get3A_433] : memref<64x64x1024xf32, #tpu.memory_space<vmem>>, vector<1x64x1024xf32>
      %get3A_435 = vector.shape_cast %get3A_434 : vector<1x64x1024xf32> to vector<64x1024xf32>
      %add3A_436 = arith.addf %get3A_410, %get3A_435 : vector<64x1024xf32>
      %swap3A_437 = arith.constant 0 : index
      %swap3A_438 = arith.constant 0 : index
      %swap3A_439 = vector.load %arg6[%swap3A_437, %swap3A_438] : memref<64x1024xf32, #tpu.memory_space<vmem>>, vector<64x1024xf32>
      tpu.vector_store %arg6[%swap3A_437, %swap3A_438], %add3A_436 {strides = array<i32>} : memref<64x1024xf32, #tpu.memory_space<vmem>>, vector<64x1024xf32>,
      %get3A_440 = arith.constant 0 : index
      %get3A_441 = arith.constant 0 : index
      %get3A_442 = vector.load %arg6[%get3A_440, %get3A_441] : memref<64x1024xf32, #tpu.memory_space<vmem>>, vector<64x1024xf32>
      %jit3A_443 = arith.constant 4 : i32
      %eq3A_444 = arith.constant 0 : i32
      %eq3A_445 = arith.cmpi eq, %jit3A_443, %eq3A_444 : i32
      %jit3A_446 = arith.constant 1 : i32
      %select_n3A_447 = arith.select %eq3A_445, %jit3A_446, %jit3A_443 : i32
      %rem3A_448 = arith.remsi %arg0, %select_n3A_447 : i32
      %ne3A_449 = arith.constant 0 : i32
      %ne3A_450 = arith.cmpi ne, %rem3A_448, %ne3A_449 : i32
      %lt3A_451 = arith.constant 0 : i32
      %lt3A_452 = arith.cmpi slt, %rem3A_448, %lt3A_451 : i32
      %lt3A_453 = arith.constant 0 : i32
      %lt3A_454 = arith.cmpi slt, %select_n3A_447, %lt3A_453 : i32
      %ne3A_455 = arith.xori %lt3A_452, %lt3A_454 : i1
      %and3A_456 = arith.andi %ne3A_455, %ne3A_450 : i1
      %add3A_457 = arith.addi %rem3A_448, %select_n3A_447 : i32
      %select_n3A_458 = arith.select %and3A_456, %add3A_457, %rem3A_448 : i32
      %mul3A_459 = arith.constant 16 : i32
      %mul3A_460 = arith.muli %select_n3A_458, %mul3A_459 : i32
      %add3A_461 = arith.constant 13 : i32
      %add3A_462 = arith.addi %mul3A_460, %add3A_461 : i32
      %get3A_463 = arith.index_cast %add3A_462 : i32 to index
      %get3A_464 = arith.constant 0 : index
      %get3A_465 = arith.constant 0 : index
      %get3A_466 = vector.load %arg1[%get3A_463, %get3A_464, %get3A_465] : memref<64x64x1024xf32, #tpu.memory_space<vmem>>, vector<1x64x1024xf32>
      %get3A_467 = vector.shape_cast %get3A_466 : vector<1x64x1024xf32> to vector<64x1024xf32>
      %add3A_468 = arith.addf %get3A_442, %get3A_467 : vector<64x1024xf32>
      %swap3A_469 = arith.constant 0 : index
      %swap3A_470 = arith.constant 0 : index
      %swap3A_471 = vector.load %arg6[%swap3A_469, %swap3A_470] : memref<64x1024xf32, #tpu.memory_space<vmem>>, vector<64x1024xf32>
      tpu.vector_store %arg6[%swap3A_469, %swap3A_470], %add3A_468 {strides = array<i32>} : memref<64x1024xf32, #tpu.memory_space<vmem>>, vector<64x1024xf32>,
      %get3A_472 = arith.constant 0 : index
      %get3A_473 = arith.constant 0 : index
      %get3A_474 = vector.load %arg6[%get3A_472, %get3A_473] : memref<64x1024xf32, #tpu.memory_space<vmem>>, vector<64x1024xf32>
      %jit3A_475 = arith.constant 4 : i32
      %eq3A_476 = arith.constant 0 : i32
      %eq3A_477 = arith.cmpi eq, %jit3A_475, %eq3A_476 : i32
      %jit3A_478 = arith.constant 1 : i32
      %select_n3A_479 = arith.select %eq3A_477, %jit3A_478, %jit3A_475 : i32
      %rem3A_480 = arith.remsi %arg0, %select_n3A_479 : i32
      %ne3A_481 = arith.constant 0 : i32
      %ne3A_482 = arith.cmpi ne, %rem3A_480, %ne3A_481 : i32
      %lt3A_483 = arith.constant 0 : i32
      %lt3A_484 = arith.cmpi slt, %rem3A_480, %lt3A_483 : i32
      %lt3A_485 = arith.constant 0 : i32
      %lt3A_486 = arith.cmpi slt, %select_n3A_479, %lt3A_485 : i32
      %ne3A_487 = arith.xori %lt3A_484, %lt3A_486 : i1
      %and3A_488 = arith.andi %ne3A_487, %ne3A_482 : i1
      %add3A_489 = arith.addi %rem3A_480, %select_n3A_479 : i32
      %select_n3A_490 = arith.select %and3A_488, %add3A_489, %rem3A_480 : i32
      %mul3A_491 = arith.constant 16 : i32
      %mul3A_492 = arith.muli %select_n3A_490, %mul3A_491 : i32
      %add3A_493 = arith.constant 14 : i32
      %add3A_494 = arith.addi %mul3A_492, %add3A_493 : i32
      %get3A_495 = arith.index_cast %add3A_494 : i32 to index
      %get3A_496 = arith.constant 0 : index
      %get3A_497 = arith.constant 0 : index
      %get3A_498 = vector.load %arg1[%get3A_495, %get3A_496, %get3A_497] : memref<64x64x1024xf32, #tpu.memory_space<vmem>>, vector<1x64x1024xf32>
      %get3A_499 = vector.shape_cast %get3A_498 : vector<1x64x1024xf32> to vector<64x1024xf32>
      %add3A_500 = arith.addf %get3A_474, %get3A_499 : vector<64x1024xf32>
      %swap3A_501 = arith.constant 0 : index
      %swap3A_502 = arith.constant 0 : index
      %swap3A_503 = vector.load %arg6[%swap3A_501, %swap3A_502] : memref<64x1024xf32, #tpu.memory_space<vmem>>, vector<64x1024xf32>
      tpu.vector_store %arg6[%swap3A_501, %swap3A_502], %add3A_500 {strides = array<i32>} : memref<64x1024xf32, #tpu.memory_space<vmem>>, vector<64x1024xf32>,
      %get3A_504 = arith.constant 0 : index
      %get3A_505 = arith.constant 0 : index
      %get3A_506 = vector.load %arg6[%get3A_504, %get3A_505] : memref<64x1024xf32, #tpu.memory_space<vmem>>, vector<64x1024xf32>
      %jit3A_507 = arith.constant 4 : i32
      %eq3A_508 = arith.constant 0 : i32
      %eq3A_509 = arith.cmpi eq, %jit3A_507, %eq3A_508 : i32
      %jit3A_510 = arith.constant 1 : i32
      %select_n3A_511 = arith.select %eq3A_509, %jit3A_510, %jit3A_507 : i32
      %rem3A_512 = arith.remsi %arg0, %select_n3A_511 : i32
      %ne3A_513 = arith.constant 0 : i32
      %ne3A_514 = arith.cmpi ne, %rem3A_512, %ne3A_513 : i32
      %lt3A_515 = arith.constant 0 : i32
      %lt3A_516 = arith.cmpi slt, %rem3A_512, %lt3A_515 : i32
      %lt3A_517 = arith.constant 0 : i32
      %lt3A_518 = arith.cmpi slt, %select_n3A_511, %lt3A_517 : i32
      %ne3A_519 = arith.xori %lt3A_516, %lt3A_518 : i1
      %and3A_520 = arith.andi %ne3A_519, %ne3A_514 : i1
      %add3A_521 = arith.addi %rem3A_512, %select_n3A_511 : i32
      %select_n3A_522 = arith.select %and3A_520, %add3A_521, %rem3A_512 : i32
      %mul3A_523 = arith.constant 16 : i32
      %mul3A_524 = arith.muli %select_n3A_522, %mul3A_523 : i32
      %add3A_525 = arith.constant 15 : i32
      %add3A_526 = arith.addi %mul3A_524, %add3A_525 : i32
      %get3A_527 = arith.index_cast %add3A_526 : i32 to index
      %get3A_528 = arith.constant 0 : index
      %get3A_529 = arith.constant 0 : index
      %get3A_530 = vector.load %arg1[%get3A_527, %get3A_528, %get3A_529] : memref<64x64x1024xf32, #tpu.memory_space<vmem>>, vector<1x64x1024xf32>
      %get3A_531 = vector.shape_cast %get3A_530 : vector<1x64x1024xf32> to vector<64x1024xf32>
      %add3A_532 = arith.addf %get3A_506, %get3A_531 : vector<64x1024xf32>
      %swap3A_533 = arith.constant 0 : index
      %swap3A_534 = arith.constant 0 : index
      %swap3A_535 = vector.load %arg6[%swap3A_533, %swap3A_534] : memref<64x1024xf32, #tpu.memory_space<vmem>>, vector<64x1024xf32>
      tpu.vector_store %arg6[%swap3A_533, %swap3A_534], %add3A_532 {strides = array<i32>} : memref<64x1024xf32, #tpu.memory_space<vmem>>, vector<64x1024xf32>,
    } else {
    }
    %eq3A_6 = arith.constant 4 : i32
    %eq3A_7 = arith.cmpi eq, %arg0, %eq3A_6 : i32
    %convert_element_type3A_8 = arith.extui %eq3A_7 : i1 to i32
    %cond3A_9 = arith.constant 0 : i32
    %cond3A_10 = arith.cmpi ne, %convert_element_type3A_8, %cond3A_9 : i32
    scf.if %cond3A_10 {
      %get3A = arith.constant 0 : index
      %get3A_32 = arith.constant 0 : index
      %get3A_33 = vector.load %arg6[%get3A, %get3A_32] : memref<64x1024xf32, #tpu.memory_space<vmem>>, vector<64x1024xf32>
      %reduce_sum3A = arith.constant dense<0.000000e+00> : vector<64xf32>
      %reduce_sum3A_34 = vector.multi_reduction <add>, %get3A_33, %reduce_sum3A [1] : vector<64x1024xf32> to vector<64xf32>
      %broadcast_in_dim3A = vector.shape_cast %reduce_sum3A_34 : vector<64xf32> to vector<64x1xf32>
      %div3A = arith.constant 6.553600e+04 : f32
      %div3A_35 = vector.broadcast %div3A : f32 to vector<64x1xf32>
      %div3A_36 = arith.divf %broadcast_in_dim3A, %div3A_35 : vector<64x1xf32>
      %swap3A = arith.constant 0 : index
      %swap3A_37 = arith.constant 0 : index
      %swap3A_38 = vector.load %arg7[%swap3A, %swap3A_37] : memref<64x1xf32, #tpu.memory_space<vmem>>, vector<64x1xf32>
      tpu.vector_store %arg7[%swap3A, %swap3A_37], %div3A_36 {strides = array<i32>} : memref<64x1xf32, #tpu.memory_space<vmem>>, vector<64x1xf32>,
      %broadcast_in_dim3A_39 = arith.constant 0.000000e+00 : f32
      %broadcast_in_dim3A_40 = vector.broadcast %broadcast_in_dim3A_39 : f32 to vector<64x1024xf32>
      %swap3A_41 = arith.constant 0 : index
      %swap3A_42 = arith.constant 0 : index
      %swap3A_43 = vector.load %arg6[%swap3A_41, %swap3A_42] : memref<64x1024xf32, #tpu.memory_space<vmem>>, vector<64x1024xf32>
      tpu.vector_store %arg6[%swap3A_41, %swap3A_42], %broadcast_in_dim3A_40 {strides = array<i32>} : memref<64x1024xf32, #tpu.memory_space<vmem>>, vector<64x1024xf32>,
    } else {
    }
    %ge3A = arith.constant 4 : i32
    %ge3A_11 = arith.cmpi sge, %arg0, %ge3A : i32
    %lt3A_12 = arith.constant 8 : i32
    %lt3A_13 = arith.cmpi slt, %arg0, %lt3A_12 : i32
    %and3A = arith.andi %ge3A_11, %lt3A_13 : i1
    %convert_element_type3A_14 = arith.extui %and3A : i1 to i32
    %cond3A_15 = arith.constant 0 : i32
    %cond3A_16 = arith.cmpi ne, %convert_element_type3A_14, %cond3A_15 : i32
    scf.if %cond3A_16 {
      %jit3A = arith.constant 4 : i32
      %eq3A_32 = arith.constant 0 : i32
      %eq3A_33 = arith.cmpi eq, %jit3A, %eq3A_32 : i32
      %jit3A_34 = arith.constant 1 : i32
      %select_n3A = arith.select %eq3A_33, %jit3A_34, %jit3A : i32
      %rem3A = arith.remsi %arg0, %select_n3A : i32
      %ne3A = arith.constant 0 : i32
      %ne3A_35 = arith.cmpi ne, %rem3A, %ne3A : i32
      %lt3A_36 = arith.constant 0 : i32
      %lt3A_37 = arith.cmpi slt, %rem3A, %lt3A_36 : i32
      %lt3A_38 = arith.constant 0 : i32
      %lt3A_39 = arith.cmpi slt, %select_n3A, %lt3A_38 : i32
      %ne3A_40 = arith.xori %lt3A_37, %lt3A_39 : i1
      %and3A_41 = arith.andi %ne3A_40, %ne3A_35 : i1
      %add3A = arith.addi %rem3A, %select_n3A : i32
      %select_n3A_42 = arith.select %and3A_41, %add3A, %rem3A : i32
      %mul3A = arith.constant 16 : i32
      %mul3A_43 = arith.muli %select_n3A_42, %mul3A : i32
      %add3A_44 = arith.constant 0 : i32
      %add3A_45 = arith.addi %mul3A_43, %add3A_44 : i32
      %get3A = arith.index_cast %add3A_45 : i32 to index
      %get3A_46 = arith.constant 0 : index
      %get3A_47 = arith.constant 0 : index
      %get3A_48 = vector.load %arg1[%get3A, %get3A_46, %get3A_47] : memref<64x64x1024xf32, #tpu.memory_space<vmem>>, vector<1x64x1024xf32>
      %get3A_49 = vector.shape_cast %get3A_48 : vector<1x64x1024xf32> to vector<64x1024xf32>
      %get3A_50 = arith.constant 0 : index
      %get3A_51 = arith.constant 0 : index
      %get3A_52 = vector.load %arg7[%get3A_50, %get3A_51] : memref<64x1xf32, #tpu.memory_space<vmem>>, vector<64x1xf32>
      %sub3A = vector.broadcast %get3A_52 : vector<64x1xf32> to vector<64x1024xf32>
      %sub3A_53 = arith.subf %get3A_49, %sub3A : vector<64x1024xf32>
      %get3A_54 = arith.constant 0 : index
      %get3A_55 = arith.constant 0 : index
      %get3A_56 = vector.load %arg6[%get3A_54, %get3A_55] : memref<64x1024xf32, #tpu.memory_space<vmem>>, vector<64x1024xf32>
      %mul3A_57 = arith.mulf %sub3A_53, %sub3A_53 : vector<64x1024xf32>
      %add3A_58 = arith.addf %get3A_56, %mul3A_57 : vector<64x1024xf32>
      %swap3A = arith.constant 0 : index
      %swap3A_59 = arith.constant 0 : index
      %swap3A_60 = vector.load %arg6[%swap3A, %swap3A_59] : memref<64x1024xf32, #tpu.memory_space<vmem>>, vector<64x1024xf32>
      tpu.vector_store %arg6[%swap3A, %swap3A_59], %add3A_58 {strides = array<i32>} : memref<64x1024xf32, #tpu.memory_space<vmem>>, vector<64x1024xf32>,
      %jit3A_61 = arith.constant 4 : i32
      %eq3A_62 = arith.constant 0 : i32
      %eq3A_63 = arith.cmpi eq, %jit3A_61, %eq3A_62 : i32
      %jit3A_64 = arith.constant 1 : i32
      %select_n3A_65 = arith.select %eq3A_63, %jit3A_64, %jit3A_61 : i32
      %rem3A_66 = arith.remsi %arg0, %select_n3A_65 : i32
      %ne3A_67 = arith.constant 0 : i32
      %ne3A_68 = arith.cmpi ne, %rem3A_66, %ne3A_67 : i32
      %lt3A_69 = arith.constant 0 : i32
      %lt3A_70 = arith.cmpi slt, %rem3A_66, %lt3A_69 : i32
      %lt3A_71 = arith.constant 0 : i32
      %lt3A_72 = arith.cmpi slt, %select_n3A_65, %lt3A_71 : i32
      %ne3A_73 = arith.xori %lt3A_70, %lt3A_72 : i1
      %and3A_74 = arith.andi %ne3A_73, %ne3A_68 : i1
      %add3A_75 = arith.addi %rem3A_66, %select_n3A_65 : i32
      %select_n3A_76 = arith.select %and3A_74, %add3A_75, %rem3A_66 : i32
      %mul3A_77 = arith.constant 16 : i32
      %mul3A_78 = arith.muli %select_n3A_76, %mul3A_77 : i32
      %add3A_79 = arith.constant 1 : i32
      %add3A_80 = arith.addi %mul3A_78, %add3A_79 : i32
      %get3A_81 = arith.index_cast %add3A_80 : i32 to index
      %get3A_82 = arith.constant 0 : index
      %get3A_83 = arith.constant 0 : index
      %get3A_84 = vector.load %arg1[%get3A_81, %get3A_82, %get3A_83] : memref<64x64x1024xf32, #tpu.memory_space<vmem>>, vector<1x64x1024xf32>
      %get3A_85 = vector.shape_cast %get3A_84 : vector<1x64x1024xf32> to vector<64x1024xf32>
      %get3A_86 = arith.constant 0 : index
      %get3A_87 = arith.constant 0 : index
      %get3A_88 = vector.load %arg7[%get3A_86, %get3A_87] : memref<64x1xf32, #tpu.memory_space<vmem>>, vector<64x1xf32>
      %sub3A_89 = vector.broadcast %get3A_88 : vector<64x1xf32> to vector<64x1024xf32>
      %sub3A_90 = arith.subf %get3A_85, %sub3A_89 : vector<64x1024xf32>
      %get3A_91 = arith.constant 0 : index
      %get3A_92 = arith.constant 0 : index
      %get3A_93 = vector.load %arg6[%get3A_91, %get3A_92] : memref<64x1024xf32, #tpu.memory_space<vmem>>, vector<64x1024xf32>
      %mul3A_94 = arith.mulf %sub3A_90, %sub3A_90 : vector<64x1024xf32>
      %add3A_95 = arith.addf %get3A_93, %mul3A_94 : vector<64x1024xf32>
      %swap3A_96 = arith.constant 0 : index
      %swap3A_97 = arith.constant 0 : index
      %swap3A_98 = vector.load %arg6[%swap3A_96, %swap3A_97] : memref<64x1024xf32, #tpu.memory_space<vmem>>, vector<64x1024xf32>
      tpu.vector_store %arg6[%swap3A_96, %swap3A_97], %add3A_95 {strides = array<i32>} : memref<64x1024xf32, #tpu.memory_space<vmem>>, vector<64x1024xf32>,
      %jit3A_99 = arith.constant 4 : i32
      %eq3A_100 = arith.constant 0 : i32
      %eq3A_101 = arith.cmpi eq, %jit3A_99, %eq3A_100 : i32
      %jit3A_102 = arith.constant 1 : i32
      %select_n3A_103 = arith.select %eq3A_101, %jit3A_102, %jit3A_99 : i32
      %rem3A_104 = arith.remsi %arg0, %select_n3A_103 : i32
      %ne3A_105 = arith.constant 0 : i32
      %ne3A_106 = arith.cmpi ne, %rem3A_104, %ne3A_105 : i32
      %lt3A_107 = arith.constant 0 : i32
      %lt3A_108 = arith.cmpi slt, %rem3A_104, %lt3A_107 : i32
      %lt3A_109 = arith.constant 0 : i32
      %lt3A_110 = arith.cmpi slt, %select_n3A_103, %lt3A_109 : i32
      %ne3A_111 = arith.xori %lt3A_108, %lt3A_110 : i1
      %and3A_112 = arith.andi %ne3A_111, %ne3A_106 : i1
      %add3A_113 = arith.addi %rem3A_104, %select_n3A_103 : i32
      %select_n3A_114 = arith.select %and3A_112, %add3A_113, %rem3A_104 : i32
      %mul3A_115 = arith.constant 16 : i32
      %mul3A_116 = arith.muli %select_n3A_114, %mul3A_115 : i32
      %add3A_117 = arith.constant 2 : i32
      %add3A_118 = arith.addi %mul3A_116, %add3A_117 : i32
      %get3A_119 = arith.index_cast %add3A_118 : i32 to index
      %get3A_120 = arith.constant 0 : index
      %get3A_121 = arith.constant 0 : index
      %get3A_122 = vector.load %arg1[%get3A_119, %get3A_120, %get3A_121] : memref<64x64x1024xf32, #tpu.memory_space<vmem>>, vector<1x64x1024xf32>
      %get3A_123 = vector.shape_cast %get3A_122 : vector<1x64x1024xf32> to vector<64x1024xf32>
      %get3A_124 = arith.constant 0 : index
      %get3A_125 = arith.constant 0 : index
      %get3A_126 = vector.load %arg7[%get3A_124, %get3A_125] : memref<64x1xf32, #tpu.memory_space<vmem>>, vector<64x1xf32>
      %sub3A_127 = vector.broadcast %get3A_126 : vector<64x1xf32> to vector<64x1024xf32>
      %sub3A_128 = arith.subf %get3A_123, %sub3A_127 : vector<64x1024xf32>
      %get3A_129 = arith.constant 0 : index
      %get3A_130 = arith.constant 0 : index
      %get3A_131 = vector.load %arg6[%get3A_129, %get3A_130] : memref<64x1024xf32, #tpu.memory_space<vmem>>, vector<64x1024xf32>
      %mul3A_132 = arith.mulf %sub3A_128, %sub3A_128 : vector<64x1024xf32>
      %add3A_133 = arith.addf %get3A_131, %mul3A_132 : vector<64x1024xf32>
      %swap3A_134 = arith.constant 0 : index
      %swap3A_135 = arith.constant 0 : index
      %swap3A_136 = vector.load %arg6[%swap3A_134, %swap3A_135] : memref<64x1024xf32, #tpu.memory_space<vmem>>, vector<64x1024xf32>
      tpu.vector_store %arg6[%swap3A_134, %swap3A_135], %add3A_133 {strides = array<i32>} : memref<64x1024xf32, #tpu.memory_space<vmem>>, vector<64x1024xf32>,
      %jit3A_137 = arith.constant 4 : i32
      %eq3A_138 = arith.constant 0 : i32
      %eq3A_139 = arith.cmpi eq, %jit3A_137, %eq3A_138 : i32
      %jit3A_140 = arith.constant 1 : i32
      %select_n3A_141 = arith.select %eq3A_139, %jit3A_140, %jit3A_137 : i32
      %rem3A_142 = arith.remsi %arg0, %select_n3A_141 : i32
      %ne3A_143 = arith.constant 0 : i32
      %ne3A_144 = arith.cmpi ne, %rem3A_142, %ne3A_143 : i32
      %lt3A_145 = arith.constant 0 : i32
      %lt3A_146 = arith.cmpi slt, %rem3A_142, %lt3A_145 : i32
      %lt3A_147 = arith.constant 0 : i32
      %lt3A_148 = arith.cmpi slt, %select_n3A_141, %lt3A_147 : i32
      %ne3A_149 = arith.xori %lt3A_146, %lt3A_148 : i1
      %and3A_150 = arith.andi %ne3A_149, %ne3A_144 : i1
      %add3A_151 = arith.addi %rem3A_142, %select_n3A_141 : i32
      %select_n3A_152 = arith.select %and3A_150, %add3A_151, %rem3A_142 : i32
      %mul3A_153 = arith.constant 16 : i32
      %mul3A_154 = arith.muli %select_n3A_152, %mul3A_153 : i32
      %add3A_155 = arith.constant 3 : i32
      %add3A_156 = arith.addi %mul3A_154, %add3A_155 : i32
      %get3A_157 = arith.index_cast %add3A_156 : i32 to index
      %get3A_158 = arith.constant 0 : index
      %get3A_159 = arith.constant 0 : index
      %get3A_160 = vector.load %arg1[%get3A_157, %get3A_158, %get3A_159] : memref<64x64x1024xf32, #tpu.memory_space<vmem>>, vector<1x64x1024xf32>
      %get3A_161 = vector.shape_cast %get3A_160 : vector<1x64x1024xf32> to vector<64x1024xf32>
      %get3A_162 = arith.constant 0 : index
      %get3A_163 = arith.constant 0 : index
      %get3A_164 = vector.load %arg7[%get3A_162, %get3A_163] : memref<64x1xf32, #tpu.memory_space<vmem>>, vector<64x1xf32>
      %sub3A_165 = vector.broadcast %get3A_164 : vector<64x1xf32> to vector<64x1024xf32>
      %sub3A_166 = arith.subf %get3A_161, %sub3A_165 : vector<64x1024xf32>
      %get3A_167 = arith.constant 0 : index
      %get3A_168 = arith.constant 0 : index
      %get3A_169 = vector.load %arg6[%get3A_167, %get3A_168] : memref<64x1024xf32, #tpu.memory_space<vmem>>, vector<64x1024xf32>
      %mul3A_170 = arith.mulf %sub3A_166, %sub3A_166 : vector<64x1024xf32>
      %add3A_171 = arith.addf %get3A_169, %mul3A_170 : vector<64x1024xf32>
      %swap3A_172 = arith.constant 0 : index
      %swap3A_173 = arith.constant 0 : index
      %swap3A_174 = vector.load %arg6[%swap3A_172, %swap3A_173] : memref<64x1024xf32, #tpu.memory_space<vmem>>, vector<64x1024xf32>
      tpu.vector_store %arg6[%swap3A_172, %swap3A_173], %add3A_171 {strides = array<i32>} : memref<64x1024xf32, #tpu.memory_space<vmem>>, vector<64x1024xf32>,
      %jit3A_175 = arith.constant 4 : i32
      %eq3A_176 = arith.constant 0 : i32
      %eq3A_177 = arith.cmpi eq, %jit3A_175, %eq3A_176 : i32
      %jit3A_178 = arith.constant 1 : i32
      %select_n3A_179 = arith.select %eq3A_177, %jit3A_178, %jit3A_175 : i32
      %rem3A_180 = arith.remsi %arg0, %select_n3A_179 : i32
      %ne3A_181 = arith.constant 0 : i32
      %ne3A_182 = arith.cmpi ne, %rem3A_180, %ne3A_181 : i32
      %lt3A_183 = arith.constant 0 : i32
      %lt3A_184 = arith.cmpi slt, %rem3A_180, %lt3A_183 : i32
      %lt3A_185 = arith.constant 0 : i32
      %lt3A_186 = arith.cmpi slt, %select_n3A_179, %lt3A_185 : i32
      %ne3A_187 = arith.xori %lt3A_184, %lt3A_186 : i1
      %and3A_188 = arith.andi %ne3A_187, %ne3A_182 : i1
      %add3A_189 = arith.addi %rem3A_180, %select_n3A_179 : i32
      %select_n3A_190 = arith.select %and3A_188, %add3A_189, %rem3A_180 : i32
      %mul3A_191 = arith.constant 16 : i32
      %mul3A_192 = arith.muli %select_n3A_190, %mul3A_191 : i32
      %add3A_193 = arith.constant 4 : i32
      %add3A_194 = arith.addi %mul3A_192, %add3A_193 : i32
      %get3A_195 = arith.index_cast %add3A_194 : i32 to index
      %get3A_196 = arith.constant 0 : index
      %get3A_197 = arith.constant 0 : index
      %get3A_198 = vector.load %arg1[%get3A_195, %get3A_196, %get3A_197] : memref<64x64x1024xf32, #tpu.memory_space<vmem>>, vector<1x64x1024xf32>
      %get3A_199 = vector.shape_cast %get3A_198 : vector<1x64x1024xf32> to vector<64x1024xf32>
      %get3A_200 = arith.constant 0 : index
      %get3A_201 = arith.constant 0 : index
      %get3A_202 = vector.load %arg7[%get3A_200, %get3A_201] : memref<64x1xf32, #tpu.memory_space<vmem>>, vector<64x1xf32>
      %sub3A_203 = vector.broadcast %get3A_202 : vector<64x1xf32> to vector<64x1024xf32>
      %sub3A_204 = arith.subf %get3A_199, %sub3A_203 : vector<64x1024xf32>
      %get3A_205 = arith.constant 0 : index
      %get3A_206 = arith.constant 0 : index
      %get3A_207 = vector.load %arg6[%get3A_205, %get3A_206] : memref<64x1024xf32, #tpu.memory_space<vmem>>, vector<64x1024xf32>
      %mul3A_208 = arith.mulf %sub3A_204, %sub3A_204 : vector<64x1024xf32>
      %add3A_209 = arith.addf %get3A_207, %mul3A_208 : vector<64x1024xf32>
      %swap3A_210 = arith.constant 0 : index
      %swap3A_211 = arith.constant 0 : index
      %swap3A_212 = vector.load %arg6[%swap3A_210, %swap3A_211] : memref<64x1024xf32, #tpu.memory_space<vmem>>, vector<64x1024xf32>
      tpu.vector_store %arg6[%swap3A_210, %swap3A_211], %add3A_209 {strides = array<i32>} : memref<64x1024xf32, #tpu.memory_space<vmem>>, vector<64x1024xf32>,
      %jit3A_213 = arith.constant 4 : i32
      %eq3A_214 = arith.constant 0 : i32
      %eq3A_215 = arith.cmpi eq, %jit3A_213, %eq3A_214 : i32
      %jit3A_216 = arith.constant 1 : i32
      %select_n3A_217 = arith.select %eq3A_215, %jit3A_216, %jit3A_213 : i32
      %rem3A_218 = arith.remsi %arg0, %select_n3A_217 : i32
      %ne3A_219 = arith.constant 0 : i32
      %ne3A_220 = arith.cmpi ne, %rem3A_218, %ne3A_219 : i32
      %lt3A_221 = arith.constant 0 : i32
      %lt3A_222 = arith.cmpi slt, %rem3A_218, %lt3A_221 : i32
      %lt3A_223 = arith.constant 0 : i32
      %lt3A_224 = arith.cmpi slt, %select_n3A_217, %lt3A_223 : i32
      %ne3A_225 = arith.xori %lt3A_222, %lt3A_224 : i1
      %and3A_226 = arith.andi %ne3A_225, %ne3A_220 : i1
      %add3A_227 = arith.addi %rem3A_218, %select_n3A_217 : i32
      %select_n3A_228 = arith.select %and3A_226, %add3A_227, %rem3A_218 : i32
      %mul3A_229 = arith.constant 16 : i32
      %mul3A_230 = arith.muli %select_n3A_228, %mul3A_229 : i32
      %add3A_231 = arith.constant 5 : i32
      %add3A_232 = arith.addi %mul3A_230, %add3A_231 : i32
      %get3A_233 = arith.index_cast %add3A_232 : i32 to index
      %get3A_234 = arith.constant 0 : index
      %get3A_235 = arith.constant 0 : index
      %get3A_236 = vector.load %arg1[%get3A_233, %get3A_234, %get3A_235] : memref<64x64x1024xf32, #tpu.memory_space<vmem>>, vector<1x64x1024xf32>
      %get3A_237 = vector.shape_cast %get3A_236 : vector<1x64x1024xf32> to vector<64x1024xf32>
      %get3A_238 = arith.constant 0 : index
      %get3A_239 = arith.constant 0 : index
      %get3A_240 = vector.load %arg7[%get3A_238, %get3A_239] : memref<64x1xf32, #tpu.memory_space<vmem>>, vector<64x1xf32>
      %sub3A_241 = vector.broadcast %get3A_240 : vector<64x1xf32> to vector<64x1024xf32>
      %sub3A_242 = arith.subf %get3A_237, %sub3A_241 : vector<64x1024xf32>
      %get3A_243 = arith.constant 0 : index
      %get3A_244 = arith.constant 0 : index
      %get3A_245 = vector.load %arg6[%get3A_243, %get3A_244] : memref<64x1024xf32, #tpu.memory_space<vmem>>, vector<64x1024xf32>
      %mul3A_246 = arith.mulf %sub3A_242, %sub3A_242 : vector<64x1024xf32>
      %add3A_247 = arith.addf %get3A_245, %mul3A_246 : vector<64x1024xf32>
      %swap3A_248 = arith.constant 0 : index
      %swap3A_249 = arith.constant 0 : index
      %swap3A_250 = vector.load %arg6[%swap3A_248, %swap3A_249] : memref<64x1024xf32, #tpu.memory_space<vmem>>, vector<64x1024xf32>
      tpu.vector_store %arg6[%swap3A_248, %swap3A_249], %add3A_247 {strides = array<i32>} : memref<64x1024xf32, #tpu.memory_space<vmem>>, vector<64x1024xf32>,
      %jit3A_251 = arith.constant 4 : i32
      %eq3A_252 = arith.constant 0 : i32
      %eq3A_253 = arith.cmpi eq, %jit3A_251, %eq3A_252 : i32
      %jit3A_254 = arith.constant 1 : i32
      %select_n3A_255 = arith.select %eq3A_253, %jit3A_254, %jit3A_251 : i32
      %rem3A_256 = arith.remsi %arg0, %select_n3A_255 : i32
      %ne3A_257 = arith.constant 0 : i32
      %ne3A_258 = arith.cmpi ne, %rem3A_256, %ne3A_257 : i32
      %lt3A_259 = arith.constant 0 : i32
      %lt3A_260 = arith.cmpi slt, %rem3A_256, %lt3A_259 : i32
      %lt3A_261 = arith.constant 0 : i32
      %lt3A_262 = arith.cmpi slt, %select_n3A_255, %lt3A_261 : i32
      %ne3A_263 = arith.xori %lt3A_260, %lt3A_262 : i1
      %and3A_264 = arith.andi %ne3A_263, %ne3A_258 : i1
      %add3A_265 = arith.addi %rem3A_256, %select_n3A_255 : i32
      %select_n3A_266 = arith.select %and3A_264, %add3A_265, %rem3A_256 : i32
      %mul3A_267 = arith.constant 16 : i32
      %mul3A_268 = arith.muli %select_n3A_266, %mul3A_267 : i32
      %add3A_269 = arith.constant 6 : i32
      %add3A_270 = arith.addi %mul3A_268, %add3A_269 : i32
      %get3A_271 = arith.index_cast %add3A_270 : i32 to index
      %get3A_272 = arith.constant 0 : index
      %get3A_273 = arith.constant 0 : index
      %get3A_274 = vector.load %arg1[%get3A_271, %get3A_272, %get3A_273] : memref<64x64x1024xf32, #tpu.memory_space<vmem>>, vector<1x64x1024xf32>
      %get3A_275 = vector.shape_cast %get3A_274 : vector<1x64x1024xf32> to vector<64x1024xf32>
      %get3A_276 = arith.constant 0 : index
      %get3A_277 = arith.constant 0 : index
      %get3A_278 = vector.load %arg7[%get3A_276, %get3A_277] : memref<64x1xf32, #tpu.memory_space<vmem>>, vector<64x1xf32>
      %sub3A_279 = vector.broadcast %get3A_278 : vector<64x1xf32> to vector<64x1024xf32>
      %sub3A_280 = arith.subf %get3A_275, %sub3A_279 : vector<64x1024xf32>
      %get3A_281 = arith.constant 0 : index
      %get3A_282 = arith.constant 0 : index
      %get3A_283 = vector.load %arg6[%get3A_281, %get3A_282] : memref<64x1024xf32, #tpu.memory_space<vmem>>, vector<64x1024xf32>
      %mul3A_284 = arith.mulf %sub3A_280, %sub3A_280 : vector<64x1024xf32>
      %add3A_285 = arith.addf %get3A_283, %mul3A_284 : vector<64x1024xf32>
      %swap3A_286 = arith.constant 0 : index
      %swap3A_287 = arith.constant 0 : index
      %swap3A_288 = vector.load %arg6[%swap3A_286, %swap3A_287] : memref<64x1024xf32, #tpu.memory_space<vmem>>, vector<64x1024xf32>
      tpu.vector_store %arg6[%swap3A_286, %swap3A_287], %add3A_285 {strides = array<i32>} : memref<64x1024xf32, #tpu.memory_space<vmem>>, vector<64x1024xf32>,
      %jit3A_289 = arith.constant 4 : i32
      %eq3A_290 = arith.constant 0 : i32
      %eq3A_291 = arith.cmpi eq, %jit3A_289, %eq3A_290 : i32
      %jit3A_292 = arith.constant 1 : i32
      %select_n3A_293 = arith.select %eq3A_291, %jit3A_292, %jit3A_289 : i32
      %rem3A_294 = arith.remsi %arg0, %select_n3A_293 : i32
      %ne3A_295 = arith.constant 0 : i32
      %ne3A_296 = arith.cmpi ne, %rem3A_294, %ne3A_295 : i32
      %lt3A_297 = arith.constant 0 : i32
      %lt3A_298 = arith.cmpi slt, %rem3A_294, %lt3A_297 : i32
      %lt3A_299 = arith.constant 0 : i32
      %lt3A_300 = arith.cmpi slt, %select_n3A_293, %lt3A_299 : i32
      %ne3A_301 = arith.xori %lt3A_298, %lt3A_300 : i1
      %and3A_302 = arith.andi %ne3A_301, %ne3A_296 : i1
      %add3A_303 = arith.addi %rem3A_294, %select_n3A_293 : i32
      %select_n3A_304 = arith.select %and3A_302, %add3A_303, %rem3A_294 : i32
      %mul3A_305 = arith.constant 16 : i32
      %mul3A_306 = arith.muli %select_n3A_304, %mul3A_305 : i32
      %add3A_307 = arith.constant 7 : i32
      %add3A_308 = arith.addi %mul3A_306, %add3A_307 : i32
      %get3A_309 = arith.index_cast %add3A_308 : i32 to index
      %get3A_310 = arith.constant 0 : index
      %get3A_311 = arith.constant 0 : index
      %get3A_312 = vector.load %arg1[%get3A_309, %get3A_310, %get3A_311] : memref<64x64x1024xf32, #tpu.memory_space<vmem>>, vector<1x64x1024xf32>
      %get3A_313 = vector.shape_cast %get3A_312 : vector<1x64x1024xf32> to vector<64x1024xf32>
      %get3A_314 = arith.constant 0 : index
      %get3A_315 = arith.constant 0 : index
      %get3A_316 = vector.load %arg7[%get3A_314, %get3A_315] : memref<64x1xf32, #tpu.memory_space<vmem>>, vector<64x1xf32>
      %sub3A_317 = vector.broadcast %get3A_316 : vector<64x1xf32> to vector<64x1024xf32>
      %sub3A_318 = arith.subf %get3A_313, %sub3A_317 : vector<64x1024xf32>
      %get3A_319 = arith.constant 0 : index
      %get3A_320 = arith.constant 0 : index
      %get3A_321 = vector.load %arg6[%get3A_319, %get3A_320] : memref<64x1024xf32, #tpu.memory_space<vmem>>, vector<64x1024xf32>
      %mul3A_322 = arith.mulf %sub3A_318, %sub3A_318 : vector<64x1024xf32>
      %add3A_323 = arith.addf %get3A_321, %mul3A_322 : vector<64x1024xf32>
      %swap3A_324 = arith.constant 0 : index
      %swap3A_325 = arith.constant 0 : index
      %swap3A_326 = vector.load %arg6[%swap3A_324, %swap3A_325] : memref<64x1024xf32, #tpu.memory_space<vmem>>, vector<64x1024xf32>
      tpu.vector_store %arg6[%swap3A_324, %swap3A_325], %add3A_323 {strides = array<i32>} : memref<64x1024xf32, #tpu.memory_space<vmem>>, vector<64x1024xf32>,
      %jit3A_327 = arith.constant 4 : i32
      %eq3A_328 = arith.constant 0 : i32
      %eq3A_329 = arith.cmpi eq, %jit3A_327, %eq3A_328 : i32
      %jit3A_330 = arith.constant 1 : i32
      %select_n3A_331 = arith.select %eq3A_329, %jit3A_330, %jit3A_327 : i32
      %rem3A_332 = arith.remsi %arg0, %select_n3A_331 : i32
      %ne3A_333 = arith.constant 0 : i32
      %ne3A_334 = arith.cmpi ne, %rem3A_332, %ne3A_333 : i32
      %lt3A_335 = arith.constant 0 : i32
      %lt3A_336 = arith.cmpi slt, %rem3A_332, %lt3A_335 : i32
      %lt3A_337 = arith.constant 0 : i32
      %lt3A_338 = arith.cmpi slt, %select_n3A_331, %lt3A_337 : i32
      %ne3A_339 = arith.xori %lt3A_336, %lt3A_338 : i1
      %and3A_340 = arith.andi %ne3A_339, %ne3A_334 : i1
      %add3A_341 = arith.addi %rem3A_332, %select_n3A_331 : i32
      %select_n3A_342 = arith.select %and3A_340, %add3A_341, %rem3A_332 : i32
      %mul3A_343 = arith.constant 16 : i32
      %mul3A_344 = arith.muli %select_n3A_342, %mul3A_343 : i32
      %add3A_345 = arith.constant 8 : i32
      %add3A_346 = arith.addi %mul3A_344, %add3A_345 : i32
      %get3A_347 = arith.index_cast %add3A_346 : i32 to index
      %get3A_348 = arith.constant 0 : index
      %get3A_349 = arith.constant 0 : index
      %get3A_350 = vector.load %arg1[%get3A_347, %get3A_348, %get3A_349] : memref<64x64x1024xf32, #tpu.memory_space<vmem>>, vector<1x64x1024xf32>
      %get3A_351 = vector.shape_cast %get3A_350 : vector<1x64x1024xf32> to vector<64x1024xf32>
      %get3A_352 = arith.constant 0 : index
      %get3A_353 = arith.constant 0 : index
      %get3A_354 = vector.load %arg7[%get3A_352, %get3A_353] : memref<64x1xf32, #tpu.memory_space<vmem>>, vector<64x1xf32>
      %sub3A_355 = vector.broadcast %get3A_354 : vector<64x1xf32> to vector<64x1024xf32>
      %sub3A_356 = arith.subf %get3A_351, %sub3A_355 : vector<64x1024xf32>
      %get3A_357 = arith.constant 0 : index
      %get3A_358 = arith.constant 0 : index
      %get3A_359 = vector.load %arg6[%get3A_357, %get3A_358] : memref<64x1024xf32, #tpu.memory_space<vmem>>, vector<64x1024xf32>
      %mul3A_360 = arith.mulf %sub3A_356, %sub3A_356 : vector<64x1024xf32>
      %add3A_361 = arith.addf %get3A_359, %mul3A_360 : vector<64x1024xf32>
      %swap3A_362 = arith.constant 0 : index
      %swap3A_363 = arith.constant 0 : index
      %swap3A_364 = vector.load %arg6[%swap3A_362, %swap3A_363] : memref<64x1024xf32, #tpu.memory_space<vmem>>, vector<64x1024xf32>
      tpu.vector_store %arg6[%swap3A_362, %swap3A_363], %add3A_361 {strides = array<i32>} : memref<64x1024xf32, #tpu.memory_space<vmem>>, vector<64x1024xf32>,
      %jit3A_365 = arith.constant 4 : i32
      %eq3A_366 = arith.constant 0 : i32
      %eq3A_367 = arith.cmpi eq, %jit3A_365, %eq3A_366 : i32
      %jit3A_368 = arith.constant 1 : i32
      %select_n3A_369 = arith.select %eq3A_367, %jit3A_368, %jit3A_365 : i32
      %rem3A_370 = arith.remsi %arg0, %select_n3A_369 : i32
      %ne3A_371 = arith.constant 0 : i32
      %ne3A_372 = arith.cmpi ne, %rem3A_370, %ne3A_371 : i32
      %lt3A_373 = arith.constant 0 : i32
      %lt3A_374 = arith.cmpi slt, %rem3A_370, %lt3A_373 : i32
      %lt3A_375 = arith.constant 0 : i32
      %lt3A_376 = arith.cmpi slt, %select_n3A_369, %lt3A_375 : i32
      %ne3A_377 = arith.xori %lt3A_374, %lt3A_376 : i1
      %and3A_378 = arith.andi %ne3A_377, %ne3A_372 : i1
      %add3A_379 = arith.addi %rem3A_370, %select_n3A_369 : i32
      %select_n3A_380 = arith.select %and3A_378, %add3A_379, %rem3A_370 : i32
      %mul3A_381 = arith.constant 16 : i32
      %mul3A_382 = arith.muli %select_n3A_380, %mul3A_381 : i32
      %add3A_383 = arith.constant 9 : i32
      %add3A_384 = arith.addi %mul3A_382, %add3A_383 : i32
      %get3A_385 = arith.index_cast %add3A_384 : i32 to index
      %get3A_386 = arith.constant 0 : index
      %get3A_387 = arith.constant 0 : index
      %get3A_388 = vector.load %arg1[%get3A_385, %get3A_386, %get3A_387] : memref<64x64x1024xf32, #tpu.memory_space<vmem>>, vector<1x64x1024xf32>
      %get3A_389 = vector.shape_cast %get3A_388 : vector<1x64x1024xf32> to vector<64x1024xf32>
      %get3A_390 = arith.constant 0 : index
      %get3A_391 = arith.constant 0 : index
      %get3A_392 = vector.load %arg7[%get3A_390, %get3A_391] : memref<64x1xf32, #tpu.memory_space<vmem>>, vector<64x1xf32>
      %sub3A_393 = vector.broadcast %get3A_392 : vector<64x1xf32> to vector<64x1024xf32>
      %sub3A_394 = arith.subf %get3A_389, %sub3A_393 : vector<64x1024xf32>
      %get3A_395 = arith.constant 0 : index
      %get3A_396 = arith.constant 0 : index
      %get3A_397 = vector.load %arg6[%get3A_395, %get3A_396] : memref<64x1024xf32, #tpu.memory_space<vmem>>, vector<64x1024xf32>
      %mul3A_398 = arith.mulf %sub3A_394, %sub3A_394 : vector<64x1024xf32>
      %add3A_399 = arith.addf %get3A_397, %mul3A_398 : vector<64x1024xf32>
      %swap3A_400 = arith.constant 0 : index
      %swap3A_401 = arith.constant 0 : index
      %swap3A_402 = vector.load %arg6[%swap3A_400, %swap3A_401] : memref<64x1024xf32, #tpu.memory_space<vmem>>, vector<64x1024xf32>
      tpu.vector_store %arg6[%swap3A_400, %swap3A_401], %add3A_399 {strides = array<i32>} : memref<64x1024xf32, #tpu.memory_space<vmem>>, vector<64x1024xf32>,
      %jit3A_403 = arith.constant 4 : i32
      %eq3A_404 = arith.constant 0 : i32
      %eq3A_405 = arith.cmpi eq, %jit3A_403, %eq3A_404 : i32
      %jit3A_406 = arith.constant 1 : i32
      %select_n3A_407 = arith.select %eq3A_405, %jit3A_406, %jit3A_403 : i32
      %rem3A_408 = arith.remsi %arg0, %select_n3A_407 : i32
      %ne3A_409 = arith.constant 0 : i32
      %ne3A_410 = arith.cmpi ne, %rem3A_408, %ne3A_409 : i32
      %lt3A_411 = arith.constant 0 : i32
      %lt3A_412 = arith.cmpi slt, %rem3A_408, %lt3A_411 : i32
      %lt3A_413 = arith.constant 0 : i32
      %lt3A_414 = arith.cmpi slt, %select_n3A_407, %lt3A_413 : i32
      %ne3A_415 = arith.xori %lt3A_412, %lt3A_414 : i1
      %and3A_416 = arith.andi %ne3A_415, %ne3A_410 : i1
      %add3A_417 = arith.addi %rem3A_408, %select_n3A_407 : i32
      %select_n3A_418 = arith.select %and3A_416, %add3A_417, %rem3A_408 : i32
      %mul3A_419 = arith.constant 16 : i32
      %mul3A_420 = arith.muli %select_n3A_418, %mul3A_419 : i32
      %add3A_421 = arith.constant 10 : i32
      %add3A_422 = arith.addi %mul3A_420, %add3A_421 : i32
      %get3A_423 = arith.index_cast %add3A_422 : i32 to index
      %get3A_424 = arith.constant 0 : index
      %get3A_425 = arith.constant 0 : index
      %get3A_426 = vector.load %arg1[%get3A_423, %get3A_424, %get3A_425] : memref<64x64x1024xf32, #tpu.memory_space<vmem>>, vector<1x64x1024xf32>
      %get3A_427 = vector.shape_cast %get3A_426 : vector<1x64x1024xf32> to vector<64x1024xf32>
      %get3A_428 = arith.constant 0 : index
      %get3A_429 = arith.constant 0 : index
      %get3A_430 = vector.load %arg7[%get3A_428, %get3A_429] : memref<64x1xf32, #tpu.memory_space<vmem>>, vector<64x1xf32>
      %sub3A_431 = vector.broadcast %get3A_430 : vector<64x1xf32> to vector<64x1024xf32>
      %sub3A_432 = arith.subf %get3A_427, %sub3A_431 : vector<64x1024xf32>
      %get3A_433 = arith.constant 0 : index
      %get3A_434 = arith.constant 0 : index
      %get3A_435 = vector.load %arg6[%get3A_433, %get3A_434] : memref<64x1024xf32, #tpu.memory_space<vmem>>, vector<64x1024xf32>
      %mul3A_436 = arith.mulf %sub3A_432, %sub3A_432 : vector<64x1024xf32>
      %add3A_437 = arith.addf %get3A_435, %mul3A_436 : vector<64x1024xf32>
      %swap3A_438 = arith.constant 0 : index
      %swap3A_439 = arith.constant 0 : index
      %swap3A_440 = vector.load %arg6[%swap3A_438, %swap3A_439] : memref<64x1024xf32, #tpu.memory_space<vmem>>, vector<64x1024xf32>
      tpu.vector_store %arg6[%swap3A_438, %swap3A_439], %add3A_437 {strides = array<i32>} : memref<64x1024xf32, #tpu.memory_space<vmem>>, vector<64x1024xf32>,
      %jit3A_441 = arith.constant 4 : i32
      %eq3A_442 = arith.constant 0 : i32
      %eq3A_443 = arith.cmpi eq, %jit3A_441, %eq3A_442 : i32
      %jit3A_444 = arith.constant 1 : i32
      %select_n3A_445 = arith.select %eq3A_443, %jit3A_444, %jit3A_441 : i32
      %rem3A_446 = arith.remsi %arg0, %select_n3A_445 : i32
      %ne3A_447 = arith.constant 0 : i32
      %ne3A_448 = arith.cmpi ne, %rem3A_446, %ne3A_447 : i32
      %lt3A_449 = arith.constant 0 : i32
      %lt3A_450 = arith.cmpi slt, %rem3A_446, %lt3A_449 : i32
      %lt3A_451 = arith.constant 0 : i32
      %lt3A_452 = arith.cmpi slt, %select_n3A_445, %lt3A_451 : i32
      %ne3A_453 = arith.xori %lt3A_450, %lt3A_452 : i1
      %and3A_454 = arith.andi %ne3A_453, %ne3A_448 : i1
      %add3A_455 = arith.addi %rem3A_446, %select_n3A_445 : i32
      %select_n3A_456 = arith.select %and3A_454, %add3A_455, %rem3A_446 : i32
      %mul3A_457 = arith.constant 16 : i32
      %mul3A_458 = arith.muli %select_n3A_456, %mul3A_457 : i32
      %add3A_459 = arith.constant 11 : i32
      %add3A_460 = arith.addi %mul3A_458, %add3A_459 : i32
      %get3A_461 = arith.index_cast %add3A_460 : i32 to index
      %get3A_462 = arith.constant 0 : index
      %get3A_463 = arith.constant 0 : index
      %get3A_464 = vector.load %arg1[%get3A_461, %get3A_462, %get3A_463] : memref<64x64x1024xf32, #tpu.memory_space<vmem>>, vector<1x64x1024xf32>
      %get3A_465 = vector.shape_cast %get3A_464 : vector<1x64x1024xf32> to vector<64x1024xf32>
      %get3A_466 = arith.constant 0 : index
      %get3A_467 = arith.constant 0 : index
      %get3A_468 = vector.load %arg7[%get3A_466, %get3A_467] : memref<64x1xf32, #tpu.memory_space<vmem>>, vector<64x1xf32>
      %sub3A_469 = vector.broadcast %get3A_468 : vector<64x1xf32> to vector<64x1024xf32>
      %sub3A_470 = arith.subf %get3A_465, %sub3A_469 : vector<64x1024xf32>
      %get3A_471 = arith.constant 0 : index
      %get3A_472 = arith.constant 0 : index
      %get3A_473 = vector.load %arg6[%get3A_471, %get3A_472] : memref<64x1024xf32, #tpu.memory_space<vmem>>, vector<64x1024xf32>
      %mul3A_474 = arith.mulf %sub3A_470, %sub3A_470 : vector<64x1024xf32>
      %add3A_475 = arith.addf %get3A_473, %mul3A_474 : vector<64x1024xf32>
      %swap3A_476 = arith.constant 0 : index
      %swap3A_477 = arith.constant 0 : index
      %swap3A_478 = vector.load %arg6[%swap3A_476, %swap3A_477] : memref<64x1024xf32, #tpu.memory_space<vmem>>, vector<64x1024xf32>
      tpu.vector_store %arg6[%swap3A_476, %swap3A_477], %add3A_475 {strides = array<i32>} : memref<64x1024xf32, #tpu.memory_space<vmem>>, vector<64x1024xf32>,
      %jit3A_479 = arith.constant 4 : i32
      %eq3A_480 = arith.constant 0 : i32
      %eq3A_481 = arith.cmpi eq, %jit3A_479, %eq3A_480 : i32
      %jit3A_482 = arith.constant 1 : i32
      %select_n3A_483 = arith.select %eq3A_481, %jit3A_482, %jit3A_479 : i32
      %rem3A_484 = arith.remsi %arg0, %select_n3A_483 : i32
      %ne3A_485 = arith.constant 0 : i32
      %ne3A_486 = arith.cmpi ne, %rem3A_484, %ne3A_485 : i32
      %lt3A_487 = arith.constant 0 : i32
      %lt3A_488 = arith.cmpi slt, %rem3A_484, %lt3A_487 : i32
      %lt3A_489 = arith.constant 0 : i32
      %lt3A_490 = arith.cmpi slt, %select_n3A_483, %lt3A_489 : i32
      %ne3A_491 = arith.xori %lt3A_488, %lt3A_490 : i1
      %and3A_492 = arith.andi %ne3A_491, %ne3A_486 : i1
      %add3A_493 = arith.addi %rem3A_484, %select_n3A_483 : i32
      %select_n3A_494 = arith.select %and3A_492, %add3A_493, %rem3A_484 : i32
      %mul3A_495 = arith.constant 16 : i32
      %mul3A_496 = arith.muli %select_n3A_494, %mul3A_495 : i32
      %add3A_497 = arith.constant 12 : i32
      %add3A_498 = arith.addi %mul3A_496, %add3A_497 : i32
      %get3A_499 = arith.index_cast %add3A_498 : i32 to index
      %get3A_500 = arith.constant 0 : index
      %get3A_501 = arith.constant 0 : index
      %get3A_502 = vector.load %arg1[%get3A_499, %get3A_500, %get3A_501] : memref<64x64x1024xf32, #tpu.memory_space<vmem>>, vector<1x64x1024xf32>
      %get3A_503 = vector.shape_cast %get3A_502 : vector<1x64x1024xf32> to vector<64x1024xf32>
      %get3A_504 = arith.constant 0 : index
      %get3A_505 = arith.constant 0 : index
      %get3A_506 = vector.load %arg7[%get3A_504, %get3A_505] : memref<64x1xf32, #tpu.memory_space<vmem>>, vector<64x1xf32>
      %sub3A_507 = vector.broadcast %get3A_506 : vector<64x1xf32> to vector<64x1024xf32>
      %sub3A_508 = arith.subf %get3A_503, %sub3A_507 : vector<64x1024xf32>
      %get3A_509 = arith.constant 0 : index
      %get3A_510 = arith.constant 0 : index
      %get3A_511 = vector.load %arg6[%get3A_509, %get3A_510] : memref<64x1024xf32, #tpu.memory_space<vmem>>, vector<64x1024xf32>
      %mul3A_512 = arith.mulf %sub3A_508, %sub3A_508 : vector<64x1024xf32>
      %add3A_513 = arith.addf %get3A_511, %mul3A_512 : vector<64x1024xf32>
      %swap3A_514 = arith.constant 0 : index
      %swap3A_515 = arith.constant 0 : index
      %swap3A_516 = vector.load %arg6[%swap3A_514, %swap3A_515] : memref<64x1024xf32, #tpu.memory_space<vmem>>, vector<64x1024xf32>
      tpu.vector_store %arg6[%swap3A_514, %swap3A_515], %add3A_513 {strides = array<i32>} : memref<64x1024xf32, #tpu.memory_space<vmem>>, vector<64x1024xf32>,
      %jit3A_517 = arith.constant 4 : i32
      %eq3A_518 = arith.constant 0 : i32
      %eq3A_519 = arith.cmpi eq, %jit3A_517, %eq3A_518 : i32
      %jit3A_520 = arith.constant 1 : i32
      %select_n3A_521 = arith.select %eq3A_519, %jit3A_520, %jit3A_517 : i32
      %rem3A_522 = arith.remsi %arg0, %select_n3A_521 : i32
      %ne3A_523 = arith.constant 0 : i32
      %ne3A_524 = arith.cmpi ne, %rem3A_522, %ne3A_523 : i32
      %lt3A_525 = arith.constant 0 : i32
      %lt3A_526 = arith.cmpi slt, %rem3A_522, %lt3A_525 : i32
      %lt3A_527 = arith.constant 0 : i32
      %lt3A_528 = arith.cmpi slt, %select_n3A_521, %lt3A_527 : i32
      %ne3A_529 = arith.xori %lt3A_526, %lt3A_528 : i1
      %and3A_530 = arith.andi %ne3A_529, %ne3A_524 : i1
      %add3A_531 = arith.addi %rem3A_522, %select_n3A_521 : i32
      %select_n3A_532 = arith.select %and3A_530, %add3A_531, %rem3A_522 : i32
      %mul3A_533 = arith.constant 16 : i32
      %mul3A_534 = arith.muli %select_n3A_532, %mul3A_533 : i32
      %add3A_535 = arith.constant 13 : i32
      %add3A_536 = arith.addi %mul3A_534, %add3A_535 : i32
      %get3A_537 = arith.index_cast %add3A_536 : i32 to index
      %get3A_538 = arith.constant 0 : index
      %get3A_539 = arith.constant 0 : index
      %get3A_540 = vector.load %arg1[%get3A_537, %get3A_538, %get3A_539] : memref<64x64x1024xf32, #tpu.memory_space<vmem>>, vector<1x64x1024xf32>
      %get3A_541 = vector.shape_cast %get3A_540 : vector<1x64x1024xf32> to vector<64x1024xf32>
      %get3A_542 = arith.constant 0 : index
      %get3A_543 = arith.constant 0 : index
      %get3A_544 = vector.load %arg7[%get3A_542, %get3A_543] : memref<64x1xf32, #tpu.memory_space<vmem>>, vector<64x1xf32>
      %sub3A_545 = vector.broadcast %get3A_544 : vector<64x1xf32> to vector<64x1024xf32>
      %sub3A_546 = arith.subf %get3A_541, %sub3A_545 : vector<64x1024xf32>
      %get3A_547 = arith.constant 0 : index
      %get3A_548 = arith.constant 0 : index
      %get3A_549 = vector.load %arg6[%get3A_547, %get3A_548] : memref<64x1024xf32, #tpu.memory_space<vmem>>, vector<64x1024xf32>
      %mul3A_550 = arith.mulf %sub3A_546, %sub3A_546 : vector<64x1024xf32>
      %add3A_551 = arith.addf %get3A_549, %mul3A_550 : vector<64x1024xf32>
      %swap3A_552 = arith.constant 0 : index
      %swap3A_553 = arith.constant 0 : index
      %swap3A_554 = vector.load %arg6[%swap3A_552, %swap3A_553] : memref<64x1024xf32, #tpu.memory_space<vmem>>, vector<64x1024xf32>
      tpu.vector_store %arg6[%swap3A_552, %swap3A_553], %add3A_551 {strides = array<i32>} : memref<64x1024xf32, #tpu.memory_space<vmem>>, vector<64x1024xf32>,
      %jit3A_555 = arith.constant 4 : i32
      %eq3A_556 = arith.constant 0 : i32
      %eq3A_557 = arith.cmpi eq, %jit3A_555, %eq3A_556 : i32
      %jit3A_558 = arith.constant 1 : i32
      %select_n3A_559 = arith.select %eq3A_557, %jit3A_558, %jit3A_555 : i32
      %rem3A_560 = arith.remsi %arg0, %select_n3A_559 : i32
      %ne3A_561 = arith.constant 0 : i32
      %ne3A_562 = arith.cmpi ne, %rem3A_560, %ne3A_561 : i32
      %lt3A_563 = arith.constant 0 : i32
      %lt3A_564 = arith.cmpi slt, %rem3A_560, %lt3A_563 : i32
      %lt3A_565 = arith.constant 0 : i32
      %lt3A_566 = arith.cmpi slt, %select_n3A_559, %lt3A_565 : i32
      %ne3A_567 = arith.xori %lt3A_564, %lt3A_566 : i1
      %and3A_568 = arith.andi %ne3A_567, %ne3A_562 : i1
      %add3A_569 = arith.addi %rem3A_560, %select_n3A_559 : i32
      %select_n3A_570 = arith.select %and3A_568, %add3A_569, %rem3A_560 : i32
      %mul3A_571 = arith.constant 16 : i32
      %mul3A_572 = arith.muli %select_n3A_570, %mul3A_571 : i32
      %add3A_573 = arith.constant 14 : i32
      %add3A_574 = arith.addi %mul3A_572, %add3A_573 : i32
      %get3A_575 = arith.index_cast %add3A_574 : i32 to index
      %get3A_576 = arith.constant 0 : index
      %get3A_577 = arith.constant 0 : index
      %get3A_578 = vector.load %arg1[%get3A_575, %get3A_576, %get3A_577] : memref<64x64x1024xf32, #tpu.memory_space<vmem>>, vector<1x64x1024xf32>
      %get3A_579 = vector.shape_cast %get3A_578 : vector<1x64x1024xf32> to vector<64x1024xf32>
      %get3A_580 = arith.constant 0 : index
      %get3A_581 = arith.constant 0 : index
      %get3A_582 = vector.load %arg7[%get3A_580, %get3A_581] : memref<64x1xf32, #tpu.memory_space<vmem>>, vector<64x1xf32>
      %sub3A_583 = vector.broadcast %get3A_582 : vector<64x1xf32> to vector<64x1024xf32>
      %sub3A_584 = arith.subf %get3A_579, %sub3A_583 : vector<64x1024xf32>
      %get3A_585 = arith.constant 0 : index
      %get3A_586 = arith.constant 0 : index
      %get3A_587 = vector.load %arg6[%get3A_585, %get3A_586] : memref<64x1024xf32, #tpu.memory_space<vmem>>, vector<64x1024xf32>
      %mul3A_588 = arith.mulf %sub3A_584, %sub3A_584 : vector<64x1024xf32>
      %add3A_589 = arith.addf %get3A_587, %mul3A_588 : vector<64x1024xf32>
      %swap3A_590 = arith.constant 0 : index
      %swap3A_591 = arith.constant 0 : index
      %swap3A_592 = vector.load %arg6[%swap3A_590, %swap3A_591] : memref<64x1024xf32, #tpu.memory_space<vmem>>, vector<64x1024xf32>
      tpu.vector_store %arg6[%swap3A_590, %swap3A_591], %add3A_589 {strides = array<i32>} : memref<64x1024xf32, #tpu.memory_space<vmem>>, vector<64x1024xf32>,
      %jit3A_593 = arith.constant 4 : i32
      %eq3A_594 = arith.constant 0 : i32
      %eq3A_595 = arith.cmpi eq, %jit3A_593, %eq3A_594 : i32
      %jit3A_596 = arith.constant 1 : i32
      %select_n3A_597 = arith.select %eq3A_595, %jit3A_596, %jit3A_593 : i32
      %rem3A_598 = arith.remsi %arg0, %select_n3A_597 : i32
      %ne3A_599 = arith.constant 0 : i32
      %ne3A_600 = arith.cmpi ne, %rem3A_598, %ne3A_599 : i32
      %lt3A_601 = arith.constant 0 : i32
      %lt3A_602 = arith.cmpi slt, %rem3A_598, %lt3A_601 : i32
      %lt3A_603 = arith.constant 0 : i32
      %lt3A_604 = arith.cmpi slt, %select_n3A_597, %lt3A_603 : i32
      %ne3A_605 = arith.xori %lt3A_602, %lt3A_604 : i1
      %and3A_606 = arith.andi %ne3A_605, %ne3A_600 : i1
      %add3A_607 = arith.addi %rem3A_598, %select_n3A_597 : i32
      %select_n3A_608 = arith.select %and3A_606, %add3A_607, %rem3A_598 : i32
      %mul3A_609 = arith.constant 16 : i32
      %mul3A_610 = arith.muli %select_n3A_608, %mul3A_609 : i32
      %add3A_611 = arith.constant 15 : i32
      %add3A_612 = arith.addi %mul3A_610, %add3A_611 : i32
      %get3A_613 = arith.index_cast %add3A_612 : i32 to index
      %get3A_614 = arith.constant 0 : index
      %get3A_615 = arith.constant 0 : index
      %get3A_616 = vector.load %arg1[%get3A_613, %get3A_614, %get3A_615] : memref<64x64x1024xf32, #tpu.memory_space<vmem>>, vector<1x64x1024xf32>
      %get3A_617 = vector.shape_cast %get3A_616 : vector<1x64x1024xf32> to vector<64x1024xf32>
      %get3A_618 = arith.constant 0 : index
      %get3A_619 = arith.constant 0 : index
      %get3A_620 = vector.load %arg7[%get3A_618, %get3A_619] : memref<64x1xf32, #tpu.memory_space<vmem>>, vector<64x1xf32>
      %sub3A_621 = vector.broadcast %get3A_620 : vector<64x1xf32> to vector<64x1024xf32>
      %sub3A_622 = arith.subf %get3A_617, %sub3A_621 : vector<64x1024xf32>
      %get3A_623 = arith.constant 0 : index
      %get3A_624 = arith.constant 0 : index
      %get3A_625 = vector.load %arg6[%get3A_623, %get3A_624] : memref<64x1024xf32, #tpu.memory_space<vmem>>, vector<64x1024xf32>
      %mul3A_626 = arith.mulf %sub3A_622, %sub3A_622 : vector<64x1024xf32>
      %add3A_627 = arith.addf %get3A_625, %mul3A_626 : vector<64x1024xf32>
      %swap3A_628 = arith.constant 0 : index
      %swap3A_629 = arith.constant 0 : index
      %swap3A_630 = vector.load %arg6[%swap3A_628, %swap3A_629] : memref<64x1024xf32, #tpu.memory_space<vmem>>, vector<64x1024xf32>
      tpu.vector_store %arg6[%swap3A_628, %swap3A_629], %add3A_627 {strides = array<i32>} : memref<64x1024xf32, #tpu.memory_space<vmem>>, vector<64x1024xf32>,
    } else {
    }
    %eq3A_17 = arith.constant 8 : i32
    %eq3A_18 = arith.cmpi eq, %arg0, %eq3A_17 : i32
    %convert_element_type3A_19 = arith.extui %eq3A_18 : i1 to i32
    %cond3A_20 = arith.constant 0 : i32
    %cond3A_21 = arith.cmpi ne, %convert_element_type3A_19, %cond3A_20 : i32
    scf.if %cond3A_21 {
      %get3A = arith.constant 0 : index
      %get3A_32 = arith.constant 0 : index
      %get3A_33 = vector.load %arg6[%get3A, %get3A_32] : memref<64x1024xf32, #tpu.memory_space<vmem>>, vector<64x1024xf32>
      %reduce_sum3A = arith.constant dense<0.000000e+00> : vector<64xf32>
      %reduce_sum3A_34 = vector.multi_reduction <add>, %get3A_33, %reduce_sum3A [1] : vector<64x1024xf32> to vector<64xf32>
      %broadcast_in_dim3A = vector.shape_cast %reduce_sum3A_34 : vector<64xf32> to vector<64x1xf32>
      %div3A = arith.constant 6.553500e+04 : f32
      %div3A_35 = vector.broadcast %div3A : f32 to vector<64x1xf32>
      %div3A_36 = arith.divf %broadcast_in_dim3A, %div3A_35 : vector<64x1xf32>
      %sqrt3A = math.sqrt %div3A_36 : vector<64x1xf32>
      %max3A = arith.constant 9.99999974E-6 : f32
      %max3A_37 = vector.broadcast %max3A : f32 to vector<64x1xf32>
      %max3A_38 = arith.maximumf %sqrt3A, %max3A_37 : vector<64x1xf32>
      %swap3A = arith.constant 0 : index
      %swap3A_39 = arith.constant 0 : index
      %swap3A_40 = vector.load %arg8[%swap3A, %swap3A_39] : memref<64x1xf32, #tpu.memory_space<vmem>>, vector<64x1xf32>
      tpu.vector_store %arg8[%swap3A, %swap3A_39], %max3A_38 {strides = array<i32>} : memref<64x1xf32, #tpu.memory_space<vmem>>, vector<64x1xf32>,
      %get3A_41 = arith.constant 0 : index
      %get3A_42 = arith.constant 0 : index
      %get3A_43 = vector.load %arg2[%get3A_41, %get3A_42] : memref<512x64xf32, #tpu.memory_space<vmem>>, vector<512x64xf32>
      %transpose3A = tpu.transpose %get3A_43, [1, 0] : vector<512x64xf32> -> vector<64x512xf32>
      %swap3A_44 = arith.constant 0 : index
      %swap3A_45 = arith.constant 0 : index
      %swap3A_46 = vector.load %arg5[%swap3A_44, %swap3A_45] : memref<64x512xf32, #tpu.memory_space<vmem>>, vector<64x512xf32>
      tpu.vector_store %arg5[%swap3A_44, %swap3A_45], %transpose3A {strides = array<i32>} : memref<64x512xf32, #tpu.memory_space<vmem>>, vector<64x512xf32>,
      %mul3A = arith.constant -2.000000e+00 : f32
      %mul3A_47 = vector.broadcast %mul3A : f32 to vector<512x64xf32>
      %mul3A_48 = arith.mulf %get3A_43, %mul3A_47 : vector<512x64xf32>
      %swap3A_49 = arith.constant 0 : index
      %swap3A_50 = arith.constant 0 : index
      %swap3A_51 = vector.load %arg9[%swap3A_49, %swap3A_50] : memref<512x64xf32, #tpu.memory_space<vmem>>, vector<512x64xf32>
      tpu.vector_store %arg9[%swap3A_49, %swap3A_50], %mul3A_48 {strides = array<i32>} : memref<512x64xf32, #tpu.memory_space<vmem>>, vector<512x64xf32>,
      %mul3A_52 = arith.mulf %get3A_43, %get3A_43 : vector<512x64xf32>
      %reduce_sum3A_53 = arith.constant dense<0.000000e+00> : vector<512xf32>
      %reduce_sum3A_54 = vector.multi_reduction <add>, %mul3A_52, %reduce_sum3A_53 [1] : vector<512x64xf32> to vector<512xf32>
      %broadcast_in_dim3A_55 = vector.shape_cast %reduce_sum3A_54 : vector<512xf32> to vector<512x1xf32>
      %swap3A_56 = arith.constant 0 : index
      %swap3A_57 = arith.constant 0 : index
      %swap3A_58 = vector.load %arg10[%swap3A_56, %swap3A_57] : memref<512x1xf32, #tpu.memory_space<vmem>>, vector<512x1xf32>
      tpu.vector_store %arg10[%swap3A_56, %swap3A_57], %broadcast_in_dim3A_55 {strides = array<i32>} : memref<512x1xf32, #tpu.memory_space<vmem>>, vector<512x1xf32>,
      %swap3A_59 = arith.constant 0.000000e+00 : f32
      %swap3A_60 = arith.constant 0 : index
      %swap3A_61 = arith.constant 0 : index
      %swap3A_62 = memref.load %arg11[%swap3A_60, %swap3A_61] : memref<1x1xf32, #tpu.memory_space<smem>>
      memref.store %swap3A_59, %arg11[%swap3A_60, %swap3A_61] : memref<1x1xf32, #tpu.memory_space<smem>>
    } else {
    }
    %ge3A_22 = arith.constant 8 : i32
    %ge3A_23 = arith.cmpi sge, %arg0, %ge3A_22 : i32
    %convert_element_type3A_24 = arith.extui %ge3A_23 : i1 to i32
    %cond3A_25 = arith.constant 0 : i32
    %cond3A_26 = arith.cmpi ne, %convert_element_type3A_24, %cond3A_25 : i32
    scf.if %cond3A_26 {
      %jit3A = arith.constant 4 : i32
      %eq3A_32 = arith.constant 0 : i32
      %eq3A_33 = arith.cmpi eq, %jit3A, %eq3A_32 : i32
      %jit3A_34 = arith.constant 1 : i32
      %select_n3A = arith.select %eq3A_33, %jit3A_34, %jit3A : i32
      %rem3A = arith.remsi %arg0, %select_n3A : i32
      %ne3A = arith.constant 0 : i32
      %ne3A_35 = arith.cmpi ne, %rem3A, %ne3A : i32
      %lt3A_36 = arith.constant 0 : i32
      %lt3A_37 = arith.cmpi slt, %rem3A, %lt3A_36 : i32
      %lt3A_38 = arith.constant 0 : i32
      %lt3A_39 = arith.cmpi slt, %select_n3A, %lt3A_38 : i32
      %ne3A_40 = arith.xori %lt3A_37, %lt3A_39 : i1
      %and3A_41 = arith.andi %ne3A_40, %ne3A_35 : i1
      %add3A = arith.addi %rem3A, %select_n3A : i32
      %select_n3A_42 = arith.select %and3A_41, %add3A, %rem3A : i32
      %mul3A = arith.constant 16 : i32
      %mul3A_43 = arith.muli %select_n3A_42, %mul3A : i32
      %add3A_44 = arith.constant 0 : i32
      %add3A_45 = arith.addi %mul3A_43, %add3A_44 : i32
      %get3A = arith.index_cast %add3A_45 : i32 to index
      %get3A_46 = arith.constant 0 : index
      %get3A_47 = arith.constant 0 : index
      %get3A_48 = vector.load %arg1[%get3A, %get3A_46, %get3A_47] : memref<64x64x1024xf32, #tpu.memory_space<vmem>>, vector<1x64x1024xf32>
      %get3A_49 = vector.shape_cast %get3A_48 : vector<1x64x1024xf32> to vector<64x1024xf32>
      %get3A_50 = arith.constant 0 : index
      %get3A_51 = arith.constant 0 : index
      %get3A_52 = vector.load %arg8[%get3A_50, %get3A_51] : memref<64x1xf32, #tpu.memory_space<vmem>>, vector<64x1xf32>
      %div3A = vector.broadcast %get3A_52 : vector<64x1xf32> to vector<64x1024xf32>
      %div3A_53 = arith.divf %get3A_49, %div3A : vector<64x1024xf32>
      %get3A_54 = arith.constant 0 : index
      %get3A_55 = arith.constant 0 : index
      %get3A_56 = vector.load %arg9[%get3A_54, %get3A_55] : memref<512x64xf32, #tpu.memory_space<vmem>>, vector<512x64xf32>
      %dot_general3A = arith.constant dense<0.000000e+00> : vector<512x1024xf32>
      %dot_general3A_57 = tpu.matmul %get3A_56, %div3A_53, %dot_general3A {dimension_numbers = #tpu.dot_dimension_numbers<[1], [0], [0], [1], [0, 0, 1, 1], [], []>, transpose_lhs_hint = false} : vector<512x64xf32>, vector<64x1024xf32>, vector<512x1024xf32> -> vector<512x1024xf32>
      %mul3A_58 = arith.mulf %div3A_53, %div3A_53 : vector<64x1024xf32>
      %reduce_sum3A = arith.constant dense<0.000000e+00> : vector<1024xf32>
      %reduce_sum3A_59 = vector.multi_reduction <add>, %mul3A_58, %reduce_sum3A [0] : vector<64x1024xf32> to vector<1024xf32>
      %broadcast_in_dim3A = vector.shape_cast %reduce_sum3A_59 : vector<1024xf32> to vector<1x1024xf32>
      %add3A_60 = vector.broadcast %broadcast_in_dim3A : vector<1x1024xf32> to vector<512x1024xf32>
      %add3A_61 = arith.addf %add3A_60, %dot_general3A_57 : vector<512x1024xf32>
      %get3A_62 = arith.constant 0 : index
      %get3A_63 = arith.constant 0 : index
      %get3A_64 = vector.load %arg10[%get3A_62, %get3A_63] : memref<512x1xf32, #tpu.memory_space<vmem>>, vector<512x1xf32>
      %add3A_65 = vector.broadcast %get3A_64 : vector<512x1xf32> to vector<512x1024xf32>
      %add3A_66 = arith.addf %add3A_61, %add3A_65 : vector<512x1024xf32>
      %reduce_min3A = arith.constant dense<0x7F800000> : vector<1024xf32>
      %reduce_min3A_67 = vector.multi_reduction <minimumf>, %add3A_66, %reduce_min3A [0] : vector<512x1024xf32> to vector<1024xf32>
      %argmin3A = tpu.reduce_index %add3A_66 {axis = 0 : i32, kind = #tpu.reduction_kind<arg_min>} : vector<512x1024xf32> -> vector<1024xi32>
      %get3A_68 = arith.constant 0 : index
      %get3A_69 = arith.constant 0 : index
      %get3A_70 = memref.load %arg11[%get3A_68, %get3A_69] : memref<1x1xf32, #tpu.memory_space<smem>>
      %reduce_sum3A_71 = vector.shape_cast %reduce_min3A_67 : vector<1024xf32> to vector<1x1024xf32>
      %reduce_sum3A_72 = arith.constant dense<0.000000e+00> : vector<1xf32>
      %reduce_sum3A_73 = vector.multi_reduction <add>, %reduce_sum3A_71, %reduce_sum3A_72 [1] : vector<1x1024xf32> to vector<1xf32>
      %reduce_sum3A_74 = vector.shape_cast %reduce_sum3A_73 : vector<1xf32> to vector<1x1xf32>
      %reduce_sum3A_75 = vector.extract %reduce_sum3A_74[0, 0] : f32 from vector<1x1xf32>
      %add3A_76 = arith.addf %get3A_70, %reduce_sum3A_75 : f32
      %swap3A = arith.constant 0 : index
      %swap3A_77 = arith.constant 0 : index
      %swap3A_78 = memref.load %arg11[%swap3A, %swap3A_77] : memref<1x1xf32, #tpu.memory_space<smem>>
      memref.store %add3A_76, %arg11[%swap3A, %swap3A_77] : memref<1x1xf32, #tpu.memory_space<smem>>
      %swap3A_79 = arith.constant 0 : index
      %swap3A_80 = arith.constant 0 : index
      %swap3A_81 = vector.load %arg3[%swap3A_79, %swap3A_80] : memref<16x1024xi32, #tpu.memory_space<vmem>>, vector<1x1024xi32>
      %swap3A_82 = vector.shape_cast %swap3A_81 : vector<1x1024xi32> to vector<1024xi32>
      %swap3A_83 = vector.shape_cast %argmin3A : vector<1024xi32> to vector<1x1024xi32>
      tpu.vector_store %arg3[%swap3A_79, %swap3A_80], %swap3A_83 {strides = array<i32>} : memref<16x1024xi32, #tpu.memory_space<vmem>>, vector<1x1024xi32>,
      %jit3A_84 = arith.constant 4 : i32
      %eq3A_85 = arith.constant 0 : i32
      %eq3A_86 = arith.cmpi eq, %jit3A_84, %eq3A_85 : i32
      %jit3A_87 = arith.constant 1 : i32
      %select_n3A_88 = arith.select %eq3A_86, %jit3A_87, %jit3A_84 : i32
      %rem3A_89 = arith.remsi %arg0, %select_n3A_88 : i32
      %ne3A_90 = arith.constant 0 : i32
      %ne3A_91 = arith.cmpi ne, %rem3A_89, %ne3A_90 : i32
      %lt3A_92 = arith.constant 0 : i32
      %lt3A_93 = arith.cmpi slt, %rem3A_89, %lt3A_92 : i32
      %lt3A_94 = arith.constant 0 : i32
      %lt3A_95 = arith.cmpi slt, %select_n3A_88, %lt3A_94 : i32
      %ne3A_96 = arith.xori %lt3A_93, %lt3A_95 : i1
      %and3A_97 = arith.andi %ne3A_96, %ne3A_91 : i1
      %add3A_98 = arith.addi %rem3A_89, %select_n3A_88 : i32
      %select_n3A_99 = arith.select %and3A_97, %add3A_98, %rem3A_89 : i32
      %mul3A_100 = arith.constant 16 : i32
      %mul3A_101 = arith.muli %select_n3A_99, %mul3A_100 : i32
      %add3A_102 = arith.constant 1 : i32
      %add3A_103 = arith.addi %mul3A_101, %add3A_102 : i32
      %get3A_104 = arith.index_cast %add3A_103 : i32 to index
      %get3A_105 = arith.constant 0 : index
      %get3A_106 = arith.constant 0 : index
      %get3A_107 = vector.load %arg1[%get3A_104, %get3A_105, %get3A_106] : memref<64x64x1024xf32, #tpu.memory_space<vmem>>, vector<1x64x1024xf32>
      %get3A_108 = vector.shape_cast %get3A_107 : vector<1x64x1024xf32> to vector<64x1024xf32>
      %get3A_109 = arith.constant 0 : index
      %get3A_110 = arith.constant 0 : index
      %get3A_111 = vector.load %arg8[%get3A_109, %get3A_110] : memref<64x1xf32, #tpu.memory_space<vmem>>, vector<64x1xf32>
      %div3A_112 = vector.broadcast %get3A_111 : vector<64x1xf32> to vector<64x1024xf32>
      %div3A_113 = arith.divf %get3A_108, %div3A_112 : vector<64x1024xf32>
      %get3A_114 = arith.constant 0 : index
      %get3A_115 = arith.constant 0 : index
      %get3A_116 = vector.load %arg9[%get3A_114, %get3A_115] : memref<512x64xf32, #tpu.memory_space<vmem>>, vector<512x64xf32>
      %dot_general3A_117 = arith.constant dense<0.000000e+00> : vector<512x1024xf32>
      %dot_general3A_118 = tpu.matmul %get3A_116, %div3A_113, %dot_general3A_117 {dimension_numbers = #tpu.dot_dimension_numbers<[1], [0], [0], [1], [0, 0, 1, 1], [], []>, transpose_lhs_hint = false} : vector<512x64xf32>, vector<64x1024xf32>, vector<512x1024xf32> -> vector<512x1024xf32>
      %mul3A_119 = arith.mulf %div3A_113, %div3A_113 : vector<64x1024xf32>
      %reduce_sum3A_120 = arith.constant dense<0.000000e+00> : vector<1024xf32>
      %reduce_sum3A_121 = vector.multi_reduction <add>, %mul3A_119, %reduce_sum3A_120 [0] : vector<64x1024xf32> to vector<1024xf32>
      %broadcast_in_dim3A_122 = vector.shape_cast %reduce_sum3A_121 : vector<1024xf32> to vector<1x1024xf32>
      %add3A_123 = vector.broadcast %broadcast_in_dim3A_122 : vector<1x1024xf32> to vector<512x1024xf32>
      %add3A_124 = arith.addf %add3A_123, %dot_general3A_118 : vector<512x1024xf32>
      %get3A_125 = arith.constant 0 : index
      %get3A_126 = arith.constant 0 : index
      %get3A_127 = vector.load %arg10[%get3A_125, %get3A_126] : memref<512x1xf32, #tpu.memory_space<vmem>>, vector<512x1xf32>
      %add3A_128 = vector.broadcast %get3A_127 : vector<512x1xf32> to vector<512x1024xf32>
      %add3A_129 = arith.addf %add3A_124, %add3A_128 : vector<512x1024xf32>
      %reduce_min3A_130 = arith.constant dense<0x7F800000> : vector<1024xf32>
      %reduce_min3A_131 = vector.multi_reduction <minimumf>, %add3A_129, %reduce_min3A_130 [0] : vector<512x1024xf32> to vector<1024xf32>
      %argmin3A_132 = tpu.reduce_index %add3A_129 {axis = 0 : i32, kind = #tpu.reduction_kind<arg_min>} : vector<512x1024xf32> -> vector<1024xi32>
      %get3A_133 = arith.constant 0 : index
      %get3A_134 = arith.constant 0 : index
      %get3A_135 = memref.load %arg11[%get3A_133, %get3A_134] : memref<1x1xf32, #tpu.memory_space<smem>>
      %reduce_sum3A_136 = vector.shape_cast %reduce_min3A_131 : vector<1024xf32> to vector<1x1024xf32>
      %reduce_sum3A_137 = arith.constant dense<0.000000e+00> : vector<1xf32>
      %reduce_sum3A_138 = vector.multi_reduction <add>, %reduce_sum3A_136, %reduce_sum3A_137 [1] : vector<1x1024xf32> to vector<1xf32>
      %reduce_sum3A_139 = vector.shape_cast %reduce_sum3A_138 : vector<1xf32> to vector<1x1xf32>
      %reduce_sum3A_140 = vector.extract %reduce_sum3A_139[0, 0] : f32 from vector<1x1xf32>
      %add3A_141 = arith.addf %get3A_135, %reduce_sum3A_140 : f32
      %swap3A_142 = arith.constant 0 : index
      %swap3A_143 = arith.constant 0 : index
      %swap3A_144 = memref.load %arg11[%swap3A_142, %swap3A_143] : memref<1x1xf32, #tpu.memory_space<smem>>
      memref.store %add3A_141, %arg11[%swap3A_142, %swap3A_143] : memref<1x1xf32, #tpu.memory_space<smem>>
      %swap3A_145 = arith.constant 1 : index
      %swap3A_146 = arith.constant 0 : index
      %swap3A_147 = vector.load %arg3[%swap3A_145, %swap3A_146] : memref<16x1024xi32, #tpu.memory_space<vmem>>, vector<1x1024xi32>
      %swap3A_148 = vector.shape_cast %swap3A_147 : vector<1x1024xi32> to vector<1024xi32>
      %swap3A_149 = vector.shape_cast %argmin3A_132 : vector<1024xi32> to vector<1x1024xi32>
      tpu.vector_store %arg3[%swap3A_145, %swap3A_146], %swap3A_149 {strides = array<i32>} : memref<16x1024xi32, #tpu.memory_space<vmem>>, vector<1x1024xi32>,
      %jit3A_150 = arith.constant 4 : i32
      %eq3A_151 = arith.constant 0 : i32
      %eq3A_152 = arith.cmpi eq, %jit3A_150, %eq3A_151 : i32
      %jit3A_153 = arith.constant 1 : i32
      %select_n3A_154 = arith.select %eq3A_152, %jit3A_153, %jit3A_150 : i32
      %rem3A_155 = arith.remsi %arg0, %select_n3A_154 : i32
      %ne3A_156 = arith.constant 0 : i32
      %ne3A_157 = arith.cmpi ne, %rem3A_155, %ne3A_156 : i32
      %lt3A_158 = arith.constant 0 : i32
      %lt3A_159 = arith.cmpi slt, %rem3A_155, %lt3A_158 : i32
      %lt3A_160 = arith.constant 0 : i32
      %lt3A_161 = arith.cmpi slt, %select_n3A_154, %lt3A_160 : i32
      %ne3A_162 = arith.xori %lt3A_159, %lt3A_161 : i1
      %and3A_163 = arith.andi %ne3A_162, %ne3A_157 : i1
      %add3A_164 = arith.addi %rem3A_155, %select_n3A_154 : i32
      %select_n3A_165 = arith.select %and3A_163, %add3A_164, %rem3A_155 : i32
      %mul3A_166 = arith.constant 16 : i32
      %mul3A_167 = arith.muli %select_n3A_165, %mul3A_166 : i32
      %add3A_168 = arith.constant 2 : i32
      %add3A_169 = arith.addi %mul3A_167, %add3A_168 : i32
      %get3A_170 = arith.index_cast %add3A_169 : i32 to index
      %get3A_171 = arith.constant 0 : index
      %get3A_172 = arith.constant 0 : index
      %get3A_173 = vector.load %arg1[%get3A_170, %get3A_171, %get3A_172] : memref<64x64x1024xf32, #tpu.memory_space<vmem>>, vector<1x64x1024xf32>
      %get3A_174 = vector.shape_cast %get3A_173 : vector<1x64x1024xf32> to vector<64x1024xf32>
      %get3A_175 = arith.constant 0 : index
      %get3A_176 = arith.constant 0 : index
      %get3A_177 = vector.load %arg8[%get3A_175, %get3A_176] : memref<64x1xf32, #tpu.memory_space<vmem>>, vector<64x1xf32>
      %div3A_178 = vector.broadcast %get3A_177 : vector<64x1xf32> to vector<64x1024xf32>
      %div3A_179 = arith.divf %get3A_174, %div3A_178 : vector<64x1024xf32>
      %get3A_180 = arith.constant 0 : index
      %get3A_181 = arith.constant 0 : index
      %get3A_182 = vector.load %arg9[%get3A_180, %get3A_181] : memref<512x64xf32, #tpu.memory_space<vmem>>, vector<512x64xf32>
      %dot_general3A_183 = arith.constant dense<0.000000e+00> : vector<512x1024xf32>
      %dot_general3A_184 = tpu.matmul %get3A_182, %div3A_179, %dot_general3A_183 {dimension_numbers = #tpu.dot_dimension_numbers<[1], [0], [0], [1], [0, 0, 1, 1], [], []>, transpose_lhs_hint = false} : vector<512x64xf32>, vector<64x1024xf32>, vector<512x1024xf32> -> vector<512x1024xf32>
      %mul3A_185 = arith.mulf %div3A_179, %div3A_179 : vector<64x1024xf32>
      %reduce_sum3A_186 = arith.constant dense<0.000000e+00> : vector<1024xf32>
      %reduce_sum3A_187 = vector.multi_reduction <add>, %mul3A_185, %reduce_sum3A_186 [0] : vector<64x1024xf32> to vector<1024xf32>
      %broadcast_in_dim3A_188 = vector.shape_cast %reduce_sum3A_187 : vector<1024xf32> to vector<1x1024xf32>
      %add3A_189 = vector.broadcast %broadcast_in_dim3A_188 : vector<1x1024xf32> to vector<512x1024xf32>
      %add3A_190 = arith.addf %add3A_189, %dot_general3A_184 : vector<512x1024xf32>
      %get3A_191 = arith.constant 0 : index
      %get3A_192 = arith.constant 0 : index
      %get3A_193 = vector.load %arg10[%get3A_191, %get3A_192] : memref<512x1xf32, #tpu.memory_space<vmem>>, vector<512x1xf32>
      %add3A_194 = vector.broadcast %get3A_193 : vector<512x1xf32> to vector<512x1024xf32>
      %add3A_195 = arith.addf %add3A_190, %add3A_194 : vector<512x1024xf32>
      %reduce_min3A_196 = arith.constant dense<0x7F800000> : vector<1024xf32>
      %reduce_min3A_197 = vector.multi_reduction <minimumf>, %add3A_195, %reduce_min3A_196 [0] : vector<512x1024xf32> to vector<1024xf32>
      %argmin3A_198 = tpu.reduce_index %add3A_195 {axis = 0 : i32, kind = #tpu.reduction_kind<arg_min>} : vector<512x1024xf32> -> vector<1024xi32>
      %get3A_199 = arith.constant 0 : index
      %get3A_200 = arith.constant 0 : index
      %get3A_201 = memref.load %arg11[%get3A_199, %get3A_200] : memref<1x1xf32, #tpu.memory_space<smem>>
      %reduce_sum3A_202 = vector.shape_cast %reduce_min3A_197 : vector<1024xf32> to vector<1x1024xf32>
      %reduce_sum3A_203 = arith.constant dense<0.000000e+00> : vector<1xf32>
      %reduce_sum3A_204 = vector.multi_reduction <add>, %reduce_sum3A_202, %reduce_sum3A_203 [1] : vector<1x1024xf32> to vector<1xf32>
      %reduce_sum3A_205 = vector.shape_cast %reduce_sum3A_204 : vector<1xf32> to vector<1x1xf32>
      %reduce_sum3A_206 = vector.extract %reduce_sum3A_205[0, 0] : f32 from vector<1x1xf32>
      %add3A_207 = arith.addf %get3A_201, %reduce_sum3A_206 : f32
      %swap3A_208 = arith.constant 0 : index
      %swap3A_209 = arith.constant 0 : index
      %swap3A_210 = memref.load %arg11[%swap3A_208, %swap3A_209] : memref<1x1xf32, #tpu.memory_space<smem>>
      memref.store %add3A_207, %arg11[%swap3A_208, %swap3A_209] : memref<1x1xf32, #tpu.memory_space<smem>>
      %swap3A_211 = arith.constant 2 : index
      %swap3A_212 = arith.constant 0 : index
      %swap3A_213 = vector.load %arg3[%swap3A_211, %swap3A_212] : memref<16x1024xi32, #tpu.memory_space<vmem>>, vector<1x1024xi32>
      %swap3A_214 = vector.shape_cast %swap3A_213 : vector<1x1024xi32> to vector<1024xi32>
      %swap3A_215 = vector.shape_cast %argmin3A_198 : vector<1024xi32> to vector<1x1024xi32>
      tpu.vector_store %arg3[%swap3A_211, %swap3A_212], %swap3A_215 {strides = array<i32>} : memref<16x1024xi32, #tpu.memory_space<vmem>>, vector<1x1024xi32>,
      %jit3A_216 = arith.constant 4 : i32
      %eq3A_217 = arith.constant 0 : i32
      %eq3A_218 = arith.cmpi eq, %jit3A_216, %eq3A_217 : i32
      %jit3A_219 = arith.constant 1 : i32
      %select_n3A_220 = arith.select %eq3A_218, %jit3A_219, %jit3A_216 : i32
      %rem3A_221 = arith.remsi %arg0, %select_n3A_220 : i32
      %ne3A_222 = arith.constant 0 : i32
      %ne3A_223 = arith.cmpi ne, %rem3A_221, %ne3A_222 : i32
      %lt3A_224 = arith.constant 0 : i32
      %lt3A_225 = arith.cmpi slt, %rem3A_221, %lt3A_224 : i32
      %lt3A_226 = arith.constant 0 : i32
      %lt3A_227 = arith.cmpi slt, %select_n3A_220, %lt3A_226 : i32
      %ne3A_228 = arith.xori %lt3A_225, %lt3A_227 : i1
      %and3A_229 = arith.andi %ne3A_228, %ne3A_223 : i1
      %add3A_230 = arith.addi %rem3A_221, %select_n3A_220 : i32
      %select_n3A_231 = arith.select %and3A_229, %add3A_230, %rem3A_221 : i32
      %mul3A_232 = arith.constant 16 : i32
      %mul3A_233 = arith.muli %select_n3A_231, %mul3A_232 : i32
      %add3A_234 = arith.constant 3 : i32
      %add3A_235 = arith.addi %mul3A_233, %add3A_234 : i32
      %get3A_236 = arith.index_cast %add3A_235 : i32 to index
      %get3A_237 = arith.constant 0 : index
      %get3A_238 = arith.constant 0 : index
      %get3A_239 = vector.load %arg1[%get3A_236, %get3A_237, %get3A_238] : memref<64x64x1024xf32, #tpu.memory_space<vmem>>, vector<1x64x1024xf32>
      %get3A_240 = vector.shape_cast %get3A_239 : vector<1x64x1024xf32> to vector<64x1024xf32>
      %get3A_241 = arith.constant 0 : index
      %get3A_242 = arith.constant 0 : index
      %get3A_243 = vector.load %arg8[%get3A_241, %get3A_242] : memref<64x1xf32, #tpu.memory_space<vmem>>, vector<64x1xf32>
      %div3A_244 = vector.broadcast %get3A_243 : vector<64x1xf32> to vector<64x1024xf32>
      %div3A_245 = arith.divf %get3A_240, %div3A_244 : vector<64x1024xf32>
      %get3A_246 = arith.constant 0 : index
      %get3A_247 = arith.constant 0 : index
      %get3A_248 = vector.load %arg9[%get3A_246, %get3A_247] : memref<512x64xf32, #tpu.memory_space<vmem>>, vector<512x64xf32>
      %dot_general3A_249 = arith.constant dense<0.000000e+00> : vector<512x1024xf32>
      %dot_general3A_250 = tpu.matmul %get3A_248, %div3A_245, %dot_general3A_249 {dimension_numbers = #tpu.dot_dimension_numbers<[1], [0], [0], [1], [0, 0, 1, 1], [], []>, transpose_lhs_hint = false} : vector<512x64xf32>, vector<64x1024xf32>, vector<512x1024xf32> -> vector<512x1024xf32>
      %mul3A_251 = arith.mulf %div3A_245, %div3A_245 : vector<64x1024xf32>
      %reduce_sum3A_252 = arith.constant dense<0.000000e+00> : vector<1024xf32>
      %reduce_sum3A_253 = vector.multi_reduction <add>, %mul3A_251, %reduce_sum3A_252 [0] : vector<64x1024xf32> to vector<1024xf32>
      %broadcast_in_dim3A_254 = vector.shape_cast %reduce_sum3A_253 : vector<1024xf32> to vector<1x1024xf32>
      %add3A_255 = vector.broadcast %broadcast_in_dim3A_254 : vector<1x1024xf32> to vector<512x1024xf32>
      %add3A_256 = arith.addf %add3A_255, %dot_general3A_250 : vector<512x1024xf32>
      %get3A_257 = arith.constant 0 : index
      %get3A_258 = arith.constant 0 : index
      %get3A_259 = vector.load %arg10[%get3A_257, %get3A_258] : memref<512x1xf32, #tpu.memory_space<vmem>>, vector<512x1xf32>
      %add3A_260 = vector.broadcast %get3A_259 : vector<512x1xf32> to vector<512x1024xf32>
      %add3A_261 = arith.addf %add3A_256, %add3A_260 : vector<512x1024xf32>
      %reduce_min3A_262 = arith.constant dense<0x7F800000> : vector<1024xf32>
      %reduce_min3A_263 = vector.multi_reduction <minimumf>, %add3A_261, %reduce_min3A_262 [0] : vector<512x1024xf32> to vector<1024xf32>
      %argmin3A_264 = tpu.reduce_index %add3A_261 {axis = 0 : i32, kind = #tpu.reduction_kind<arg_min>} : vector<512x1024xf32> -> vector<1024xi32>
      %get3A_265 = arith.constant 0 : index
      %get3A_266 = arith.constant 0 : index
      %get3A_267 = memref.load %arg11[%get3A_265, %get3A_266] : memref<1x1xf32, #tpu.memory_space<smem>>
      %reduce_sum3A_268 = vector.shape_cast %reduce_min3A_263 : vector<1024xf32> to vector<1x1024xf32>
      %reduce_sum3A_269 = arith.constant dense<0.000000e+00> : vector<1xf32>
      %reduce_sum3A_270 = vector.multi_reduction <add>, %reduce_sum3A_268, %reduce_sum3A_269 [1] : vector<1x1024xf32> to vector<1xf32>
      %reduce_sum3A_271 = vector.shape_cast %reduce_sum3A_270 : vector<1xf32> to vector<1x1xf32>
      %reduce_sum3A_272 = vector.extract %reduce_sum3A_271[0, 0] : f32 from vector<1x1xf32>
      %add3A_273 = arith.addf %get3A_267, %reduce_sum3A_272 : f32
      %swap3A_274 = arith.constant 0 : index
      %swap3A_275 = arith.constant 0 : index
      %swap3A_276 = memref.load %arg11[%swap3A_274, %swap3A_275] : memref<1x1xf32, #tpu.memory_space<smem>>
      memref.store %add3A_273, %arg11[%swap3A_274, %swap3A_275] : memref<1x1xf32, #tpu.memory_space<smem>>
      %swap3A_277 = arith.constant 3 : index
      %swap3A_278 = arith.constant 0 : index
      %swap3A_279 = vector.load %arg3[%swap3A_277, %swap3A_278] : memref<16x1024xi32, #tpu.memory_space<vmem>>, vector<1x1024xi32>
      %swap3A_280 = vector.shape_cast %swap3A_279 : vector<1x1024xi32> to vector<1024xi32>
      %swap3A_281 = vector.shape_cast %argmin3A_264 : vector<1024xi32> to vector<1x1024xi32>
      tpu.vector_store %arg3[%swap3A_277, %swap3A_278], %swap3A_281 {strides = array<i32>} : memref<16x1024xi32, #tpu.memory_space<vmem>>, vector<1x1024xi32>,
      %jit3A_282 = arith.constant 4 : i32
      %eq3A_283 = arith.constant 0 : i32
      %eq3A_284 = arith.cmpi eq, %jit3A_282, %eq3A_283 : i32
      %jit3A_285 = arith.constant 1 : i32
      %select_n3A_286 = arith.select %eq3A_284, %jit3A_285, %jit3A_282 : i32
      %rem3A_287 = arith.remsi %arg0, %select_n3A_286 : i32
      %ne3A_288 = arith.constant 0 : i32
      %ne3A_289 = arith.cmpi ne, %rem3A_287, %ne3A_288 : i32
      %lt3A_290 = arith.constant 0 : i32
      %lt3A_291 = arith.cmpi slt, %rem3A_287, %lt3A_290 : i32
      %lt3A_292 = arith.constant 0 : i32
      %lt3A_293 = arith.cmpi slt, %select_n3A_286, %lt3A_292 : i32
      %ne3A_294 = arith.xori %lt3A_291, %lt3A_293 : i1
      %and3A_295 = arith.andi %ne3A_294, %ne3A_289 : i1
      %add3A_296 = arith.addi %rem3A_287, %select_n3A_286 : i32
      %select_n3A_297 = arith.select %and3A_295, %add3A_296, %rem3A_287 : i32
      %mul3A_298 = arith.constant 16 : i32
      %mul3A_299 = arith.muli %select_n3A_297, %mul3A_298 : i32
      %add3A_300 = arith.constant 4 : i32
      %add3A_301 = arith.addi %mul3A_299, %add3A_300 : i32
      %get3A_302 = arith.index_cast %add3A_301 : i32 to index
      %get3A_303 = arith.constant 0 : index
      %get3A_304 = arith.constant 0 : index
      %get3A_305 = vector.load %arg1[%get3A_302, %get3A_303, %get3A_304] : memref<64x64x1024xf32, #tpu.memory_space<vmem>>, vector<1x64x1024xf32>
      %get3A_306 = vector.shape_cast %get3A_305 : vector<1x64x1024xf32> to vector<64x1024xf32>
      %get3A_307 = arith.constant 0 : index
      %get3A_308 = arith.constant 0 : index
      %get3A_309 = vector.load %arg8[%get3A_307, %get3A_308] : memref<64x1xf32, #tpu.memory_space<vmem>>, vector<64x1xf32>
      %div3A_310 = vector.broadcast %get3A_309 : vector<64x1xf32> to vector<64x1024xf32>
      %div3A_311 = arith.divf %get3A_306, %div3A_310 : vector<64x1024xf32>
      %get3A_312 = arith.constant 0 : index
      %get3A_313 = arith.constant 0 : index
      %get3A_314 = vector.load %arg9[%get3A_312, %get3A_313] : memref<512x64xf32, #tpu.memory_space<vmem>>, vector<512x64xf32>
      %dot_general3A_315 = arith.constant dense<0.000000e+00> : vector<512x1024xf32>
      %dot_general3A_316 = tpu.matmul %get3A_314, %div3A_311, %dot_general3A_315 {dimension_numbers = #tpu.dot_dimension_numbers<[1], [0], [0], [1], [0, 0, 1, 1], [], []>, transpose_lhs_hint = false} : vector<512x64xf32>, vector<64x1024xf32>, vector<512x1024xf32> -> vector<512x1024xf32>
      %mul3A_317 = arith.mulf %div3A_311, %div3A_311 : vector<64x1024xf32>
      %reduce_sum3A_318 = arith.constant dense<0.000000e+00> : vector<1024xf32>
      %reduce_sum3A_319 = vector.multi_reduction <add>, %mul3A_317, %reduce_sum3A_318 [0] : vector<64x1024xf32> to vector<1024xf32>
      %broadcast_in_dim3A_320 = vector.shape_cast %reduce_sum3A_319 : vector<1024xf32> to vector<1x1024xf32>
      %add3A_321 = vector.broadcast %broadcast_in_dim3A_320 : vector<1x1024xf32> to vector<512x1024xf32>
      %add3A_322 = arith.addf %add3A_321, %dot_general3A_316 : vector<512x1024xf32>
      %get3A_323 = arith.constant 0 : index
      %get3A_324 = arith.constant 0 : index
      %get3A_325 = vector.load %arg10[%get3A_323, %get3A_324] : memref<512x1xf32, #tpu.memory_space<vmem>>, vector<512x1xf32>
      %add3A_326 = vector.broadcast %get3A_325 : vector<512x1xf32> to vector<512x1024xf32>
      %add3A_327 = arith.addf %add3A_322, %add3A_326 : vector<512x1024xf32>
      %reduce_min3A_328 = arith.constant dense<0x7F800000> : vector<1024xf32>
      %reduce_min3A_329 = vector.multi_reduction <minimumf>, %add3A_327, %reduce_min3A_328 [0] : vector<512x1024xf32> to vector<1024xf32>
      %argmin3A_330 = tpu.reduce_index %add3A_327 {axis = 0 : i32, kind = #tpu.reduction_kind<arg_min>} : vector<512x1024xf32> -> vector<1024xi32>
      %get3A_331 = arith.constant 0 : index
      %get3A_332 = arith.constant 0 : index
      %get3A_333 = memref.load %arg11[%get3A_331, %get3A_332] : memref<1x1xf32, #tpu.memory_space<smem>>
      %reduce_sum3A_334 = vector.shape_cast %reduce_min3A_329 : vector<1024xf32> to vector<1x1024xf32>
      %reduce_sum3A_335 = arith.constant dense<0.000000e+00> : vector<1xf32>
      %reduce_sum3A_336 = vector.multi_reduction <add>, %reduce_sum3A_334, %reduce_sum3A_335 [1] : vector<1x1024xf32> to vector<1xf32>
      %reduce_sum3A_337 = vector.shape_cast %reduce_sum3A_336 : vector<1xf32> to vector<1x1xf32>
      %reduce_sum3A_338 = vector.extract %reduce_sum3A_337[0, 0] : f32 from vector<1x1xf32>
      %add3A_339 = arith.addf %get3A_333, %reduce_sum3A_338 : f32
      %swap3A_340 = arith.constant 0 : index
      %swap3A_341 = arith.constant 0 : index
      %swap3A_342 = memref.load %arg11[%swap3A_340, %swap3A_341] : memref<1x1xf32, #tpu.memory_space<smem>>
      memref.store %add3A_339, %arg11[%swap3A_340, %swap3A_341] : memref<1x1xf32, #tpu.memory_space<smem>>
      %swap3A_343 = arith.constant 4 : index
      %swap3A_344 = arith.constant 0 : index
      %swap3A_345 = vector.load %arg3[%swap3A_343, %swap3A_344] : memref<16x1024xi32, #tpu.memory_space<vmem>>, vector<1x1024xi32>
      %swap3A_346 = vector.shape_cast %swap3A_345 : vector<1x1024xi32> to vector<1024xi32>
      %swap3A_347 = vector.shape_cast %argmin3A_330 : vector<1024xi32> to vector<1x1024xi32>
      tpu.vector_store %arg3[%swap3A_343, %swap3A_344], %swap3A_347 {strides = array<i32>} : memref<16x1024xi32, #tpu.memory_space<vmem>>, vector<1x1024xi32>,
      %jit3A_348 = arith.constant 4 : i32
      %eq3A_349 = arith.constant 0 : i32
      %eq3A_350 = arith.cmpi eq, %jit3A_348, %eq3A_349 : i32
      %jit3A_351 = arith.constant 1 : i32
      %select_n3A_352 = arith.select %eq3A_350, %jit3A_351, %jit3A_348 : i32
      %rem3A_353 = arith.remsi %arg0, %select_n3A_352 : i32
      %ne3A_354 = arith.constant 0 : i32
      %ne3A_355 = arith.cmpi ne, %rem3A_353, %ne3A_354 : i32
      %lt3A_356 = arith.constant 0 : i32
      %lt3A_357 = arith.cmpi slt, %rem3A_353, %lt3A_356 : i32
      %lt3A_358 = arith.constant 0 : i32
      %lt3A_359 = arith.cmpi slt, %select_n3A_352, %lt3A_358 : i32
      %ne3A_360 = arith.xori %lt3A_357, %lt3A_359 : i1
      %and3A_361 = arith.andi %ne3A_360, %ne3A_355 : i1
      %add3A_362 = arith.addi %rem3A_353, %select_n3A_352 : i32
      %select_n3A_363 = arith.select %and3A_361, %add3A_362, %rem3A_353 : i32
      %mul3A_364 = arith.constant 16 : i32
      %mul3A_365 = arith.muli %select_n3A_363, %mul3A_364 : i32
      %add3A_366 = arith.constant 5 : i32
      %add3A_367 = arith.addi %mul3A_365, %add3A_366 : i32
      %get3A_368 = arith.index_cast %add3A_367 : i32 to index
      %get3A_369 = arith.constant 0 : index
      %get3A_370 = arith.constant 0 : index
      %get3A_371 = vector.load %arg1[%get3A_368, %get3A_369, %get3A_370] : memref<64x64x1024xf32, #tpu.memory_space<vmem>>, vector<1x64x1024xf32>
      %get3A_372 = vector.shape_cast %get3A_371 : vector<1x64x1024xf32> to vector<64x1024xf32>
      %get3A_373 = arith.constant 0 : index
      %get3A_374 = arith.constant 0 : index
      %get3A_375 = vector.load %arg8[%get3A_373, %get3A_374] : memref<64x1xf32, #tpu.memory_space<vmem>>, vector<64x1xf32>
      %div3A_376 = vector.broadcast %get3A_375 : vector<64x1xf32> to vector<64x1024xf32>
      %div3A_377 = arith.divf %get3A_372, %div3A_376 : vector<64x1024xf32>
      %get3A_378 = arith.constant 0 : index
      %get3A_379 = arith.constant 0 : index
      %get3A_380 = vector.load %arg9[%get3A_378, %get3A_379] : memref<512x64xf32, #tpu.memory_space<vmem>>, vector<512x64xf32>
      %dot_general3A_381 = arith.constant dense<0.000000e+00> : vector<512x1024xf32>
      %dot_general3A_382 = tpu.matmul %get3A_380, %div3A_377, %dot_general3A_381 {dimension_numbers = #tpu.dot_dimension_numbers<[1], [0], [0], [1], [0, 0, 1, 1], [], []>, transpose_lhs_hint = false} : vector<512x64xf32>, vector<64x1024xf32>, vector<512x1024xf32> -> vector<512x1024xf32>
      %mul3A_383 = arith.mulf %div3A_377, %div3A_377 : vector<64x1024xf32>
      %reduce_sum3A_384 = arith.constant dense<0.000000e+00> : vector<1024xf32>
      %reduce_sum3A_385 = vector.multi_reduction <add>, %mul3A_383, %reduce_sum3A_384 [0] : vector<64x1024xf32> to vector<1024xf32>
      %broadcast_in_dim3A_386 = vector.shape_cast %reduce_sum3A_385 : vector<1024xf32> to vector<1x1024xf32>
      %add3A_387 = vector.broadcast %broadcast_in_dim3A_386 : vector<1x1024xf32> to vector<512x1024xf32>
      %add3A_388 = arith.addf %add3A_387, %dot_general3A_382 : vector<512x1024xf32>
      %get3A_389 = arith.constant 0 : index
      %get3A_390 = arith.constant 0 : index
      %get3A_391 = vector.load %arg10[%get3A_389, %get3A_390] : memref<512x1xf32, #tpu.memory_space<vmem>>, vector<512x1xf32>
      %add3A_392 = vector.broadcast %get3A_391 : vector<512x1xf32> to vector<512x1024xf32>
      %add3A_393 = arith.addf %add3A_388, %add3A_392 : vector<512x1024xf32>
      %reduce_min3A_394 = arith.constant dense<0x7F800000> : vector<1024xf32>
      %reduce_min3A_395 = vector.multi_reduction <minimumf>, %add3A_393, %reduce_min3A_394 [0] : vector<512x1024xf32> to vector<1024xf32>
      %argmin3A_396 = tpu.reduce_index %add3A_393 {axis = 0 : i32, kind = #tpu.reduction_kind<arg_min>} : vector<512x1024xf32> -> vector<1024xi32>
      %get3A_397 = arith.constant 0 : index
      %get3A_398 = arith.constant 0 : index
      %get3A_399 = memref.load %arg11[%get3A_397, %get3A_398] : memref<1x1xf32, #tpu.memory_space<smem>>
      %reduce_sum3A_400 = vector.shape_cast %reduce_min3A_395 : vector<1024xf32> to vector<1x1024xf32>
      %reduce_sum3A_401 = arith.constant dense<0.000000e+00> : vector<1xf32>
      %reduce_sum3A_402 = vector.multi_reduction <add>, %reduce_sum3A_400, %reduce_sum3A_401 [1] : vector<1x1024xf32> to vector<1xf32>
      %reduce_sum3A_403 = vector.shape_cast %reduce_sum3A_402 : vector<1xf32> to vector<1x1xf32>
      %reduce_sum3A_404 = vector.extract %reduce_sum3A_403[0, 0] : f32 from vector<1x1xf32>
      %add3A_405 = arith.addf %get3A_399, %reduce_sum3A_404 : f32
      %swap3A_406 = arith.constant 0 : index
      %swap3A_407 = arith.constant 0 : index
      %swap3A_408 = memref.load %arg11[%swap3A_406, %swap3A_407] : memref<1x1xf32, #tpu.memory_space<smem>>
      memref.store %add3A_405, %arg11[%swap3A_406, %swap3A_407] : memref<1x1xf32, #tpu.memory_space<smem>>
      %swap3A_409 = arith.constant 5 : index
      %swap3A_410 = arith.constant 0 : index
      %swap3A_411 = vector.load %arg3[%swap3A_409, %swap3A_410] : memref<16x1024xi32, #tpu.memory_space<vmem>>, vector<1x1024xi32>
      %swap3A_412 = vector.shape_cast %swap3A_411 : vector<1x1024xi32> to vector<1024xi32>
      %swap3A_413 = vector.shape_cast %argmin3A_396 : vector<1024xi32> to vector<1x1024xi32>
      tpu.vector_store %arg3[%swap3A_409, %swap3A_410], %swap3A_413 {strides = array<i32>} : memref<16x1024xi32, #tpu.memory_space<vmem>>, vector<1x1024xi32>,
      %jit3A_414 = arith.constant 4 : i32
      %eq3A_415 = arith.constant 0 : i32
      %eq3A_416 = arith.cmpi eq, %jit3A_414, %eq3A_415 : i32
      %jit3A_417 = arith.constant 1 : i32
      %select_n3A_418 = arith.select %eq3A_416, %jit3A_417, %jit3A_414 : i32
      %rem3A_419 = arith.remsi %arg0, %select_n3A_418 : i32
      %ne3A_420 = arith.constant 0 : i32
      %ne3A_421 = arith.cmpi ne, %rem3A_419, %ne3A_420 : i32
      %lt3A_422 = arith.constant 0 : i32
      %lt3A_423 = arith.cmpi slt, %rem3A_419, %lt3A_422 : i32
      %lt3A_424 = arith.constant 0 : i32
      %lt3A_425 = arith.cmpi slt, %select_n3A_418, %lt3A_424 : i32
      %ne3A_426 = arith.xori %lt3A_423, %lt3A_425 : i1
      %and3A_427 = arith.andi %ne3A_426, %ne3A_421 : i1
      %add3A_428 = arith.addi %rem3A_419, %select_n3A_418 : i32
      %select_n3A_429 = arith.select %and3A_427, %add3A_428, %rem3A_419 : i32
      %mul3A_430 = arith.constant 16 : i32
      %mul3A_431 = arith.muli %select_n3A_429, %mul3A_430 : i32
      %add3A_432 = arith.constant 6 : i32
      %add3A_433 = arith.addi %mul3A_431, %add3A_432 : i32
      %get3A_434 = arith.index_cast %add3A_433 : i32 to index
      %get3A_435 = arith.constant 0 : index
      %get3A_436 = arith.constant 0 : index
      %get3A_437 = vector.load %arg1[%get3A_434, %get3A_435, %get3A_436] : memref<64x64x1024xf32, #tpu.memory_space<vmem>>, vector<1x64x1024xf32>
      %get3A_438 = vector.shape_cast %get3A_437 : vector<1x64x1024xf32> to vector<64x1024xf32>
      %get3A_439 = arith.constant 0 : index
      %get3A_440 = arith.constant 0 : index
      %get3A_441 = vector.load %arg8[%get3A_439, %get3A_440] : memref<64x1xf32, #tpu.memory_space<vmem>>, vector<64x1xf32>
      %div3A_442 = vector.broadcast %get3A_441 : vector<64x1xf32> to vector<64x1024xf32>
      %div3A_443 = arith.divf %get3A_438, %div3A_442 : vector<64x1024xf32>
      %get3A_444 = arith.constant 0 : index
      %get3A_445 = arith.constant 0 : index
      %get3A_446 = vector.load %arg9[%get3A_444, %get3A_445] : memref<512x64xf32, #tpu.memory_space<vmem>>, vector<512x64xf32>
      %dot_general3A_447 = arith.constant dense<0.000000e+00> : vector<512x1024xf32>
      %dot_general3A_448 = tpu.matmul %get3A_446, %div3A_443, %dot_general3A_447 {dimension_numbers = #tpu.dot_dimension_numbers<[1], [0], [0], [1], [0, 0, 1, 1], [], []>, transpose_lhs_hint = false} : vector<512x64xf32>, vector<64x1024xf32>, vector<512x1024xf32> -> vector<512x1024xf32>
      %mul3A_449 = arith.mulf %div3A_443, %div3A_443 : vector<64x1024xf32>
      %reduce_sum3A_450 = arith.constant dense<0.000000e+00> : vector<1024xf32>
      %reduce_sum3A_451 = vector.multi_reduction <add>, %mul3A_449, %reduce_sum3A_450 [0] : vector<64x1024xf32> to vector<1024xf32>
      %broadcast_in_dim3A_452 = vector.shape_cast %reduce_sum3A_451 : vector<1024xf32> to vector<1x1024xf32>
      %add3A_453 = vector.broadcast %broadcast_in_dim3A_452 : vector<1x1024xf32> to vector<512x1024xf32>
      %add3A_454 = arith.addf %add3A_453, %dot_general3A_448 : vector<512x1024xf32>
      %get3A_455 = arith.constant 0 : index
      %get3A_456 = arith.constant 0 : index
      %get3A_457 = vector.load %arg10[%get3A_455, %get3A_456] : memref<512x1xf32, #tpu.memory_space<vmem>>, vector<512x1xf32>
      %add3A_458 = vector.broadcast %get3A_457 : vector<512x1xf32> to vector<512x1024xf32>
      %add3A_459 = arith.addf %add3A_454, %add3A_458 : vector<512x1024xf32>
      %reduce_min3A_460 = arith.constant dense<0x7F800000> : vector<1024xf32>
      %reduce_min3A_461 = vector.multi_reduction <minimumf>, %add3A_459, %reduce_min3A_460 [0] : vector<512x1024xf32> to vector<1024xf32>
      %argmin3A_462 = tpu.reduce_index %add3A_459 {axis = 0 : i32, kind = #tpu.reduction_kind<arg_min>} : vector<512x1024xf32> -> vector<1024xi32>
      %get3A_463 = arith.constant 0 : index
      %get3A_464 = arith.constant 0 : index
      %get3A_465 = memref.load %arg11[%get3A_463, %get3A_464] : memref<1x1xf32, #tpu.memory_space<smem>>
      %reduce_sum3A_466 = vector.shape_cast %reduce_min3A_461 : vector<1024xf32> to vector<1x1024xf32>
      %reduce_sum3A_467 = arith.constant dense<0.000000e+00> : vector<1xf32>
      %reduce_sum3A_468 = vector.multi_reduction <add>, %reduce_sum3A_466, %reduce_sum3A_467 [1] : vector<1x1024xf32> to vector<1xf32>
      %reduce_sum3A_469 = vector.shape_cast %reduce_sum3A_468 : vector<1xf32> to vector<1x1xf32>
      %reduce_sum3A_470 = vector.extract %reduce_sum3A_469[0, 0] : f32 from vector<1x1xf32>
      %add3A_471 = arith.addf %get3A_465, %reduce_sum3A_470 : f32
      %swap3A_472 = arith.constant 0 : index
      %swap3A_473 = arith.constant 0 : index
      %swap3A_474 = memref.load %arg11[%swap3A_472, %swap3A_473] : memref<1x1xf32, #tpu.memory_space<smem>>
      memref.store %add3A_471, %arg11[%swap3A_472, %swap3A_473] : memref<1x1xf32, #tpu.memory_space<smem>>
      %swap3A_475 = arith.constant 6 : index
      %swap3A_476 = arith.constant 0 : index
      %swap3A_477 = vector.load %arg3[%swap3A_475, %swap3A_476] : memref<16x1024xi32, #tpu.memory_space<vmem>>, vector<1x1024xi32>
      %swap3A_478 = vector.shape_cast %swap3A_477 : vector<1x1024xi32> to vector<1024xi32>
      %swap3A_479 = vector.shape_cast %argmin3A_462 : vector<1024xi32> to vector<1x1024xi32>
      tpu.vector_store %arg3[%swap3A_475, %swap3A_476], %swap3A_479 {strides = array<i32>} : memref<16x1024xi32, #tpu.memory_space<vmem>>, vector<1x1024xi32>,
      %jit3A_480 = arith.constant 4 : i32
      %eq3A_481 = arith.constant 0 : i32
      %eq3A_482 = arith.cmpi eq, %jit3A_480, %eq3A_481 : i32
      %jit3A_483 = arith.constant 1 : i32
      %select_n3A_484 = arith.select %eq3A_482, %jit3A_483, %jit3A_480 : i32
      %rem3A_485 = arith.remsi %arg0, %select_n3A_484 : i32
      %ne3A_486 = arith.constant 0 : i32
      %ne3A_487 = arith.cmpi ne, %rem3A_485, %ne3A_486 : i32
      %lt3A_488 = arith.constant 0 : i32
      %lt3A_489 = arith.cmpi slt, %rem3A_485, %lt3A_488 : i32
      %lt3A_490 = arith.constant 0 : i32
      %lt3A_491 = arith.cmpi slt, %select_n3A_484, %lt3A_490 : i32
      %ne3A_492 = arith.xori %lt3A_489, %lt3A_491 : i1
      %and3A_493 = arith.andi %ne3A_492, %ne3A_487 : i1
      %add3A_494 = arith.addi %rem3A_485, %select_n3A_484 : i32
      %select_n3A_495 = arith.select %and3A_493, %add3A_494, %rem3A_485 : i32
      %mul3A_496 = arith.constant 16 : i32
      %mul3A_497 = arith.muli %select_n3A_495, %mul3A_496 : i32
      %add3A_498 = arith.constant 7 : i32
      %add3A_499 = arith.addi %mul3A_497, %add3A_498 : i32
      %get3A_500 = arith.index_cast %add3A_499 : i32 to index
      %get3A_501 = arith.constant 0 : index
      %get3A_502 = arith.constant 0 : index
      %get3A_503 = vector.load %arg1[%get3A_500, %get3A_501, %get3A_502] : memref<64x64x1024xf32, #tpu.memory_space<vmem>>, vector<1x64x1024xf32>
      %get3A_504 = vector.shape_cast %get3A_503 : vector<1x64x1024xf32> to vector<64x1024xf32>
      %get3A_505 = arith.constant 0 : index
      %get3A_506 = arith.constant 0 : index
      %get3A_507 = vector.load %arg8[%get3A_505, %get3A_506] : memref<64x1xf32, #tpu.memory_space<vmem>>, vector<64x1xf32>
      %div3A_508 = vector.broadcast %get3A_507 : vector<64x1xf32> to vector<64x1024xf32>
      %div3A_509 = arith.divf %get3A_504, %div3A_508 : vector<64x1024xf32>
      %get3A_510 = arith.constant 0 : index
      %get3A_511 = arith.constant 0 : index
      %get3A_512 = vector.load %arg9[%get3A_510, %get3A_511] : memref<512x64xf32, #tpu.memory_space<vmem>>, vector<512x64xf32>
      %dot_general3A_513 = arith.constant dense<0.000000e+00> : vector<512x1024xf32>
      %dot_general3A_514 = tpu.matmul %get3A_512, %div3A_509, %dot_general3A_513 {dimension_numbers = #tpu.dot_dimension_numbers<[1], [0], [0], [1], [0, 0, 1, 1], [], []>, transpose_lhs_hint = false} : vector<512x64xf32>, vector<64x1024xf32>, vector<512x1024xf32> -> vector<512x1024xf32>
      %mul3A_515 = arith.mulf %div3A_509, %div3A_509 : vector<64x1024xf32>
      %reduce_sum3A_516 = arith.constant dense<0.000000e+00> : vector<1024xf32>
      %reduce_sum3A_517 = vector.multi_reduction <add>, %mul3A_515, %reduce_sum3A_516 [0] : vector<64x1024xf32> to vector<1024xf32>
      %broadcast_in_dim3A_518 = vector.shape_cast %reduce_sum3A_517 : vector<1024xf32> to vector<1x1024xf32>
      %add3A_519 = vector.broadcast %broadcast_in_dim3A_518 : vector<1x1024xf32> to vector<512x1024xf32>
      %add3A_520 = arith.addf %add3A_519, %dot_general3A_514 : vector<512x1024xf32>
      %get3A_521 = arith.constant 0 : index
      %get3A_522 = arith.constant 0 : index
      %get3A_523 = vector.load %arg10[%get3A_521, %get3A_522] : memref<512x1xf32, #tpu.memory_space<vmem>>, vector<512x1xf32>
      %add3A_524 = vector.broadcast %get3A_523 : vector<512x1xf32> to vector<512x1024xf32>
      %add3A_525 = arith.addf %add3A_520, %add3A_524 : vector<512x1024xf32>
      %reduce_min3A_526 = arith.constant dense<0x7F800000> : vector<1024xf32>
      %reduce_min3A_527 = vector.multi_reduction <minimumf>, %add3A_525, %reduce_min3A_526 [0] : vector<512x1024xf32> to vector<1024xf32>
      %argmin3A_528 = tpu.reduce_index %add3A_525 {axis = 0 : i32, kind = #tpu.reduction_kind<arg_min>} : vector<512x1024xf32> -> vector<1024xi32>
      %get3A_529 = arith.constant 0 : index
      %get3A_530 = arith.constant 0 : index
      %get3A_531 = memref.load %arg11[%get3A_529, %get3A_530] : memref<1x1xf32, #tpu.memory_space<smem>>
      %reduce_sum3A_532 = vector.shape_cast %reduce_min3A_527 : vector<1024xf32> to vector<1x1024xf32>
      %reduce_sum3A_533 = arith.constant dense<0.000000e+00> : vector<1xf32>
      %reduce_sum3A_534 = vector.multi_reduction <add>, %reduce_sum3A_532, %reduce_sum3A_533 [1] : vector<1x1024xf32> to vector<1xf32>
      %reduce_sum3A_535 = vector.shape_cast %reduce_sum3A_534 : vector<1xf32> to vector<1x1xf32>
      %reduce_sum3A_536 = vector.extract %reduce_sum3A_535[0, 0] : f32 from vector<1x1xf32>
      %add3A_537 = arith.addf %get3A_531, %reduce_sum3A_536 : f32
      %swap3A_538 = arith.constant 0 : index
      %swap3A_539 = arith.constant 0 : index
      %swap3A_540 = memref.load %arg11[%swap3A_538, %swap3A_539] : memref<1x1xf32, #tpu.memory_space<smem>>
      memref.store %add3A_537, %arg11[%swap3A_538, %swap3A_539] : memref<1x1xf32, #tpu.memory_space<smem>>
      %swap3A_541 = arith.constant 7 : index
      %swap3A_542 = arith.constant 0 : index
      %swap3A_543 = vector.load %arg3[%swap3A_541, %swap3A_542] : memref<16x1024xi32, #tpu.memory_space<vmem>>, vector<1x1024xi32>
      %swap3A_544 = vector.shape_cast %swap3A_543 : vector<1x1024xi32> to vector<1024xi32>
      %swap3A_545 = vector.shape_cast %argmin3A_528 : vector<1024xi32> to vector<1x1024xi32>
      tpu.vector_store %arg3[%swap3A_541, %swap3A_542], %swap3A_545 {strides = array<i32>} : memref<16x1024xi32, #tpu.memory_space<vmem>>, vector<1x1024xi32>,
      %jit3A_546 = arith.constant 4 : i32
      %eq3A_547 = arith.constant 0 : i32
      %eq3A_548 = arith.cmpi eq, %jit3A_546, %eq3A_547 : i32
      %jit3A_549 = arith.constant 1 : i32
      %select_n3A_550 = arith.select %eq3A_548, %jit3A_549, %jit3A_546 : i32
      %rem3A_551 = arith.remsi %arg0, %select_n3A_550 : i32
      %ne3A_552 = arith.constant 0 : i32
      %ne3A_553 = arith.cmpi ne, %rem3A_551, %ne3A_552 : i32
      %lt3A_554 = arith.constant 0 : i32
      %lt3A_555 = arith.cmpi slt, %rem3A_551, %lt3A_554 : i32
      %lt3A_556 = arith.constant 0 : i32
      %lt3A_557 = arith.cmpi slt, %select_n3A_550, %lt3A_556 : i32
      %ne3A_558 = arith.xori %lt3A_555, %lt3A_557 : i1
      %and3A_559 = arith.andi %ne3A_558, %ne3A_553 : i1
      %add3A_560 = arith.addi %rem3A_551, %select_n3A_550 : i32
      %select_n3A_561 = arith.select %and3A_559, %add3A_560, %rem3A_551 : i32
      %mul3A_562 = arith.constant 16 : i32
      %mul3A_563 = arith.muli %select_n3A_561, %mul3A_562 : i32
      %add3A_564 = arith.constant 8 : i32
      %add3A_565 = arith.addi %mul3A_563, %add3A_564 : i32
      %get3A_566 = arith.index_cast %add3A_565 : i32 to index
      %get3A_567 = arith.constant 0 : index
      %get3A_568 = arith.constant 0 : index
      %get3A_569 = vector.load %arg1[%get3A_566, %get3A_567, %get3A_568] : memref<64x64x1024xf32, #tpu.memory_space<vmem>>, vector<1x64x1024xf32>
      %get3A_570 = vector.shape_cast %get3A_569 : vector<1x64x1024xf32> to vector<64x1024xf32>
      %get3A_571 = arith.constant 0 : index
      %get3A_572 = arith.constant 0 : index
      %get3A_573 = vector.load %arg8[%get3A_571, %get3A_572] : memref<64x1xf32, #tpu.memory_space<vmem>>, vector<64x1xf32>
      %div3A_574 = vector.broadcast %get3A_573 : vector<64x1xf32> to vector<64x1024xf32>
      %div3A_575 = arith.divf %get3A_570, %div3A_574 : vector<64x1024xf32>
      %get3A_576 = arith.constant 0 : index
      %get3A_577 = arith.constant 0 : index
      %get3A_578 = vector.load %arg9[%get3A_576, %get3A_577] : memref<512x64xf32, #tpu.memory_space<vmem>>, vector<512x64xf32>
      %dot_general3A_579 = arith.constant dense<0.000000e+00> : vector<512x1024xf32>
      %dot_general3A_580 = tpu.matmul %get3A_578, %div3A_575, %dot_general3A_579 {dimension_numbers = #tpu.dot_dimension_numbers<[1], [0], [0], [1], [0, 0, 1, 1], [], []>, transpose_lhs_hint = false} : vector<512x64xf32>, vector<64x1024xf32>, vector<512x1024xf32> -> vector<512x1024xf32>
      %mul3A_581 = arith.mulf %div3A_575, %div3A_575 : vector<64x1024xf32>
      %reduce_sum3A_582 = arith.constant dense<0.000000e+00> : vector<1024xf32>
      %reduce_sum3A_583 = vector.multi_reduction <add>, %mul3A_581, %reduce_sum3A_582 [0] : vector<64x1024xf32> to vector<1024xf32>
      %broadcast_in_dim3A_584 = vector.shape_cast %reduce_sum3A_583 : vector<1024xf32> to vector<1x1024xf32>
      %add3A_585 = vector.broadcast %broadcast_in_dim3A_584 : vector<1x1024xf32> to vector<512x1024xf32>
      %add3A_586 = arith.addf %add3A_585, %dot_general3A_580 : vector<512x1024xf32>
      %get3A_587 = arith.constant 0 : index
      %get3A_588 = arith.constant 0 : index
      %get3A_589 = vector.load %arg10[%get3A_587, %get3A_588] : memref<512x1xf32, #tpu.memory_space<vmem>>, vector<512x1xf32>
      %add3A_590 = vector.broadcast %get3A_589 : vector<512x1xf32> to vector<512x1024xf32>
      %add3A_591 = arith.addf %add3A_586, %add3A_590 : vector<512x1024xf32>
      %reduce_min3A_592 = arith.constant dense<0x7F800000> : vector<1024xf32>
      %reduce_min3A_593 = vector.multi_reduction <minimumf>, %add3A_591, %reduce_min3A_592 [0] : vector<512x1024xf32> to vector<1024xf32>
      %argmin3A_594 = tpu.reduce_index %add3A_591 {axis = 0 : i32, kind = #tpu.reduction_kind<arg_min>} : vector<512x1024xf32> -> vector<1024xi32>
      %get3A_595 = arith.constant 0 : index
      %get3A_596 = arith.constant 0 : index
      %get3A_597 = memref.load %arg11[%get3A_595, %get3A_596] : memref<1x1xf32, #tpu.memory_space<smem>>
      %reduce_sum3A_598 = vector.shape_cast %reduce_min3A_593 : vector<1024xf32> to vector<1x1024xf32>
      %reduce_sum3A_599 = arith.constant dense<0.000000e+00> : vector<1xf32>
      %reduce_sum3A_600 = vector.multi_reduction <add>, %reduce_sum3A_598, %reduce_sum3A_599 [1] : vector<1x1024xf32> to vector<1xf32>
      %reduce_sum3A_601 = vector.shape_cast %reduce_sum3A_600 : vector<1xf32> to vector<1x1xf32>
      %reduce_sum3A_602 = vector.extract %reduce_sum3A_601[0, 0] : f32 from vector<1x1xf32>
      %add3A_603 = arith.addf %get3A_597, %reduce_sum3A_602 : f32
      %swap3A_604 = arith.constant 0 : index
      %swap3A_605 = arith.constant 0 : index
      %swap3A_606 = memref.load %arg11[%swap3A_604, %swap3A_605] : memref<1x1xf32, #tpu.memory_space<smem>>
      memref.store %add3A_603, %arg11[%swap3A_604, %swap3A_605] : memref<1x1xf32, #tpu.memory_space<smem>>
      %swap3A_607 = arith.constant 8 : index
      %swap3A_608 = arith.constant 0 : index
      %swap3A_609 = vector.load %arg3[%swap3A_607, %swap3A_608] : memref<16x1024xi32, #tpu.memory_space<vmem>>, vector<1x1024xi32>
      %swap3A_610 = vector.shape_cast %swap3A_609 : vector<1x1024xi32> to vector<1024xi32>
      %swap3A_611 = vector.shape_cast %argmin3A_594 : vector<1024xi32> to vector<1x1024xi32>
      tpu.vector_store %arg3[%swap3A_607, %swap3A_608], %swap3A_611 {strides = array<i32>} : memref<16x1024xi32, #tpu.memory_space<vmem>>, vector<1x1024xi32>,
      %jit3A_612 = arith.constant 4 : i32
      %eq3A_613 = arith.constant 0 : i32
      %eq3A_614 = arith.cmpi eq, %jit3A_612, %eq3A_613 : i32
      %jit3A_615 = arith.constant 1 : i32
      %select_n3A_616 = arith.select %eq3A_614, %jit3A_615, %jit3A_612 : i32
      %rem3A_617 = arith.remsi %arg0, %select_n3A_616 : i32
      %ne3A_618 = arith.constant 0 : i32
      %ne3A_619 = arith.cmpi ne, %rem3A_617, %ne3A_618 : i32
      %lt3A_620 = arith.constant 0 : i32
      %lt3A_621 = arith.cmpi slt, %rem3A_617, %lt3A_620 : i32
      %lt3A_622 = arith.constant 0 : i32
      %lt3A_623 = arith.cmpi slt, %select_n3A_616, %lt3A_622 : i32
      %ne3A_624 = arith.xori %lt3A_621, %lt3A_623 : i1
      %and3A_625 = arith.andi %ne3A_624, %ne3A_619 : i1
      %add3A_626 = arith.addi %rem3A_617, %select_n3A_616 : i32
      %select_n3A_627 = arith.select %and3A_625, %add3A_626, %rem3A_617 : i32
      %mul3A_628 = arith.constant 16 : i32
      %mul3A_629 = arith.muli %select_n3A_627, %mul3A_628 : i32
      %add3A_630 = arith.constant 9 : i32
      %add3A_631 = arith.addi %mul3A_629, %add3A_630 : i32
      %get3A_632 = arith.index_cast %add3A_631 : i32 to index
      %get3A_633 = arith.constant 0 : index
      %get3A_634 = arith.constant 0 : index
      %get3A_635 = vector.load %arg1[%get3A_632, %get3A_633, %get3A_634] : memref<64x64x1024xf32, #tpu.memory_space<vmem>>, vector<1x64x1024xf32>
      %get3A_636 = vector.shape_cast %get3A_635 : vector<1x64x1024xf32> to vector<64x1024xf32>
      %get3A_637 = arith.constant 0 : index
      %get3A_638 = arith.constant 0 : index
      %get3A_639 = vector.load %arg8[%get3A_637, %get3A_638] : memref<64x1xf32, #tpu.memory_space<vmem>>, vector<64x1xf32>
      %div3A_640 = vector.broadcast %get3A_639 : vector<64x1xf32> to vector<64x1024xf32>
      %div3A_641 = arith.divf %get3A_636, %div3A_640 : vector<64x1024xf32>
      %get3A_642 = arith.constant 0 : index
      %get3A_643 = arith.constant 0 : index
      %get3A_644 = vector.load %arg9[%get3A_642, %get3A_643] : memref<512x64xf32, #tpu.memory_space<vmem>>, vector<512x64xf32>
      %dot_general3A_645 = arith.constant dense<0.000000e+00> : vector<512x1024xf32>
      %dot_general3A_646 = tpu.matmul %get3A_644, %div3A_641, %dot_general3A_645 {dimension_numbers = #tpu.dot_dimension_numbers<[1], [0], [0], [1], [0, 0, 1, 1], [], []>, transpose_lhs_hint = false} : vector<512x64xf32>, vector<64x1024xf32>, vector<512x1024xf32> -> vector<512x1024xf32>
      %mul3A_647 = arith.mulf %div3A_641, %div3A_641 : vector<64x1024xf32>
      %reduce_sum3A_648 = arith.constant dense<0.000000e+00> : vector<1024xf32>
      %reduce_sum3A_649 = vector.multi_reduction <add>, %mul3A_647, %reduce_sum3A_648 [0] : vector<64x1024xf32> to vector<1024xf32>
      %broadcast_in_dim3A_650 = vector.shape_cast %reduce_sum3A_649 : vector<1024xf32> to vector<1x1024xf32>
      %add3A_651 = vector.broadcast %broadcast_in_dim3A_650 : vector<1x1024xf32> to vector<512x1024xf32>
      %add3A_652 = arith.addf %add3A_651, %dot_general3A_646 : vector<512x1024xf32>
      %get3A_653 = arith.constant 0 : index
      %get3A_654 = arith.constant 0 : index
      %get3A_655 = vector.load %arg10[%get3A_653, %get3A_654] : memref<512x1xf32, #tpu.memory_space<vmem>>, vector<512x1xf32>
      %add3A_656 = vector.broadcast %get3A_655 : vector<512x1xf32> to vector<512x1024xf32>
      %add3A_657 = arith.addf %add3A_652, %add3A_656 : vector<512x1024xf32>
      %reduce_min3A_658 = arith.constant dense<0x7F800000> : vector<1024xf32>
      %reduce_min3A_659 = vector.multi_reduction <minimumf>, %add3A_657, %reduce_min3A_658 [0] : vector<512x1024xf32> to vector<1024xf32>
      %argmin3A_660 = tpu.reduce_index %add3A_657 {axis = 0 : i32, kind = #tpu.reduction_kind<arg_min>} : vector<512x1024xf32> -> vector<1024xi32>
      %get3A_661 = arith.constant 0 : index
      %get3A_662 = arith.constant 0 : index
      %get3A_663 = memref.load %arg11[%get3A_661, %get3A_662] : memref<1x1xf32, #tpu.memory_space<smem>>
      %reduce_sum3A_664 = vector.shape_cast %reduce_min3A_659 : vector<1024xf32> to vector<1x1024xf32>
      %reduce_sum3A_665 = arith.constant dense<0.000000e+00> : vector<1xf32>
      %reduce_sum3A_666 = vector.multi_reduction <add>, %reduce_sum3A_664, %reduce_sum3A_665 [1] : vector<1x1024xf32> to vector<1xf32>
      %reduce_sum3A_667 = vector.shape_cast %reduce_sum3A_666 : vector<1xf32> to vector<1x1xf32>
      %reduce_sum3A_668 = vector.extract %reduce_sum3A_667[0, 0] : f32 from vector<1x1xf32>
      %add3A_669 = arith.addf %get3A_663, %reduce_sum3A_668 : f32
      %swap3A_670 = arith.constant 0 : index
      %swap3A_671 = arith.constant 0 : index
      %swap3A_672 = memref.load %arg11[%swap3A_670, %swap3A_671] : memref<1x1xf32, #tpu.memory_space<smem>>
      memref.store %add3A_669, %arg11[%swap3A_670, %swap3A_671] : memref<1x1xf32, #tpu.memory_space<smem>>
      %swap3A_673 = arith.constant 9 : index
      %swap3A_674 = arith.constant 0 : index
      %swap3A_675 = vector.load %arg3[%swap3A_673, %swap3A_674] : memref<16x1024xi32, #tpu.memory_space<vmem>>, vector<1x1024xi32>
      %swap3A_676 = vector.shape_cast %swap3A_675 : vector<1x1024xi32> to vector<1024xi32>
      %swap3A_677 = vector.shape_cast %argmin3A_660 : vector<1024xi32> to vector<1x1024xi32>
      tpu.vector_store %arg3[%swap3A_673, %swap3A_674], %swap3A_677 {strides = array<i32>} : memref<16x1024xi32, #tpu.memory_space<vmem>>, vector<1x1024xi32>,
      %jit3A_678 = arith.constant 4 : i32
      %eq3A_679 = arith.constant 0 : i32
      %eq3A_680 = arith.cmpi eq, %jit3A_678, %eq3A_679 : i32
      %jit3A_681 = arith.constant 1 : i32
      %select_n3A_682 = arith.select %eq3A_680, %jit3A_681, %jit3A_678 : i32
      %rem3A_683 = arith.remsi %arg0, %select_n3A_682 : i32
      %ne3A_684 = arith.constant 0 : i32
      %ne3A_685 = arith.cmpi ne, %rem3A_683, %ne3A_684 : i32
      %lt3A_686 = arith.constant 0 : i32
      %lt3A_687 = arith.cmpi slt, %rem3A_683, %lt3A_686 : i32
      %lt3A_688 = arith.constant 0 : i32
      %lt3A_689 = arith.cmpi slt, %select_n3A_682, %lt3A_688 : i32
      %ne3A_690 = arith.xori %lt3A_687, %lt3A_689 : i1
      %and3A_691 = arith.andi %ne3A_690, %ne3A_685 : i1
      %add3A_692 = arith.addi %rem3A_683, %select_n3A_682 : i32
      %select_n3A_693 = arith.select %and3A_691, %add3A_692, %rem3A_683 : i32
      %mul3A_694 = arith.constant 16 : i32
      %mul3A_695 = arith.muli %select_n3A_693, %mul3A_694 : i32
      %add3A_696 = arith.constant 10 : i32
      %add3A_697 = arith.addi %mul3A_695, %add3A_696 : i32
      %get3A_698 = arith.index_cast %add3A_697 : i32 to index
      %get3A_699 = arith.constant 0 : index
      %get3A_700 = arith.constant 0 : index
      %get3A_701 = vector.load %arg1[%get3A_698, %get3A_699, %get3A_700] : memref<64x64x1024xf32, #tpu.memory_space<vmem>>, vector<1x64x1024xf32>
      %get3A_702 = vector.shape_cast %get3A_701 : vector<1x64x1024xf32> to vector<64x1024xf32>
      %get3A_703 = arith.constant 0 : index
      %get3A_704 = arith.constant 0 : index
      %get3A_705 = vector.load %arg8[%get3A_703, %get3A_704] : memref<64x1xf32, #tpu.memory_space<vmem>>, vector<64x1xf32>
      %div3A_706 = vector.broadcast %get3A_705 : vector<64x1xf32> to vector<64x1024xf32>
      %div3A_707 = arith.divf %get3A_702, %div3A_706 : vector<64x1024xf32>
      %get3A_708 = arith.constant 0 : index
      %get3A_709 = arith.constant 0 : index
      %get3A_710 = vector.load %arg9[%get3A_708, %get3A_709] : memref<512x64xf32, #tpu.memory_space<vmem>>, vector<512x64xf32>
      %dot_general3A_711 = arith.constant dense<0.000000e+00> : vector<512x1024xf32>
      %dot_general3A_712 = tpu.matmul %get3A_710, %div3A_707, %dot_general3A_711 {dimension_numbers = #tpu.dot_dimension_numbers<[1], [0], [0], [1], [0, 0, 1, 1], [], []>, transpose_lhs_hint = false} : vector<512x64xf32>, vector<64x1024xf32>, vector<512x1024xf32> -> vector<512x1024xf32>
      %mul3A_713 = arith.mulf %div3A_707, %div3A_707 : vector<64x1024xf32>
      %reduce_sum3A_714 = arith.constant dense<0.000000e+00> : vector<1024xf32>
      %reduce_sum3A_715 = vector.multi_reduction <add>, %mul3A_713, %reduce_sum3A_714 [0] : vector<64x1024xf32> to vector<1024xf32>
      %broadcast_in_dim3A_716 = vector.shape_cast %reduce_sum3A_715 : vector<1024xf32> to vector<1x1024xf32>
      %add3A_717 = vector.broadcast %broadcast_in_dim3A_716 : vector<1x1024xf32> to vector<512x1024xf32>
      %add3A_718 = arith.addf %add3A_717, %dot_general3A_712 : vector<512x1024xf32>
      %get3A_719 = arith.constant 0 : index
      %get3A_720 = arith.constant 0 : index
      %get3A_721 = vector.load %arg10[%get3A_719, %get3A_720] : memref<512x1xf32, #tpu.memory_space<vmem>>, vector<512x1xf32>
      %add3A_722 = vector.broadcast %get3A_721 : vector<512x1xf32> to vector<512x1024xf32>
      %add3A_723 = arith.addf %add3A_718, %add3A_722 : vector<512x1024xf32>
      %reduce_min3A_724 = arith.constant dense<0x7F800000> : vector<1024xf32>
      %reduce_min3A_725 = vector.multi_reduction <minimumf>, %add3A_723, %reduce_min3A_724 [0] : vector<512x1024xf32> to vector<1024xf32>
      %argmin3A_726 = tpu.reduce_index %add3A_723 {axis = 0 : i32, kind = #tpu.reduction_kind<arg_min>} : vector<512x1024xf32> -> vector<1024xi32>
      %get3A_727 = arith.constant 0 : index
      %get3A_728 = arith.constant 0 : index
      %get3A_729 = memref.load %arg11[%get3A_727, %get3A_728] : memref<1x1xf32, #tpu.memory_space<smem>>
      %reduce_sum3A_730 = vector.shape_cast %reduce_min3A_725 : vector<1024xf32> to vector<1x1024xf32>
      %reduce_sum3A_731 = arith.constant dense<0.000000e+00> : vector<1xf32>
      %reduce_sum3A_732 = vector.multi_reduction <add>, %reduce_sum3A_730, %reduce_sum3A_731 [1] : vector<1x1024xf32> to vector<1xf32>
      %reduce_sum3A_733 = vector.shape_cast %reduce_sum3A_732 : vector<1xf32> to vector<1x1xf32>
      %reduce_sum3A_734 = vector.extract %reduce_sum3A_733[0, 0] : f32 from vector<1x1xf32>
      %add3A_735 = arith.addf %get3A_729, %reduce_sum3A_734 : f32
      %swap3A_736 = arith.constant 0 : index
      %swap3A_737 = arith.constant 0 : index
      %swap3A_738 = memref.load %arg11[%swap3A_736, %swap3A_737] : memref<1x1xf32, #tpu.memory_space<smem>>
      memref.store %add3A_735, %arg11[%swap3A_736, %swap3A_737] : memref<1x1xf32, #tpu.memory_space<smem>>
      %swap3A_739 = arith.constant 10 : index
      %swap3A_740 = arith.constant 0 : index
      %swap3A_741 = vector.load %arg3[%swap3A_739, %swap3A_740] : memref<16x1024xi32, #tpu.memory_space<vmem>>, vector<1x1024xi32>
      %swap3A_742 = vector.shape_cast %swap3A_741 : vector<1x1024xi32> to vector<1024xi32>
      %swap3A_743 = vector.shape_cast %argmin3A_726 : vector<1024xi32> to vector<1x1024xi32>
      tpu.vector_store %arg3[%swap3A_739, %swap3A_740], %swap3A_743 {strides = array<i32>} : memref<16x1024xi32, #tpu.memory_space<vmem>>, vector<1x1024xi32>,
      %jit3A_744 = arith.constant 4 : i32
      %eq3A_745 = arith.constant 0 : i32
      %eq3A_746 = arith.cmpi eq, %jit3A_744, %eq3A_745 : i32
      %jit3A_747 = arith.constant 1 : i32
      %select_n3A_748 = arith.select %eq3A_746, %jit3A_747, %jit3A_744 : i32
      %rem3A_749 = arith.remsi %arg0, %select_n3A_748 : i32
      %ne3A_750 = arith.constant 0 : i32
      %ne3A_751 = arith.cmpi ne, %rem3A_749, %ne3A_750 : i32
      %lt3A_752 = arith.constant 0 : i32
      %lt3A_753 = arith.cmpi slt, %rem3A_749, %lt3A_752 : i32
      %lt3A_754 = arith.constant 0 : i32
      %lt3A_755 = arith.cmpi slt, %select_n3A_748, %lt3A_754 : i32
      %ne3A_756 = arith.xori %lt3A_753, %lt3A_755 : i1
      %and3A_757 = arith.andi %ne3A_756, %ne3A_751 : i1
      %add3A_758 = arith.addi %rem3A_749, %select_n3A_748 : i32
      %select_n3A_759 = arith.select %and3A_757, %add3A_758, %rem3A_749 : i32
      %mul3A_760 = arith.constant 16 : i32
      %mul3A_761 = arith.muli %select_n3A_759, %mul3A_760 : i32
      %add3A_762 = arith.constant 11 : i32
      %add3A_763 = arith.addi %mul3A_761, %add3A_762 : i32
      %get3A_764 = arith.index_cast %add3A_763 : i32 to index
      %get3A_765 = arith.constant 0 : index
      %get3A_766 = arith.constant 0 : index
      %get3A_767 = vector.load %arg1[%get3A_764, %get3A_765, %get3A_766] : memref<64x64x1024xf32, #tpu.memory_space<vmem>>, vector<1x64x1024xf32>
      %get3A_768 = vector.shape_cast %get3A_767 : vector<1x64x1024xf32> to vector<64x1024xf32>
      %get3A_769 = arith.constant 0 : index
      %get3A_770 = arith.constant 0 : index
      %get3A_771 = vector.load %arg8[%get3A_769, %get3A_770] : memref<64x1xf32, #tpu.memory_space<vmem>>, vector<64x1xf32>
      %div3A_772 = vector.broadcast %get3A_771 : vector<64x1xf32> to vector<64x1024xf32>
      %div3A_773 = arith.divf %get3A_768, %div3A_772 : vector<64x1024xf32>
      %get3A_774 = arith.constant 0 : index
      %get3A_775 = arith.constant 0 : index
      %get3A_776 = vector.load %arg9[%get3A_774, %get3A_775] : memref<512x64xf32, #tpu.memory_space<vmem>>, vector<512x64xf32>
      %dot_general3A_777 = arith.constant dense<0.000000e+00> : vector<512x1024xf32>
      %dot_general3A_778 = tpu.matmul %get3A_776, %div3A_773, %dot_general3A_777 {dimension_numbers = #tpu.dot_dimension_numbers<[1], [0], [0], [1], [0, 0, 1, 1], [], []>, transpose_lhs_hint = false} : vector<512x64xf32>, vector<64x1024xf32>, vector<512x1024xf32> -> vector<512x1024xf32>
      %mul3A_779 = arith.mulf %div3A_773, %div3A_773 : vector<64x1024xf32>
      %reduce_sum3A_780 = arith.constant dense<0.000000e+00> : vector<1024xf32>
      %reduce_sum3A_781 = vector.multi_reduction <add>, %mul3A_779, %reduce_sum3A_780 [0] : vector<64x1024xf32> to vector<1024xf32>
      %broadcast_in_dim3A_782 = vector.shape_cast %reduce_sum3A_781 : vector<1024xf32> to vector<1x1024xf32>
      %add3A_783 = vector.broadcast %broadcast_in_dim3A_782 : vector<1x1024xf32> to vector<512x1024xf32>
      %add3A_784 = arith.addf %add3A_783, %dot_general3A_778 : vector<512x1024xf32>
      %get3A_785 = arith.constant 0 : index
      %get3A_786 = arith.constant 0 : index
      %get3A_787 = vector.load %arg10[%get3A_785, %get3A_786] : memref<512x1xf32, #tpu.memory_space<vmem>>, vector<512x1xf32>
      %add3A_788 = vector.broadcast %get3A_787 : vector<512x1xf32> to vector<512x1024xf32>
      %add3A_789 = arith.addf %add3A_784, %add3A_788 : vector<512x1024xf32>
      %reduce_min3A_790 = arith.constant dense<0x7F800000> : vector<1024xf32>
      %reduce_min3A_791 = vector.multi_reduction <minimumf>, %add3A_789, %reduce_min3A_790 [0] : vector<512x1024xf32> to vector<1024xf32>
      %argmin3A_792 = tpu.reduce_index %add3A_789 {axis = 0 : i32, kind = #tpu.reduction_kind<arg_min>} : vector<512x1024xf32> -> vector<1024xi32>
      %get3A_793 = arith.constant 0 : index
      %get3A_794 = arith.constant 0 : index
      %get3A_795 = memref.load %arg11[%get3A_793, %get3A_794] : memref<1x1xf32, #tpu.memory_space<smem>>
      %reduce_sum3A_796 = vector.shape_cast %reduce_min3A_791 : vector<1024xf32> to vector<1x1024xf32>
      %reduce_sum3A_797 = arith.constant dense<0.000000e+00> : vector<1xf32>
      %reduce_sum3A_798 = vector.multi_reduction <add>, %reduce_sum3A_796, %reduce_sum3A_797 [1] : vector<1x1024xf32> to vector<1xf32>
      %reduce_sum3A_799 = vector.shape_cast %reduce_sum3A_798 : vector<1xf32> to vector<1x1xf32>
      %reduce_sum3A_800 = vector.extract %reduce_sum3A_799[0, 0] : f32 from vector<1x1xf32>
      %add3A_801 = arith.addf %get3A_795, %reduce_sum3A_800 : f32
      %swap3A_802 = arith.constant 0 : index
      %swap3A_803 = arith.constant 0 : index
      %swap3A_804 = memref.load %arg11[%swap3A_802, %swap3A_803] : memref<1x1xf32, #tpu.memory_space<smem>>
      memref.store %add3A_801, %arg11[%swap3A_802, %swap3A_803] : memref<1x1xf32, #tpu.memory_space<smem>>
      %swap3A_805 = arith.constant 11 : index
      %swap3A_806 = arith.constant 0 : index
      %swap3A_807 = vector.load %arg3[%swap3A_805, %swap3A_806] : memref<16x1024xi32, #tpu.memory_space<vmem>>, vector<1x1024xi32>
      %swap3A_808 = vector.shape_cast %swap3A_807 : vector<1x1024xi32> to vector<1024xi32>
      %swap3A_809 = vector.shape_cast %argmin3A_792 : vector<1024xi32> to vector<1x1024xi32>
      tpu.vector_store %arg3[%swap3A_805, %swap3A_806], %swap3A_809 {strides = array<i32>} : memref<16x1024xi32, #tpu.memory_space<vmem>>, vector<1x1024xi32>,
      %jit3A_810 = arith.constant 4 : i32
      %eq3A_811 = arith.constant 0 : i32
      %eq3A_812 = arith.cmpi eq, %jit3A_810, %eq3A_811 : i32
      %jit3A_813 = arith.constant 1 : i32
      %select_n3A_814 = arith.select %eq3A_812, %jit3A_813, %jit3A_810 : i32
      %rem3A_815 = arith.remsi %arg0, %select_n3A_814 : i32
      %ne3A_816 = arith.constant 0 : i32
      %ne3A_817 = arith.cmpi ne, %rem3A_815, %ne3A_816 : i32
      %lt3A_818 = arith.constant 0 : i32
      %lt3A_819 = arith.cmpi slt, %rem3A_815, %lt3A_818 : i32
      %lt3A_820 = arith.constant 0 : i32
      %lt3A_821 = arith.cmpi slt, %select_n3A_814, %lt3A_820 : i32
      %ne3A_822 = arith.xori %lt3A_819, %lt3A_821 : i1
      %and3A_823 = arith.andi %ne3A_822, %ne3A_817 : i1
      %add3A_824 = arith.addi %rem3A_815, %select_n3A_814 : i32
      %select_n3A_825 = arith.select %and3A_823, %add3A_824, %rem3A_815 : i32
      %mul3A_826 = arith.constant 16 : i32
      %mul3A_827 = arith.muli %select_n3A_825, %mul3A_826 : i32
      %add3A_828 = arith.constant 12 : i32
      %add3A_829 = arith.addi %mul3A_827, %add3A_828 : i32
      %get3A_830 = arith.index_cast %add3A_829 : i32 to index
      %get3A_831 = arith.constant 0 : index
      %get3A_832 = arith.constant 0 : index
      %get3A_833 = vector.load %arg1[%get3A_830, %get3A_831, %get3A_832] : memref<64x64x1024xf32, #tpu.memory_space<vmem>>, vector<1x64x1024xf32>
      %get3A_834 = vector.shape_cast %get3A_833 : vector<1x64x1024xf32> to vector<64x1024xf32>
      %get3A_835 = arith.constant 0 : index
      %get3A_836 = arith.constant 0 : index
      %get3A_837 = vector.load %arg8[%get3A_835, %get3A_836] : memref<64x1xf32, #tpu.memory_space<vmem>>, vector<64x1xf32>
      %div3A_838 = vector.broadcast %get3A_837 : vector<64x1xf32> to vector<64x1024xf32>
      %div3A_839 = arith.divf %get3A_834, %div3A_838 : vector<64x1024xf32>
      %get3A_840 = arith.constant 0 : index
      %get3A_841 = arith.constant 0 : index
      %get3A_842 = vector.load %arg9[%get3A_840, %get3A_841] : memref<512x64xf32, #tpu.memory_space<vmem>>, vector<512x64xf32>
      %dot_general3A_843 = arith.constant dense<0.000000e+00> : vector<512x1024xf32>
      %dot_general3A_844 = tpu.matmul %get3A_842, %div3A_839, %dot_general3A_843 {dimension_numbers = #tpu.dot_dimension_numbers<[1], [0], [0], [1], [0, 0, 1, 1], [], []>, transpose_lhs_hint = false} : vector<512x64xf32>, vector<64x1024xf32>, vector<512x1024xf32> -> vector<512x1024xf32>
      %mul3A_845 = arith.mulf %div3A_839, %div3A_839 : vector<64x1024xf32>
      %reduce_sum3A_846 = arith.constant dense<0.000000e+00> : vector<1024xf32>
      %reduce_sum3A_847 = vector.multi_reduction <add>, %mul3A_845, %reduce_sum3A_846 [0] : vector<64x1024xf32> to vector<1024xf32>
      %broadcast_in_dim3A_848 = vector.shape_cast %reduce_sum3A_847 : vector<1024xf32> to vector<1x1024xf32>
      %add3A_849 = vector.broadcast %broadcast_in_dim3A_848 : vector<1x1024xf32> to vector<512x1024xf32>
      %add3A_850 = arith.addf %add3A_849, %dot_general3A_844 : vector<512x1024xf32>
      %get3A_851 = arith.constant 0 : index
      %get3A_852 = arith.constant 0 : index
      %get3A_853 = vector.load %arg10[%get3A_851, %get3A_852] : memref<512x1xf32, #tpu.memory_space<vmem>>, vector<512x1xf32>
      %add3A_854 = vector.broadcast %get3A_853 : vector<512x1xf32> to vector<512x1024xf32>
      %add3A_855 = arith.addf %add3A_850, %add3A_854 : vector<512x1024xf32>
      %reduce_min3A_856 = arith.constant dense<0x7F800000> : vector<1024xf32>
      %reduce_min3A_857 = vector.multi_reduction <minimumf>, %add3A_855, %reduce_min3A_856 [0] : vector<512x1024xf32> to vector<1024xf32>
      %argmin3A_858 = tpu.reduce_index %add3A_855 {axis = 0 : i32, kind = #tpu.reduction_kind<arg_min>} : vector<512x1024xf32> -> vector<1024xi32>
      %get3A_859 = arith.constant 0 : index
      %get3A_860 = arith.constant 0 : index
      %get3A_861 = memref.load %arg11[%get3A_859, %get3A_860] : memref<1x1xf32, #tpu.memory_space<smem>>
      %reduce_sum3A_862 = vector.shape_cast %reduce_min3A_857 : vector<1024xf32> to vector<1x1024xf32>
      %reduce_sum3A_863 = arith.constant dense<0.000000e+00> : vector<1xf32>
      %reduce_sum3A_864 = vector.multi_reduction <add>, %reduce_sum3A_862, %reduce_sum3A_863 [1] : vector<1x1024xf32> to vector<1xf32>
      %reduce_sum3A_865 = vector.shape_cast %reduce_sum3A_864 : vector<1xf32> to vector<1x1xf32>
      %reduce_sum3A_866 = vector.extract %reduce_sum3A_865[0, 0] : f32 from vector<1x1xf32>
      %add3A_867 = arith.addf %get3A_861, %reduce_sum3A_866 : f32
      %swap3A_868 = arith.constant 0 : index
      %swap3A_869 = arith.constant 0 : index
      %swap3A_870 = memref.load %arg11[%swap3A_868, %swap3A_869] : memref<1x1xf32, #tpu.memory_space<smem>>
      memref.store %add3A_867, %arg11[%swap3A_868, %swap3A_869] : memref<1x1xf32, #tpu.memory_space<smem>>
      %swap3A_871 = arith.constant 12 : index
      %swap3A_872 = arith.constant 0 : index
      %swap3A_873 = vector.load %arg3[%swap3A_871, %swap3A_872] : memref<16x1024xi32, #tpu.memory_space<vmem>>, vector<1x1024xi32>
      %swap3A_874 = vector.shape_cast %swap3A_873 : vector<1x1024xi32> to vector<1024xi32>
      %swap3A_875 = vector.shape_cast %argmin3A_858 : vector<1024xi32> to vector<1x1024xi32>
      tpu.vector_store %arg3[%swap3A_871, %swap3A_872], %swap3A_875 {strides = array<i32>} : memref<16x1024xi32, #tpu.memory_space<vmem>>, vector<1x1024xi32>,
      %jit3A_876 = arith.constant 4 : i32
      %eq3A_877 = arith.constant 0 : i32
      %eq3A_878 = arith.cmpi eq, %jit3A_876, %eq3A_877 : i32
      %jit3A_879 = arith.constant 1 : i32
      %select_n3A_880 = arith.select %eq3A_878, %jit3A_879, %jit3A_876 : i32
      %rem3A_881 = arith.remsi %arg0, %select_n3A_880 : i32
      %ne3A_882 = arith.constant 0 : i32
      %ne3A_883 = arith.cmpi ne, %rem3A_881, %ne3A_882 : i32
      %lt3A_884 = arith.constant 0 : i32
      %lt3A_885 = arith.cmpi slt, %rem3A_881, %lt3A_884 : i32
      %lt3A_886 = arith.constant 0 : i32
      %lt3A_887 = arith.cmpi slt, %select_n3A_880, %lt3A_886 : i32
      %ne3A_888 = arith.xori %lt3A_885, %lt3A_887 : i1
      %and3A_889 = arith.andi %ne3A_888, %ne3A_883 : i1
      %add3A_890 = arith.addi %rem3A_881, %select_n3A_880 : i32
      %select_n3A_891 = arith.select %and3A_889, %add3A_890, %rem3A_881 : i32
      %mul3A_892 = arith.constant 16 : i32
      %mul3A_893 = arith.muli %select_n3A_891, %mul3A_892 : i32
      %add3A_894 = arith.constant 13 : i32
      %add3A_895 = arith.addi %mul3A_893, %add3A_894 : i32
      %get3A_896 = arith.index_cast %add3A_895 : i32 to index
      %get3A_897 = arith.constant 0 : index
      %get3A_898 = arith.constant 0 : index
      %get3A_899 = vector.load %arg1[%get3A_896, %get3A_897, %get3A_898] : memref<64x64x1024xf32, #tpu.memory_space<vmem>>, vector<1x64x1024xf32>
      %get3A_900 = vector.shape_cast %get3A_899 : vector<1x64x1024xf32> to vector<64x1024xf32>
      %get3A_901 = arith.constant 0 : index
      %get3A_902 = arith.constant 0 : index
      %get3A_903 = vector.load %arg8[%get3A_901, %get3A_902] : memref<64x1xf32, #tpu.memory_space<vmem>>, vector<64x1xf32>
      %div3A_904 = vector.broadcast %get3A_903 : vector<64x1xf32> to vector<64x1024xf32>
      %div3A_905 = arith.divf %get3A_900, %div3A_904 : vector<64x1024xf32>
      %get3A_906 = arith.constant 0 : index
      %get3A_907 = arith.constant 0 : index
      %get3A_908 = vector.load %arg9[%get3A_906, %get3A_907] : memref<512x64xf32, #tpu.memory_space<vmem>>, vector<512x64xf32>
      %dot_general3A_909 = arith.constant dense<0.000000e+00> : vector<512x1024xf32>
      %dot_general3A_910 = tpu.matmul %get3A_908, %div3A_905, %dot_general3A_909 {dimension_numbers = #tpu.dot_dimension_numbers<[1], [0], [0], [1], [0, 0, 1, 1], [], []>, transpose_lhs_hint = false} : vector<512x64xf32>, vector<64x1024xf32>, vector<512x1024xf32> -> vector<512x1024xf32>
      %mul3A_911 = arith.mulf %div3A_905, %div3A_905 : vector<64x1024xf32>
      %reduce_sum3A_912 = arith.constant dense<0.000000e+00> : vector<1024xf32>
      %reduce_sum3A_913 = vector.multi_reduction <add>, %mul3A_911, %reduce_sum3A_912 [0] : vector<64x1024xf32> to vector<1024xf32>
      %broadcast_in_dim3A_914 = vector.shape_cast %reduce_sum3A_913 : vector<1024xf32> to vector<1x1024xf32>
      %add3A_915 = vector.broadcast %broadcast_in_dim3A_914 : vector<1x1024xf32> to vector<512x1024xf32>
      %add3A_916 = arith.addf %add3A_915, %dot_general3A_910 : vector<512x1024xf32>
      %get3A_917 = arith.constant 0 : index
      %get3A_918 = arith.constant 0 : index
      %get3A_919 = vector.load %arg10[%get3A_917, %get3A_918] : memref<512x1xf32, #tpu.memory_space<vmem>>, vector<512x1xf32>
      %add3A_920 = vector.broadcast %get3A_919 : vector<512x1xf32> to vector<512x1024xf32>
      %add3A_921 = arith.addf %add3A_916, %add3A_920 : vector<512x1024xf32>
      %reduce_min3A_922 = arith.constant dense<0x7F800000> : vector<1024xf32>
      %reduce_min3A_923 = vector.multi_reduction <minimumf>, %add3A_921, %reduce_min3A_922 [0] : vector<512x1024xf32> to vector<1024xf32>
      %argmin3A_924 = tpu.reduce_index %add3A_921 {axis = 0 : i32, kind = #tpu.reduction_kind<arg_min>} : vector<512x1024xf32> -> vector<1024xi32>
      %get3A_925 = arith.constant 0 : index
      %get3A_926 = arith.constant 0 : index
      %get3A_927 = memref.load %arg11[%get3A_925, %get3A_926] : memref<1x1xf32, #tpu.memory_space<smem>>
      %reduce_sum3A_928 = vector.shape_cast %reduce_min3A_923 : vector<1024xf32> to vector<1x1024xf32>
      %reduce_sum3A_929 = arith.constant dense<0.000000e+00> : vector<1xf32>
      %reduce_sum3A_930 = vector.multi_reduction <add>, %reduce_sum3A_928, %reduce_sum3A_929 [1] : vector<1x1024xf32> to vector<1xf32>
      %reduce_sum3A_931 = vector.shape_cast %reduce_sum3A_930 : vector<1xf32> to vector<1x1xf32>
      %reduce_sum3A_932 = vector.extract %reduce_sum3A_931[0, 0] : f32 from vector<1x1xf32>
      %add3A_933 = arith.addf %get3A_927, %reduce_sum3A_932 : f32
      %swap3A_934 = arith.constant 0 : index
      %swap3A_935 = arith.constant 0 : index
      %swap3A_936 = memref.load %arg11[%swap3A_934, %swap3A_935] : memref<1x1xf32, #tpu.memory_space<smem>>
      memref.store %add3A_933, %arg11[%swap3A_934, %swap3A_935] : memref<1x1xf32, #tpu.memory_space<smem>>
      %swap3A_937 = arith.constant 13 : index
      %swap3A_938 = arith.constant 0 : index
      %swap3A_939 = vector.load %arg3[%swap3A_937, %swap3A_938] : memref<16x1024xi32, #tpu.memory_space<vmem>>, vector<1x1024xi32>
      %swap3A_940 = vector.shape_cast %swap3A_939 : vector<1x1024xi32> to vector<1024xi32>
      %swap3A_941 = vector.shape_cast %argmin3A_924 : vector<1024xi32> to vector<1x1024xi32>
      tpu.vector_store %arg3[%swap3A_937, %swap3A_938], %swap3A_941 {strides = array<i32>} : memref<16x1024xi32, #tpu.memory_space<vmem>>, vector<1x1024xi32>,
      %jit3A_942 = arith.constant 4 : i32
      %eq3A_943 = arith.constant 0 : i32
      %eq3A_944 = arith.cmpi eq, %jit3A_942, %eq3A_943 : i32
      %jit3A_945 = arith.constant 1 : i32
      %select_n3A_946 = arith.select %eq3A_944, %jit3A_945, %jit3A_942 : i32
      %rem3A_947 = arith.remsi %arg0, %select_n3A_946 : i32
      %ne3A_948 = arith.constant 0 : i32
      %ne3A_949 = arith.cmpi ne, %rem3A_947, %ne3A_948 : i32
      %lt3A_950 = arith.constant 0 : i32
      %lt3A_951 = arith.cmpi slt, %rem3A_947, %lt3A_950 : i32
      %lt3A_952 = arith.constant 0 : i32
      %lt3A_953 = arith.cmpi slt, %select_n3A_946, %lt3A_952 : i32
      %ne3A_954 = arith.xori %lt3A_951, %lt3A_953 : i1
      %and3A_955 = arith.andi %ne3A_954, %ne3A_949 : i1
      %add3A_956 = arith.addi %rem3A_947, %select_n3A_946 : i32
      %select_n3A_957 = arith.select %and3A_955, %add3A_956, %rem3A_947 : i32
      %mul3A_958 = arith.constant 16 : i32
      %mul3A_959 = arith.muli %select_n3A_957, %mul3A_958 : i32
      %add3A_960 = arith.constant 14 : i32
      %add3A_961 = arith.addi %mul3A_959, %add3A_960 : i32
      %get3A_962 = arith.index_cast %add3A_961 : i32 to index
      %get3A_963 = arith.constant 0 : index
      %get3A_964 = arith.constant 0 : index
      %get3A_965 = vector.load %arg1[%get3A_962, %get3A_963, %get3A_964] : memref<64x64x1024xf32, #tpu.memory_space<vmem>>, vector<1x64x1024xf32>
      %get3A_966 = vector.shape_cast %get3A_965 : vector<1x64x1024xf32> to vector<64x1024xf32>
      %get3A_967 = arith.constant 0 : index
      %get3A_968 = arith.constant 0 : index
      %get3A_969 = vector.load %arg8[%get3A_967, %get3A_968] : memref<64x1xf32, #tpu.memory_space<vmem>>, vector<64x1xf32>
      %div3A_970 = vector.broadcast %get3A_969 : vector<64x1xf32> to vector<64x1024xf32>
      %div3A_971 = arith.divf %get3A_966, %div3A_970 : vector<64x1024xf32>
      %get3A_972 = arith.constant 0 : index
      %get3A_973 = arith.constant 0 : index
      %get3A_974 = vector.load %arg9[%get3A_972, %get3A_973] : memref<512x64xf32, #tpu.memory_space<vmem>>, vector<512x64xf32>
      %dot_general3A_975 = arith.constant dense<0.000000e+00> : vector<512x1024xf32>
      %dot_general3A_976 = tpu.matmul %get3A_974, %div3A_971, %dot_general3A_975 {dimension_numbers = #tpu.dot_dimension_numbers<[1], [0], [0], [1], [0, 0, 1, 1], [], []>, transpose_lhs_hint = false} : vector<512x64xf32>, vector<64x1024xf32>, vector<512x1024xf32> -> vector<512x1024xf32>
      %mul3A_977 = arith.mulf %div3A_971, %div3A_971 : vector<64x1024xf32>
      %reduce_sum3A_978 = arith.constant dense<0.000000e+00> : vector<1024xf32>
      %reduce_sum3A_979 = vector.multi_reduction <add>, %mul3A_977, %reduce_sum3A_978 [0] : vector<64x1024xf32> to vector<1024xf32>
      %broadcast_in_dim3A_980 = vector.shape_cast %reduce_sum3A_979 : vector<1024xf32> to vector<1x1024xf32>
      %add3A_981 = vector.broadcast %broadcast_in_dim3A_980 : vector<1x1024xf32> to vector<512x1024xf32>
      %add3A_982 = arith.addf %add3A_981, %dot_general3A_976 : vector<512x1024xf32>
      %get3A_983 = arith.constant 0 : index
      %get3A_984 = arith.constant 0 : index
      %get3A_985 = vector.load %arg10[%get3A_983, %get3A_984] : memref<512x1xf32, #tpu.memory_space<vmem>>, vector<512x1xf32>
      %add3A_986 = vector.broadcast %get3A_985 : vector<512x1xf32> to vector<512x1024xf32>
      %add3A_987 = arith.addf %add3A_982, %add3A_986 : vector<512x1024xf32>
      %reduce_min3A_988 = arith.constant dense<0x7F800000> : vector<1024xf32>
      %reduce_min3A_989 = vector.multi_reduction <minimumf>, %add3A_987, %reduce_min3A_988 [0] : vector<512x1024xf32> to vector<1024xf32>
      %argmin3A_990 = tpu.reduce_index %add3A_987 {axis = 0 : i32, kind = #tpu.reduction_kind<arg_min>} : vector<512x1024xf32> -> vector<1024xi32>
      %get3A_991 = arith.constant 0 : index
      %get3A_992 = arith.constant 0 : index
      %get3A_993 = memref.load %arg11[%get3A_991, %get3A_992] : memref<1x1xf32, #tpu.memory_space<smem>>
      %reduce_sum3A_994 = vector.shape_cast %reduce_min3A_989 : vector<1024xf32> to vector<1x1024xf32>
      %reduce_sum3A_995 = arith.constant dense<0.000000e+00> : vector<1xf32>
      %reduce_sum3A_996 = vector.multi_reduction <add>, %reduce_sum3A_994, %reduce_sum3A_995 [1] : vector<1x1024xf32> to vector<1xf32>
      %reduce_sum3A_997 = vector.shape_cast %reduce_sum3A_996 : vector<1xf32> to vector<1x1xf32>
      %reduce_sum3A_998 = vector.extract %reduce_sum3A_997[0, 0] : f32 from vector<1x1xf32>
      %add3A_999 = arith.addf %get3A_993, %reduce_sum3A_998 : f32
      %swap3A_1000 = arith.constant 0 : index
      %swap3A_1001 = arith.constant 0 : index
      %swap3A_1002 = memref.load %arg11[%swap3A_1000, %swap3A_1001] : memref<1x1xf32, #tpu.memory_space<smem>>
      memref.store %add3A_999, %arg11[%swap3A_1000, %swap3A_1001] : memref<1x1xf32, #tpu.memory_space<smem>>
      %swap3A_1003 = arith.constant 14 : index
      %swap3A_1004 = arith.constant 0 : index
      %swap3A_1005 = vector.load %arg3[%swap3A_1003, %swap3A_1004] : memref<16x1024xi32, #tpu.memory_space<vmem>>, vector<1x1024xi32>
      %swap3A_1006 = vector.shape_cast %swap3A_1005 : vector<1x1024xi32> to vector<1024xi32>
      %swap3A_1007 = vector.shape_cast %argmin3A_990 : vector<1024xi32> to vector<1x1024xi32>
      tpu.vector_store %arg3[%swap3A_1003, %swap3A_1004], %swap3A_1007 {strides = array<i32>} : memref<16x1024xi32, #tpu.memory_space<vmem>>, vector<1x1024xi32>,
      %jit3A_1008 = arith.constant 4 : i32
      %eq3A_1009 = arith.constant 0 : i32
      %eq3A_1010 = arith.cmpi eq, %jit3A_1008, %eq3A_1009 : i32
      %jit3A_1011 = arith.constant 1 : i32
      %select_n3A_1012 = arith.select %eq3A_1010, %jit3A_1011, %jit3A_1008 : i32
      %rem3A_1013 = arith.remsi %arg0, %select_n3A_1012 : i32
      %ne3A_1014 = arith.constant 0 : i32
      %ne3A_1015 = arith.cmpi ne, %rem3A_1013, %ne3A_1014 : i32
      %lt3A_1016 = arith.constant 0 : i32
      %lt3A_1017 = arith.cmpi slt, %rem3A_1013, %lt3A_1016 : i32
      %lt3A_1018 = arith.constant 0 : i32
      %lt3A_1019 = arith.cmpi slt, %select_n3A_1012, %lt3A_1018 : i32
      %ne3A_1020 = arith.xori %lt3A_1017, %lt3A_1019 : i1
      %and3A_1021 = arith.andi %ne3A_1020, %ne3A_1015 : i1
      %add3A_1022 = arith.addi %rem3A_1013, %select_n3A_1012 : i32
      %select_n3A_1023 = arith.select %and3A_1021, %add3A_1022, %rem3A_1013 : i32
      %mul3A_1024 = arith.constant 16 : i32
      %mul3A_1025 = arith.muli %select_n3A_1023, %mul3A_1024 : i32
      %add3A_1026 = arith.constant 15 : i32
      %add3A_1027 = arith.addi %mul3A_1025, %add3A_1026 : i32
      %get3A_1028 = arith.index_cast %add3A_1027 : i32 to index
      %get3A_1029 = arith.constant 0 : index
      %get3A_1030 = arith.constant 0 : index
      %get3A_1031 = vector.load %arg1[%get3A_1028, %get3A_1029, %get3A_1030] : memref<64x64x1024xf32, #tpu.memory_space<vmem>>, vector<1x64x1024xf32>
      %get3A_1032 = vector.shape_cast %get3A_1031 : vector<1x64x1024xf32> to vector<64x1024xf32>
      %get3A_1033 = arith.constant 0 : index
      %get3A_1034 = arith.constant 0 : index
      %get3A_1035 = vector.load %arg8[%get3A_1033, %get3A_1034] : memref<64x1xf32, #tpu.memory_space<vmem>>, vector<64x1xf32>
      %div3A_1036 = vector.broadcast %get3A_1035 : vector<64x1xf32> to vector<64x1024xf32>
      %div3A_1037 = arith.divf %get3A_1032, %div3A_1036 : vector<64x1024xf32>
      %get3A_1038 = arith.constant 0 : index
      %get3A_1039 = arith.constant 0 : index
      %get3A_1040 = vector.load %arg9[%get3A_1038, %get3A_1039] : memref<512x64xf32, #tpu.memory_space<vmem>>, vector<512x64xf32>
      %dot_general3A_1041 = arith.constant dense<0.000000e+00> : vector<512x1024xf32>
      %dot_general3A_1042 = tpu.matmul %get3A_1040, %div3A_1037, %dot_general3A_1041 {dimension_numbers = #tpu.dot_dimension_numbers<[1], [0], [0], [1], [0, 0, 1, 1], [], []>, transpose_lhs_hint = false} : vector<512x64xf32>, vector<64x1024xf32>, vector<512x1024xf32> -> vector<512x1024xf32>
      %mul3A_1043 = arith.mulf %div3A_1037, %div3A_1037 : vector<64x1024xf32>
      %reduce_sum3A_1044 = arith.constant dense<0.000000e+00> : vector<1024xf32>
      %reduce_sum3A_1045 = vector.multi_reduction <add>, %mul3A_1043, %reduce_sum3A_1044 [0] : vector<64x1024xf32> to vector<1024xf32>
      %broadcast_in_dim3A_1046 = vector.shape_cast %reduce_sum3A_1045 : vector<1024xf32> to vector<1x1024xf32>
      %add3A_1047 = vector.broadcast %broadcast_in_dim3A_1046 : vector<1x1024xf32> to vector<512x1024xf32>
      %add3A_1048 = arith.addf %add3A_1047, %dot_general3A_1042 : vector<512x1024xf32>
      %get3A_1049 = arith.constant 0 : index
      %get3A_1050 = arith.constant 0 : index
      %get3A_1051 = vector.load %arg10[%get3A_1049, %get3A_1050] : memref<512x1xf32, #tpu.memory_space<vmem>>, vector<512x1xf32>
      %add3A_1052 = vector.broadcast %get3A_1051 : vector<512x1xf32> to vector<512x1024xf32>
      %add3A_1053 = arith.addf %add3A_1048, %add3A_1052 : vector<512x1024xf32>
      %reduce_min3A_1054 = arith.constant dense<0x7F800000> : vector<1024xf32>
      %reduce_min3A_1055 = vector.multi_reduction <minimumf>, %add3A_1053, %reduce_min3A_1054 [0] : vector<512x1024xf32> to vector<1024xf32>
      %argmin3A_1056 = tpu.reduce_index %add3A_1053 {axis = 0 : i32, kind = #tpu.reduction_kind<arg_min>} : vector<512x1024xf32> -> vector<1024xi32>
      %get3A_1057 = arith.constant 0 : index
      %get3A_1058 = arith.constant 0 : index
      %get3A_1059 = memref.load %arg11[%get3A_1057, %get3A_1058] : memref<1x1xf32, #tpu.memory_space<smem>>
      %reduce_sum3A_1060 = vector.shape_cast %reduce_min3A_1055 : vector<1024xf32> to vector<1x1024xf32>
      %reduce_sum3A_1061 = arith.constant dense<0.000000e+00> : vector<1xf32>
      %reduce_sum3A_1062 = vector.multi_reduction <add>, %reduce_sum3A_1060, %reduce_sum3A_1061 [1] : vector<1x1024xf32> to vector<1xf32>
      %reduce_sum3A_1063 = vector.shape_cast %reduce_sum3A_1062 : vector<1xf32> to vector<1x1xf32>
      %reduce_sum3A_1064 = vector.extract %reduce_sum3A_1063[0, 0] : f32 from vector<1x1xf32>
      %add3A_1065 = arith.addf %get3A_1059, %reduce_sum3A_1064 : f32
      %swap3A_1066 = arith.constant 0 : index
      %swap3A_1067 = arith.constant 0 : index
      %swap3A_1068 = memref.load %arg11[%swap3A_1066, %swap3A_1067] : memref<1x1xf32, #tpu.memory_space<smem>>
      memref.store %add3A_1065, %arg11[%swap3A_1066, %swap3A_1067] : memref<1x1xf32, #tpu.memory_space<smem>>
      %swap3A_1069 = arith.constant 15 : index
      %swap3A_1070 = arith.constant 0 : index
      %swap3A_1071 = vector.load %arg3[%swap3A_1069, %swap3A_1070] : memref<16x1024xi32, #tpu.memory_space<vmem>>, vector<1x1024xi32>
      %swap3A_1072 = vector.shape_cast %swap3A_1071 : vector<1x1024xi32> to vector<1024xi32>
      %swap3A_1073 = vector.shape_cast %argmin3A_1056 : vector<1024xi32> to vector<1x1024xi32>
      tpu.vector_store %arg3[%swap3A_1069, %swap3A_1070], %swap3A_1073 {strides = array<i32>} : memref<16x1024xi32, #tpu.memory_space<vmem>>, vector<1x1024xi32>,
    } else {
    }
    %eq3A_27 = arith.constant 11 : i32
    %eq3A_28 = arith.cmpi eq, %arg0, %eq3A_27 : i32
    %convert_element_type3A_29 = arith.extui %eq3A_28 : i1 to i32
    %cond3A_30 = arith.constant 0 : i32
    %cond3A_31 = arith.cmpi ne, %convert_element_type3A_29, %cond3A_30 : i32
    scf.if %cond3A_31 {
      %get3A = arith.constant 0 : index
      %get3A_32 = arith.constant 0 : index
      %get3A_33 = memref.load %arg11[%get3A, %get3A_32] : memref<1x1xf32, #tpu.memory_space<smem>>
      %mul3A = arith.constant 1.250000e+00 : f32
      %mul3A_34 = arith.mulf %mul3A, %get3A_33 : f32
      %div3A = arith.constant 0x4A800000 : f32
      %div3A_35 = arith.divf %mul3A_34, %div3A : f32
      %swap3A = arith.constant 0 : index
      %swap3A_36 = arith.constant 0 : index
      %swap3A_37 = memref.load %arg4[%swap3A, %swap3A_36] : memref<1x1xf32, #tpu.memory_space<smem>>
      memref.store %div3A_35, %arg4[%swap3A, %swap3A_36] : memref<1x1xf32, #tpu.memory_space<smem>>
    } else {
    }
    return
  }
  func.func @transform_0(%arg0: i32) -> (i32, i32, i32) {
    %c0_i32 = arith.constant 0 : i32
    %c0_i32_0 = arith.constant 0 : i32
    %c0_i32_1 = arith.constant 0 : i32
    %c0_i32_2 = arith.constant 0 : i32
    return %c0_i32, %c0_i32_0, %c0_i32_1 : i32, i32, i32
  }
  func.func @transform_1(%arg0: i32) -> (i32, i32) {
    %c0_i32 = arith.constant 0 : i32
    %c0_i32_0 = arith.constant 0 : i32
    %c0_i32_1 = arith.constant 0 : i32
    return %c0_i32, %c0_i32_0 : i32, i32
  }
  func.func @transform_2(%arg0: i32) -> (i32, i32) {
    %sub3A = arith.constant 8 : i32
    %sub3A_0 = arith.subi %arg0, %sub3A : i32
    %max3A = arith.constant 0 : i32
    %max3A_1 = arith.maxsi %sub3A_0, %max3A : i32
    %c0_i32 = arith.constant 0 : i32
    %c0_i32_2 = arith.constant 0 : i32
    return %max3A_1, %c0_i32 : i32, i32
  }
  func.func @transform_3(%arg0: i32) -> (i32, i32) {
    %c0_i32 = arith.constant 0 : i32
    %c0_i32_0 = arith.constant 0 : i32
    %c0_i32_1 = arith.constant 0 : i32
    return %c0_i32, %c0_i32_0 : i32, i32
  }
  func.func @transform_4(%arg0: i32) -> (i32, i32) {
    %c0_i32 = arith.constant 0 : i32
    %c0_i32_0 = arith.constant 0 : i32
    %c0_i32_1 = arith.constant 0 : i32
    return %c0_i32, %c0_i32_0 : i32, i32
  }
}

</mosaic_0001>

<sc_bundles>
// kernel: kernel.5.cloned.1.call-start
scs
__scs_entry_jumppad:
0x0: {  	(pc) =	sbr.rel $0x88, $3  }
0x1: {  	(tag) =	ssettag $0x0;
	lr =	simm.s32 $0x1  }
0x2: {  	[smem:$0x3F9F] =	sst lr;
	_ =	strace $0xD0000000  }
0x3: {  	_ = 	snop  }
0x4: {  	_ = 	snop  }
0x5: {  	_ = 	snop  }
0x6: {  	_ = 	snop  }
0x7: {  	_ = 	snop  }
__scs_overlays_trampoline_lowered:
0x8: {  	[smem:$0x3FAE] =	sst s0  }
0x9: {  	[smem:$0x3FAF] =	sst s1  }
0xa: {  	[smem:$0x3FB0] =	sst s2  }
0xb: {  	[smem:$0x3FB1] =	sst s3  }
0xc: {  	[smem:$0x3FB2] =	sst s4  }
0xd: {  	[smem:$0x3FB3] =	sst s5  }
0xe: {  	[smem:$0x3FB4] =	sst s6  }
0xf: {  	[smem:$0x3FB5] =	sst s7  }
0x10: {  	[smem:$0x3FB6] =	sst s8  }
0x11: {  	[smem:$0x3FB7] =	sst s9;
	s0 =	simm.s32 @!p0 $0x0  }
0x12: {  	s1 =	sld [smem:$0x3F9D];
	s0 =	simm.s32 @p0 $0x1  }
0x13: {  	[smem:$0x3FB8] =	sst s0;
	s0 =	simm.s32 @!p1 $0x0  }
0x14: {  	s2 =	sld [smem:$0x3F9C];
	s0 =	simm.s32 @p1 $0x1  }
0x15: {  	[smem:$0x3FB9] =	sst s0;
	s0 =	simm.s32 @!p2 $0x0  }
0x16: {  	s3 =	sld [smem:$0x3FDB];
	s0 =	simm.s32 @p2 $0x1  }
0x17: {  	s4 =	simm.s32 $0x1BF5;
	[smem:$0x3FBB] =	sst s0  }
0x18: {  	s0 =	sld [smem:$0x3F9E];
	_ =	swait.ge [sflag:s4], $0x0  }
0x19: {  	s7 =	sld [smem:$0x3F9F]  }
0x1a: {  	s8 =	sadd.s32 $0xFFFFE003, lr  }
0x1b: {  	s9 =	sadd.s32 $0xFFFFFEF7, lr;
	s5 =	simm.s32 $0xFFFFFFFF;
	p2 =	slt.u32 s8, $0xFFFFF086  }
0x1c: {  	p1 =	slt.u32 s9, $0xF7A;
	s5 =	simm.s32 @!p2 $0x0  }
0x1d: {  	s5 =	simm.s32 @p1 $0x1;
	p0 =	seq.s32 s7, s2  }
0x1e: {  	s7 =	smul.u32 @!p0 $0xF7A, s2;
	p2 =	seq.s32 @!p0 s5, $0x0  }
0x1f: {  	s9 =	smul.u32 $0xF7A, s1;
	s8 =	simm.s32 @!p0 $0x1BF5;
	p2 =	por !p2, p0  }
0x20: {  	[sflag:s8] =	ssyncset.s32 @!p0 $0xFFFFF086;
	s6 =	sadd.s32 @!p0 s3, s7;
	s7 =	simm.s32 @!p0 $0x108  }
0x21: {  	s3 =	sadd.s32 s3, s9;
	s6 =	sadd.s32 @!p0 $0x88, s6;
	s7 =	simm.s32 @p2 $0x1082  }
0x22: {  	[simem:s7], [sflag:s8] =	dma.local @!p0 [hbm:s6], $0xF7A  }
0x23: {  	s9 =	sor.u32 $0xD0000000, s2;
	s6 =	simm.s32 $0x108;
	_ =	swait.ge @!p0 [sflag:s8], $0x0  }
0x24: {  	s3 =	sadd.s32 $0x88, s3;
	s6 =	simm.s32 @!p1 $0x1082;
	[sflag:s4] =	ssyncset.s32 $0xFFFFF086  }
0x25: {  	[simem:s6], [sflag:s4] =	dma.local [hbm:s3], $0xF7A  }
0x26: {  	[smem:$0x3F9F] =	sst s1;
	(tag) =	ssettag s2;
	_ =	strace s9  }
0x27: {  	s1 =	sld [smem:$0x3FAF]  }
0x28: {  	s2 =	sld [smem:$0x3FB0]  }
0x29: {  	s4 =	sld [smem:$0x3FB2]  }
0x2a: {  	p0 =	seq.s32 s5, $0x0;
	s5 =	sld [smem:$0x3FB3]  }
0x2b: {  	s6 =	sld [smem:$0x3FB4]  }
0x2c: {  	s7 =	sld [smem:$0x3FB5]  }
0x2d: {  	s3 =	simm.s32 $0x108;
	s8 =	sld [smem:$0x3FB6]  }
0x2e: {  	s3 =	simm.s32 @!p0 $0x1082;
	s9 =	sld [smem:$0x3FB7]  }
0x2f: {  	lr =	sadd.s32 s0, s3;
	s0 =	sld [smem:$0x3FAE]  }
0x30: {  	s3 =	sld [smem:$0x3FB1]  }
0x31: {  	[smem:$0x3FBA] =	sst s10  }
0x32: {  	s10 =	sld [smem:$0x3FB8];
	_ =	sdelay $0x3  }
0x33: {  	p0 =	seq.s32 s10, $0x1;
	s10 =	sld [smem:$0x3FBA];
	_ =	sdelay $0x3  }
0x34: {  	[smem:$0x3FBA] =	sst s10  }
0x35: {  	s10 =	sld [smem:$0x3FB9];
	_ =	sdelay $0x3  }
0x36: {  	p1 =	seq.s32 s10, $0x1;
	s10 =	sld [smem:$0x3FBA];
	_ =	sdelay $0x3  }
0x37: {  	[smem:$0x3FBA] =	sst s10  }
0x38: {  	s10 =	sld [smem:$0x3FBB]  }
0x39: {  	_ = 	snop;
	(pc) =	sbr.ind lr, $3  }
0x3a: {  	_ = 	snop  }
0x3b: {  	_ = 	snop  }
0x3c: {  	p2 =	seq.s32 s10, $0x1;
	s10 =	sld [smem:$0x3FBA]  }
0x3d: {  	_ =	shalt  }
0x3e: {  	_ =	shalt  }
0x3f: {  	_ =	shalt  }
0x40: {  	_ =	shalt  }
0x41: {  	_ =	shalt  }
0x42: {  	_ =	shalt  }
0x43: {  	_ =	shalt  }
0x44: {  	_ =	shalt  }
0x45: {  	_ =	shalt  }
0x46: {  	_ =	shalt  }
0x47: {  	_ =	shalt  }
0x48: {  	_ =	shalt  }
0x49: {  	_ =	shalt  }
0x4a: {  	_ =	shalt  }
0x4b: {  	_ =	shalt  }
0x4c: {  	_ =	shalt  }
0x4d: {  	_ =	shalt  }
0x4e: {  	_ =	shalt  }
0x4f: {  	_ =	shalt  }
0x50: {  	_ =	shalt  }
0x51: {  	_ =	shalt  }
0x52: {  	_ =	shalt  }
0x53: {  	_ =	shalt  }
0x54: {  	_ =	shalt  }
0x55: {  	_ =	shalt  }
0x56: {  	_ =	shalt  }
0x57: {  	_ =	shalt  }
0x58: {  	_ =	shalt  }
0x59: {  	_ =	shalt  }
0x5a: {  	_ =	shalt  }
0x5b: {  	_ =	shalt  }
0x5c: {  	_ =	shalt  }
0x5d: {  	_ =	shalt  }
0x5e: {  	_ =	shalt  }
0x5f: {  	_ =	shalt  }
0x60: {  	_ =	shalt  }
0x61: {  	_ =	shalt  }
0x62: {  	_ =	shalt  }
0x63: {  	_ =	shalt  }
0x64: {  	_ =	shalt  }
0x65: {  	_ =	shalt  }
0x66: {  	_ =	shalt  }
0x67: {  	_ =	shalt  }
0x68: {  	_ =	shalt  }
0x69: {  	_ =	shalt  }
0x6a: {  	_ =	shalt  }
0x6b: {  	_ =	shalt  }
0x6c: {  	_ =	shalt  }
0x6d: {  	_ =	shalt  }
0x6e: {  	_ =	shalt  }
0x6f: {  	_ =	shalt  }
0x70: {  	_ =	shalt  }
0x71: {  	_ =	shalt  }
0x72: {  	_ =	shalt  }
0x73: {  	_ =	shalt  }
0x74: {  	_ =	shalt  }
0x75: {  	_ =	shalt  }
0x76: {  	_ =	shalt  }
0x77: {  	_ =	shalt  }
0x78: {  	_ =	shalt  }
0x79: {  	_ =	shalt  }
0x7a: {  	_ =	shalt  }
0x7b: {  	_ =	shalt  }
0x7c: {  	_ =	shalt  }
0x7d: {  	_ =	shalt  }
0x7e: {  	_ =	shalt  }
0x7f: {  	_ =	shalt  }
0x80: {  	_ =	shalt  }
0x81: {  	_ =	shalt  }
0x82: {  	_ =	shalt  }
0x83: {  	_ =	shalt  }
0x84: {  	_ =	shalt  }
0x85: {  	_ =	shalt  }
0x86: {  	_ =	shalt  }
0x87: {  	_ =	shalt  }
.Lfunc_end0:
.L_simem_size_0:
called_computation_lowered:
.L_overlay_start_0:
0x88: {  	s2 =	sld [smem:$0x3FD9]  }
0x89: {  	s3 =	sld [smem:$0x3FFE];
	_ =	sdelay $0x1  }
0x8a: {  	s1 =	srdreg.scid  }
0x8b: {  	s0 =	sand.u32 $0x1, s1  }
0x8c: {  	s14 =	sshll.u32 s0, $0xA;
	s2 =	sadd.s32 s3, s2  }
0x8d: {  	s2 =	sadd.s32 s2, s14  }
0x8e: {  	[smem:$0x3FC6] =	sst s2  }
0x8f: {  	_ = 	snop  }
0x90: {  	s2 =	sld [smem:$0x3FD0];
	_ =	sdelay $0x2  }
0x91: {  	s15 =	simm.s32 $0xA;
	s4 =	simm.s32 $0x10  }
0x92: {  	[smem:s4], [sflag:s15] =	dma.local [hbm:s2], $0x1  }
0x93: {  	_ =	swait.eq [sflag:s15], $0x1  }
0x94: {  	[sflag:s15] =	ssyncset.done $0x0  }
0x95: {  	[sflag:s15] =	ssyncadd.s32 $0xFFFFFFFF  }
0x96: {  	s16 =	sld [smem:$0x10];
	(tm) =	ssettm $0x1  }
0x97: {  	s17 =	sld [smem:$0x3FFB];
	_ =	sdelay $0x3  }
0x98: {  	_ =	strace s17  }
0x99: {  	s3 =	sld [smem:$0x3FFC];
	_ =	sdelay $0x3  }
0x9a: {  	_ =	strace s3  }
0x9b: {  	s3 =	sld [smem:$0x3FFD];
	_ =	sdelay $0x3  }
0x9c: {  	_ =	strace s3  }
0x9d: {  	_ =	strace $0x8FFFFFFF  }
0x9e: {  	s18 =	sld [smem:$0x3FDB];
	_ =	sdelay $0x1  }
0x9f: {  	s19 =	simm.s32 $_scs_section_size  }
0xa0: {  	s5 =	simm.s32 $_size__tile_overlayer_lowered;
	s6 =	simm.s32 $_tile_overlayer_lowered  }
0xa1: {  	s22 =	simm.s32 $0x1BFF;
	s21 =	sshll.u32 s6, $0x1;
	s3 =	sadd.s32 s19, s18  }
0xa2: {  	s7 =	simm.s32 $0x0;
	s20 =	sshll.u32 s5, $0x1;
	s5 =	sadd.s32 s21, s3  }
0xa3: {  	[timem:s7], [sflag:s22] =	dma.local [hbm:s5], s20  }
0xa4: {  	_ =	swait.ge [sflag:s22], s20  }
0xa5: {  	s4 =	ssub.s32 $0x0, s20;
	[sflag:s22] =	ssyncset.done $0x0  }
0xa6: {  	[sflag:s22] =	ssyncadd.s32 s4;
	_ =	sdelay $0x1  }
0xa7: {  	s23 =	simm.s32 $0x1B8B  }
0xa8: {  	_ =	swait.ge [sflag:s23], $0x1  }
0xa9: {  	[sflag:s23] =	ssyncset.done $0x0  }
0xaa: {  	s25 =	simm.s32 $0x1B8E;
	s24 =	sld [smem:$0x3FFE];
	[sflag:s23] =	ssyncadd.s32 $0xFFFFFFFF  }
0xab: {  	s26 =	simm.s32 $execute0_lowered;
	[smem:$0x3FD2] =	sst s25  }
0xac: {  	s5 =	sshll.u32 s26, $0x1;
	_ =	strace $0x80000046;
	[dreg:$0x1] =	wrdreg $0xFFFFFFFF  }
0xad: {  	s28 =	simm.s32 $_size_execute0_lowered;
	s3 =	sadd.s32 s3, s5;
	[dreg:$0x0] =	wrdreg $0x0  }
0xae: {  	s5 =	sshll.u32 s28, $0x1;
	[dreg:$0x2] =	wrdreg s3  }
0xaf: {  	[dreg:$0x3] =	wrdreg s5  }
0xb0: {  	[dreg:$0x4] =	wrdreg $0xC0  }
0xb1: {  	_ =	task [dreg:s7], $0x5FFFF  }
0xb2: {  	[dreg:$0x1] =	wrdreg $0xFFFFFFFF  }
0xb3: {  	[dreg:$0x0] =	wrdreg $0x60  }
0xb4: {  	[dreg:$0x2] =	wrdreg s24  }
0xb5: {  	[dreg:$0x3] =	wrdreg s16  }
0xb6: {  	[dreg:$0x4] =	wrdreg $0x9  }
0xb7: {  	_ =	task.clear_ibuf [dreg:s7], $0x5FFFF;
	_ =	strace $0x90000046  }
0xb8: {  	s29 =	simm.s32 $0x9;
	_ =	strace $0x80000048  }
0xb9: {  	_ =	swait.ge [sflag:s29], $0x1  }
0xba: {  	[sflag:s29] =	ssyncadd.s32 $0xFFFFFFFF  }
0xbb: {  	_ =	strace $0x90000048  }
0xbc: {  	_ =	sfence  }
0xbd: {  	s30 =	sld [smem:$0x0];
	_ =	sdelay $0x2  }
0xbe: {  	s31 =	sshll.u32 s1, $0xD;
	s1 =	sshrl.u32 s1, $0x2  }
0xbf: {  	s3 =	sand.u32 $0x4000, s31;
	s1 =	sadd.s32 s1, s30  }
0xc0: {  	s0 =	sor.u32 s3, s0;
	s1 =	sshll.u32 s1, $0x11  }
0xc1: {  	s0 =	sor.u32 s1, s0  }
0xc2: {  	s0 =	sadd.s32 $0x8F2B, s0  }
0xc3: {  	[sflag:s0] =	ssyncadd.remote.s32 $0x1  }
0xc4: {  	_ =	sfence.sel $0xFFFF  }
0xc5: {  	[dreg:$0x0] =	wrdreg $0xFFFFFFFF;
	(pc) =	sbr.abs _section_cstart, $3  }
0xc6: {  	[dreg:$0x1] =	wrdreg $0xFFFFFFFF  }
0xc7: {  	_ =	task.clear_ibuf [dreg:s7], $0x2FFFF;
	_ =	strace $0x9FFFFFFF  }
0xc8: {  	(tm) =	ssettm $0x7FFFFFFF  }
0xc9: {  	_ =	shalt  }
tec
execute0_lowered:
.L_overlay_start_1:
0x0: {  	(tag) =	ssettag $0x1  }
0x1: {  	s0 =	rddreg [dreg:$0x0]  }
0x2: {  	s1 =	rddreg [dreg:$0x1];
	s2 =	simm.s32 $0x0;
	s6 =	stileid.u32  }
0x3: {  	s26 =	srdreg.scid;
	[smem:$0x7FF] =	sst s2  }
0x4: {  	s24 =	sadd.s32 $0x1000, s0;
	s25 =	sadd.s32 $0x2000, s0;
	s3 =	sshll.u32 s6, $0x7  }
0x5: {  	s2 =	sand.u32 $0x1, s26;
	_ =	strace $0x80000047;
	[dreg:$0x4] =	wrdreg s24  }
0x6: {  	s4 =	sshll.u32 s6, $0x1;
	s29 =	sshll.u32 s6, $0x9;
	[dreg:$0x5] =	wrdreg s25  }
0x7: {  	s3 =	sand.u32 $0x600, s3;
	s5 =	ssub.s32 $0x2, s2;
	s2 =	sor.u32 s2, s4  }
0x8: {  	s30 =	sand.u32 $0x1C00, s29;
	s0 =	sadd.s32 s3, s0;
	s28 =	sshrl.u32 s5, $0x1  }
0x9: {  	s4 =	sshll.u32 s2, $0x4;
	s2 =	sshll.u32 s2, $0x1;
	s1 =	sadd.s32 s1, s30  }
0xa: {  	s3 =	ssub.s32 s5, s28;
	s4 =	sand.u32 $0x70, s4;
	[dreg:$0x6] =	wrdreg s2  }
0xb: {  	[dreg:$0x7] =	wrdreg s1;
	s0 =	sadd.s32 s4, s0;
	s31 =	smax.u32 s3, $0x1  }
0xc: {  	s16 =	simm.s32 $0x0;
	s0 =	sadd.s32 $0x82000, s0;
	[dreg:$0x9] =	wrdreg s31  }
0xd: {  	v0 =	vimm.f32 $0.0e+00;
	v1 =	vimm.f32 $1.000000000e+00;
	s2 =	simm.s32 $0x1;
	s1 =	simm.s32 $0x0;
	[dreg:$0x8] =	wrdreg s0  }
.LBB2_1:
0xe: {  	[dreg:$0xa] =	wrdreg s1  }
0xf: {  	s0 =	simm.s32 $0x0;
	s31 =	rddreg [dreg:$0x4]  }
0x10: {  	[tilespmem:s0], [sflag:$0x1] =	stream.linear.gather [hbm4b:s31+s0], $0x8000, $0x38;
	[tilespmem:$0x18600] =	vst v63  }
0x11: {  	_ =	swait.ge [sflag:s2], $0x8000  }
0x12: {  	[sflag:s2] =	ssyncset.done $0x0  }
0x13: {  	[sflag:s2] =	ssyncadd.s32 $0xFFFF8000  }
0x14: {  	[tilespmem:$0x18400] =	vst v0  }
0x15: {  	[tilespmem:$0x18410] =	vst v0  }
0x16: {  	[tilespmem:$0x18420] =	vst v0  }
0x17: {  	[tilespmem:$0x18430] =	vst v0  }
0x18: {  	[tilespmem:$0x18440] =	vst v0  }
0x19: {  	[tilespmem:$0x18450] =	vst v0  }
0x1a: {  	[tilespmem:$0x18460] =	vst v0  }
0x1b: {  	[tilespmem:$0x18470] =	vst v0  }
0x1c: {  	[tilespmem:$0x18480] =	vst v0  }
0x1d: {  	[tilespmem:$0x18490] =	vst v0  }
0x1e: {  	[tilespmem:$0x184A0] =	vst v0  }
0x1f: {  	[tilespmem:$0x184B0] =	vst v0  }
0x20: {  	[tilespmem:$0x184C0] =	vst v0  }
0x21: {  	[tilespmem:$0x184D0] =	vst v0  }
0x22: {  	[tilespmem:$0x184E0] =	vst v0  }
0x23: {  	[tilespmem:$0x184F0] =	vst v0  }
0x24: {  	[tilespmem:$0x18500] =	vst v0  }
0x25: {  	[tilespmem:$0x18510] =	vst v0  }
0x26: {  	[tilespmem:$0x18520] =	vst v0  }
0x27: {  	[tilespmem:$0x18530] =	vst v0  }
0x28: {  	[tilespmem:$0x18540] =	vst v0  }
0x29: {  	[tilespmem:$0x18550] =	vst v0  }
0x2a: {  	[tilespmem:$0x18560] =	vst v0  }
0x2b: {  	[tilespmem:$0x18570] =	vst v0  }
0x2c: {  	[tilespmem:$0x18580] =	vst v0  }
0x2d: {  	[tilespmem:$0x18590] =	vst v0  }
0x2e: {  	[tilespmem:$0x185A0] =	vst v0  }
0x2f: {  	[tilespmem:$0x185B0] =	vst v0  }
0x30: {  	[tilespmem:$0x185C0] =	vst v0  }
0x31: {  	[tilespmem:$0x185D0] =	vst v0  }
0x32: {  	[tilespmem:$0x185E0] =	vst v0  }
0x33: {  	p1 =	por $0x1, $0x1;
	s0 =	simm.s32 $0x0;
	[tilespmem:$0x185F0] =	vst v0  }
.LBB2_2:
0x34: {  	s1 =	rddreg [dreg:$0x6]  }
0x35: {  	s0 =	sor.u32 s1, s0  }
0x36: {  	[dreg:$0xb] =	wrdreg s0;
	s0 =	sshll.u32 s0, $0x4  }
0x37: {  	s24 =	rddreg [dreg:$0x7];
	s25 =	simm.s32 $0x8000;
	s0 =	sand.u32 $0x70, s0  }
0x38: {  	s3 =	simm.s32 $0x80;
	s4 =	simm.s32 $0x400;
	s0 =	sadd.s32 s0, s24  }
0x39: {  	[tilespmem:s25], [sflag:$0x1] =	stream.strided.gather [hbm4b:s0+s3], $0x400, s4, s3, $0x38;
	[tilespmem:$0x18600] =	vst v63  }
0x3a: {  	s26 =	sand.u32 $0x60, s16;
	_ =	swait.ge [sflag:s2], $0x400  }
0x3b: {  	s28 =	sor.u32 $0x10, s26;
	s4 =	sand.u32 $0x380, s16;
	[sflag:s2] =	ssyncset.done $0x0  }
0x3c: {  	s0 =	sor.u32 s28, s4;
	[sflag:s2] =	ssyncadd.s32 $0xFFFFFC00  }
0x3d: {  	v9 =	vld [tilespmem:s0+$0x8000]  }
0x3e: {  	v4 =	vld [tilespmem:s25+$0x0];
	_ =	sdelay $0x6  }
0x3f: {  	v2 =	vld.idx.msk [tilespmem:v9+s16+$0x0], $0xffff  }
0x40: {  	v5 =	vadd.s32 $0x200, v9;
	v3 =	vld.idx.msk [tilespmem:v4+s16+$0x0], $0xffff  }
0x41: {  	s29 =	sand.u32 $0x1C00, s16;
	v6 =	vadd.s32 $0x200, v4  }
0x42: {  	s5 =	sadd.s32 $0x8400, s29  }
0x43: {  	s6 =	sor.u32 s28, s5  }
0x44: {  	s0 =	sor.u32 s26, s5;
	[tilespmem:s6+$0x0] =	vst v2  }
0x45: {  	[tilespmem:s0+$0x0] =	vst v3;
	v2 =	vld.idx.msk [tilespmem:v5+s16+$0x0], $0xffff  }
0x46: {  	v3 =	vld.idx.msk [tilespmem:v6+s16+$0x0], $0xffff;
	v5 =	vadd.s32 $0x400, v9  }
0x47: {  	v6 =	vadd.s32 $0x400, v4;
	_ =	sdelay $0x2  }
0x48: {  	[tilespmem:s6+$0x80] =	vst v2  }
0x49: {  	[tilespmem:s0+$0x80] =	vst v3;
	v2 =	vld.idx.msk [tilespmem:v5+s16+$0x0], $0xffff  }
0x4a: {  	v3 =	vld.idx.msk [tilespmem:v6+s16+$0x0], $0xffff;
	v5 =	vadd.s32 $0x600, v9  }
0x4b: {  	v6 =	vadd.s32 $0x600, v4;
	_ =	sdelay $0x2  }
0x4c: {  	[tilespmem:s6+$0x100] =	vst v2  }
0x4d: {  	[tilespmem:s0+$0x100] =	vst v3;
	v2 =	vld.idx.msk [tilespmem:v5+s16+$0x0], $0xffff  }
0x4e: {  	v3 =	vld.idx.msk [tilespmem:v6+s16+$0x0], $0xffff;
	v5 =	vadd.s32 $0x800, v9  }
0x4f: {  	v6 =	vadd.s32 $0x800, v4;
	_ =	sdelay $0x2  }
0x50: {  	[tilespmem:s6+$0x180] =	vst v2  }
0x51: {  	[tilespmem:s0+$0x180] =	vst v3;
	v2 =	vld.idx.msk [tilespmem:v5+s16+$0x0], $0xffff  }
0x52: {  	v3 =	vld.idx.msk [tilespmem:v6+s16+$0x0], $0xffff;
	v5 =	vadd.s32 $0xA00, v9  }
0x53: {  	v6 =	vadd.s32 $0xA00, v4;
	_ =	sdelay $0x2  }
0x54: {  	[tilespmem:s6+$0x200] =	vst v2  }
0x55: {  	[tilespmem:s0+$0x200] =	vst v3;
	v2 =	vld.idx.msk [tilespmem:v5+s16+$0x0], $0xffff  }
0x56: {  	v3 =	vld.idx.msk [tilespmem:v6+s16+$0x0], $0xffff;
	v5 =	vadd.s32 $0xC00, v9  }
0x57: {  	v6 =	vadd.s32 $0xC00, v4;
	_ =	sdelay $0x2  }
0x58: {  	[tilespmem:s6+$0x280] =	vst v2  }
0x59: {  	s7 =	sand.u32 $0x3, s16;
	[tilespmem:s0+$0x280] =	vst v3;
	v2 =	vld.idx.msk [tilespmem:v5+s16+$0x0], $0xffff  }
0x5a: {  	s0 =	sshll.u32 s7, $0x5;
	v3 =	vld.idx.msk [tilespmem:v6+s16+$0x0], $0xffff;
	v5 =	vadd.s32 $0xE00, v9  }
0x5b: {  	s0 =	sadd.s32 $0x0, s0;
	v6 =	vadd.s32 $0xE00, v4  }
0x5c: {  	s8 =	sadd.s32 $0x10, s0  }
0x5d: {  	s9 =	sor.u32 $0x300, s8  }
0x5e: {  	s0 =	sor.u32 $0x300, s0;
	[tilespmem:s9+$0x8400] =	vst v2  }
0x5f: {  	[tilespmem:s0+$0x8400] =	vst v3;
	v2 =	vld.idx.msk [tilespmem:v5+s16+$0x0], $0xffff  }
0x60: {  	v3 =	vld.idx.msk [tilespmem:v6+s16+$0x0], $0xffff;
	v5 =	vadd.s32 $0x1000, v9  }
0x61: {  	v6 =	vadd.s32 $0x1000, v4;
	_ =	sdelay $0x1  }
0x62: {  	s10 =	sor.u32 s16, s16;
	s1 =	sor.u32 $0x380, s8  }
0x63: {  	s0 =	sor.u32 $0x380, s10;
	[tilespmem:s1+$0x8400] =	vst v2  }
0x64: {  	[tilespmem:s0+$0x8400] =	vst v3;
	v2 =	vld.idx.msk [tilespmem:v5+s16+$0x0], $0xffff  }
0x65: {  	v3 =	vld.idx.msk [tilespmem:v6+s16+$0x0], $0xffff;
	v5 =	vadd.s32 $0x1200, v9  }
0x66: {  	v6 =	vadd.s32 $0x1200, v4  }
0x67: {  	s11 =	sadd.s32 $0xA400, s29  }
0x68: {  	s12 =	sor.u32 s28, s11  }
0x69: {  	s0 =	sor.u32 s26, s11;
	[tilespmem:s12+$0x0] =	vst v2  }
0x6a: {  	[tilespmem:s0+$0x0] =	vst v3;
	v2 =	vld.idx.msk [tilespmem:v5+s16+$0x0], $0xffff  }
0x6b: {  	v3 =	vld.idx.msk [tilespmem:v6+s16+$0x0], $0xffff;
	v5 =	vadd.s32 $0x1400, v9  }
0x6c: {  	v6 =	vadd.s32 $0x1400, v4  }
0x6d: {  	s13 =	sadd.s32 $0xA480, s29  }
0x6e: {  	s14 =	sor.u32 s28, s13  }
0x6f: {  	s0 =	sor.u32 s26, s13;
	[tilespmem:s14+$0x0] =	vst v2  }
0x70: {  	[tilespmem:s0+$0x0] =	vst v3;
	v2 =	vld.idx.msk [tilespmem:v5+s16+$0x0], $0xffff  }
0x71: {  	v3 =	vld.idx.msk [tilespmem:v6+s16+$0x0], $0xffff;
	v5 =	vadd.s32 $0x1600, v9  }
0x72: {  	v6 =	vadd.s32 $0x1600, v4  }
0x73: {  	s15 =	sadd.s32 $0xA500, s29  }
0x74: {  	s17 =	sor.u32 s28, s15  }
0x75: {  	s0 =	sor.u32 s26, s15;
	[tilespmem:s17+$0x0] =	vst v2  }
0x76: {  	[tilespmem:s0+$0x0] =	vst v3;
	v2 =	vld.idx.msk [tilespmem:v5+s16+$0x0], $0xffff  }
0x77: {  	v3 =	vld.idx.msk [tilespmem:v6+s16+$0x0], $0xffff;
	v5 =	vadd.s32 $0x1800, v9  }
0x78: {  	v6 =	vadd.s32 $0x1800, v4  }
0x79: {  	s18 =	sadd.s32 $0xA580, s29  }
0x7a: {  	s19 =	sor.u32 s28, s18  }
0x7b: {  	s0 =	sor.u32 s26, s18;
	[tilespmem:s19+$0x0] =	vst v2  }
0x7c: {  	[tilespmem:s0+$0x0] =	vst v3;
	v2 =	vld.idx.msk [tilespmem:v5+s16+$0x0], $0xffff  }
0x7d: {  	v3 =	vld.idx.msk [tilespmem:v6+s16+$0x0], $0xffff;
	v5 =	vadd.s32 $0x1A00, v9  }
0x7e: {  	v6 =	vadd.s32 $0x1A00, v4  }
0x7f: {  	s20 =	sadd.s32 $0xA600, s29  }
0x80: {  	s21 =	sor.u32 s28, s20  }
0x81: {  	s0 =	sor.u32 s26, s20;
	[tilespmem:s21+$0x0] =	vst v2  }
0x82: {  	[tilespmem:s0+$0x0] =	vst v3;
	v2 =	vld.idx.msk [tilespmem:v5+s16+$0x0], $0xffff  }
0x83: {  	v3 =	vld.idx.msk [tilespmem:v6+s16+$0x0], $0xffff;
	v5 =	vadd.s32 $0x1C00, v9  }
0x84: {  	v6 =	vadd.s32 $0x1C00, v4  }
0x85: {  	s22 =	sadd.s32 $0xA680, s29  }
0x86: {  	s23 =	sor.u32 s28, s22  }
0x87: {  	s0 =	sor.u32 s26, s22;
	[tilespmem:s23+$0x0] =	vst v2  }
0x88: {  	[tilespmem:s0+$0x0] =	vst v3;
	v2 =	vld.idx.msk [tilespmem:v5+s16+$0x0], $0xffff  }
0x89: {  	v3 =	vld.idx.msk [tilespmem:v6+s16+$0x0], $0xffff;
	v5 =	vadd.s32 $0x1E00, v9  }
0x8a: {  	v6 =	vadd.s32 $0x1E00, v4  }
0x8b: {  	s24 =	sadd.s32 $0xA700, s29  }
0x8c: {  	s25 =	sor.u32 s28, s24  }
0x8d: {  	s0 =	sor.u32 s26, s24;
	[tilespmem:s25+$0x0] =	vst v2  }
0x8e: {  	[tilespmem:s0+$0x0] =	vst v3;
	v2 =	vld.idx.msk [tilespmem:v5+s16+$0x0], $0xffff  }
0x8f: {  	v3 =	vld.idx.msk [tilespmem:v6+s16+$0x0], $0xffff;
	v5 =	vadd.s32 $0x2000, v9;
	_ =	sdelay $0x1  }
0x90: {  	s1 =	sadd.s32 $0xA780, s29;
	v6 =	vadd.s32 $0x2000, v4  }
0x91: {  	s2 =	sor.u32 s28, s1  }
0x92: {  	s0 =	sor.u32 s26, s1;
	[tilespmem:s2+$0x0] =	vst v2  }
0x93: {  	[tilespmem:s0+$0x0] =	vst v3;
	v3 =	vld.idx.msk [tilespmem:v5+s16+$0x0], $0xffff  }
0x94: {  	v5 =	vadd.s32 $0x2200, v9  }
0x95: {  	v6 =	vld.idx.msk [tilespmem:v6+s16+$0x0], $0xffff  }
0x96: {  	s4 =	sadd.s32 $0xC400, s29;
	v7 =	vadd.s32 $0x2200, v4;
	s0 =	simm.s32 $0x20  }
0x97: {  	s3 =	simm.s32 $0x8020;
	s5 =	sor.u32 s28, s4;
	s17 =	sand.u32 $0x60, s0  }
0x98: {  	v2 =	vld [tilespmem:s3+$0x0];
	s6 =	sand.u32 $0x380, s0;
	s18 =	sor.u32 $0x10, s17;
	[tilespmem:s5+$0x0] =	vst v3  }
0x99: {  	s1 =	sor.u32 s26, s4;
	s7 =	sor.u32 s18, s6;
	v5 =	vld.idx.msk [tilespmem:v5+s16+$0x0], $0xffff  }
0x9a: {  	[tilespmem:s1+$0x0] =	vst v6;
	v6 =	vadd.s32 $0x2400, v9;
	v3 =	vld [tilespmem:s7+$0x8000]  }
0x9b: {  	v7 =	vld.idx.msk [tilespmem:v7+s16+$0x0], $0xffff  }
0x9c: {  	v8 =	vadd.s32 $0x2400, v4;
	s8 =	sadd.s32 $0xC480, s29  }
0x9d: {  	s9 =	sor.u32 s28, s8  }
0x9e: {  	[tilespmem:s9+$0x0] =	vst v5  }
0x9f: {  	s1 =	sor.u32 s26, s8;
	v5 =	vld.idx.msk [tilespmem:v6+s16+$0x0], $0xffff  }
0xa0: {  	[tilespmem:s1+$0x0] =	vst v7;
	v6 =	vadd.s32 $0x2600, v9  }
0xa1: {  	v7 =	vld.idx.msk [tilespmem:v8+s16+$0x0], $0xffff  }
0xa2: {  	s10 =	sadd.s32 $0xC500, s29;
	v8 =	vadd.s32 $0x2600, v4;
	v10 =	vld.idx.msk [tilespmem:v3+s16+$0x0], $0xffff  }
0xa3: {  	s11 =	sor.u32 s28, s10;
	v11 =	vld.idx.msk [tilespmem:v2+s16+$0x0], $0xffff;
	v12 =	vadd.s32 $0x200, v3;
	s1 =	simm.s32 $0x100  }
0xa4: {  	s19 =	sand.u32 $0x1C00, s1;
	[tilespmem:s11+$0x0] =	vst v5;
	v5 =	vadd.s32 $0x200, v2  }
0xa5: {  	s2 =	sor.u32 s26, s10;
	s12 =	sadd.s32 $0x8400, s19;
	v6 =	vld.idx.msk [tilespmem:v6+s16+$0x0], $0xffff  }
0xa6: {  	s13 =	sor.u32 s18, s12;
	[tilespmem:s2+$0x0] =	vst v7;
	v7 =	vadd.s32 $0x2800, v9  }
0xa7: {  	s14 =	sor.u32 s17, s12;
	v8 =	vld.idx.msk [tilespmem:v8+s16+$0x0], $0xffff;
	[tilespmem:s13+$0x0] =	vst v10  }
0xa8: {  	s15 =	sadd.s32 $0xC580, s29;
	[tilespmem:s14+$0x0] =	vst v11;
	v10 =	vadd.s32 $0x2800, v4;
	v11 =	vld.idx.msk [tilespmem:v12+s16+$0x0], $0xffff  }
0xa9: {  	s5 =	sor.u32 s28, s15;
	v12 =	vadd.s32 $0x400, v3;
	v5 =	vld.idx.msk [tilespmem:v5+s16+$0x0], $0xffff  }
0xaa: {  	[tilespmem:s5+$0x0] =	vst v6;
	v6 =	vadd.s32 $0x400, v2  }
0xab: {  	s4 =	sor.u32 s26, s15;
	v7 =	vld.idx.msk [tilespmem:v7+s16+$0x0], $0xffff  }
0xac: {  	[tilespmem:s4+$0x0] =	vst v8;
	v8 =	vadd.s32 $0x2A00, v9  }
0xad: {  	v10 =	vld.idx.msk [tilespmem:v10+s16+$0x0], $0xffff;
	[tilespmem:s13+$0x80] =	vst v11  }
0xae: {  	s20 =	sadd.s32 $0xC600, s29;
	v11 =	vadd.s32 $0x2A00, v4;
	[tilespmem:s14+$0x80] =	vst v5;
	v5 =	vld.idx.msk [tilespmem:v12+s16+$0x0], $0xffff  }
0xaf: {  	s21 =	sor.u32 s28, s20;
	v12 =	vadd.s32 $0x600, v3;
	v6 =	vld.idx.msk [tilespmem:v6+s16+$0x0], $0xffff  }
0xb0: {  	[tilespmem:s21+$0x0] =	vst v7;
	v7 =	vadd.s32 $0x600, v2  }
0xb1: {  	s4 =	sor.u32 s26, s20;
	v8 =	vld.idx.msk [tilespmem:v8+s16+$0x0], $0xffff  }
0xb2: {  	[tilespmem:s4+$0x0] =	vst v10;
	v10 =	vadd.s32 $0x2C00, v9  }
0xb3: {  	v11 =	vld.idx.msk [tilespmem:v11+s16+$0x0], $0xffff;
	[tilespmem:s13+$0x100] =	vst v5  }
0xb4: {  	s22 =	sadd.s32 $0xC680, s29;
	v5 =	vadd.s32 $0x2C00, v4;
	[tilespmem:s14+$0x100] =	vst v6;
	v6 =	vld.idx.msk [tilespmem:v12+s16+$0x0], $0xffff  }
0xb5: {  	s23 =	sor.u32 s28, s22;
	v12 =	vadd.s32 $0x800, v3;
	v7 =	vld.idx.msk [tilespmem:v7+s16+$0x0], $0xffff  }
0xb6: {  	[tilespmem:s23+$0x0] =	vst v8;
	v8 =	vadd.s32 $0x800, v2  }
0xb7: {  	s4 =	sor.u32 s26, s22;
	v10 =	vld.idx.msk [tilespmem:v10+s16+$0x0], $0xffff  }
0xb8: {  	[tilespmem:s4+$0x0] =	vst v11;
	v11 =	vadd.s32 $0x2E00, v9  }
0xb9: {  	v5 =	vld.idx.msk [tilespmem:v5+s16+$0x0], $0xffff;
	[tilespmem:s13+$0x180] =	vst v6  }
0xba: {  	s24 =	sadd.s32 $0xC700, s29;
	v6 =	vadd.s32 $0x2E00, v4;
	[tilespmem:s14+$0x180] =	vst v7;
	v7 =	vld.idx.msk [tilespmem:v12+s16+$0x0], $0xffff  }
0xbb: {  	s25 =	sor.u32 s28, s24;
	v12 =	vadd.s32 $0xA00, v3;
	v8 =	vld.idx.msk [tilespmem:v8+s16+$0x0], $0xffff  }
0xbc: {  	[tilespmem:s25+$0x0] =	vst v10;
	v10 =	vadd.s32 $0xA00, v2  }
0xbd: {  	s4 =	sor.u32 s26, s24;
	v11 =	vld.idx.msk [tilespmem:v11+s16+$0x0], $0xffff  }
0xbe: {  	[tilespmem:s4+$0x0] =	vst v5;
	v5 =	vadd.s32 $0x3000, v9  }
0xbf: {  	v6 =	vld.idx.msk [tilespmem:v6+s16+$0x0], $0xffff;
	[tilespmem:s13+$0x200] =	vst v7  }
0xc0: {  	s6 =	sadd.s32 $0xC780, s29;
	v7 =	vadd.s32 $0x3000, v4;
	[tilespmem:s14+$0x200] =	vst v8;
	v8 =	vld.idx.msk [tilespmem:v12+s16+$0x0], $0xffff  }
0xc1: {  	s7 =	sor.u32 s28, s6;
	v12 =	vadd.s32 $0xC00, v3;
	v10 =	vld.idx.msk [tilespmem:v10+s16+$0x0], $0xffff  }
0xc2: {  	[tilespmem:s7+$0x0] =	vst v11;
	v11 =	vadd.s32 $0xC00, v2  }
0xc3: {  	s4 =	sor.u32 s26, s6;
	v5 =	vld.idx.msk [tilespmem:v5+s16+$0x0], $0xffff  }
0xc4: {  	[tilespmem:s4+$0x0] =	vst v6;
	v6 =	vadd.s32 $0x3200, v9  }
0xc5: {  	s8 =	simm.s32 $0x1;
	v7 =	vld.idx.msk [tilespmem:v7+s16+$0x0], $0xffff;
	[tilespmem:s13+$0x280] =	vst v8  }
0xc6: {  	s3 =	sand.u32 $0x3, s8;
	s9 =	sadd.s32 $0xE400, s29;
	v8 =	vadd.s32 $0x3200, v4;
	[tilespmem:s14+$0x280] =	vst v10;
	v10 =	vld.idx.msk [tilespmem:v12+s16+$0x0], $0xffff  }
0xc7: {  	s3 =	sshll.u32 s3, $0x5;
	s10 =	sor.u32 s28, s9;
	v12 =	vadd.s32 $0xE00, v3;
	v11 =	vld.idx.msk [tilespmem:v11+s16+$0x0], $0xffff  }
0xc8: {  	s3 =	sadd.s32 $0x100, s3;
	[tilespmem:s10+$0x0] =	vst v5;
	v5 =	vadd.s32 $0xE00, v2  }
0xc9: {  	s2 =	sor.u32 s26, s9;
	s11 =	sadd.s32 $0x10, s3;
	v6 =	vld.idx.msk [tilespmem:v6+s16+$0x0], $0xffff  }
0xca: {  	s12 =	sor.u32 $0x300, s11;
	[tilespmem:s2+$0x0] =	vst v7;
	v7 =	vadd.s32 $0x3400, v9  }
0xcb: {  	s3 =	sor.u32 $0x300, s3;
	v8 =	vld.idx.msk [tilespmem:v8+s16+$0x0], $0xffff;
	[tilespmem:s12+$0x8400] =	vst v10  }
0xcc: {  	s13 =	sadd.s32 $0xE480, s29;
	v10 =	vadd.s32 $0x3400, v4;
	[tilespmem:s3+$0x8400] =	vst v11;
	v11 =	vld.idx.msk [tilespmem:v12+s16+$0x0], $0xffff  }
0xcd: {  	s14 =	sor.u32 s28, s13;
	v12 =	vadd.s32 $0x1000, v3;
	v5 =	vld.idx.msk [tilespmem:v5+s16+$0x0], $0xffff  }
0xce: {  	[tilespmem:s14+$0x0] =	vst v6;
	v6 =	vadd.s32 $0x1000, v2  }
0xcf: {  	s2 =	sor.u32 s26, s13;
	v7 =	vld.idx.msk [tilespmem:v7+s16+$0x0], $0xffff  }
0xd0: {  	s0 =	sor.u32 s1, s0;
	s15 =	sor.u32 $0x380, s11;
	[tilespmem:s2+$0x0] =	vst v8;
	v8 =	vadd.s32 $0x3600, v9  }
0xd1: {  	s0 =	sor.u32 $0x380, s0;
	v10 =	vld.idx.msk [tilespmem:v10+s16+$0x0], $0xffff;
	[tilespmem:s15+$0x8400] =	vst v11  }
0xd2: {  	s20 =	sadd.s32 $0xE500, s29;
	v11 =	vadd.s32 $0x3600, v4;
	[tilespmem:s0+$0x8400] =	vst v5;
	v5 =	vld.idx.msk [tilespmem:v12+s16+$0x0], $0xffff  }
0xd3: {  	s21 =	sor.u32 s28, s20;
	v12 =	vadd.s32 $0x1200, v3;
	v6 =	vld.idx.msk [tilespmem:v6+s16+$0x0], $0xffff  }
0xd4: {  	[tilespmem:s21+$0x0] =	vst v7;
	v7 =	vadd.s32 $0x1200, v2  }
0xd5: {  	s22 =	sadd.s32 $0xA400, s19;
	s0 =	sor.u32 s26, s20;
	v8 =	vld.idx.msk [tilespmem:v8+s16+$0x0], $0xffff  }
0xd6: {  	s23 =	sor.u32 s18, s22;
	[tilespmem:s0+$0x0] =	vst v10;
	v10 =	vadd.s32 $0x3800, v9  }
0xd7: {  	s1 =	sor.u32 s17, s22;
	v11 =	vld.idx.msk [tilespmem:v11+s16+$0x0], $0xffff;
	[tilespmem:s23+$0x0] =	vst v5  }
0xd8: {  	s24 =	sadd.s32 $0xE580, s29;
	v5 =	vadd.s32 $0x3800, v4;
	[tilespmem:s1+$0x0] =	vst v6;
	v6 =	vld.idx.msk [tilespmem:v12+s16+$0x0], $0xffff  }
0xd9: {  	s25 =	sor.u32 s28, s24;
	v12 =	vadd.s32 $0x1400, v3;
	v7 =	vld.idx.msk [tilespmem:v7+s16+$0x0], $0xffff  }
0xda: {  	[tilespmem:s25+$0x0] =	vst v8;
	v8 =	vadd.s32 $0x1400, v2  }
0xdb: {  	s2 =	sadd.s32 $0xA480, s19;
	s0 =	sor.u32 s26, s24;
	v10 =	vld.idx.msk [tilespmem:v10+s16+$0x0], $0xffff  }
0xdc: {  	s3 =	sor.u32 s18, s2;
	[tilespmem:s0+$0x0] =	vst v11;
	v11 =	vadd.s32 $0x3A00, v9  }
0xdd: {  	s1 =	sor.u32 s17, s2;
	v5 =	vld.idx.msk [tilespmem:v5+s16+$0x0], $0xffff;
	[tilespmem:s3+$0x0] =	vst v6  }
0xde: {  	s4 =	sadd.s32 $0xE600, s29;
	v6 =	vadd.s32 $0x3A00, v4;
	[tilespmem:s1+$0x0] =	vst v7;
	v7 =	vld.idx.msk [tilespmem:v12+s16+$0x0], $0xffff  }
0xdf: {  	s5 =	sor.u32 s28, s4;
	v12 =	vadd.s32 $0x1600, v3;
	v8 =	vld.idx.msk [tilespmem:v8+s16+$0x0], $0xffff  }
0xe0: {  	[tilespmem:s5+$0x0] =	vst v10;
	v10 =	vadd.s32 $0x1600, v2  }
0xe1: {  	s6 =	sadd.s32 $0xA500, s19;
	s0 =	sor.u32 s26, s4;
	v11 =	vld.idx.msk [tilespmem:v11+s16+$0x0], $0xffff  }
0xe2: {  	s7 =	sor.u32 s18, s6;
	[tilespmem:s0+$0x0] =	vst v5;
	v5 =	vadd.s32 $0x3C00, v9  }
0xe3: {  	s1 =	sor.u32 s17, s6;
	v6 =	vld.idx.msk [tilespmem:v6+s16+$0x0], $0xffff;
	[tilespmem:s7+$0x0] =	vst v7  }
0xe4: {  	s8 =	sadd.s32 $0xE680, s29;
	v7 =	vadd.s32 $0x3C00, v4;
	[tilespmem:s1+$0x0] =	vst v8;
	v8 =	vld.idx.msk [tilespmem:v12+s16+$0x0], $0xffff  }
0xe5: {  	s9 =	sor.u32 s28, s8;
	v12 =	vadd.s32 $0x1800, v3;
	v10 =	vld.idx.msk [tilespmem:v10+s16+$0x0], $0xffff  }
0xe6: {  	[tilespmem:s9+$0x0] =	vst v11;
	v11 =	vadd.s32 $0x1800, v2  }
0xe7: {  	s10 =	sadd.s32 $0xA580, s19;
	s0 =	sor.u32 s26, s8;
	v5 =	vld.idx.msk [tilespmem:v5+s16+$0x0], $0xffff  }
0xe8: {  	s11 =	sor.u32 s18, s10;
	[tilespmem:s0+$0x0] =	vst v6;
	v6 =	vadd.s32 $0x3E00, v9  }
0xe9: {  	s1 =	sor.u32 s17, s10;
	v7 =	vld.idx.msk [tilespmem:v7+s16+$0x0], $0xffff;
	[tilespmem:s11+$0x0] =	vst v8  }
0xea: {  	s12 =	sadd.s32 $0xE700, s29;
	v8 =	vadd.s32 $0x3E00, v4;
	[tilespmem:s1+$0x0] =	vst v10;
	v10 =	vld.idx.msk [tilespmem:v12+s16+$0x0], $0xffff  }
0xeb: {  	s13 =	sor.u32 s28, s12;
	v12 =	vadd.s32 $0x1A00, v3;
	v11 =	vld.idx.msk [tilespmem:v11+s16+$0x0], $0xffff  }
0xec: {  	[tilespmem:s13+$0x0] =	vst v5;
	v5 =	vadd.s32 $0x1A00, v2  }
0xed: {  	s14 =	sadd.s32 $0xA600, s19;
	s0 =	sor.u32 s26, s12;
	v6 =	vld.idx.msk [tilespmem:v6+s16+$0x0], $0xffff  }
0xee: {  	s15 =	sor.u32 s18, s14;
	[tilespmem:s0+$0x0] =	vst v7;
	v7 =	vadd.s32 $0x4000, v9  }
0xef: {  	s1 =	sor.u32 s17, s14;
	v8 =	vld.idx.msk [tilespmem:v8+s16+$0x0], $0xffff;
	[tilespmem:s15+$0x0] =	vst v10  }
0xf0: {  	s20 =	sadd.s32 $0xE780, s29;
	v10 =	vadd.s32 $0x4000, v4;
	[tilespmem:s1+$0x0] =	vst v11;
	v11 =	vld.idx.msk [tilespmem:v12+s16+$0x0], $0xffff  }
0xf1: {  	s21 =	sor.u32 s28, s20;
	v12 =	vadd.s32 $0x1C00, v3;
	v5 =	vld.idx.msk [tilespmem:v5+s16+$0x0], $0xffff  }
0xf2: {  	[tilespmem:s21+$0x0] =	vst v6;
	v6 =	vadd.s32 $0x1C00, v2  }
0xf3: {  	s22 =	sadd.s32 $0xA680, s19;
	s0 =	sor.u32 s26, s20;
	v7 =	vld.idx.msk [tilespmem:v7+s16+$0x0], $0xffff  }
0xf4: {  	s23 =	sor.u32 s18, s22;
	[tilespmem:s0+$0x0] =	vst v8;
	v8 =	vadd.s32 $0x4200, v9  }
0xf5: {  	s1 =	sor.u32 s17, s22;
	v10 =	vld.idx.msk [tilespmem:v10+s16+$0x0], $0xffff;
	[tilespmem:s23+$0x0] =	vst v11  }
0xf6: {  	s24 =	sadd.s32 $0x10400, s29;
	v11 =	vadd.s32 $0x4200, v4;
	[tilespmem:s1+$0x0] =	vst v5;
	v5 =	vld.idx.msk [tilespmem:v12+s16+$0x0], $0xffff  }
0xf7: {  	s25 =	sor.u32 s28, s24;
	v12 =	vadd.s32 $0x1E00, v3;
	v6 =	vld.idx.msk [tilespmem:v6+s16+$0x0], $0xffff  }
0xf8: {  	[tilespmem:s25+$0x0] =	vst v7;
	v7 =	vadd.s32 $0x1E00, v2  }
0xf9: {  	s2 =	sadd.s32 $0xA700, s19;
	s0 =	sor.u32 s26, s24;
	v8 =	vld.idx.msk [tilespmem:v8+s16+$0x0], $0xffff  }
0xfa: {  	s3 =	sor.u32 s18, s2;
	[tilespmem:s0+$0x0] =	vst v10;
	v10 =	vadd.s32 $0x4400, v9  }
0xfb: {  	s1 =	sor.u32 s17, s2;
	v11 =	vld.idx.msk [tilespmem:v11+s16+$0x0], $0xffff;
	[tilespmem:s3+$0x0] =	vst v5  }
0xfc: {  	s4 =	sadd.s32 $0x10480, s29;
	v5 =	vadd.s32 $0x4400, v4;
	[tilespmem:s1+$0x0] =	vst v6;
	v6 =	vld.idx.msk [tilespmem:v12+s16+$0x0], $0xffff  }
0xfd: {  	s5 =	sor.u32 s28, s4;
	v12 =	vadd.s32 $0x2000, v3;
	v7 =	vld.idx.msk [tilespmem:v7+s16+$0x0], $0xffff  }
0xfe: {  	[tilespmem:s5+$0x0] =	vst v8;
	v8 =	vadd.s32 $0x2000, v2  }
0xff: {  	s6 =	sadd.s32 $0xA780, s19;
	s0 =	sor.u32 s26, s4;
	v10 =	vld.idx.msk [tilespmem:v10+s16+$0x0], $0xffff  }
0x100: {  	s7 =	sor.u32 s18, s6;
	[tilespmem:s0+$0x0] =	vst v11;
	v11 =	vadd.s32 $0x4600, v9  }
0x101: {  	s1 =	sor.u32 s17, s6;
	v13 =	vld.idx.msk [tilespmem:v5+s16+$0x0], $0xffff;
	[tilespmem:s7+$0x0] =	vst v6  }
0x102: {  	s8 =	sadd.s32 $0x10500, s29;
	v6 =	vadd.s32 $0x4600, v4;
	[tilespmem:s1+$0x0] =	vst v7;
	v7 =	vld.idx.msk [tilespmem:v12+s16+$0x0], $0xffff  }
0x103: {  	s9 =	sor.u32 s28, s8;
	v12 =	vadd.s32 $0x2200, v3;
	v8 =	vld.idx.msk [tilespmem:v8+s16+$0x0], $0xffff  }
0x104: {  	[tilespmem:s9+$0x0] =	vst v10;
	v10 =	vadd.s32 $0x2200, v2  }
0x105: {  	s10 =	simm.s32 $0x8040;
	s11 =	sadd.s32 $0xC400, s19;
	s0 =	sor.u32 s26, s8;
	v11 =	vld.idx.msk [tilespmem:v11+s16+$0x0], $0xffff  }
0x106: {  	s12 =	sor.u32 s18, s11;
	v5 =	vld [tilespmem:s10+$0x0];
	[tilespmem:s0+$0x0] =	vst v13;
	s0 =	simm.s32 $0x40;
	v13 =	vadd.s32 $0x4800, v9  }
0x107: {  	s2 =	sor.u32 s17, s11;
	v14 =	vld.idx.msk [tilespmem:v6+s16+$0x0], $0xffff;
	s20 =	sand.u32 $0x60, s0;
	[tilespmem:s12+$0x0] =	vst v7  }
0x108: {  	s14 =	sadd.s32 $0x10580, s29;
	s13 =	sand.u32 $0x380, s0;
	s21 =	sor.u32 $0x10, s20;
	[tilespmem:s2+$0x0] =	vst v8;
	v7 =	vld.idx.msk [tilespmem:v12+s16+$0x0], $0xffff  }
0x109: {  	s15 =	sor.u32 s28, s14;
	s1 =	sor.u32 s21, s13;
	v8 =	vld.idx.msk [tilespmem:v10+s16+$0x0], $0xffff;
	v10 =	vadd.s32 $0x2400, v3  }
0x10a: {  	v6 =	vld [tilespmem:s1+$0x8000];
	[tilespmem:s15+$0x0] =	vst v11;
	v11 =	vadd.s32 $0x2400, v2  }
0x10b: {  	s22 =	sadd.s32 $0xC480, s19;
	v12 =	vadd.s32 $0x4800, v4;
	v13 =	vld.idx.msk [tilespmem:v13+s16+$0x0], $0xffff  }
0x10c: {  	v15 =	vadd.s32 $0x4A00, v9;
	s23 =	sor.u32 s18, s22  }
0x10d: {  	s1 =	sor.u32 s17, s22;
	[tilespmem:s23+$0x0] =	vst v7  }
0x10e: {  	s24 =	sadd.s32 $0x10600, s29;
	s2 =	sor.u32 s26, s14;
	[tilespmem:s1+$0x0] =	vst v8;
	v7 =	vld.idx.msk [tilespmem:v10+s16+$0x0], $0xffff  }
0x10f: {  	s25 =	sor.u32 s28, s24;
	[tilespmem:s2+$0x0] =	vst v14;
	v10 =	vadd.s32 $0x2600, v3;
	v8 =	vld.idx.msk [tilespmem:v11+s16+$0x0], $0xffff  }
0x110: {  	v11 =	vld.idx.msk [tilespmem:v12+s16+$0x0], $0xffff;
	v12 =	vadd.s32 $0x2600, v2;
	[tilespmem:s25+$0x0] =	vst v13  }
0x111: {  	s2 =	sadd.s32 $0xC500, s19;
	v13 =	vadd.s32 $0x4A00, v4;
	v14 =	vld.idx.msk [tilespmem:v15+s16+$0x0], $0xffff  }
0x112: {  	v16 =	vadd.s32 $0x4C00, v9;
	s4 =	sor.u32 s18, s2;
	v15 =	vld.idx.msk [tilespmem:v6+s16+$0x0], $0xffff  }
0x113: {  	v17 =	vld.idx.msk [tilespmem:v5+s16+$0x0], $0xffff;
	s5 =	sor.u32 s17, s2;
	v18 =	vadd.s32 $0x200, v6;
	s1 =	simm.s32 $0x200;
	[tilespmem:s4+$0x0] =	vst v7  }
0x114: {  	s6 =	sor.u32 s26, s24;
	s7 =	sadd.s32 $0x10680, s29;
	s22 =	sand.u32 $0x1C00, s1;
	v7 =	vadd.s32 $0x200, v5;
	[tilespmem:s5+$0x0] =	vst v8;
	v8 =	vld.idx.msk [tilespmem:v10+s16+$0x0], $0xffff  }
0x115: {  	s9 =	sor.u32 s28, s7;
	s8 =	sadd.s32 $0x8400, s22;
	[tilespmem:s6+$0x0] =	vst v11;
	v11 =	vadd.s32 $0x2800, v3;
	v10 =	vld.idx.msk [tilespmem:v12+s16+$0x0], $0xffff  }
0x116: {  	s3 =	sor.u32 s21, s8;
	v12 =	vld.idx.msk [tilespmem:v13+s16+$0x0], $0xffff;
	v13 =	vadd.s32 $0x2800, v2;
	[tilespmem:s9+$0x0] =	vst v14  }
0x117: {  	s10 =	sadd.s32 $0xC580, s19;
	s2 =	sor.u32 s20, s8;
	[tilespmem:s3+$0x0] =	vst v15;
	v15 =	vadd.s32 $0x4C00, v4;
	v14 =	vld.idx.msk [tilespmem:v16+s16+$0x0], $0xffff  }
0x118: {  	[tilespmem:s2+$0x0] =	vst v17;
	v17 =	vadd.s32 $0x4E00, v9;
	s6 =	sor.u32 s18, s10;
	v16 =	vld.idx.msk [tilespmem:v18+s16+$0x0], $0xffff  }
0x119: {  	s5 =	sor.u32 s17, s10;
	v18 =	vadd.s32 $0x400, v6;
	v7 =	vld.idx.msk [tilespmem:v7+s16+$0x0], $0xffff;
	[tilespmem:s6+$0x0] =	vst v8  }
0x11a: {  	s11 =	sadd.s32 $0x10700, s29;
	s4 =	sor.u32 s26, s7;
	v8 =	vadd.s32 $0x400, v5;
	[tilespmem:s5+$0x0] =	vst v10;
	v10 =	vld.idx.msk [tilespmem:v11+s16+$0x0], $0xffff  }
0x11b: {  	s12 =	sor.u32 s28, s11;
	[tilespmem:s4+$0x0] =	vst v12;
	v12 =	vadd.s32 $0x2A00, v3;
	v11 =	vld.idx.msk [tilespmem:v13+s16+$0x0], $0xffff  }
0x11c: {  	v13 =	vld.idx.msk [tilespmem:v15+s16+$0x0], $0xffff;
	[tilespmem:s12+$0x0] =	vst v14;
	v14 =	vadd.s32 $0x2A00, v2  }
0x11d: {  	s13 =	sadd.s32 $0xC600, s19;
	[tilespmem:s3+$0x80] =	vst v16;
	v16 =	vadd.s32 $0x4E00, v4;
	v15 =	vld.idx.msk [tilespmem:v17+s16+$0x0], $0xffff  }
0x11e: {  	s14 =	sor.u32 s18, s13;
	[tilespmem:s2+$0x80] =	vst v7;
	v7 =	vld.idx.msk [tilespmem:v18+s16+$0x0], $0xffff;
	v17 =	vadd.s32 $0x5000, v9  }
0x11f: {  	s4 =	sor.u32 s17, s13;
	v18 =	vadd.s32 $0x600, v6;
	v8 =	vld.idx.msk [tilespmem:v8+s16+$0x0], $0xffff;
	[tilespmem:s14+$0x0] =	vst v10  }
0x120: {  	s15 =	sadd.s32 $0x10780, s29;
	s5 =	sor.u32 s26, s11;
	v10 =	vadd.s32 $0x600, v5;
	[tilespmem:s4+$0x0] =	vst v11;
	v11 =	vld.idx.msk [tilespmem:v12+s16+$0x0], $0xffff  }
0x121: {  	s23 =	sor.u32 s28, s15;
	[tilespmem:s5+$0x0] =	vst v13;
	v13 =	vadd.s32 $0x2C00, v3;
	v12 =	vld.idx.msk [tilespmem:v14+s16+$0x0], $0xffff  }
0x122: {  	v14 =	vld.idx.msk [tilespmem:v16+s16+$0x0], $0xffff;
	[tilespmem:s23+$0x0] =	vst v15;
	v15 =	vadd.s32 $0x2C00, v2  }
0x123: {  	s24 =	sadd.s32 $0xC680, s19;
	v16 =	vadd.s32 $0x5000, v4;
	[tilespmem:s3+$0x100] =	vst v7;
	v7 =	vld.idx.msk [tilespmem:v17+s16+$0x0], $0xffff  }
0x124: {  	s25 =	sor.u32 s18, s24;
	[tilespmem:s2+$0x100] =	vst v8;
	v8 =	vld.idx.msk [tilespmem:v18+s16+$0x0], $0xffff;
	v17 =	vadd.s32 $0x5200, v9  }
0x125: {  	s5 =	sor.u32 s17, s24;
	v18 =	vadd.s32 $0x800, v6;
	v10 =	vld.idx.msk [tilespmem:v10+s16+$0x0], $0xffff;
	[tilespmem:s25+$0x0] =	vst v11  }
0x126: {  	s7 =	sadd.s32 $0x12400, s29;
	s4 =	sor.u32 s26, s15;
	v11 =	vadd.s32 $0x800, v5;
	[tilespmem:s5+$0x0] =	vst v12;
	v12 =	vld.idx.msk [tilespmem:v13+s16+$0x0], $0xffff  }
0x127: {  	s8 =	sor.u32 s28, s7;
	[tilespmem:s4+$0x0] =	vst v14;
	v14 =	vadd.s32 $0x2E00, v3;
	v13 =	vld.idx.msk [tilespmem:v15+s16+$0x0], $0xffff  }
0x128: {  	v15 =	vld.idx.msk [tilespmem:v16+s16+$0x0], $0xffff;
	[tilespmem:s8+$0x0] =	vst v7;
	v7 =	vadd.s32 $0x2E00, v2  }
0x129: {  	s9 =	sadd.s32 $0xC700, s19;
	v16 =	vadd.s32 $0x5200, v4;
	[tilespmem:s3+$0x180] =	vst v8;
	v8 =	vld.idx.msk [tilespmem:v17+s16+$0x0], $0xffff  }
0x12a: {  	s10 =	sor.u32 s18, s9;
	[tilespmem:s2+$0x180] =	vst v10;
	v10 =	vld.idx.msk [tilespmem:v18+s16+$0x0], $0xffff;
	v17 =	vadd.s32 $0x5400, v9  }
0x12b: {  	s4 =	sor.u32 s17, s9;
	v18 =	vadd.s32 $0xA00, v6;
	v11 =	vld.idx.msk [tilespmem:v11+s16+$0x0], $0xffff;
	[tilespmem:s10+$0x0] =	vst v12  }
0x12c: {  	s11 =	sadd.s32 $0x12480, s29;
	s5 =	sor.u32 s26, s7;
	v12 =	vadd.s32 $0xA00, v5;
	[tilespmem:s4+$0x0] =	vst v13;
	v13 =	vld.idx.msk [tilespmem:v14+s16+$0x0], $0xffff  }
0x12d: {  	s12 =	sor.u32 s28, s11;
	[tilespmem:s5+$0x0] =	vst v15;
	v14 =	vadd.s32 $0x3000, v3;
	v7 =	vld.idx.msk [tilespmem:v7+s16+$0x0], $0xffff  }
0x12e: {  	v15 =	vld.idx.msk [tilespmem:v16+s16+$0x0], $0xffff;
	[tilespmem:s12+$0x0] =	vst v8;
	v8 =	vadd.s32 $0x3000, v2  }
0x12f: {  	s13 =	sadd.s32 $0xC780, s19;
	v16 =	vadd.s32 $0x5400, v4;
	[tilespmem:s3+$0x200] =	vst v10;
	v10 =	vld.idx.msk [tilespmem:v17+s16+$0x0], $0xffff  }
0x130: {  	s14 =	sor.u32 s18, s13;
	[tilespmem:s2+$0x200] =	vst v11;
	v11 =	vld.idx.msk [tilespmem:v18+s16+$0x0], $0xffff;
	v17 =	vadd.s32 $0x5600, v9  }
0x131: {  	s5 =	sor.u32 s17, s13;
	v18 =	vadd.s32 $0xC00, v6;
	v12 =	vld.idx.msk [tilespmem:v12+s16+$0x0], $0xffff;
	[tilespmem:s14+$0x0] =	vst v13  }
0x132: {  	s15 =	sadd.s32 $0x12500, s29;
	s4 =	sor.u32 s26, s11;
	v13 =	vadd.s32 $0xC00, v5;
	[tilespmem:s5+$0x0] =	vst v7;
	v7 =	vld.idx.msk [tilespmem:v14+s16+$0x0], $0xffff  }
0x133: {  	s23 =	sor.u32 s28, s15;
	[tilespmem:s4+$0x0] =	vst v15;
	v14 =	vadd.s32 $0x3200, v3;
	v8 =	vld.idx.msk [tilespmem:v8+s16+$0x0], $0xffff  }
0x134: {  	v15 =	vld.idx.msk [tilespmem:v16+s16+$0x0], $0xffff;
	[tilespmem:s23+$0x0] =	vst v10;
	v10 =	vadd.s32 $0x3200, v2  }
0x135: {  	s24 =	sadd.s32 $0xE400, s19;
	s25 =	simm.s32 $0x2;
	v16 =	vadd.s32 $0x5600, v4;
	[tilespmem:s3+$0x280] =	vst v11;
	v11 =	vld.idx.msk [tilespmem:v17+s16+$0x0], $0xffff  }
0x136: {  	s6 =	sand.u32 $0x3, s25;
	s7 =	sor.u32 s18, s24;
	[tilespmem:s2+$0x280] =	vst v12;
	v12 =	vld.idx.msk [tilespmem:v18+s16+$0x0], $0xffff;
	v17 =	vadd.s32 $0x5800, v9  }
0x137: {  	s3 =	sor.u32 s17, s24;
	s2 =	sshll.u32 s6, $0x5;
	v18 =	vadd.s32 $0xE00, v6;
	v13 =	vld.idx.msk [tilespmem:v13+s16+$0x0], $0xffff;
	[tilespmem:s7+$0x0] =	vst v7  }
0x138: {  	s9 =	sadd.s32 $0x12580, s29;
	s8 =	sor.u32 s26, s15;
	s2 =	sadd.s32 $0x200, s2;
	v7 =	vadd.s32 $0xE00, v5;
	[tilespmem:s3+$0x0] =	vst v8;
	v8 =	vld.idx.msk [tilespmem:v14+s16+$0x0], $0xffff  }
0x139: {  	s11 =	sor.u32 s28, s9;
	s10 =	sadd.s32 $0x10, s2;
	[tilespmem:s8+$0x0] =	vst v15;
	v14 =	vadd.s32 $0x3400, v3;
	v10 =	vld.idx.msk [tilespmem:v10+s16+$0x0], $0xffff  }
0x13a: {  	s12 =	sor.u32 $0x300, s10;
	v15 =	vld.idx.msk [tilespmem:v16+s16+$0x0], $0xffff;
	[tilespmem:s11+$0x0] =	vst v11;
	v11 =	vadd.s32 $0x3400, v2  }
0x13b: {  	s13 =	sadd.s32 $0xE480, s19;
	s2 =	sor.u32 $0x300, s2;
	v16 =	vadd.s32 $0x5800, v4;
	[tilespmem:s12+$0x8400] =	vst v12;
	v12 =	vld.idx.msk [tilespmem:v17+s16+$0x0], $0xffff  }
0x13c: {  	s14 =	sor.u32 s18, s13;
	[tilespmem:s2+$0x8400] =	vst v13;
	v13 =	vld.idx.msk [tilespmem:v18+s16+$0x0], $0xffff;
	v17 =	vadd.s32 $0x5A00, v9  }
0x13d: {  	s4 =	sor.u32 s17, s13;
	v18 =	vadd.s32 $0x1000, v6;
	v7 =	vld.idx.msk [tilespmem:v7+s16+$0x0], $0xffff;
	[tilespmem:s14+$0x0] =	vst v8  }
0x13e: {  	s15 =	sor.u32 s26, s9;
	s23 =	sadd.s32 $0x12600, s29;
	[tilespmem:s4+$0x0] =	vst v10;
	v10 =	vld.idx.msk [tilespmem:v14+s16+$0x0], $0xffff  }
0x13f: {  	s24 =	sor.u32 s28, s23;
	v8 =	vadd.s32 $0x1000, v5;
	[tilespmem:s15+$0x0] =	vst v15;
	v11 =	vld.idx.msk [tilespmem:v11+s16+$0x0], $0xffff  }
0x140: {  	s25 =	sor.u32 $0x380, s10;
	v14 =	vadd.s32 $0x3600, v3;
	v15 =	vld.idx.msk [tilespmem:v16+s16+$0x0], $0xffff;
	[tilespmem:s24+$0x0] =	vst v12  }
0x141: {  	s0 =	sor.u32 s1, s0;
	[tilespmem:s25+$0x8400] =	vst v13;
	v12 =	vadd.s32 $0x3600, v2;
	v13 =	vld.idx.msk [tilespmem:v17+s16+$0x0], $0xffff  }
0x142: {  	s0 =	sor.u32 $0x380, s0;
	s5 =	simm.s32 $0x8060;
	s4 =	sadd.s32 $0xE500, s19;
	v16 =	vld.idx.msk [tilespmem:v18+s16+$0x0], $0xffff;
	v17 =	vadd.s32 $0x5A00, v4  }
0x143: {  	s6 =	sor.u32 s18, s4;
	[tilespmem:s0+$0x8400] =	vst v7;
	v18 =	vadd.s32 $0x5C00, v9;
	v7 =	vld [tilespmem:s5+$0x0]  }
0x144: {  	v19 =	vadd.s32 $0x1200, v6;
	s0 =	sor.u32 s17, s4;
	v8 =	vld.idx.msk [tilespmem:v8+s16+$0x0], $0xffff;
	[tilespmem:s6+$0x0] =	vst v10  }
0x145: {  	s7 =	sor.u32 s26, s23;
	s8 =	sadd.s32 $0x12680, s29;
	v10 =	vadd.s32 $0x1200, v5;
	[tilespmem:s0+$0x0] =	vst v11;
	v11 =	vld.idx.msk [tilespmem:v14+s16+$0x0], $0xffff  }
0x146: {  	s9 =	sadd.s32 $0xA400, s22;
	s10 =	sor.u32 s28, s8;
	[tilespmem:s7+$0x0] =	vst v15;
	v14 =	vadd.s32 $0x3800, v3;
	v12 =	vld.idx.msk [tilespmem:v12+s16+$0x0], $0xffff  }
0x147: {  	s11 =	sor.u32 s21, s9;
	v15 =	vld.idx.msk [tilespmem:v17+s16+$0x0], $0xffff;
	[tilespmem:s10+$0x0] =	vst v13;
	v13 =	vadd.s32 $0x3800, v2  }
0x148: {  	s13 =	sadd.s32 $0xE580, s19;
	s12 =	sor.u32 s20, s9;
	[tilespmem:s11+$0x0] =	vst v16;
	v17 =	vadd.s32 $0x5C00, v4;
	v16 =	vld.idx.msk [tilespmem:v18+s16+$0x0], $0xffff  }
0x149: {  	s14 =	sor.u32 s18, s13;
	[tilespmem:s12+$0x0] =	vst v8;
	v8 =	vld.idx.msk [tilespmem:v19+s16+$0x0], $0xffff;
	v18 =	vadd.s32 $0x5E00, v9  }
0x14a: {  	s2 =	sor.u32 s17, s13;
	v19 =	vadd.s32 $0x1400, v6;
	v10 =	vld.idx.msk [tilespmem:v10+s16+$0x0], $0xffff;
	[tilespmem:s14+$0x0] =	vst v11  }
0x14b: {  	s15 =	sadd.s32 $0x12700, s29;
	s0 =	sor.u32 s26, s8;
	v11 =	vadd.s32 $0x1400, v5;
	[tilespmem:s2+$0x0] =	vst v12;
	v12 =	vld.idx.msk [tilespmem:v14+s16+$0x0], $0xffff  }
0x14c: {  	s23 =	sadd.s32 $0xA480, s22;
	s24 =	sor.u32 s28, s15;
	v14 =	vadd.s32 $0x3A00, v3;
	v13 =	vld.idx.msk [tilespmem:v13+s16+$0x0], $0xffff;
	[tilespmem:s0+$0x0] =	vst v15  }
0x14d: {  	s25 =	sor.u32 s21, s23;
	v15 =	vld.idx.msk [tilespmem:v17+s16+$0x0], $0xffff;
	[tilespmem:s24+$0x0] =	vst v16;
	v16 =	vadd.s32 $0x3A00, v2  }
0x14e: {  	s4 =	sadd.s32 $0xE600, s19;
	s2 =	sor.u32 s20, s23;
	[tilespmem:s25+$0x0] =	vst v8;
	v17 =	vadd.s32 $0x5E00, v4;
	v8 =	vld.idx.msk [tilespmem:v18+s16+$0x0], $0xffff  }
0x14f: {  	s5 =	sor.u32 s18, s4;
	[tilespmem:s2+$0x0] =	vst v10;
	v10 =	vld.idx.msk [tilespmem:v19+s16+$0x0], $0xffff;
	v18 =	vadd.s32 $0x6000, v9  }
0x150: {  	s2 =	sor.u32 s17, s4;
	v19 =	vadd.s32 $0x1600, v6;
	v11 =	vld.idx.msk [tilespmem:v11+s16+$0x0], $0xffff;
	[tilespmem:s5+$0x0] =	vst v12  }
0x151: {  	s6 =	sor.u32 s26, s15;
	s7 =	sadd.s32 $0x12780, s29;
	v12 =	vadd.s32 $0x1600, v5;
	[tilespmem:s2+$0x0] =	vst v13;
	v13 =	vld.idx.msk [tilespmem:v14+s16+$0x0], $0xffff  }
0x152: {  	s8 =	sadd.s32 $0xA500, s22;
	s9 =	sor.u32 s28, s7;
	v14 =	vld.idx.msk [tilespmem:v16+s16+$0x0], $0xffff;
	[tilespmem:s6+$0x0] =	vst v15;
	v15 =	vadd.s32 $0x3C00, v3  }
0x153: {  	s10 =	sor.u32 s21, s8;
	v16 =	vld.idx.msk [tilespmem:v17+s16+$0x0], $0xffff;
	[tilespmem:s9+$0x0] =	vst v8;
	v8 =	vadd.s32 $0x3C00, v2  }
0x154: {  	s11 =	sor.u32 s20, s8;
	s12 =	sadd.s32 $0xE680, s19;
	[tilespmem:s10+$0x0] =	vst v10;
	v17 =	vadd.s32 $0x6000, v4;
	v10 =	vld.idx.msk [tilespmem:v18+s16+$0x0], $0xffff  }
0x155: {  	s13 =	sor.u32 s18, s12;
	[tilespmem:s11+$0x0] =	vst v11;
	v11 =	vld.idx.msk [tilespmem:v19+s16+$0x0], $0xffff;
	v18 =	vadd.s32 $0x6200, v9  }
0x156: {  	s2 =	sor.u32 s17, s12;
	v19 =	vadd.s32 $0x1800, v6;
	v12 =	vld.idx.msk [tilespmem:v12+s16+$0x0], $0xffff;
	[tilespmem:s13+$0x0] =	vst v13  }
0x157: {  	s15 =	sadd.s32 $0x14400, s29;
	s14 =	sor.u32 s26, s7;
	v13 =	vadd.s32 $0x1800, v5;
	[tilespmem:s2+$0x0] =	vst v14;
	v14 =	vld.idx.msk [tilespmem:v15+s16+$0x0], $0xffff  }
0x158: {  	s23 =	sadd.s32 $0xA580, s22;
	s24 =	sor.u32 s28, s15;
	v15 =	vadd.s32 $0x3E00, v3;
	v8 =	vld.idx.msk [tilespmem:v8+s16+$0x0], $0xffff;
	[tilespmem:s14+$0x0] =	vst v16  }
0x159: {  	s25 =	sor.u32 s21, s23;
	v16 =	vld.idx.msk [tilespmem:v17+s16+$0x0], $0xffff;
	[tilespmem:s24+$0x0] =	vst v10;
	v10 =	vadd.s32 $0x3E00, v2  }
0x15a: {  	s4 =	sadd.s32 $0xE700, s19;
	s2 =	sor.u32 s20, s23;
	[tilespmem:s25+$0x0] =	vst v11;
	v17 =	vadd.s32 $0x6200, v4;
	v11 =	vld.idx.msk [tilespmem:v18+s16+$0x0], $0xffff  }
0x15b: {  	s5 =	sor.u32 s18, s4;
	[tilespmem:s2+$0x0] =	vst v12;
	v12 =	vld.idx.msk [tilespmem:v19+s16+$0x0], $0xffff;
	v18 =	vadd.s32 $0x6400, v9  }
0x15c: {  	s2 =	sor.u32 s17, s4;
	v19 =	vadd.s32 $0x1A00, v6;
	v13 =	vld.idx.msk [tilespmem:v13+s16+$0x0], $0xffff;
	[tilespmem:s5+$0x0] =	vst v14  }
0x15d: {  	s7 =	sadd.s32 $0x14480, s29;
	s6 =	sor.u32 s26, s15;
	v14 =	vadd.s32 $0x1A00, v5;
	[tilespmem:s2+$0x0] =	vst v8;
	v8 =	vld.idx.msk [tilespmem:v15+s16+$0x0], $0xffff  }
0x15e: {  	s8 =	sadd.s32 $0xA600, s22;
	s9 =	sor.u32 s28, s7;
	v15 =	vadd.s32 $0x4000, v3;
	v10 =	vld.idx.msk [tilespmem:v10+s16+$0x0], $0xffff;
	[tilespmem:s6+$0x0] =	vst v16  }
0x15f: {  	s10 =	sor.u32 s21, s8;
	v16 =	vld.idx.msk [tilespmem:v17+s16+$0x0], $0xffff;
	[tilespmem:s9+$0x0] =	vst v11;
	v11 =	vadd.s32 $0x4000, v2  }
0x160: {  	s12 =	sadd.s32 $0xE780, s19;
	s11 =	sor.u32 s20, s8;
	[tilespmem:s10+$0x0] =	vst v12;
	v17 =	vadd.s32 $0x6400, v4;
	v12 =	vld.idx.msk [tilespmem:v18+s16+$0x0], $0xffff  }
0x161: {  	s13 =	sor.u32 s18, s12;
	[tilespmem:s11+$0x0] =	vst v13;
	v13 =	vld.idx.msk [tilespmem:v19+s16+$0x0], $0xffff;
	v18 =	vadd.s32 $0x6600, v9  }
0x162: {  	s2 =	sor.u32 s17, s12;
	v19 =	vadd.s32 $0x1C00, v6;
	v14 =	vld.idx.msk [tilespmem:v14+s16+$0x0], $0xffff;
	[tilespmem:s13+$0x0] =	vst v8  }
0x163: {  	s15 =	sadd.s32 $0x14500, s29;
	s14 =	sor.u32 s26, s7;
	v8 =	vadd.s32 $0x1C00, v5;
	[tilespmem:s2+$0x0] =	vst v10;
	v10 =	vld.idx.msk [tilespmem:v15+s16+$0x0], $0xffff  }
0x164: {  	s23 =	sadd.s32 $0xA680, s22;
	s24 =	sor.u32 s28, s15;
	v15 =	vadd.s32 $0x4200, v3;
	v11 =	vld.idx.msk [tilespmem:v11+s16+$0x0], $0xffff;
	[tilespmem:s14+$0x0] =	vst v16  }
0x165: {  	s25 =	sor.u32 s21, s23;
	v16 =	vld.idx.msk [tilespmem:v17+s16+$0x0], $0xffff;
	[tilespmem:s24+$0x0] =	vst v12;
	v12 =	vadd.s32 $0x4200, v2  }
0x166: {  	s4 =	sadd.s32 $0x10400, s19;
	s2 =	sor.u32 s20, s23;
	[tilespmem:s25+$0x0] =	vst v13;
	v17 =	vadd.s32 $0x6600, v4;
	v13 =	vld.idx.msk [tilespmem:v18+s16+$0x0], $0xffff  }
0x167: {  	s5 =	sor.u32 s18, s4;
	[tilespmem:s2+$0x0] =	vst v14;
	v14 =	vld.idx.msk [tilespmem:v19+s16+$0x0], $0xffff;
	v18 =	vadd.s32 $0x6800, v9  }
0x168: {  	s2 =	sor.u32 s17, s4;
	v19 =	vadd.s32 $0x1E00, v6;
	v8 =	vld.idx.msk [tilespmem:v8+s16+$0x0], $0xffff;
	[tilespmem:s5+$0x0] =	vst v10  }
0x169: {  	s7 =	sadd.s32 $0x14580, s29;
	s6 =	sor.u32 s26, s15;
	v10 =	vadd.s32 $0x1E00, v5;
	[tilespmem:s2+$0x0] =	vst v11;
	v11 =	vld.idx.msk [tilespmem:v15+s16+$0x0], $0xffff  }
0x16a: {  	s8 =	sadd.s32 $0xA700, s22;
	s9 =	sor.u32 s28, s7;
	v15 =	vadd.s32 $0x4400, v3;
	v12 =	vld.idx.msk [tilespmem:v12+s16+$0x0], $0xffff;
	[tilespmem:s6+$0x0] =	vst v16  }
0x16b: {  	s10 =	sor.u32 s21, s8;
	v16 =	vld.idx.msk [tilespmem:v17+s16+$0x0], $0xffff;
	[tilespmem:s9+$0x0] =	vst v13;
	v13 =	vadd.s32 $0x4400, v2  }
0x16c: {  	s12 =	sadd.s32 $0x10480, s19;
	s11 =	sor.u32 s20, s8;
	[tilespmem:s10+$0x0] =	vst v14;
	v17 =	vadd.s32 $0x6800, v4;
	v14 =	vld.idx.msk [tilespmem:v18+s16+$0x0], $0xffff  }
0x16d: {  	s13 =	sor.u32 s18, s12;
	[tilespmem:s11+$0x0] =	vst v8;
	v8 =	vld.idx.msk [tilespmem:v19+s16+$0x0], $0xffff;
	v18 =	vadd.s32 $0x6A00, v9  }
0x16e: {  	s2 =	sor.u32 s17, s12;
	v19 =	vadd.s32 $0x2000, v6;
	v10 =	vld.idx.msk [tilespmem:v10+s16+$0x0], $0xffff;
	[tilespmem:s13+$0x0] =	vst v11  }
0x16f: {  	s15 =	sadd.s32 $0x14600, s29;
	s14 =	sor.u32 s26, s7;
	v11 =	vadd.s32 $0x2000, v5;
	[tilespmem:s2+$0x0] =	vst v12;
	v12 =	vld.idx.msk [tilespmem:v15+s16+$0x0], $0xffff  }
0x170: {  	s23 =	sadd.s32 $0xA780, s22;
	s24 =	sor.u32 s28, s15;
	v15 =	vadd.s32 $0x4600, v3;
	v13 =	vld.idx.msk [tilespmem:v13+s16+$0x0], $0xffff;
	[tilespmem:s14+$0x0] =	vst v16  }
0x171: {  	s25 =	sor.u32 s21, s23;
	v16 =	vld.idx.msk [tilespmem:v17+s16+$0x0], $0xffff;
	[tilespmem:s24+$0x0] =	vst v14;
	v14 =	vadd.s32 $0x4600, v2  }
0x172: {  	s4 =	sadd.s32 $0x10500, s19;
	s2 =	sor.u32 s20, s23;
	[tilespmem:s25+$0x0] =	vst v8;
	v17 =	vadd.s32 $0x6A00, v4;
	v8 =	vld.idx.msk [tilespmem:v18+s16+$0x0], $0xffff  }
0x173: {  	s5 =	sor.u32 s18, s4;
	[tilespmem:s2+$0x0] =	vst v10;
	v10 =	vld.idx.msk [tilespmem:v19+s16+$0x0], $0xffff  }
0x174: {  	s30 =	simm.s32 $0x60;
	s8 =	sadd.s32 $0xC400, s22;
	v18 =	vadd.s32 $0x6C00, v9;
	s2 =	sor.u32 s17, s4;
	v11 =	vld.idx.msk [tilespmem:v11+s16+$0x0], $0xffff;
	[tilespmem:s5+$0x0] =	vst v12  }
0x175: {  	s7 =	sadd.s32 $0x14680, s29;
	s12 =	sand.u32 $0x60, s30;
	s6 =	sor.u32 s26, s15;
	v19 =	vadd.s32 $0x2200, v6;
	[tilespmem:s2+$0x0] =	vst v13;
	v13 =	vld.idx.msk [tilespmem:v15+s16+$0x0], $0xffff  }
0x176: {  	s9 =	sor.u32 s28, s7;
	s13 =	sand.u32 $0x380, s30;
	s23 =	sor.u32 $0x10, s12;
	v12 =	vadd.s32 $0x2200, v5;
	v14 =	vld.idx.msk [tilespmem:v14+s16+$0x0], $0xffff;
	[tilespmem:s6+$0x0] =	vst v16  }
0x177: {  	s10 =	sor.u32 s21, s8;
	v15 =	vadd.s32 $0x4800, v3;
	s2 =	sor.u32 s23, s13;
	v16 =	vld.idx.msk [tilespmem:v17+s16+$0x0], $0xffff;
	[tilespmem:s9+$0x0] =	vst v8  }
0x178: {  	[tilespmem:s10+$0x0] =	vst v10;
	v10 =	vadd.s32 $0x4800, v2;
	v8 =	vld [tilespmem:s2+$0x8000]  }
0x179: {  	s11 =	sor.u32 s20, s8;
	s14 =	sadd.s32 $0x10580, s19;
	v17 =	vld.idx.msk [tilespmem:v18+s16+$0x0], $0xffff;
	v18 =	vadd.s32 $0x6C00, v4  }
0x17a: {  	s15 =	sor.u32 s18, s14;
	[tilespmem:s11+$0x0] =	vst v11;
	v11 =	vld.idx.msk [tilespmem:v19+s16+$0x0], $0xffff;
	v19 =	vadd.s32 $0x6E00, v9  }
0x17b: {  	v20 =	vadd.s32 $0x2400, v6;
	s0 =	sor.u32 s17, s14;
	v12 =	vld.idx.msk [tilespmem:v12+s16+$0x0], $0xffff;
	[tilespmem:s15+$0x0] =	vst v13  }
0x17c: {  	s1 =	sor.u32 s26, s7;
	s24 =	sadd.s32 $0x14700, s29;
	[tilespmem:s0+$0x0] =	vst v14;
	v14 =	vld.idx.msk [tilespmem:v15+s16+$0x0], $0xffff  }
0x17d: {  	s5 =	sadd.s32 $0xC480, s22;
	s6 =	sor.u32 s28, s24;
	v13 =	vadd.s32 $0x2400, v5;
	v10 =	vld.idx.msk [tilespmem:v10+s16+$0x0], $0xffff;
	[tilespmem:s1+$0x0] =	vst v16  }
0x17e: {  	s7 =	sor.u32 s21, s5;
	v16 =	vld.idx.msk [tilespmem:v18+s16+$0x0], $0xffff;
	[tilespmem:s6+$0x0] =	vst v17  }
0x17f: {  	v15 =	vadd.s32 $0x4A00, v3;
	s0 =	sor.u32 s20, s5;
	[tilespmem:s7+$0x0] =	vst v11;
	v11 =	vld.idx.msk [tilespmem:v19+s16+$0x0], $0xffff  }
0x180: {  	s8 =	sadd.s32 $0x10600, s19;
	v17 =	vadd.s32 $0x4A00, v2;
	[tilespmem:s0+$0x0] =	vst v12;
	v12 =	vld.idx.msk [tilespmem:v20+s16+$0x0], $0xffff  }
0x181: {  	s9 =	sor.u32 s18, s8;
	v18 =	vadd.s32 $0x7000, v9;
	v19 =	vld.idx.msk [tilespmem:v7+s16+$0x0], $0xffff  }
0x182: {  	s10 =	sor.u32 s17, s8;
	v20 =	vadd.s32 $0x2600, v6;
	v13 =	vld.idx.msk [tilespmem:v13+s16+$0x0], $0xffff;
	[tilespmem:s9+$0x0] =	vst v14  }
0x183: {  	s25 =	sadd.s32 $0x14780, s29;
	s2 =	sor.u32 s26, s24;
	v21 =	vld.idx.msk [tilespmem:v8+s16+$0x0], $0xffff;
	v14 =	vadd.s32 $0x2600, v5;
	[tilespmem:s10+$0x0] =	vst v10  }
0x184: {  	s3 =	simm.s32 $0x300;
	s13 =	sor.u32 s28, s25;
	s11 =	sadd.s32 $0xC500, s22;
	v15 =	vld.idx.msk [tilespmem:v15+s16+$0x0], $0xffff;
	v10 =	vadd.s32 $0x6E00, v4;
	[tilespmem:s2+$0x0] =	vst v16  }
0x185: {  	v22 =	vadd.s32 $0x4C00, v3;
	s24 =	sand.u32 $0x1C00, s3;
	s14 =	sor.u32 s21, s11;
	v17 =	vld.idx.msk [tilespmem:v17+s16+$0x0], $0xffff;
	[tilespmem:s13+$0x0] =	vst v11  }
0x186: {  	s1 =	sor.u32 s20, s11;
	s9 =	sadd.s32 $0x8400, s24;
	[tilespmem:s14+$0x0] =	vst v12;
	v12 =	vld.idx.msk [tilespmem:v18+s16+$0x0], $0xffff  }
0x187: {  	s15 =	sadd.s32 $0x10680, s19;
	s5 =	sor.u32 s23, s9;
	v11 =	vadd.s32 $0x200, v8;
	[tilespmem:s1+$0x0] =	vst v13;
	v13 =	vld.idx.msk [tilespmem:v20+s16+$0x0], $0xffff  }
0x188: {  	s10 =	sor.u32 s18, s15;
	v18 =	vadd.s32 $0x200, v7;
	[tilespmem:s5+$0x0] =	vst v21;
	v14 =	vld.idx.msk [tilespmem:v14+s16+$0x0], $0xffff  }
0x189: {  	s11 =	sadd.s32 $0x16400, s29;
	v16 =	vadd.s32 $0x7200, v9;
	[tilespmem:s10+$0x0] =	vst v15;
	v10 =	vld.idx.msk [tilespmem:v10+s16+$0x0], $0xffff  }
0x18a: {  	v20 =	vadd.s32 $0x2800, v6;
	s1 =	sor.u32 s12, s9;
	v21 =	vld.idx.msk [tilespmem:v22+s16+$0x0], $0xffff;
	[dreg:$0xc] =	wrdreg s11  }
0x18b: {  	s4 =	sor.u32 s17, s15;
	v15 =	vadd.s32 $0x2800, v5;
	[tilespmem:s1+$0x0] =	vst v19  }
0x18c: {  	s7 =	sor.u32 s28, s11;
	s13 =	sadd.s32 $0xC580, s22;
	v11 =	vld.idx.msk [tilespmem:v11+s16+$0x0], $0xffff;
	v19 =	vadd.s32 $0x4C00, v2;
	[tilespmem:s4+$0x0] =	vst v17  }
0x18d: {  	s8 =	sor.u32 s21, s13;
	v22 =	vadd.s32 $0x4E00, v3;
	v18 =	vld.idx.msk [tilespmem:v18+s16+$0x0], $0xffff;
	[tilespmem:s7+$0x0] =	vst v12  }
0x18e: {  	s14 =	sadd.s32 $0x10700, s19;
	s6 =	sor.u32 s20, s13;
	v12 =	vadd.s32 $0x400, v8;
	[tilespmem:s8+$0x0] =	vst v13;
	v13 =	vld.idx.msk [tilespmem:v16+s16+$0x0], $0xffff  }
0x18f: {  	s15 =	sor.u32 s18, s14;
	v16 =	vadd.s32 $0x400, v7;
	[tilespmem:s6+$0x0] =	vst v14;
	v14 =	vld.idx.msk [tilespmem:v20+s16+$0x0], $0xffff  }
0x190: {  	v17 =	vadd.s32 $0x7400, v9;
	v15 =	vld.idx.msk [tilespmem:v15+s16+$0x0], $0xffff;
	[tilespmem:s15+$0x0] =	vst v21  }
0x191: {  	s2 =	sadd.s32 $0x16480, s29;
	v20 =	vadd.s32 $0x2A00, v6;
	v19 =	vld.idx.msk [tilespmem:v19+s16+$0x0], $0xffff;
	[tilespmem:s5+$0x80] =	vst v11  }
0x192: {  	s0 =	sadd.s32 $0xC600, s22;
	s4 =	sor.u32 s28, s2;
	v11 =	vadd.s32 $0x2A00, v5;
	v21 =	vld.idx.msk [tilespmem:v22+s16+$0x0], $0xffff;
	[tilespmem:s1+$0x80] =	vst v18  }
0x193: {  	s10 =	sor.u32 s21, s0;
	v12 =	vld.idx.msk [tilespmem:v12+s16+$0x0], $0xffff;
	v18 =	vadd.s32 $0x4E00, v2;
	[tilespmem:s4+$0x0] =	vst v13  }
0x194: {  	s7 =	sor.u32 s20, s0;
	v22 =	vadd.s32 $0x5000, v3;
	v16 =	vld.idx.msk [tilespmem:v16+s16+$0x0], $0xffff;
	[tilespmem:s10+$0x0] =	vst v14  }
0x195: {  	s9 =	sadd.s32 $0x10780, s19;
	s6 =	sor.u32 s17, s14;
	v13 =	vadd.s32 $0x600, v8;
	v14 =	vld.idx.msk [tilespmem:v17+s16+$0x0], $0xffff;
	[tilespmem:s7+$0x0] =	vst v15  }
0x196: {  	s11 =	sor.u32 s18, s9;
	v17 =	vadd.s32 $0x600, v7;
	v15 =	vld.idx.msk [tilespmem:v20+s16+$0x0], $0xffff;
	[tilespmem:s6+$0x0] =	vst v19  }
0x197: {  	v11 =	vld.idx.msk [tilespmem:v11+s16+$0x0], $0xffff;
	v19 =	vadd.s32 $0x7600, v9;
	[tilespmem:s11+$0x0] =	vst v21  }
0x198: {  	v20 =	vadd.s32 $0x2C00, v6;
	s6 =	sadd.s32 $0x16500, s29;
	v18 =	vld.idx.msk [tilespmem:v18+s16+$0x0], $0xffff;
	[tilespmem:s5+$0x100] =	vst v12  }
0x199: {  	s13 =	sadd.s32 $0xC680, s22;
	v12 =	vadd.s32 $0x2C00, v5;
	v21 =	vld.idx.msk [tilespmem:v22+s16+$0x0], $0xffff;
	s14 =	sor.u32 s28, s6;
	[tilespmem:s1+$0x100] =	vst v16  }
0x19a: {  	s11 =	sor.u32 s21, s13;
	v13 =	vld.idx.msk [tilespmem:v13+s16+$0x0], $0xffff;
	v16 =	vadd.s32 $0x5000, v2;
	[tilespmem:s14+$0x0] =	vst v14  }
0x19b: {  	s8 =	sor.u32 s20, s13;
	v22 =	vadd.s32 $0x5200, v3;
	v17 =	vld.idx.msk [tilespmem:v17+s16+$0x0], $0xffff;
	[tilespmem:s11+$0x0] =	vst v15  }
0x19c: {  	s15 =	sadd.s32 $0x12400, s19;
	s7 =	sor.u32 s17, s9;
	v14 =	vadd.s32 $0x800, v8;
	v15 =	vld.idx.msk [tilespmem:v19+s16+$0x0], $0xffff;
	[tilespmem:s8+$0x0] =	vst v11  }
0x19d: {  	s0 =	sor.u32 s18, s15;
	v19 =	vadd.s32 $0x800, v7;
	v11 =	vld.idx.msk [tilespmem:v20+s16+$0x0], $0xffff;
	[tilespmem:s7+$0x0] =	vst v18  }
0x19e: {  	v12 =	vld.idx.msk [tilespmem:v12+s16+$0x0], $0xffff;
	v18 =	vadd.s32 $0x7800, v9;
	[tilespmem:s0+$0x0] =	vst v21  }
0x19f: {  	s10 =	sadd.s32 $0x16580, s29;
	v20 =	vadd.s32 $0x2E00, v6;
	v16 =	vld.idx.msk [tilespmem:v16+s16+$0x0], $0xffff;
	[tilespmem:s5+$0x180] =	vst v13  }
0x1a0: {  	s4 =	sadd.s32 $0xC700, s22;
	s9 =	sor.u32 s28, s10;
	v13 =	vadd.s32 $0x2E00, v5;
	v21 =	vld.idx.msk [tilespmem:v22+s16+$0x0], $0xffff;
	[tilespmem:s1+$0x180] =	vst v17  }
0x1a1: {  	s13 =	sor.u32 s21, s4;
	v14 =	vld.idx.msk [tilespmem:v14+s16+$0x0], $0xffff;
	v17 =	vadd.s32 $0x5200, v2;
	[tilespmem:s9+$0x0] =	vst v15  }
0x1a2: {  	s7 =	sor.u32 s20, s4;
	v19 =	vld.idx.msk [tilespmem:v19+s16+$0x0], $0xffff;
	v15 =	vadd.s32 $0x5400, v3;
	[tilespmem:s13+$0x0] =	vst v11  }
0x1a3: {  	s14 =	sadd.s32 $0x12480, s19;
	s8 =	sor.u32 s17, s15;
	v22 =	vadd.s32 $0xA00, v8;
	v11 =	vld.idx.msk [tilespmem:v18+s16+$0x0], $0xffff;
	[tilespmem:s7+$0x0] =	vst v12  }
0x1a4: {  	s15 =	sor.u32 s18, s14;
	v18 =	vadd.s32 $0xA00, v7;
	v12 =	vld.idx.msk [tilespmem:v20+s16+$0x0], $0xffff;
	[tilespmem:s8+$0x0] =	vst v16  }
0x1a5: {  	v13 =	vld.idx.msk [tilespmem:v13+s16+$0x0], $0xffff;
	v16 =	vadd.s32 $0x7A00, v9;
	[tilespmem:s15+$0x0] =	vst v21  }
0x1a6: {  	s11 =	sadd.s32 $0x16600, s29;
	v20 =	vadd.s32 $0x3000, v6;
	v17 =	vld.idx.msk [tilespmem:v17+s16+$0x0], $0xffff;
	[tilespmem:s5+$0x200] =	vst v14  }
0x1a7: {  	s0 =	sadd.s32 $0xC780, s22;
	s13 =	sor.u32 s28, s11;
	v14 =	vadd.s32 $0x3000, v5;
	v15 =	vld.idx.msk [tilespmem:v15+s16+$0x0], $0xffff;
	[tilespmem:s1+$0x200] =	vst v19  }
0x1a8: {  	s4 =	sor.u32 s21, s0;
	v21 =	vadd.s32 $0x5400, v2;
	v19 =	vld.idx.msk [tilespmem:v22+s16+$0x0], $0xffff;
	[tilespmem:s13+$0x0] =	vst v11  }
0x1a9: {  	s8 =	sor.u32 s20, s0;
	v11 =	vld.idx.msk [tilespmem:v18+s16+$0x0], $0xffff;
	v18 =	vadd.s32 $0x5600, v3;
	[tilespmem:s4+$0x0] =	vst v12  }
0x1aa: {  	s9 =	sadd.s32 $0x12500, s19;
	s7 =	sor.u32 s17, s14;
	v12 =	vadd.s32 $0xC00, v8;
	v16 =	vld.idx.msk [tilespmem:v16+s16+$0x0], $0xffff;
	[tilespmem:s8+$0x0] =	vst v13  }
0x1ab: {  	s14 =	sor.u32 s18, s9;
	v22 =	vadd.s32 $0xC00, v7;
	v13 =	vld.idx.msk [tilespmem:v20+s16+$0x0], $0xffff;
	[tilespmem:s7+$0x0] =	vst v17  }
0x1ac: {  	v14 =	vld.idx.msk [tilespmem:v14+s16+$0x0], $0xffff;
	v17 =	vadd.s32 $0x7C00, v9;
	[tilespmem:s14+$0x0] =	vst v15  }
0x1ad: {  	v20 =	vadd.s32 $0x3200, v6;
	v21 =	vld.idx.msk [tilespmem:v21+s16+$0x0], $0xffff;
	[tilespmem:s5+$0x280] =	vst v19;
	s5 =	sadd.s32 $0x16680, s29  }
0x1ae: {  	s15 =	sadd.s32 $0xE400, s22;
	v15 =	vadd.s32 $0x3200, v5;
	v18 =	vld.idx.msk [tilespmem:v18+s16+$0x0], $0xffff;
	[tilespmem:s1+$0x280] =	vst v11;
	s1 =	simm.s32 $0x3;
	s0 =	sor.u32 s28, s5  }
0x1af: {  	s14 =	sor.u32 s21, s15;
	v11 =	vld.idx.msk [tilespmem:v12+s16+$0x0], $0xffff;
	v12 =	vadd.s32 $0x5600, v2;
	[tilespmem:s0+$0x0] =	vst v16;
	s4 =	sand.u32 $0x3, s1  }
0x1b0: {  	s7 =	sor.u32 s20, s15;
	v19 =	vadd.s32 $0x5800, v3;
	v16 =	vld.idx.msk [tilespmem:v22+s16+$0x0], $0xffff;
	[tilespmem:s14+$0x0] =	vst v13;
	s13 =	sshll.u32 s4, $0x5  }
0x1b1: {  	s31 =	sadd.s32 $0x12580, s19;
	s9 =	sor.u32 s17, s9;
	v13 =	vadd.s32 $0xE00, v8;
	v17 =	vld.idx.msk [tilespmem:v17+s16+$0x0], $0xffff;
	[tilespmem:s7+$0x0] =	vst v14;
	s13 =	sadd.s32 $0x300, s13  }
0x1b2: {  	s14 =	sor.u32 s18, s31;
	v14 =	vadd.s32 $0xE00, v7;
	v20 =	vld.idx.msk [tilespmem:v20+s16+$0x0], $0xffff;
	[tilespmem:s9+$0x0] =	vst v21;
	s9 =	sadd.s32 $0x10, s13  }
0x1b3: {  	v9 =	vadd.s32 $0x7E00, v9;
	v15 =	vld.idx.msk [tilespmem:v15+s16+$0x0], $0xffff;
	[tilespmem:s14+$0x0] =	vst v18;
	s15 =	sor.u32 $0x300, s9  }
0x1b4: {  	s0 =	sor.u32 $0x300, s13;
	v18 =	vadd.s32 $0x3400, v6;
	v12 =	vld.idx.msk [tilespmem:v12+s16+$0x0], $0xffff;
	[tilespmem:s15+$0x8400] =	vst v11;
	s15 =	sadd.s32 $0x16700, s29  }
0x1b5: {  	v11 =	vadd.s32 $0x3400, v5;
	v19 =	vld.idx.msk [tilespmem:v19+s16+$0x0], $0xffff;
	[tilespmem:s0+$0x8400] =	vst v16;
	s0 =	sadd.s32 $0xE480, s22;
	s14 =	sor.u32 s28, s15  }
0x1b6: {  	p0 =	por p1, p1;
	v21 =	vadd.s32 $0x5800, v2;
	s13 =	sor.u32 s26, s25;
	v13 =	vld.idx.msk [tilespmem:v13+s16+$0x0], $0xffff;
	s25 =	sor.u32 s21, s0;
	[tilespmem:s14+$0x0] =	vst v17  }
0x1b7: {  	s8 =	sor.u32 s26, s2;
	s2 =	sor.u32 s17, s31;
	s31 =	sor.u32 s26, s5;
	v14 =	vld.idx.msk [tilespmem:v14+s16+$0x0], $0xffff;
	v17 =	vadd.s32 $0x5A00, v3;
	[tilespmem:s25+$0x0] =	vst v20  }
0x1b8: {  	s4 =	sor.u32 s3, s30;
	s0 =	sor.u32 s20, s0;
	v20 =	vadd.s32 $0x1000, v8;
	s7 =	rddreg [dreg:$0xc];
	v22 =	vld.idx.msk [tilespmem:v9+s16+$0x0], $0xffff  }
0x1b9: {  	v23 =	vadd.s32 $0x1000, v7;
	[tilespmem:s0+$0x0] =	vst v15;
	s14 =	sor.u32 s26, s7;
	s7 =	sor.u32 s26, s6;
	v15 =	vld.idx.msk [tilespmem:v18+s16+$0x0], $0xffff;
	s6 =	sadd.s32 $0x12600, s19  }
0x1ba: {  	s4 =	sor.u32 $0x380, s4;
	s0 =	sor.u32 s26, s11;
	[tilespmem:s2+$0x0] =	vst v12;
	v16 =	vld.idx.msk [tilespmem:v11+s16+$0x0], $0xffff;
	s25 =	sor.u32 s18, s6  }
0x1bb: {  	s11 =	sadd.s32 $0x16780, s29;
	s2 =	sor.u32 s26, s10;
	s10 =	sor.u32 $0x380, s9;
	v12 =	vld.idx.msk [tilespmem:v21+s16+$0x0], $0xffff;
	[tilespmem:s25+$0x0] =	vst v19  }
0x1bc: {  	s29 =	sor.u32 s26, s15;
	s26 =	sor.u32 s26, s11;
	s9 =	sor.u32 s28, s11;
	[tilespmem:s10+$0x8400] =	vst v13;
	v9 =	vld.idx.msk [tilespmem:v17+s16+$0x0], $0xffff  }
0x1bd: {  	s28 =	simm.s32 $0x6;
	s6 =	sor.u32 s17, s6;
	s25 =	sadd.s32 $0xE500, s22;
	[tilespmem:s4+$0x8400] =	vst v14;
	v17 =	vadd.s32 $0x3600, v6;
	v19 =	vld.idx.msk [tilespmem:v20+s16+$0x0], $0xffff  }
0x1be: {  	v18 =	vadd.s32 $0x3600, v5;
	v11 =	vadd.s32 $0x5C00, v3;
	v13 =	vadd.s32 $0x5A00, v2;
	s10 =	simm.s32 $0x8080;
	s4 =	sor.u32 s20, s25;
	v20 =	vld.idx.msk [tilespmem:v23+s16+$0x0], $0xffff;
	s5 =	sor.u32 s21, s25;
	[tilespmem:s9+$0x0] =	vst v22  }
.LBB2_3:
0x1bf: {  	_ =	sdelay $0x1  }
0x1c0: {  	v14 =	vld [tilespmem:s10+$0x0];
	s11 =	smov.u32 s17;
	[tilespmem:s5+$0x0] =	vst v15  }
0x1c1: {  	v21 =	vadd.s32 $0x1200, v8;
	s17 =	smov.u32 s20;
	s15 =	sadd.s32 $0x12680, s19;
	[tilespmem:s4+$0x0] =	vst v16;
	s4 =	smov.u32 s18;
	v16 =	vld.idx.msk [tilespmem:v17+s16+$0x0], $0xffff  }
0x1c2: {  	s20 =	smov.u32 s12;
	s9 =	sadd.s32 $0xA400, s24;
	v15 =	vadd.s32 $0x1200, v7;
	v17 =	vld.idx.msk [tilespmem:v18+s16+$0x0], $0xffff;
	[tilespmem:s6+$0x0] =	vst v12;
	s5 =	sor.u32 s4, s15  }
0x1c3: {  	s6 =	sor.u32 s11, s15;
	v12 =	vadd.s32 $0x7000, v4;
	s15 =	sor.u32 s20, s9;
	s9 =	sor.u32 s23, s9;
	[tilespmem:s5+$0x0] =	vst v9  }
0x1c4: {  	v18 =	vadd.s32 $0x3800, v6;
	v13 =	vld.idx.msk [tilespmem:v13+s16+$0x0], $0xffff;
	[tilespmem:s9+$0x0] =	vst v19  }
0x1c5: {  	v9 =	vadd.s32 $0x3800, v5;
	v11 =	vld.idx.msk [tilespmem:v11+s16+$0x0], $0xffff  }
0x1c6: {  	s25 =	sadd.s32 $0xE580, s22;
	s18 =	smov.u32 s21;
	[tilespmem:s15+$0x0] =	vst v20;
	v19 =	vld.idx.msk [tilespmem:v21+s16+$0x0], $0xffff  }
0x1c7: {  	v20 =	vadd.s32 $0x5C00, v2;
	s9 =	sor.u32 s18, s25;
	v15 =	vld.idx.msk [tilespmem:v15+s16+$0x0], $0xffff;
	[tilespmem:s13+$0x0] =	vst v10  }
0x1c8: {  	s12 =	sor.u32 s17, s25;
	v21 =	vadd.s32 $0x5E00, v3;
	[tilespmem:s9+$0x0] =	vst v16;
	v12 =	vld.idx.msk [tilespmem:v12+s16+$0x0], $0xffff  }
0x1c9: {  	s21 =	smov.u32 s23;
	s23 =	sadd.s32 $0x12700, s19;
	s5 =	smov.u32 s24;
	v16 =	vadd.s32 $0x1400, v7;
	[tilespmem:s12+$0x0] =	vst v17;
	v17 =	vld.idx.msk [tilespmem:v18+s16+$0x0], $0xffff  }
0x1ca: {  	s24 =	sadd.s32 $0xA480, s5;
	v10 =	vadd.s32 $0x1400, v8;
	s9 =	sor.u32 s4, s23;
	v9 =	vld.idx.msk [tilespmem:v9+s16+$0x0], $0xffff;
	[tilespmem:s6+$0x0] =	vst v13  }
0x1cb: {  	s13 =	sor.u32 s21, s24;
	v13 =	vadd.s32 $0x7200, v4;
	[tilespmem:s9+$0x0] =	vst v11  }
0x1cc: {  	s12 =	sor.u32 s20, s24;
	v20 =	vld.idx.msk [tilespmem:v20+s16+$0x0], $0xffff;
	v11 =	vadd.s32 $0x3A00, v5;
	[tilespmem:s13+$0x0] =	vst v19  }
0x1cd: {  	v18 =	vadd.s32 $0x3A00, v6;
	[tilespmem:s12+$0x0] =	vst v15;
	s13 =	sadd.s32 $0xE600, s22;
	v19 =	vld.idx.msk [tilespmem:v21+s16+$0x0], $0xffff  }
0x1ce: {  	v15 =	vadd.s32 $0x5E00, v2;
	v16 =	vld.idx.msk [tilespmem:v16+s16+$0x0], $0xffff;
	s9 =	sor.u32 s18, s13;
	[tilespmem:s14+$0x0] =	vst v12  }
0x1cf: {  	v10 =	vld.idx.msk [tilespmem:v10+s16+$0x0], $0xffff;
	s15 =	sor.u32 s17, s13;
	[tilespmem:s9+$0x0] =	vst v17;
	v17 =	vadd.s32 $0x1600, v7  }
0x1d0: {  	s25 =	sor.u32 s11, s23;
	s23 =	sadd.s32 $0x12780, s19;
	v21 =	vadd.s32 $0x6000, v3;
	v13 =	vld.idx.msk [tilespmem:v13+s16+$0x0], $0xffff;
	[tilespmem:s15+$0x0] =	vst v9  }
0x1d1: {  	s24 =	sadd.s32 $0xA500, s5;
	v12 =	vadd.s32 $0x1600, v8;
	s9 =	sor.u32 s4, s23;
	v11 =	vld.idx.msk [tilespmem:v11+s16+$0x0], $0xffff;
	[tilespmem:s25+$0x0] =	vst v20  }
0x1d2: {  	s12 =	sor.u32 s20, s24;
	v9 =	vld.idx.msk [tilespmem:v18+s16+$0x0], $0xffff;
	v18 =	vadd.s32 $0x7400, v4;
	[tilespmem:s9+$0x0] =	vst v19  }
0x1d3: {  	s13 =	sor.u32 s21, s24;
	v15 =	vld.idx.msk [tilespmem:v15+s16+$0x0], $0xffff;
	[tilespmem:s12+$0x0] =	vst v16  }
0x1d4: {  	[tilespmem:s13+$0x0] =	vst v10;
	v10 =	vadd.s32 $0x3C00, v5;
	v17 =	vld.idx.msk [tilespmem:v17+s16+$0x0], $0xffff  }
0x1d5: {  	s14 =	sadd.s32 $0xE680, s22;
	v20 =	vadd.s32 $0x3C00, v6;
	v19 =	vld.idx.msk [tilespmem:v21+s16+$0x0], $0xffff  }
0x1d6: {  	v16 =	vadd.s32 $0x6000, v2;
	s9 =	sor.u32 s18, s14;
	[tilespmem:s8+$0x0] =	vst v13;
	v12 =	vld.idx.msk [tilespmem:v12+s16+$0x0], $0xffff  }
0x1d7: {  	s15 =	sor.u32 s17, s14;
	[tilespmem:s9+$0x0] =	vst v9;
	v9 =	vld.idx.msk [tilespmem:v18+s16+$0x0], $0xffff;
	v18 =	vadd.s32 $0x1800, v7  }
0x1d8: {  	s25 =	sor.u32 s11, s23;
	s23 =	sadd.s32 $0x14400, s19;
	v21 =	vadd.s32 $0x6200, v3;
	[tilespmem:s15+$0x0] =	vst v11  }
0x1d9: {  	s24 =	sadd.s32 $0xA580, s5;
	v13 =	vadd.s32 $0x1800, v8;
	s8 =	sor.u32 s4, s23;
	v10 =	vld.idx.msk [tilespmem:v10+s16+$0x0], $0xffff;
	[tilespmem:s25+$0x0] =	vst v15  }
0x1da: {  	s12 =	sor.u32 s20, s24;
	v11 =	vld.idx.msk [tilespmem:v20+s16+$0x0], $0xffff;
	[tilespmem:s8+$0x0] =	vst v19  }
0x1db: {  	s9 =	sor.u32 s21, s24;
	v15 =	vadd.s32 $0x7600, v4;
	v16 =	vld.idx.msk [tilespmem:v16+s16+$0x0], $0xffff;
	[tilespmem:s12+$0x0] =	vst v17  }
0x1dc: {  	[tilespmem:s9+$0x0] =	vst v12;
	v12 =	vadd.s32 $0x3E00, v5;
	v18 =	vld.idx.msk [tilespmem:v18+s16+$0x0], $0xffff  }
0x1dd: {  	s14 =	sadd.s32 $0xE700, s22;
	v20 =	vadd.s32 $0x3E00, v6;
	v19 =	vld.idx.msk [tilespmem:v21+s16+$0x0], $0xffff  }
0x1de: {  	v17 =	vadd.s32 $0x6200, v2;
	s8 =	sor.u32 s18, s14;
	[tilespmem:s7+$0x0] =	vst v9;
	v13 =	vld.idx.msk [tilespmem:v13+s16+$0x0], $0xffff  }
0x1df: {  	s15 =	sor.u32 s17, s14;
	v21 =	vadd.s32 $0x6400, v3;
	[tilespmem:s8+$0x0] =	vst v11  }
0x1e0: {  	s25 =	sor.u32 s11, s23;
	s23 =	sadd.s32 $0x14480, s19;
	v9 =	vadd.s32 $0x1A00, v8;
	v11 =	vld.idx.msk [tilespmem:v15+s16+$0x0], $0xffff;
	[tilespmem:s15+$0x0] =	vst v10  }
0x1e1: {  	s24 =	sadd.s32 $0xA600, s5;
	s7 =	sor.u32 s4, s23;
	v15 =	vadd.s32 $0x1A00, v7;
	v12 =	vld.idx.msk [tilespmem:v12+s16+$0x0], $0xffff;
	[tilespmem:s25+$0x0] =	vst v16  }
0x1e2: {  	s8 =	sor.u32 s21, s24;
	v10 =	vld.idx.msk [tilespmem:v20+s16+$0x0], $0xffff;
	[tilespmem:s7+$0x0] =	vst v19  }
0x1e3: {  	v16 =	vadd.s32 $0x7800, v4;
	v17 =	vld.idx.msk [tilespmem:v17+s16+$0x0], $0xffff;
	[tilespmem:s8+$0x0] =	vst v13  }
0x1e4: {  	s12 =	sor.u32 s20, s24;
	v13 =	vadd.s32 $0x4000, v5;
	v19 =	vld.idx.msk [tilespmem:v21+s16+$0x0], $0xffff  }
0x1e5: {  	s13 =	sadd.s32 $0xE780, s22;
	v20 =	vadd.s32 $0x4000, v6;
	[tilespmem:s12+$0x0] =	vst v18;
	v9 =	vld.idx.msk [tilespmem:v9+s16+$0x0], $0xffff  }
0x1e6: {  	v18 =	vadd.s32 $0x6400, v2;
	s7 =	sor.u32 s18, s13;
	v15 =	vld.idx.msk [tilespmem:v15+s16+$0x0], $0xffff;
	[tilespmem:s2+$0x0] =	vst v11  }
0x1e7: {  	s14 =	sor.u32 s17, s13;
	v21 =	vadd.s32 $0x6600, v3;
	[tilespmem:s7+$0x0] =	vst v10  }
0x1e8: {  	s15 =	sadd.s32 $0x14500, s19;
	s25 =	sor.u32 s11, s23;
	v11 =	vadd.s32 $0x1C00, v8;
	v10 =	vld.idx.msk [tilespmem:v16+s16+$0x0], $0xffff;
	[tilespmem:s14+$0x0] =	vst v12  }
0x1e9: {  	s23 =	sadd.s32 $0xA680, s5;
	s2 =	sor.u32 s4, s15;
	v16 =	vadd.s32 $0x1C00, v7;
	v13 =	vld.idx.msk [tilespmem:v13+s16+$0x0], $0xffff;
	[tilespmem:s25+$0x0] =	vst v17  }
0x1ea: {  	s7 =	sor.u32 s21, s23;
	v12 =	vld.idx.msk [tilespmem:v20+s16+$0x0], $0xffff;
	[tilespmem:s2+$0x0] =	vst v19  }
0x1eb: {  	v17 =	vadd.s32 $0x7A00, v4;
	v18 =	vld.idx.msk [tilespmem:v18+s16+$0x0], $0xffff;
	[tilespmem:s7+$0x0] =	vst v9  }
0x1ec: {  	s25 =	sor.u32 s20, s23;
	v9 =	vadd.s32 $0x4200, v5;
	v19 =	vld.idx.msk [tilespmem:v21+s16+$0x0], $0xffff  }
0x1ed: {  	s9 =	sadd.s32 $0x10400, s22;
	v20 =	vadd.s32 $0x4200, v6;
	[tilespmem:s25+$0x0] =	vst v15;
	v11 =	vld.idx.msk [tilespmem:v11+s16+$0x0], $0xffff  }
0x1ee: {  	v15 =	vadd.s32 $0x6600, v2;
	s2 =	sor.u32 s18, s9;
	v16 =	vld.idx.msk [tilespmem:v16+s16+$0x0], $0xffff;
	[tilespmem:s0+$0x0] =	vst v10  }
0x1ef: {  	s12 =	sor.u32 s17, s9;
	v21 =	vadd.s32 $0x6800, v3;
	[tilespmem:s2+$0x0] =	vst v12  }
0x1f0: {  	s24 =	sor.u32 s11, s15;
	s13 =	sadd.s32 $0x14580, s19;
	v10 =	vadd.s32 $0x1E00, v8;
	v12 =	vld.idx.msk [tilespmem:v17+s16+$0x0], $0xffff;
	[tilespmem:s12+$0x0] =	vst v13  }
0x1f1: {  	s14 =	sadd.s32 $0xA700, s5;
	s0 =	sor.u32 s4, s13;
	v17 =	vadd.s32 $0x1E00, v7;
	v9 =	vld.idx.msk [tilespmem:v9+s16+$0x0], $0xffff;
	[tilespmem:s24+$0x0] =	vst v18  }
0x1f2: {  	s2 =	sor.u32 s21, s14;
	v13 =	vld.idx.msk [tilespmem:v20+s16+$0x0], $0xffff;
	[tilespmem:s0+$0x0] =	vst v19  }
0x1f3: {  	v18 =	vadd.s32 $0x7C00, v4;
	v15 =	vld.idx.msk [tilespmem:v15+s16+$0x0], $0xffff;
	[tilespmem:s2+$0x0] =	vst v11  }
0x1f4: {  	s23 =	sor.u32 s20, s14;
	v11 =	vadd.s32 $0x4400, v5;
	v19 =	vld.idx.msk [tilespmem:v21+s16+$0x0], $0xffff  }
0x1f5: {  	v20 =	vadd.s32 $0x4400, v6;
	s24 =	sadd.s32 $0x10480, s22;
	[tilespmem:s23+$0x0] =	vst v16;
	v10 =	vld.idx.msk [tilespmem:v10+s16+$0x0], $0xffff  }
0x1f6: {  	v16 =	vadd.s32 $0x6800, v2;
	s0 =	sor.u32 s18, s24;
	v17 =	vld.idx.msk [tilespmem:v17+s16+$0x0], $0xffff;
	[tilespmem:s31+$0x0] =	vst v12  }
0x1f7: {  	s25 =	sor.u32 s17, s24;
	v21 =	vadd.s32 $0x6A00, v3;
	[tilespmem:s0+$0x0] =	vst v13  }
0x1f8: {  	s15 =	sor.u32 s11, s13;
	s7 =	sadd.s32 $0x14600, s19;
	v12 =	vadd.s32 $0x2000, v8;
	v13 =	vld.idx.msk [tilespmem:v18+s16+$0x0], $0xffff;
	[tilespmem:s25+$0x0] =	vst v9  }
0x1f9: {  	s8 =	sadd.s32 $0xA780, s5;
	s0 =	sor.u32 s4, s7;
	v18 =	vadd.s32 $0x2000, v7;
	v11 =	vld.idx.msk [tilespmem:v11+s16+$0x0], $0xffff;
	[tilespmem:s15+$0x0] =	vst v15  }
0x1fa: {  	s2 =	sor.u32 s21, s8;
	v9 =	vld.idx.msk [tilespmem:v20+s16+$0x0], $0xffff;
	[tilespmem:s0+$0x0] =	vst v19  }
0x1fb: {  	v15 =	vadd.s32 $0x7E00, v4;
	v4 =	vmov v2;
	v2 =	vmov v5;
	v16 =	vld.idx.msk [tilespmem:v16+s16+$0x0], $0xffff;
	[tilespmem:s2+$0x0] =	vst v10  }
0x1fc: {  	s12 =	sor.u32 s20, s8;
	v10 =	vadd.s32 $0x4600, v2;
	v19 =	vld.idx.msk [tilespmem:v21+s16+$0x0], $0xffff  }
0x1fd: {  	s13 =	sadd.s32 $0x10500, s22;
	v5 =	vmov v7;
	v7 =	vmov v14;
	v14 =	vadd.s32 $0x4600, v6;
	[tilespmem:s12+$0x0] =	vst v17;
	v12 =	vld.idx.msk [tilespmem:v12+s16+$0x0], $0xffff  }
0x1fe: {  	v17 =	vadd.s32 $0x6A00, v4;
	s0 =	sor.u32 s18, s13;
	v18 =	vld.idx.msk [tilespmem:v18+s16+$0x0], $0xffff;
	[tilespmem:s29+$0x0] =	vst v13  }
0x1ff: {  	s14 =	sor.u32 s17, s13;
	v20 =	vadd.s32 $0x6C00, v3;
	[tilespmem:s0+$0x0] =	vst v9  }
0x200: {  	s9 =	sor.u32 s11, s7;
	s15 =	sadd.s32 $0x14680, s19;
	v13 =	vadd.s32 $0x2200, v8;
	v9 =	vld.idx.msk [tilespmem:v15+s16+$0x0], $0xffff;
	[tilespmem:s14+$0x0] =	vst v11  }
0x201: {  	s23 =	sadd.s32 $0xC400, s5;
	s0 =	sor.u32 s4, s15;
	v15 =	vadd.s32 $0x2200, v5;
	v10 =	vld.idx.msk [tilespmem:v10+s16+$0x0], $0xffff;
	[tilespmem:s9+$0x0] =	vst v16  }
0x202: {  	s2 =	sor.u32 s21, s23;
	v11 =	vld.idx.msk [tilespmem:v14+s16+$0x0], $0xffff;
	[tilespmem:s0+$0x0] =	vst v19  }
0x203: {  	s30 =	sadd.s32 $0x20, s30;
	v14 =	vadd.s32 $0x4800, v6;
	v16 =	vld.idx.msk [tilespmem:v17+s16+$0x0], $0xffff;
	[tilespmem:s2+$0x0] =	vst v12  }
0x204: {  	s24 =	sor.u32 s20, s23;
	s25 =	sand.u32 $0x60, s30;
	v12 =	vadd.s32 $0x4800, v2;
	v17 =	vld.idx.msk [tilespmem:v20+s16+$0x0], $0xffff  }
0x205: {  	s8 =	sand.u32 $0x380, s30;
	s23 =	sor.u32 $0x10, s25;
	s9 =	sadd.s32 $0x10580, s22;
	[tilespmem:s24+$0x0] =	vst v18;
	v13 =	vld.idx.msk [tilespmem:v13+s16+$0x0], $0xffff  }
0x206: {  	v18 =	vadd.s32 $0x6C00, v4;
	s0 =	sor.u32 s23, s8;
	s12 =	sor.u32 s18, s9;
	v15 =	vld.idx.msk [tilespmem:v15+s16+$0x0], $0xffff;
	[tilespmem:s26+$0x0] =	vst v9  }
0x207: {  	v19 =	vadd.s32 $0x6E00, v3;
	s13 =	sor.u32 s17, s9;
	v9 =	vld [tilespmem:s0+$0x8000];
	[tilespmem:s12+$0x0] =	vst v11  }
0x208: {  	s6 =	sor.u32 s11, s15;
	s14 =	sadd.s32 $0x14700, s19;
	v20 =	vadd.s32 $0x2400, v8;
	[tilespmem:s13+$0x0] =	vst v10;
	v10 =	vld.idx.msk [tilespmem:v14+s16+$0x0], $0xffff  }
0x209: {  	s15 =	sadd.s32 $0xC480, s5;
	v11 =	vadd.s32 $0x2400, v5;
	s0 =	sor.u32 s4, s14;
	v12 =	vld.idx.msk [tilespmem:v12+s16+$0x0], $0xffff;
	[tilespmem:s6+$0x0] =	vst v16  }
0x20a: {  	s2 =	sor.u32 s21, s15;
	[tilespmem:s0+$0x0] =	vst v17  }
0x20b: {  	v14 =	vadd.s32 $0x4A00, v6;
	v16 =	vld.idx.msk [tilespmem:v18+s16+$0x0], $0xffff;
	[tilespmem:s2+$0x0] =	vst v13  }
0x20c: {  	s26 =	sor.u32 s20, s15;
	s2 =	sadd.s32 $0x10600, s22;
	v13 =	vld.idx.msk [tilespmem:v19+s16+$0x0], $0xffff  }
0x20d: {  	[tilespmem:s26+$0x0] =	vst v15;
	v17 =	vadd.s32 $0x4A00, v2;
	v15 =	vld.idx.msk [tilespmem:v20+s16+$0x0], $0xffff;
	s0 =	sor.u32 s18, s2  }
0x20e: {  	v18 =	vadd.s32 $0x7000, v3;
	v11 =	vld.idx.msk [tilespmem:v11+s16+$0x0], $0xffff;
	s7 =	sor.u32 s17, s2;
	[tilespmem:s0+$0x0] =	vst v10  }
0x20f: {  	s24 =	sor.u32 s11, s14;
	s8 =	sadd.s32 $0x14780, s19;
	v19 =	vld.idx.msk [tilespmem:v7+s16+$0x0], $0xffff;
	v20 =	vadd.s32 $0x2600, v8;
	[tilespmem:s7+$0x0] =	vst v12  }
0x210: {  	s9 =	sadd.s32 $0xC500, s5;
	v10 =	vadd.s32 $0x2600, v5;
	s0 =	sor.u32 s4, s8;
	v12 =	vld.idx.msk [tilespmem:v14+s16+$0x0], $0xffff;
	[tilespmem:s24+$0x0] =	vst v16  }
0x211: {  	s2 =	sor.u32 s21, s9;
	v14 =	vld.idx.msk [tilespmem:v9+s16+$0x0], $0xffff;
	[tilespmem:s0+$0x0] =	vst v13  }
0x212: {  	v16 =	vadd.s32 $0x6E00, v4;
	v17 =	vld.idx.msk [tilespmem:v17+s16+$0x0], $0xffff;
	[tilespmem:s2+$0x0] =	vst v15  }
0x213: {  	s3 =	sadd.s32 $0x100, s3;
	v21 =	vadd.s32 $0x4C00, v6;
	s13 =	sor.u32 s20, s9;
	v15 =	vld.idx.msk [tilespmem:v18+s16+$0x0], $0xffff  }
0x214: {  	s14 =	sand.u32 $0x1C00, s3;
	s24 =	sadd.s32 $0x10680, s22;
	[tilespmem:s13+$0x0] =	vst v11;
	v13 =	vadd.s32 $0x200, v9;
	v11 =	vld.idx.msk [tilespmem:v20+s16+$0x0], $0xffff  }
0x215: {  	s12 =	sor.u32 s11, s8;
	s8 =	sadd.s32 $0x8400, s14;
	s9 =	sor.u32 s18, s24;
	v18 =	vadd.s32 $0x200, v7;
	v20 =	vld.idx.msk [tilespmem:v10+s16+$0x0], $0xffff  }
0x216: {  	s15 =	sor.u32 s3, s30;
	s29 =	sor.u32 s23, s8;
	[tilespmem:s9+$0x0] =	vst v12;
	v12 =	vadd.s32 $0x2800, v5  }
0x217: {  	v22 =	vadd.s32 $0x7200, v3;
	[dreg:$0x3] =	wrdreg s12;
	s12 =	sadd.s32 $0x16400, s19;
	s6 =	sor.u32 s25, s8;
	v10 =	vld.idx.msk [tilespmem:v16+s16+$0x0], $0xffff;
	[tilespmem:s29+$0x0] =	vst v14  }
0x218: {  	v23 =	vadd.s32 $0x2800, v8;
	s26 =	sor.u32 $0x380, s15;
	s15 =	sadd.s32 $0xC580, s5;
	s0 =	sor.u32 s4, s12;
	[tilespmem:s6+$0x0] =	vst v19;
	v14 =	vld.idx.msk [tilespmem:v21+s16+$0x0], $0xffff  }
0x219: {  	s2 =	sor.u32 s17, s24;
	s24 =	sor.u32 s20, s15;
	v16 =	vadd.s32 $0x4C00, v2;
	v13 =	vld.idx.msk [tilespmem:v13+s16+$0x0], $0xffff;
	[tilespmem:s0+$0x0] =	vst v15  }
0x21a: {  	s7 =	sor.u32 s21, s15;
	v19 =	vadd.s32 $0x4E00, v6;
	v18 =	vld.idx.msk [tilespmem:v18+s16+$0x0], $0xffff;
	[tilespmem:s24+$0x0] =	vst v20  }
0x21b: {  	s9 =	sadd.s32 $0x10700, s22;
	v15 =	vadd.s32 $0x400, v9;
	[tilespmem:s7+$0x0] =	vst v11;
	v12 =	vld.idx.msk [tilespmem:v12+s16+$0x0], $0xffff  }
0x21c: {  	v21 =	vadd.s32 $0x400, v7;
	s0 =	sor.u32 s18, s9;
	[tilespmem:s2+$0x0] =	vst v17;
	v11 =	vld.idx.msk [tilespmem:v22+s16+$0x0], $0xffff  }
0x21d: {  	v20 =	vld.idx.msk [tilespmem:v23+s16+$0x0], $0xffff;
	[tilespmem:s0+$0x0] =	vst v14  }
0x21e: {  	v16 =	vld.idx.msk [tilespmem:v16+s16+$0x0], $0xffff;
	[tilespmem:s29+$0x80] =	vst v13;
	v13 =	vadd.s32 $0x2A00, v5  }
0x21f: {  	s15 =	sadd.s32 $0xC600, s5;
	v17 =	vadd.s32 $0x7400, v3;
	v14 =	vld.idx.msk [tilespmem:v19+s16+$0x0], $0xffff  }
0x220: {  	s13 =	sor.u32 s11, s12;
	s12 =	sadd.s32 $0x16480, s19;
	s24 =	sor.u32 s20, s15;
	v22 =	vadd.s32 $0x2A00, v8;
	[tilespmem:s6+$0x80] =	vst v18;
	v15 =	vld.idx.msk [tilespmem:v15+s16+$0x0], $0xffff  }
0x221: {  	s0 =	sor.u32 s4, s12;
	v18 =	vadd.s32 $0x4E00, v2;
	v19 =	vld.idx.msk [tilespmem:v21+s16+$0x0], $0xffff;
	[tilespmem:s24+$0x0] =	vst v12  }
0x222: {  	s7 =	sor.u32 s21, s15;
	v21 =	vadd.s32 $0x5000, v6;
	[tilespmem:s0+$0x0] =	vst v11  }
0x223: {  	s8 =	sor.u32 s11, s12;
	s2 =	sor.u32 s17, s9;
	s12 =	sadd.s32 $0x10780, s22;
	[tilespmem:s7+$0x0] =	vst v20;
	v20 =	vadd.s32 $0x600, v7;
	v13 =	vld.idx.msk [tilespmem:v13+s16+$0x0], $0xffff  }
0x224: {  	v11 =	vadd.s32 $0x600, v9;
	s0 =	sor.u32 s18, s12;
	[tilespmem:s2+$0x0] =	vst v16;
	v17 =	vld.idx.msk [tilespmem:v17+s16+$0x0], $0xffff  }
0x225: {  	v12 =	vld.idx.msk [tilespmem:v22+s16+$0x0], $0xffff;
	[tilespmem:s0+$0x0] =	vst v14;
	v14 =	vadd.s32 $0x2C00, v5  }
0x226: {  	s24 =	sadd.s32 $0xC680, s5;
	v16 =	vadd.s32 $0x7600, v3;
	v18 =	vld.idx.msk [tilespmem:v18+s16+$0x0], $0xffff;
	[tilespmem:s29+$0x100] =	vst v15  }
0x227: {  	s15 =	sadd.s32 $0x16500, s19;
	s2 =	sor.u32 s17, s12;
	s12 =	sor.u32 s20, s24;
	v22 =	vadd.s32 $0x2C00, v8;
	v15 =	vld.idx.msk [tilespmem:v21+s16+$0x0], $0xffff;
	[tilespmem:s6+$0x100] =	vst v19  }
0x228: {  	s0 =	sor.u32 s4, s15;
	v20 =	vld.idx.msk [tilespmem:v20+s16+$0x0], $0xffff;
	[tilespmem:s12+$0x0] =	vst v13  }
0x229: {  	s9 =	sor.u32 s21, s24;
	v19 =	vadd.s32 $0x5000, v2;
	v11 =	vld.idx.msk [tilespmem:v11+s16+$0x0], $0xffff;
	[tilespmem:s0+$0x0] =	vst v17  }
0x22a: {  	v21 =	vadd.s32 $0x5200, v6;
	v14 =	vld.idx.msk [tilespmem:v14+s16+$0x0], $0xffff;
	[tilespmem:s9+$0x0] =	vst v12  }
0x22b: {  	s7 =	sor.u32 s11, s15;
	s15 =	sadd.s32 $0x12400, s22;
	v17 =	vadd.s32 $0x800, v9;
	v12 =	vld.idx.msk [tilespmem:v16+s16+$0x0], $0xffff  }
0x22c: {  	s0 =	sor.u32 s18, s15;
	[tilespmem:s2+$0x0] =	vst v18;
	v16 =	vadd.s32 $0x800, v7;
	v13 =	vld.idx.msk [tilespmem:v22+s16+$0x0], $0xffff  }
0x22d: {  	v18 =	vadd.s32 $0x7800, v3;
	[tilespmem:s0+$0x0] =	vst v15  }
0x22e: {  	s24 =	sadd.s32 $0x16580, s19;
	v19 =	vld.idx.msk [tilespmem:v19+s16+$0x0], $0xffff;
	[tilespmem:s29+$0x180] =	vst v11;
	v11 =	vadd.s32 $0x2E00, v5  }
0x22f: {  	s12 =	sadd.s32 $0xC700, s5;
	v22 =	vadd.s32 $0x2E00, v8;
	s0 =	sor.u32 s4, s24;
	v15 =	vld.idx.msk [tilespmem:v21+s16+$0x0], $0xffff;
	[tilespmem:s6+$0x180] =	vst v20  }
0x230: {  	s9 =	sor.u32 s17, s15;
	s15 =	sor.u32 s21, s12;
	v20 =	vadd.s32 $0x5200, v2;
	v17 =	vld.idx.msk [tilespmem:v17+s16+$0x0], $0xffff;
	[tilespmem:s0+$0x0] =	vst v12  }
0x231: {  	s31 =	sor.u32 s20, s12;
	v21 =	vadd.s32 $0x5400, v6;
	v16 =	vld.idx.msk [tilespmem:v16+s16+$0x0], $0xffff;
	[tilespmem:s15+$0x0] =	vst v13  }
0x232: {  	s2 =	sor.u32 s11, s24;
	s24 =	sadd.s32 $0x12480, s22;
	v12 =	vadd.s32 $0xA00, v9;
	[tilespmem:s31+$0x0] =	vst v14;
	v13 =	vld.idx.msk [tilespmem:v18+s16+$0x0], $0xffff  }
0x233: {  	s0 =	sor.u32 s18, s24;
	v11 =	vld.idx.msk [tilespmem:v11+s16+$0x0], $0xffff;
	[tilespmem:s9+$0x0] =	vst v19;
	v18 =	vadd.s32 $0xA00, v7  }
0x234: {  	v14 =	vld.idx.msk [tilespmem:v22+s16+$0x0], $0xffff;
	[tilespmem:s0+$0x0] =	vst v15;
	v15 =	vadd.s32 $0x3000, v5  }
0x235: {  	s12 =	sadd.s32 $0x16600, s19;
	v19 =	vadd.s32 $0x7A00, v3;
	v20 =	vld.idx.msk [tilespmem:v20+s16+$0x0], $0xffff;
	[tilespmem:s29+$0x200] =	vst v17  }
0x236: {  	s31 =	sadd.s32 $0xC780, s5;
	s15 =	sor.u32 s4, s12;
	v22 =	vadd.s32 $0x3000, v8;
	v17 =	vld.idx.msk [tilespmem:v21+s16+$0x0], $0xffff;
	[tilespmem:s6+$0x200] =	vst v16  }
0x237: {  	s0 =	sor.u32 s11, s12;
	s12 =	sor.u32 s20, s31;
	v12 =	vld.idx.msk [tilespmem:v12+s16+$0x0], $0xffff;
	[tilespmem:s15+$0x0] =	vst v13  }
0x238: {  	s31 =	sor.u32 s21, s31;
	v16 =	vadd.s32 $0x5400, v2;
	v18 =	vld.idx.msk [tilespmem:v18+s16+$0x0], $0xffff;
	[tilespmem:s12+$0x0] =	vst v11  }
0x239: {  	s9 =	sor.u32 s17, s24;
	s24 =	sadd.s32 $0x12500, s22;
	v21 =	vadd.s32 $0x5600, v6;
	[tilespmem:s31+$0x0] =	vst v14;
	v15 =	vld.idx.msk [tilespmem:v15+s16+$0x0], $0xffff  }
0x23a: {  	v13 =	vadd.s32 $0xC00, v9;
	s12 =	sor.u32 s18, s24;
	[tilespmem:s9+$0x0] =	vst v20;
	v14 =	vld.idx.msk [tilespmem:v19+s16+$0x0], $0xffff  }
0x23b: {  	v19 =	vadd.s32 $0xC00, v7;
	v11 =	vld.idx.msk [tilespmem:v22+s16+$0x0], $0xffff;
	[tilespmem:s12+$0x0] =	vst v17  }
0x23c: {  	[tilespmem:s29+$0x280] =	vst v12;
	v12 =	vadd.s32 $0x3200, v5  }
0x23d: {  	v20 =	vadd.s32 $0x7C00, v3;
	s12 =	sadd.s32 $0x16680, s19;
	v16 =	vld.idx.msk [tilespmem:v16+s16+$0x0], $0xffff  }
0x23e: {  	v22 =	vadd.s32 $0x3200, v8;
	s15 =	sor.u32 s4, s12;
	v17 =	vld.idx.msk [tilespmem:v21+s16+$0x0], $0xffff;
	[tilespmem:s6+$0x280] =	vst v18;
	s6 =	sadd.s32 $0xE400, s5  }
0x23f: {  	s1 =	sadd.s32 $0x1, s1;
	s9 =	sor.u32 s17, s24;
	v13 =	vld.idx.msk [tilespmem:v13+s16+$0x0], $0xffff;
	s24 =	sor.u32 s20, s6;
	[tilespmem:s15+$0x0] =	vst v14  }
0x240: {  	s29 =	sand.u32 $0x3, s1;
	v18 =	vadd.s32 $0x5600, v2;
	s6 =	sor.u32 s21, s6;
	v19 =	vld.idx.msk [tilespmem:v19+s16+$0x0], $0xffff;
	[tilespmem:s24+$0x0] =	vst v15  }
0x241: {  	v21 =	vadd.s32 $0x5800, v6;
	s15 =	sshll.u32 s29, $0x5;
	[tilespmem:s6+$0x0] =	vst v11;
	v12 =	vld.idx.msk [tilespmem:v12+s16+$0x0], $0xffff  }
0x242: {  	s31 =	sor.u32 s11, s12;
	s12 =	sadd.s32 $0x12580, s22;
	v14 =	vadd.s32 $0xE00, v9;
	s6 =	sadd.s32 s15, s3;
	v11 =	vld.idx.msk [tilespmem:v20+s16+$0x0], $0xffff  }
0x243: {  	[tilespmem:s9+$0x0] =	vst v16;
	v20 =	vadd.s32 $0xE00, v7;
	v15 =	vld.idx.msk [tilespmem:v22+s16+$0x0], $0xffff;
	s15 =	sor.u32 $0x300, s6;
	s24 =	sadd.s32 $0x10, s6;
	s6 =	sor.u32 s18, s12  }
0x244: {  	v16 =	vadd.s32 $0x7E00, v3;
	s9 =	sor.u32 $0x300, s24;
	[tilespmem:s6+$0x0] =	vst v17  }
0x245: {  	v3 =	vmov v6;
	v6 =	vmov v8;
	v18 =	vld.idx.msk [tilespmem:v18+s16+$0x0], $0xffff;
	s6 =	sadd.s32 $0x16700, s19;
	[tilespmem:s9+$0x8400] =	vst v13;
	v13 =	vadd.s32 $0x3400, v5  }
0x246: {  	v8 =	vmov v9;
	v9 =	vadd.s32 $0x3400, v6;
	s9 =	sadd.s32 $0xE480, s5;
	s29 =	sor.u32 s11, s6;
	s6 =	sor.u32 s4, s6;
	v21 =	vld.idx.msk [tilespmem:v21+s16+$0x0], $0xffff;
	[tilespmem:s15+$0x8400] =	vst v19  }
0x247: {  	v14 =	vld.idx.msk [tilespmem:v14+s16+$0x0], $0xffff;
	v19 =	vadd.s32 $0x5800, v2;
	s15 =	sor.u32 s20, s9;
	s9 =	sor.u32 s21, s9;
	[tilespmem:s6+$0x0] =	vst v11  }
0x248: {  	v22 =	vadd.s32 $0x5A00, v3;
	v20 =	vld.idx.msk [tilespmem:v20+s16+$0x0], $0xffff;
	[tilespmem:s9+$0x0] =	vst v15  }
0x249: {  	s28 =	sadd.s32 $0x2, s28;
	s12 =	sor.u32 s17, s12;
	v11 =	vadd.s32 $0x1000, v8;
	[tilespmem:s15+$0x0] =	vst v12;
	s15 =	sadd.s32 $0x12600, s22;
	v23 =	vld.idx.msk [tilespmem:v16+s16+$0x0], $0xffff  }
0x24a: {  	s10 =	sadd.s32 $0x20, s10;
	p1 =	slt.u32 s28, $0x3E;
	v24 =	vadd.s32 $0x1000, v7;
	s9 =	sor.u32 s18, s15;
	v16 =	vld.idx.msk [tilespmem:v13+s16+$0x0], $0xffff;
	[tilespmem:s12+$0x0] =	vst v18  }
.Ltmp0:
0x24b: {  	s6 =	sor.u32 s17, s15;
	s15 =	sor.u32 $0x380, s24;
	v15 =	vld.idx.msk [tilespmem:v9+s16+$0x0], $0xffff;
	[tilespmem:s9+$0x0] =	vst v21;
	(pc) =	sbr.rel @p1 .LBB2_3-.Ltmp0, $4  }
0x24c: {  	s24 =	smov.u32 s14;
	s14 =	smov.u32 s13;
	s12 =	smov.u32 s25;
	v12 =	vld.idx.msk [tilespmem:v19+s16+$0x0], $0xffff;
	[tilespmem:s15+$0x8400] =	vst v14  }
0x24d: {  	s25 =	sadd.s32 $0x16780, s19;
	s19 =	smov.u32 s22;
	s22 =	smov.u32 s5;
	v9 =	vld.idx.msk [tilespmem:v22+s16+$0x0], $0xffff  }
0x24e: {  	v17 =	vadd.s32 $0x3600, v6;
	s13 =	rddreg [dreg:$0x3];
	s5 =	sadd.s32 $0xE500, s22;
	s9 =	sor.u32 s4, s25;
	[tilespmem:s26+$0x8400] =	vst v20;
	v19 =	vld.idx.msk [tilespmem:v11+s16+$0x0], $0xffff  }
0x24f: {  	v18 =	vadd.s32 $0x3600, v5;
	v13 =	vadd.s32 $0x5A00, v2;
	s4 =	sor.u32 s20, s5;
	s5 =	sor.u32 s21, s5;
	s26 =	sor.u32 s11, s25;
	v11 =	vadd.s32 $0x5C00, v3;
	v20 =	vld.idx.msk [tilespmem:v24+s16+$0x0], $0xffff;
	[tilespmem:s9+$0x0] =	vst v23  }
0x250: {  	v14 =	vadd.s32 $0x1200, v8  }
0x251: {  	v21 =	vadd.s32 $0x1200, v7  }
0x252: {  	s1 =	sadd.s32 $0xA400, s24  }
0x253: {  	s3 =	sor.u32 s23, s1  }
0x254: {  	s1 =	sor.u32 s12, s1;
	[tilespmem:s3+$0x0] =	vst v19  }
0x255: {  	[tilespmem:s1+$0x0] =	vst v20;
	v14 =	vld.idx.msk [tilespmem:v14+s16+$0x0], $0xffff  }
0x256: {  	v62 =	vadd.s32 $0x1400, v8;
	v61 =	vld.idx.msk [tilespmem:v21+s16+$0x0], $0xffff  }
0x257: {  	v63 =	vadd.s32 $0x1400, v7  }
0x258: {  	s3 =	sadd.s32 $0xA480, s24  }
0x259: {  	s9 =	sor.u32 s23, s3  }
0x25a: {  	s1 =	sor.u32 s12, s3;
	[tilespmem:s9+$0x0] =	vst v14  }
0x25b: {  	[tilespmem:s1+$0x0] =	vst v61;
	v14 =	vld.idx.msk [tilespmem:v62+s16+$0x0], $0xffff  }
0x25c: {  	v24 =	vadd.s32 $0x1600, v8;
	v19 =	vld.idx.msk [tilespmem:v63+s16+$0x0], $0xffff  }
0x25d: {  	v25 =	vadd.s32 $0x1600, v7  }
0x25e: {  	s10 =	sadd.s32 $0xA500, s24  }
0x25f: {  	s11 =	sor.u32 s23, s10  }
0x260: {  	s1 =	sor.u32 s12, s10;
	[tilespmem:s11+$0x0] =	vst v14  }
0x261: {  	[tilespmem:s1+$0x0] =	vst v19;
	v14 =	vld.idx.msk [tilespmem:v24+s16+$0x0], $0xffff  }
0x262: {  	v26 =	vadd.s32 $0x1800, v8;
	v19 =	vld.idx.msk [tilespmem:v25+s16+$0x0], $0xffff  }
0x263: {  	v27 =	vadd.s32 $0x1800, v7  }
0x264: {  	s15 =	sadd.s32 $0xA580, s24  }
0x265: {  	s25 =	sor.u32 s23, s15  }
0x266: {  	s1 =	sor.u32 s12, s15;
	[tilespmem:s25+$0x0] =	vst v14  }
0x267: {  	[tilespmem:s1+$0x0] =	vst v19;
	v14 =	vld.idx.msk [tilespmem:v26+s16+$0x0], $0xffff  }
0x268: {  	v28 =	vadd.s32 $0x1A00, v8;
	v19 =	vld.idx.msk [tilespmem:v27+s16+$0x0], $0xffff  }
0x269: {  	v29 =	vadd.s32 $0x1A00, v7  }
0x26a: {  	s28 =	sadd.s32 $0xA600, s24  }
0x26b: {  	s30 =	sor.u32 s23, s28  }
0x26c: {  	s1 =	sor.u32 s12, s28;
	[tilespmem:s30+$0x0] =	vst v14  }
0x26d: {  	[tilespmem:s1+$0x0] =	vst v19;
	v14 =	vld.idx.msk [tilespmem:v28+s16+$0x0], $0xffff  }
0x26e: {  	v30 =	vadd.s32 $0x1C00, v8;
	v19 =	vld.idx.msk [tilespmem:v29+s16+$0x0], $0xffff  }
0x26f: {  	v31 =	vadd.s32 $0x1C00, v7  }
0x270: {  	s3 =	sadd.s32 $0xA680, s24  }
0x271: {  	s9 =	sor.u32 s23, s3  }
0x272: {  	s1 =	sor.u32 s12, s3;
	[tilespmem:s9+$0x0] =	vst v14  }
0x273: {  	[tilespmem:s1+$0x0] =	vst v19;
	v14 =	vld.idx.msk [tilespmem:v30+s16+$0x0], $0xffff  }
0x274: {  	v32 =	vadd.s32 $0x1E00, v8;
	v19 =	vld.idx.msk [tilespmem:v31+s16+$0x0], $0xffff  }
0x275: {  	v33 =	vadd.s32 $0x1E00, v7  }
0x276: {  	s10 =	sadd.s32 $0xA700, s24  }
0x277: {  	s11 =	sor.u32 s23, s10  }
0x278: {  	s1 =	sor.u32 s12, s10;
	[tilespmem:s11+$0x0] =	vst v14  }
0x279: {  	[tilespmem:s1+$0x0] =	vst v19;
	v14 =	vld.idx.msk [tilespmem:v32+s16+$0x0], $0xffff  }
0x27a: {  	v34 =	vadd.s32 $0x2000, v8;
	v19 =	vld.idx.msk [tilespmem:v33+s16+$0x0], $0xffff  }
0x27b: {  	v35 =	vadd.s32 $0x2000, v7  }
0x27c: {  	s15 =	sadd.s32 $0xA780, s24  }
0x27d: {  	s25 =	sor.u32 s23, s15  }
0x27e: {  	s1 =	sor.u32 s12, s15;
	[tilespmem:s25+$0x0] =	vst v14  }
0x27f: {  	[tilespmem:s1+$0x0] =	vst v19;
	v14 =	vld.idx.msk [tilespmem:v34+s16+$0x0], $0xffff  }
0x280: {  	v36 =	vadd.s32 $0x2200, v8;
	v19 =	vld.idx.msk [tilespmem:v35+s16+$0x0], $0xffff  }
0x281: {  	v37 =	vadd.s32 $0x2200, v7  }
0x282: {  	s28 =	sadd.s32 $0xC400, s24  }
0x283: {  	s30 =	sor.u32 s23, s28  }
0x284: {  	s1 =	sor.u32 s12, s28;
	[tilespmem:s30+$0x0] =	vst v14  }
0x285: {  	[tilespmem:s1+$0x0] =	vst v19;
	v14 =	vld.idx.msk [tilespmem:v36+s16+$0x0], $0xffff  }
0x286: {  	v38 =	vadd.s32 $0x2400, v8;
	v19 =	vld.idx.msk [tilespmem:v37+s16+$0x0], $0xffff  }
0x287: {  	v39 =	vadd.s32 $0x2400, v7  }
0x288: {  	s3 =	sadd.s32 $0xC480, s24  }
0x289: {  	s9 =	sor.u32 s23, s3  }
0x28a: {  	s1 =	sor.u32 s12, s3;
	[tilespmem:s9+$0x0] =	vst v14  }
0x28b: {  	[tilespmem:s1+$0x0] =	vst v19;
	v14 =	vld.idx.msk [tilespmem:v38+s16+$0x0], $0xffff  }
0x28c: {  	v40 =	vadd.s32 $0x2600, v8;
	v19 =	vld.idx.msk [tilespmem:v39+s16+$0x0], $0xffff  }
0x28d: {  	v41 =	vadd.s32 $0x2600, v7  }
0x28e: {  	s10 =	sadd.s32 $0xC500, s24  }
0x28f: {  	s11 =	sor.u32 s23, s10  }
0x290: {  	s1 =	sor.u32 s12, s10;
	[tilespmem:s11+$0x0] =	vst v14  }
0x291: {  	[tilespmem:s1+$0x0] =	vst v19;
	v14 =	vld.idx.msk [tilespmem:v40+s16+$0x0], $0xffff  }
0x292: {  	v42 =	vadd.s32 $0x2800, v8;
	v19 =	vld.idx.msk [tilespmem:v41+s16+$0x0], $0xffff  }
0x293: {  	v43 =	vadd.s32 $0x2800, v7  }
0x294: {  	s15 =	sadd.s32 $0xC580, s24  }
0x295: {  	s25 =	sor.u32 s23, s15  }
0x296: {  	s1 =	sor.u32 s12, s15;
	[tilespmem:s25+$0x0] =	vst v14  }
0x297: {  	[tilespmem:s1+$0x0] =	vst v19;
	v14 =	vld.idx.msk [tilespmem:v42+s16+$0x0], $0xffff  }
0x298: {  	v44 =	vadd.s32 $0x2A00, v8;
	v19 =	vld.idx.msk [tilespmem:v43+s16+$0x0], $0xffff  }
0x299: {  	v45 =	vadd.s32 $0x2A00, v7  }
0x29a: {  	s28 =	sadd.s32 $0xC600, s24  }
0x29b: {  	s30 =	sor.u32 s23, s28  }
0x29c: {  	s1 =	sor.u32 s12, s28;
	[tilespmem:s30+$0x0] =	vst v14  }
0x29d: {  	[tilespmem:s1+$0x0] =	vst v19;
	v14 =	vld.idx.msk [tilespmem:v44+s16+$0x0], $0xffff  }
0x29e: {  	v46 =	vadd.s32 $0x2C00, v8;
	v19 =	vld.idx.msk [tilespmem:v45+s16+$0x0], $0xffff  }
0x29f: {  	v47 =	vadd.s32 $0x2C00, v7  }
0x2a0: {  	s3 =	sadd.s32 $0xC680, s24  }
0x2a1: {  	s9 =	sor.u32 s23, s3  }
0x2a2: {  	s1 =	sor.u32 s12, s3;
	[tilespmem:s9+$0x0] =	vst v14  }
0x2a3: {  	[tilespmem:s1+$0x0] =	vst v19;
	v14 =	vld.idx.msk [tilespmem:v46+s16+$0x0], $0xffff  }
0x2a4: {  	v48 =	vadd.s32 $0x2E00, v8;
	v19 =	vld.idx.msk [tilespmem:v47+s16+$0x0], $0xffff  }
0x2a5: {  	v49 =	vadd.s32 $0x2E00, v7  }
0x2a6: {  	s10 =	sadd.s32 $0xC700, s24  }
0x2a7: {  	s11 =	sor.u32 s23, s10  }
0x2a8: {  	s1 =	sor.u32 s12, s10;
	[tilespmem:s11+$0x0] =	vst v14  }
0x2a9: {  	[tilespmem:s1+$0x0] =	vst v19;
	v14 =	vld.idx.msk [tilespmem:v48+s16+$0x0], $0xffff  }
0x2aa: {  	v50 =	vadd.s32 $0x3000, v8;
	v19 =	vld.idx.msk [tilespmem:v49+s16+$0x0], $0xffff  }
0x2ab: {  	v51 =	vadd.s32 $0x3000, v7  }
0x2ac: {  	s15 =	sadd.s32 $0xC780, s24  }
0x2ad: {  	s25 =	sor.u32 s23, s15  }
0x2ae: {  	s1 =	sor.u32 s12, s15;
	[tilespmem:s25+$0x0] =	vst v14  }
0x2af: {  	[tilespmem:s1+$0x0] =	vst v19;
	v14 =	vld.idx.msk [tilespmem:v50+s16+$0x0], $0xffff  }
0x2b0: {  	v52 =	vadd.s32 $0x3200, v8;
	v19 =	vld.idx.msk [tilespmem:v51+s16+$0x0], $0xffff  }
0x2b1: {  	v53 =	vadd.s32 $0x3200, v7  }
0x2b2: {  	s28 =	sadd.s32 $0xE400, s24  }
0x2b3: {  	s30 =	sor.u32 s23, s28  }
0x2b4: {  	s1 =	sor.u32 s12, s28;
	[tilespmem:s30+$0x0] =	vst v14  }
0x2b5: {  	[tilespmem:s1+$0x0] =	vst v19;
	v14 =	vld.idx.msk [tilespmem:v52+s16+$0x0], $0xffff  }
0x2b6: {  	v54 =	vadd.s32 $0x3400, v8;
	v19 =	vld.idx.msk [tilespmem:v53+s16+$0x0], $0xffff  }
0x2b7: {  	v55 =	vadd.s32 $0x3400, v7  }
0x2b8: {  	s9 =	sadd.s32 $0xE480, s24  }
0x2b9: {  	s10 =	sor.u32 s23, s9  }
0x2ba: {  	s1 =	sor.u32 s12, s9;
	[tilespmem:s10+$0x0] =	vst v14  }
0x2bb: {  	[tilespmem:s1+$0x0] =	vst v19;
	v14 =	vld.idx.msk [tilespmem:v54+s16+$0x0], $0xffff  }
0x2bc: {  	v56 =	vadd.s32 $0x3600, v8;
	v19 =	vld.idx.msk [tilespmem:v55+s16+$0x0], $0xffff  }
0x2bd: {  	v57 =	vadd.s32 $0x3600, v7  }
0x2be: {  	[tilespmem:s5+$0x0] =	vst v15;
	s11 =	sadd.s32 $0xE500, s24  }
0x2bf: {  	[tilespmem:s4+$0x0] =	vst v16;
	v15 =	vld.idx.msk [tilespmem:v17+s16+$0x0], $0xffff;
	s15 =	sor.u32 s23, s11  }
0x2c0: {  	v58 =	vadd.s32 $0x3800, v6;
	v16 =	vld.idx.msk [tilespmem:v18+s16+$0x0], $0xffff;
	s1 =	sor.u32 s12, s11;
	[tilespmem:s15+$0x0] =	vst v14  }
0x2c1: {  	v59 =	vadd.s32 $0x3800, v5;
	[tilespmem:s1+$0x0] =	vst v19;
	v60 =	vld.idx.msk [tilespmem:v56+s16+$0x0], $0xffff  }
0x2c2: {  	v61 =	vadd.s32 $0x3800, v8;
	s25 =	sadd.s32 $0xE580, s22;
	v19 =	vld.idx.msk [tilespmem:v57+s16+$0x0], $0xffff  }
0x2c3: {  	v62 =	vadd.s32 $0x3800, v7;
	s28 =	sor.u32 s21, s25  }
0x2c4: {  	[tilespmem:s28+$0x0] =	vst v15;
	s30 =	sadd.s32 $0xE580, s24;
	s1 =	sor.u32 s20, s25  }
0x2c5: {  	v15 =	vld.idx.msk [tilespmem:v58+s16+$0x0], $0xffff;
	s4 =	sor.u32 s23, s30;
	[tilespmem:s1+$0x0] =	vst v16  }
0x2c6: {  	v63 =	vadd.s32 $0x3A00, v6;
	s3 =	sor.u32 s12, s30;
	v14 =	vld.idx.msk [tilespmem:v59+s16+$0x0], $0xffff;
	[tilespmem:s4+$0x0] =	vst v60  }
0x2c7: {  	v24 =	vadd.s32 $0x3A00, v5;
	[tilespmem:s3+$0x0] =	vst v19;
	v18 =	vld.idx.msk [tilespmem:v61+s16+$0x0], $0xffff  }
0x2c8: {  	s5 =	sadd.s32 $0xE600, s22;
	v25 =	vadd.s32 $0x3A00, v8;
	v19 =	vld.idx.msk [tilespmem:v62+s16+$0x0], $0xffff  }
0x2c9: {  	v26 =	vadd.s32 $0x3A00, v7;
	s9 =	sor.u32 s21, s5  }
0x2ca: {  	[tilespmem:s9+$0x0] =	vst v15;
	s10 =	sadd.s32 $0xE600, s24;
	s1 =	sor.u32 s20, s5  }
0x2cb: {  	v27 =	vld.idx.msk [tilespmem:v63+s16+$0x0], $0xffff;
	s11 =	sor.u32 s23, s10;
	[tilespmem:s1+$0x0] =	vst v14  }
0x2cc: {  	v29 =	vadd.s32 $0x3C00, v6;
	s3 =	sor.u32 s12, s10;
	v28 =	vld.idx.msk [tilespmem:v24+s16+$0x0], $0xffff;
	[tilespmem:s11+$0x0] =	vst v18  }
0x2cd: {  	v30 =	vadd.s32 $0x3C00, v5;
	[tilespmem:s3+$0x0] =	vst v19;
	v18 =	vld.idx.msk [tilespmem:v25+s16+$0x0], $0xffff  }
0x2ce: {  	v31 =	vadd.s32 $0x3C00, v8;
	s15 =	sadd.s32 $0xE680, s22;
	v19 =	vld.idx.msk [tilespmem:v26+s16+$0x0], $0xffff  }
0x2cf: {  	v32 =	vadd.s32 $0x3C00, v7;
	s25 =	sor.u32 s21, s15  }
0x2d0: {  	s28 =	sadd.s32 $0xE680, s24;
	[tilespmem:s25+$0x0] =	vst v27;
	s1 =	sor.u32 s20, s15  }
0x2d1: {  	s30 =	sor.u32 s23, s28;
	v14 =	vld.idx.msk [tilespmem:v29+s16+$0x0], $0xffff;
	[tilespmem:s1+$0x0] =	vst v28  }
0x2d2: {  	v33 =	vadd.s32 $0x3E00, v6;
	s3 =	sor.u32 s12, s28;
	v15 =	vld.idx.msk [tilespmem:v30+s16+$0x0], $0xffff;
	[tilespmem:s30+$0x0] =	vst v18  }
0x2d3: {  	v34 =	vadd.s32 $0x3E00, v5;
	[tilespmem:s3+$0x0] =	vst v19;
	v18 =	vld.idx.msk [tilespmem:v31+s16+$0x0], $0xffff  }
0x2d4: {  	v35 =	vadd.s32 $0x3E00, v8;
	s3 =	sadd.s32 $0xE700, s22;
	v19 =	vld.idx.msk [tilespmem:v32+s16+$0x0], $0xffff  }
0x2d5: {  	v36 =	vadd.s32 $0x3E00, v7;
	s4 =	sor.u32 s21, s3  }
0x2d6: {  	s5 =	sadd.s32 $0xE700, s24;
	s1 =	sor.u32 s20, s3;
	[tilespmem:s4+$0x0] =	vst v14  }
0x2d7: {  	s9 =	sor.u32 s23, s5;
	[tilespmem:s1+$0x0] =	vst v15;
	v14 =	vld.idx.msk [tilespmem:v33+s16+$0x0], $0xffff  }
0x2d8: {  	v37 =	vadd.s32 $0x4000, v6;
	s3 =	sor.u32 s12, s5;
	v15 =	vld.idx.msk [tilespmem:v34+s16+$0x0], $0xffff;
	[tilespmem:s9+$0x0] =	vst v18  }
0x2d9: {  	v38 =	vadd.s32 $0x4000, v5;
	[tilespmem:s3+$0x0] =	vst v19;
	v18 =	vld.idx.msk [tilespmem:v35+s16+$0x0], $0xffff  }
0x2da: {  	v39 =	vadd.s32 $0x4000, v8;
	s10 =	sadd.s32 $0xE780, s22;
	v19 =	vld.idx.msk [tilespmem:v36+s16+$0x0], $0xffff  }
0x2db: {  	v40 =	vadd.s32 $0x4000, v7;
	s11 =	sor.u32 s21, s10  }
0x2dc: {  	s15 =	sadd.s32 $0xE780, s24;
	s1 =	sor.u32 s20, s10;
	[tilespmem:s11+$0x0] =	vst v14  }
0x2dd: {  	s25 =	sor.u32 s23, s15;
	[tilespmem:s1+$0x0] =	vst v15;
	v14 =	vld.idx.msk [tilespmem:v37+s16+$0x0], $0xffff  }
0x2de: {  	v41 =	vadd.s32 $0x4200, v6;
	s3 =	sor.u32 s12, s15;
	v15 =	vld.idx.msk [tilespmem:v38+s16+$0x0], $0xffff;
	[tilespmem:s25+$0x0] =	vst v18  }
0x2df: {  	v42 =	vadd.s32 $0x4200, v5;
	[tilespmem:s3+$0x0] =	vst v19;
	v18 =	vld.idx.msk [tilespmem:v39+s16+$0x0], $0xffff  }
0x2e0: {  	v43 =	vadd.s32 $0x4200, v8;
	s28 =	sadd.s32 $0x10400, s22;
	v19 =	vld.idx.msk [tilespmem:v40+s16+$0x0], $0xffff  }
0x2e1: {  	v44 =	vadd.s32 $0x4200, v7;
	s30 =	sor.u32 s21, s28  }
0x2e2: {  	s4 =	sadd.s32 $0x10400, s24;
	s1 =	sor.u32 s20, s28;
	[tilespmem:s30+$0x0] =	vst v14  }
0x2e3: {  	s5 =	sor.u32 s23, s4;
	[tilespmem:s1+$0x0] =	vst v15;
	v14 =	vld.idx.msk [tilespmem:v41+s16+$0x0], $0xffff  }
0x2e4: {  	v45 =	vadd.s32 $0x4400, v6;
	s3 =	sor.u32 s12, s4;
	v15 =	vld.idx.msk [tilespmem:v42+s16+$0x0], $0xffff;
	[tilespmem:s5+$0x0] =	vst v18  }
0x2e5: {  	v46 =	vadd.s32 $0x4400, v5;
	[tilespmem:s3+$0x0] =	vst v19;
	v18 =	vld.idx.msk [tilespmem:v43+s16+$0x0], $0xffff  }
0x2e6: {  	v47 =	vadd.s32 $0x4400, v8;
	s9 =	sadd.s32 $0x10480, s22;
	v19 =	vld.idx.msk [tilespmem:v44+s16+$0x0], $0xffff  }
0x2e7: {  	v48 =	vadd.s32 $0x4400, v7;
	s10 =	sor.u32 s21, s9  }
0x2e8: {  	s11 =	sadd.s32 $0x10480, s24;
	s1 =	sor.u32 s20, s9;
	[tilespmem:s10+$0x0] =	vst v14  }
0x2e9: {  	s15 =	sor.u32 s23, s11;
	[tilespmem:s1+$0x0] =	vst v15;
	v14 =	vld.idx.msk [tilespmem:v45+s16+$0x0], $0xffff  }
0x2ea: {  	v49 =	vadd.s32 $0x4600, v6;
	s3 =	sor.u32 s12, s11;
	v15 =	vld.idx.msk [tilespmem:v46+s16+$0x0], $0xffff;
	[tilespmem:s15+$0x0] =	vst v18  }
0x2eb: {  	v50 =	vadd.s32 $0x4600, v5;
	[tilespmem:s3+$0x0] =	vst v19;
	v18 =	vld.idx.msk [tilespmem:v47+s16+$0x0], $0xffff  }
0x2ec: {  	v51 =	vadd.s32 $0x4600, v8;
	s25 =	sadd.s32 $0x10500, s22;
	v19 =	vld.idx.msk [tilespmem:v48+s16+$0x0], $0xffff  }
0x2ed: {  	v52 =	vadd.s32 $0x4600, v7;
	s28 =	sor.u32 s21, s25  }
0x2ee: {  	s30 =	sadd.s32 $0x10500, s24;
	s1 =	sor.u32 s20, s25;
	[tilespmem:s28+$0x0] =	vst v14  }
0x2ef: {  	s4 =	sor.u32 s23, s30;
	[tilespmem:s1+$0x0] =	vst v15;
	v14 =	vld.idx.msk [tilespmem:v49+s16+$0x0], $0xffff  }
0x2f0: {  	v53 =	vadd.s32 $0x4800, v6;
	s3 =	sor.u32 s12, s30;
	v15 =	vld.idx.msk [tilespmem:v50+s16+$0x0], $0xffff;
	[tilespmem:s4+$0x0] =	vst v18  }
0x2f1: {  	v54 =	vadd.s32 $0x4800, v5;
	[tilespmem:s3+$0x0] =	vst v19;
	v18 =	vld.idx.msk [tilespmem:v51+s16+$0x0], $0xffff  }
0x2f2: {  	v55 =	vadd.s32 $0x4800, v8;
	s5 =	sadd.s32 $0x10580, s22;
	v19 =	vld.idx.msk [tilespmem:v52+s16+$0x0], $0xffff  }
0x2f3: {  	v56 =	vadd.s32 $0x4800, v7;
	s9 =	sor.u32 s21, s5  }
0x2f4: {  	s10 =	sadd.s32 $0x10580, s24;
	s1 =	sor.u32 s20, s5;
	[tilespmem:s9+$0x0] =	vst v14  }
0x2f5: {  	s11 =	sor.u32 s23, s10;
	[tilespmem:s1+$0x0] =	vst v15;
	v14 =	vld.idx.msk [tilespmem:v53+s16+$0x0], $0xffff  }
0x2f6: {  	v57 =	vadd.s32 $0x4A00, v6;
	s3 =	sor.u32 s12, s10;
	v15 =	vld.idx.msk [tilespmem:v54+s16+$0x0], $0xffff;
	[tilespmem:s11+$0x0] =	vst v18  }
0x2f7: {  	v58 =	vadd.s32 $0x4A00, v5;
	[tilespmem:s3+$0x0] =	vst v19;
	v18 =	vld.idx.msk [tilespmem:v55+s16+$0x0], $0xffff  }
0x2f8: {  	v59 =	vadd.s32 $0x4A00, v8;
	s15 =	sadd.s32 $0x10600, s22;
	v19 =	vld.idx.msk [tilespmem:v56+s16+$0x0], $0xffff  }
0x2f9: {  	v60 =	vadd.s32 $0x4A00, v7;
	s25 =	sor.u32 s21, s15  }
0x2fa: {  	s28 =	sadd.s32 $0x10600, s24;
	s1 =	sor.u32 s20, s15;
	[tilespmem:s25+$0x0] =	vst v14  }
0x2fb: {  	s30 =	sor.u32 s23, s28;
	[tilespmem:s1+$0x0] =	vst v15;
	v14 =	vld.idx.msk [tilespmem:v57+s16+$0x0], $0xffff  }
0x2fc: {  	v61 =	vadd.s32 $0x4C00, v6;
	s3 =	sor.u32 s12, s28;
	v15 =	vld.idx.msk [tilespmem:v58+s16+$0x0], $0xffff;
	[tilespmem:s30+$0x0] =	vst v18  }
0x2fd: {  	v62 =	vadd.s32 $0x4C00, v5;
	[tilespmem:s3+$0x0] =	vst v19;
	v18 =	vld.idx.msk [tilespmem:v59+s16+$0x0], $0xffff  }
0x2fe: {  	v63 =	vadd.s32 $0x4C00, v8;
	s4 =	sadd.s32 $0x10680, s22;
	v19 =	vld.idx.msk [tilespmem:v60+s16+$0x0], $0xffff  }
0x2ff: {  	v24 =	vadd.s32 $0x4C00, v7;
	s5 =	sor.u32 s21, s4  }
0x300: {  	s9 =	sadd.s32 $0x10680, s24;
	s1 =	sor.u32 s20, s4;
	[tilespmem:s5+$0x0] =	vst v14  }
0x301: {  	s10 =	sor.u32 s23, s9;
	[tilespmem:s1+$0x0] =	vst v15;
	v14 =	vld.idx.msk [tilespmem:v61+s16+$0x0], $0xffff  }
0x302: {  	v25 =	vadd.s32 $0x4E00, v6;
	s3 =	sor.u32 s12, s9;
	v26 =	vld.idx.msk [tilespmem:v62+s16+$0x0], $0xffff;
	[tilespmem:s10+$0x0] =	vst v18  }
0x303: {  	v27 =	vadd.s32 $0x4E00, v5;
	[tilespmem:s3+$0x0] =	vst v19;
	v18 =	vld.idx.msk [tilespmem:v63+s16+$0x0], $0xffff  }
0x304: {  	v28 =	vadd.s32 $0x4E00, v8;
	s11 =	sadd.s32 $0x10700, s22;
	v29 =	vld.idx.msk [tilespmem:v24+s16+$0x0], $0xffff  }
0x305: {  	v30 =	vadd.s32 $0x4E00, v7;
	s15 =	sor.u32 s21, s11  }
0x306: {  	s25 =	sadd.s32 $0x10700, s24;
	s1 =	sor.u32 s20, s11;
	[tilespmem:s15+$0x0] =	vst v14  }
0x307: {  	s28 =	sor.u32 s23, s25;
	[tilespmem:s1+$0x0] =	vst v26;
	v14 =	vld.idx.msk [tilespmem:v25+s16+$0x0], $0xffff  }
0x308: {  	v31 =	vadd.s32 $0x5000, v6;
	s3 =	sor.u32 s12, s25;
	v16 =	vld.idx.msk [tilespmem:v27+s16+$0x0], $0xffff;
	[tilespmem:s28+$0x0] =	vst v18  }
0x309: {  	v32 =	vadd.s32 $0x5000, v5;
	[tilespmem:s3+$0x0] =	vst v29;
	v18 =	vld.idx.msk [tilespmem:v28+s16+$0x0], $0xffff  }
0x30a: {  	v33 =	vadd.s32 $0x5000, v8;
	s30 =	sadd.s32 $0x10780, s22;
	v20 =	vld.idx.msk [tilespmem:v30+s16+$0x0], $0xffff  }
0x30b: {  	v34 =	vadd.s32 $0x5000, v7;
	s4 =	sor.u32 s21, s30  }
0x30c: {  	s5 =	sadd.s32 $0x10780, s24;
	s1 =	sor.u32 s20, s30;
	[tilespmem:s4+$0x0] =	vst v14  }
0x30d: {  	s9 =	sor.u32 s23, s5;
	[tilespmem:s1+$0x0] =	vst v16;
	v14 =	vld.idx.msk [tilespmem:v31+s16+$0x0], $0xffff  }
0x30e: {  	v35 =	vadd.s32 $0x5200, v6;
	s3 =	sor.u32 s12, s5;
	v16 =	vld.idx.msk [tilespmem:v32+s16+$0x0], $0xffff;
	[tilespmem:s9+$0x0] =	vst v18  }
0x30f: {  	v36 =	vadd.s32 $0x5200, v5;
	[tilespmem:s3+$0x0] =	vst v20;
	v18 =	vld.idx.msk [tilespmem:v33+s16+$0x0], $0xffff  }
0x310: {  	[tilespmem:s13+$0x0] =	vst v10;
	v37 =	vadd.s32 $0x5200, v8;
	s15 =	sadd.s32 $0x12400, s22;
	v38 =	vld.idx.msk [tilespmem:v34+s16+$0x0], $0xffff  }
0x311: {  	[tilespmem:s6+$0x0] =	vst v12;
	v39 =	vadd.s32 $0x5200, v7;
	s25 =	sor.u32 s21, s15  }
0x312: {  	v13 =	vld.idx.msk [tilespmem:v13+s16+$0x0], $0xffff;
	s28 =	sadd.s32 $0x12400, s24;
	s4 =	sor.u32 s20, s15;
	[tilespmem:s25+$0x0] =	vst v14  }
0x313: {  	v40 =	vadd.s32 $0x7000, v4;
	s30 =	sor.u32 s23, s28;
	[tilespmem:s4+$0x0] =	vst v16;
	v15 =	vld.idx.msk [tilespmem:v35+s16+$0x0], $0xffff  }
0x314: {  	v41 =	vadd.s32 $0x5400, v6;
	s10 =	sadd.s32 $0x12680, s19;
	s3 =	sor.u32 s12, s28;
	v17 =	vld.idx.msk [tilespmem:v36+s16+$0x0], $0xffff;
	[tilespmem:s30+$0x0] =	vst v18  }
0x315: {  	v42 =	vadd.s32 $0x5400, v5;
	s11 =	sor.u32 s18, s10;
	[tilespmem:s3+$0x0] =	vst v38;
	v12 =	vld.idx.msk [tilespmem:v37+s16+$0x0], $0xffff  }
0x316: {  	v43 =	vadd.s32 $0x5400, v8;
	[tilespmem:s11+$0x0] =	vst v9;
	s1 =	sor.u32 s17, s10;
	s4 =	sadd.s32 $0x12480, s22;
	v9 =	vld.idx.msk [tilespmem:v39+s16+$0x0], $0xffff  }
0x317: {  	v44 =	vadd.s32 $0x5400, v7;
	v11 =	vld.idx.msk [tilespmem:v11+s16+$0x0], $0xffff;
	[tilespmem:s1+$0x0] =	vst v13;
	s5 =	sor.u32 s21, s4  }
0x318: {  	s6 =	sadd.s32 $0x12480, s24;
	v45 =	vadd.s32 $0x5C00, v2;
	v14 =	vld.idx.msk [tilespmem:v40+s16+$0x0], $0xffff;
	s3 =	sor.u32 s20, s4;
	[tilespmem:s5+$0x0] =	vst v15  }
0x319: {  	v46 =	vadd.s32 $0x5E00, v3;
	s9 =	sor.u32 s23, s6;
	[tilespmem:s3+$0x0] =	vst v17;
	v16 =	vld.idx.msk [tilespmem:v41+s16+$0x0], $0xffff  }
0x31a: {  	v47 =	vadd.s32 $0x5600, v6;
	s10 =	sadd.s32 $0x12700, s19;
	s1 =	sor.u32 s12, s6;
	v18 =	vld.idx.msk [tilespmem:v42+s16+$0x0], $0xffff;
	[tilespmem:s9+$0x0] =	vst v12  }
0x31b: {  	v48 =	vadd.s32 $0x5600, v5;
	s11 =	sor.u32 s18, s10;
	[tilespmem:s1+$0x0] =	vst v9;
	v10 =	vld.idx.msk [tilespmem:v43+s16+$0x0], $0xffff  }
0x31c: {  	s13 =	sadd.s32 $0x12500, s22;
	v49 =	vadd.s32 $0x5600, v8;
	[tilespmem:s11+$0x0] =	vst v11;
	v50 =	vld.idx.msk [tilespmem:v44+s16+$0x0], $0xffff  }
0x31d: {  	v52 =	vadd.s32 $0x5600, v7;
	v51 =	vld.idx.msk [tilespmem:v45+s16+$0x0], $0xffff;
	[tilespmem:s14+$0x0] =	vst v14;
	s14 =	sor.u32 s21, s13  }
0x31e: {  	v53 =	vadd.s32 $0x7200, v4;
	s15 =	sadd.s32 $0x12500, s24;
	v15 =	vld.idx.msk [tilespmem:v46+s16+$0x0], $0xffff;
	s1 =	sor.u32 s20, s13;
	[tilespmem:s14+$0x0] =	vst v16  }
0x31f: {  	v54 =	vadd.s32 $0x5E00, v2;
	s25 =	sor.u32 s23, s15;
	[tilespmem:s1+$0x0] =	vst v18;
	v17 =	vld.idx.msk [tilespmem:v47+s16+$0x0], $0xffff  }
0x320: {  	v55 =	vadd.s32 $0x5800, v6;
	s3 =	sor.u32 s12, s15;
	v12 =	vld.idx.msk [tilespmem:v48+s16+$0x0], $0xffff;
	[tilespmem:s25+$0x0] =	vst v10  }
0x321: {  	v56 =	vadd.s32 $0x5800, v5;
	s28 =	sor.u32 s17, s10;
	s30 =	sadd.s32 $0x12780, s19;
	[tilespmem:s3+$0x0] =	vst v50;
	v9 =	vld.idx.msk [tilespmem:v49+s16+$0x0], $0xffff  }
0x322: {  	v57 =	vadd.s32 $0x5800, v8;
	[tilespmem:s28+$0x0] =	vst v51;
	s5 =	sadd.s32 $0x12580, s22;
	s3 =	sor.u32 s18, s30;
	v58 =	vld.idx.msk [tilespmem:v52+s16+$0x0], $0xffff  }
0x323: {  	v60 =	vadd.s32 $0x5800, v7;
	v59 =	vld.idx.msk [tilespmem:v53+s16+$0x0], $0xffff;
	s6 =	sor.u32 s21, s5;
	[tilespmem:s3+$0x0] =	vst v15  }
0x324: {  	v61 =	vadd.s32 $0x6000, v3;
	s9 =	sadd.s32 $0x12580, s24;
	v16 =	vld.idx.msk [tilespmem:v54+s16+$0x0], $0xffff;
	s3 =	sor.u32 s20, s5;
	[tilespmem:s6+$0x0] =	vst v17  }
0x325: {  	v62 =	vadd.s32 $0x7400, v4;
	s10 =	sor.u32 s23, s9;
	[tilespmem:s3+$0x0] =	vst v12;
	v18 =	vld.idx.msk [tilespmem:v55+s16+$0x0], $0xffff  }
0x326: {  	v63 =	vadd.s32 $0x5A00, v6;
	s1 =	sor.u32 s12, s9;
	v10 =	vld.idx.msk [tilespmem:v56+s16+$0x0], $0xffff;
	[tilespmem:s10+$0x0] =	vst v9  }
0x327: {  	v21 =	vadd.s32 $0x5A00, v5;
	[tilespmem:s1+$0x0] =	vst v58;
	v11 =	vld.idx.msk [tilespmem:v57+s16+$0x0], $0xffff  }
0x328: {  	v22 =	vadd.s32 $0x5A00, v8;
	s11 =	sor.u32 s17, s30;
	s13 =	sadd.s32 $0x12600, s22;
	[tilespmem:s8+$0x0] =	vst v59;
	v23 =	vld.idx.msk [tilespmem:v60+s16+$0x0], $0xffff  }
0x329: {  	v25 =	vadd.s32 $0x5A00, v7;
	s14 =	sor.u32 s21, s13;
	[tilespmem:s11+$0x0] =	vst v16;
	v24 =	vld.idx.msk [tilespmem:v61+s16+$0x0], $0xffff  }
0x32a: {  	v26 =	vadd.s32 $0x6000, v2;
	s15 =	sadd.s32 $0x12600, s24;
	v17 =	vld.idx.msk [tilespmem:v62+s16+$0x0], $0xffff;
	s3 =	sor.u32 s20, s13;
	[tilespmem:s14+$0x0] =	vst v18  }
0x32b: {  	v27 =	vadd.s32 $0x6200, v3;
	s25 =	sor.u32 s23, s15;
	[tilespmem:s3+$0x0] =	vst v10;
	v12 =	vld.idx.msk [tilespmem:v63+s16+$0x0], $0xffff  }
0x32c: {  	v28 =	vadd.s32 $0x5C00, v6;
	s28 =	sadd.s32 $0x14400, s19;
	s1 =	sor.u32 s12, s15;
	v9 =	vld.idx.msk [tilespmem:v21+s16+$0x0], $0xffff;
	[tilespmem:s25+$0x0] =	vst v11  }
0x32d: {  	v29 =	vadd.s32 $0x5C00, v5;
	s30 =	sor.u32 s18, s28;
	[tilespmem:s1+$0x0] =	vst v23;
	v13 =	vld.idx.msk [tilespmem:v22+s16+$0x0], $0xffff  }
0x32e: {  	v30 =	vadd.s32 $0x5C00, v8;
	[tilespmem:s30+$0x0] =	vst v24;
	s3 =	sadd.s32 $0x12680, s22;
	v31 =	vld.idx.msk [tilespmem:v25+s16+$0x0], $0xffff  }
0x32f: {  	v33 =	vadd.s32 $0x5C00, v7;
	v32 =	vld.idx.msk [tilespmem:v26+s16+$0x0], $0xffff;
	[tilespmem:s7+$0x0] =	vst v17;
	s5 =	sor.u32 s21, s3  }
0x330: {  	v34 =	vadd.s32 $0x7600, v4;
	s6 =	sadd.s32 $0x12680, s24;
	v18 =	vld.idx.msk [tilespmem:v27+s16+$0x0], $0xffff;
	s1 =	sor.u32 s20, s3;
	[tilespmem:s5+$0x0] =	vst v12  }
0x331: {  	v35 =	vadd.s32 $0x6200, v2;
	s7 =	sor.u32 s23, s6;
	[tilespmem:s1+$0x0] =	vst v9;
	v10 =	vld.idx.msk [tilespmem:v28+s16+$0x0], $0xffff  }
0x332: {  	v36 =	vadd.s32 $0x5E00, v6;
	s3 =	sor.u32 s12, s6;
	v11 =	vld.idx.msk [tilespmem:v29+s16+$0x0], $0xffff;
	[tilespmem:s7+$0x0] =	vst v13  }
0x333: {  	v37 =	vadd.s32 $0x5E00, v5;
	s8 =	sor.u32 s17, s28;
	s9 =	sadd.s32 $0x14480, s19;
	[tilespmem:s3+$0x0] =	vst v31;
	v14 =	vld.idx.msk [tilespmem:v30+s16+$0x0], $0xffff  }
0x334: {  	v38 =	vadd.s32 $0x5E00, v8;
	s11 =	sadd.s32 $0x12700, s22;
	s10 =	sor.u32 s18, s9;
	[tilespmem:s8+$0x0] =	vst v32;
	v39 =	vld.idx.msk [tilespmem:v33+s16+$0x0], $0xffff  }
0x335: {  	v41 =	vadd.s32 $0x5E00, v7;
	s13 =	sor.u32 s21, s11;
	v40 =	vld.idx.msk [tilespmem:v34+s16+$0x0], $0xffff;
	[tilespmem:s10+$0x0] =	vst v18  }
0x336: {  	v42 =	vadd.s32 $0x6400, v3;
	s14 =	sadd.s32 $0x12700, s24;
	v12 =	vld.idx.msk [tilespmem:v35+s16+$0x0], $0xffff;
	s3 =	sor.u32 s20, s11;
	[tilespmem:s13+$0x0] =	vst v10  }
0x337: {  	v43 =	vadd.s32 $0x7800, v4;
	s15 =	sor.u32 s23, s14;
	[tilespmem:s3+$0x0] =	vst v11;
	v9 =	vld.idx.msk [tilespmem:v36+s16+$0x0], $0xffff  }
0x338: {  	v44 =	vadd.s32 $0x6000, v6;
	s1 =	sor.u32 s12, s14;
	v13 =	vld.idx.msk [tilespmem:v37+s16+$0x0], $0xffff;
	[tilespmem:s15+$0x0] =	vst v14  }
0x339: {  	v45 =	vadd.s32 $0x6000, v5;
	[tilespmem:s1+$0x0] =	vst v39;
	v15 =	vld.idx.msk [tilespmem:v38+s16+$0x0], $0xffff  }
0x33a: {  	v46 =	vadd.s32 $0x6000, v8;
	s28 =	sadd.s32 $0x12780, s22;
	s25 =	sor.u32 s17, s9;
	[tilespmem:s2+$0x0] =	vst v40;
	v47 =	vld.idx.msk [tilespmem:v41+s16+$0x0], $0xffff  }
0x33b: {  	v49 =	vadd.s32 $0x6000, v7;
	s30 =	sor.u32 s21, s28;
	v48 =	vld.idx.msk [tilespmem:v42+s16+$0x0], $0xffff;
	[tilespmem:s25+$0x0] =	vst v12  }
0x33c: {  	v50 =	vadd.s32 $0x6400, v2;
	s2 =	sor.u32 s20, s28;
	v10 =	vld.idx.msk [tilespmem:v43+s16+$0x0], $0xffff;
	s3 =	sadd.s32 $0x12780, s24;
	[tilespmem:s30+$0x0] =	vst v9  }
0x33d: {  	v51 =	vadd.s32 $0x6600, v3;
	s4 =	sor.u32 s23, s3;
	[tilespmem:s2+$0x0] =	vst v13;
	v11 =	vld.idx.msk [tilespmem:v44+s16+$0x0], $0xffff  }
0x33e: {  	v52 =	vadd.s32 $0x6200, v6;
	s5 =	sadd.s32 $0x14500, s19;
	s1 =	sor.u32 s12, s3;
	v14 =	vld.idx.msk [tilespmem:v45+s16+$0x0], $0xffff;
	[tilespmem:s4+$0x0] =	vst v15  }
0x33f: {  	v53 =	vadd.s32 $0x6200, v5;
	s6 =	sor.u32 s18, s5;
	[tilespmem:s1+$0x0] =	vst v47;
	v16 =	vld.idx.msk [tilespmem:v46+s16+$0x0], $0xffff  }
0x340: {  	v54 =	vadd.s32 $0x6200, v8;
	s7 =	sadd.s32 $0x14400, s22;
	[tilespmem:s6+$0x0] =	vst v48;
	v12 =	vld.idx.msk [tilespmem:v49+s16+$0x0], $0xffff  }
0x341: {  	v56 =	vadd.s32 $0x6200, v7;
	s8 =	sor.u32 s21, s7;
	v55 =	vld.idx.msk [tilespmem:v50+s16+$0x0], $0xffff;
	[tilespmem:s0+$0x0] =	vst v10  }
0x342: {  	v57 =	vadd.s32 $0x7A00, v4;
	s9 =	sadd.s32 $0x14400, s24;
	v9 =	vld.idx.msk [tilespmem:v51+s16+$0x0], $0xffff;
	s1 =	sor.u32 s20, s7;
	[tilespmem:s8+$0x0] =	vst v11  }
0x343: {  	v58 =	vadd.s32 $0x6600, v2;
	s10 =	sor.u32 s23, s9;
	[tilespmem:s1+$0x0] =	vst v14;
	v13 =	vld.idx.msk [tilespmem:v52+s16+$0x0], $0xffff  }
0x344: {  	v59 =	vadd.s32 $0x6400, v6;
	s0 =	sor.u32 s12, s9;
	v15 =	vld.idx.msk [tilespmem:v53+s16+$0x0], $0xffff;
	[tilespmem:s10+$0x0] =	vst v16  }
0x345: {  	v60 =	vadd.s32 $0x6400, v5;
	s11 =	sor.u32 s17, s5;
	s13 =	sadd.s32 $0x14580, s19;
	[tilespmem:s0+$0x0] =	vst v12;
	v17 =	vld.idx.msk [tilespmem:v54+s16+$0x0], $0xffff  }
0x346: {  	v61 =	vadd.s32 $0x6400, v8;
	s14 =	sor.u32 s18, s13;
	s15 =	sadd.s32 $0x14480, s22;
	[tilespmem:s11+$0x0] =	vst v55;
	v10 =	vld.idx.msk [tilespmem:v56+s16+$0x0], $0xffff  }
0x347: {  	v63 =	vadd.s32 $0x6400, v7;
	s25 =	sor.u32 s21, s15;
	v62 =	vld.idx.msk [tilespmem:v57+s16+$0x0], $0xffff;
	[tilespmem:s14+$0x0] =	vst v9  }
0x348: {  	v21 =	vadd.s32 $0x6800, v3;
	s28 =	sadd.s32 $0x14480, s24;
	v11 =	vld.idx.msk [tilespmem:v58+s16+$0x0], $0xffff;
	s1 =	sor.u32 s20, s15;
	[tilespmem:s25+$0x0] =	vst v13  }
0x349: {  	v22 =	vadd.s32 $0x7C00, v4;
	s30 =	sor.u32 s23, s28;
	[tilespmem:s1+$0x0] =	vst v15;
	v14 =	vld.idx.msk [tilespmem:v59+s16+$0x0], $0xffff  }
0x34a: {  	v23 =	vadd.s32 $0x6600, v6;
	s0 =	sor.u32 s12, s28;
	v16 =	vld.idx.msk [tilespmem:v60+s16+$0x0], $0xffff;
	[tilespmem:s30+$0x0] =	vst v17  }
0x34b: {  	v24 =	vadd.s32 $0x6600, v5;
	[tilespmem:s0+$0x0] =	vst v10;
	v12 =	vld.idx.msk [tilespmem:v61+s16+$0x0], $0xffff  }
0x34c: {  	v25 =	vadd.s32 $0x6600, v8;
	s3 =	sadd.s32 $0x14500, s22;
	s2 =	sor.u32 s17, s13;
	[tilespmem:s31+$0x0] =	vst v62;
	v9 =	vld.idx.msk [tilespmem:v63+s16+$0x0], $0xffff  }
0x34d: {  	v27 =	vadd.s32 $0x6600, v7;
	s4 =	sor.u32 s21, s3;
	v26 =	vld.idx.msk [tilespmem:v21+s16+$0x0], $0xffff;
	[tilespmem:s2+$0x0] =	vst v11  }
0x34e: {  	v28 =	vadd.s32 $0x6800, v2;
	s5 =	sadd.s32 $0x14500, s24;
	v13 =	vld.idx.msk [tilespmem:v22+s16+$0x0], $0xffff;
	s1 =	sor.u32 s20, s3;
	[tilespmem:s4+$0x0] =	vst v14  }
0x34f: {  	v29 =	vadd.s32 $0x6A00, v3;
	s6 =	sor.u32 s23, s5;
	[tilespmem:s1+$0x0] =	vst v16;
	v15 =	vld.idx.msk [tilespmem:v23+s16+$0x0], $0xffff  }
0x350: {  	v30 =	vadd.s32 $0x6800, v6;
	s7 =	sadd.s32 $0x14600, s19;
	s0 =	sor.u32 s12, s5;
	v17 =	vld.idx.msk [tilespmem:v24+s16+$0x0], $0xffff;
	[tilespmem:s6+$0x0] =	vst v12  }
0x351: {  	v31 =	vadd.s32 $0x6800, v5;
	s8 =	sor.u32 s18, s7;
	[tilespmem:s0+$0x0] =	vst v9;
	v10 =	vld.idx.msk [tilespmem:v25+s16+$0x0], $0xffff  }
0x352: {  	v32 =	vadd.s32 $0x6800, v8;
	s9 =	sadd.s32 $0x14580, s22;
	[tilespmem:s8+$0x0] =	vst v26;
	v11 =	vld.idx.msk [tilespmem:v27+s16+$0x0], $0xffff  }
0x353: {  	v34 =	vadd.s32 $0x6800, v7;
	s10 =	sor.u32 s21, s9;
	v33 =	vld.idx.msk [tilespmem:v28+s16+$0x0], $0xffff;
	[tilespmem:s29+$0x0] =	vst v13  }
0x354: {  	v35 =	vadd.s32 $0x7E00, v4;
	s11 =	sadd.s32 $0x14580, s24;
	v14 =	vld.idx.msk [tilespmem:v29+s16+$0x0], $0xffff;
	s0 =	sor.u32 s20, s9;
	[tilespmem:s10+$0x0] =	vst v15  }
0x355: {  	v36 =	vadd.s32 $0x6A00, v2;
	s13 =	sor.u32 s23, s11;
	[tilespmem:s0+$0x0] =	vst v17;
	v16 =	vld.idx.msk [tilespmem:v30+s16+$0x0], $0xffff  }
0x356: {  	v37 =	vadd.s32 $0x6A00, v6;
	s1 =	sor.u32 s12, s11;
	v12 =	vld.idx.msk [tilespmem:v31+s16+$0x0], $0xffff;
	[tilespmem:s13+$0x0] =	vst v10  }
0x357: {  	v38 =	vadd.s32 $0x6A00, v5;
	s14 =	sor.u32 s17, s7;
	s15 =	sadd.s32 $0x14680, s19;
	[tilespmem:s1+$0x0] =	vst v11;
	v9 =	vld.idx.msk [tilespmem:v32+s16+$0x0], $0xffff  }
0x358: {  	v39 =	vadd.s32 $0x6A00, v8;
	s28 =	sadd.s32 $0x14600, s22;
	s25 =	sor.u32 s18, s15;
	[tilespmem:s14+$0x0] =	vst v33;
	v13 =	vld.idx.msk [tilespmem:v34+s16+$0x0], $0xffff  }
0x359: {  	v40 =	vadd.s32 $0x6A00, v7;
	s29 =	sor.u32 s21, s28;
	v4 =	vld.idx.msk [tilespmem:v35+s16+$0x0], $0xffff;
	[tilespmem:s25+$0x0] =	vst v14  }
0x35a: {  	v41 =	vadd.s32 $0x6C00, v3;
	s30 =	sadd.s32 $0x14600, s24;
	v15 =	vld.idx.msk [tilespmem:v36+s16+$0x0], $0xffff;
	s1 =	sor.u32 s20, s28;
	[tilespmem:s29+$0x0] =	vst v16  }
0x35b: {  	v42 =	vadd.s32 $0x6C00, v2;
	s31 =	sor.u32 s23, s30;
	[tilespmem:s1+$0x0] =	vst v12;
	v17 =	vld.idx.msk [tilespmem:v37+s16+$0x0], $0xffff  }
0x35c: {  	v43 =	vadd.s32 $0x6C00, v6;
	s0 =	sor.u32 s12, s30;
	v10 =	vld.idx.msk [tilespmem:v38+s16+$0x0], $0xffff;
	[tilespmem:s31+$0x0] =	vst v9  }
0x35d: {  	v44 =	vadd.s32 $0x6C00, v5;
	[tilespmem:s0+$0x0] =	vst v13;
	v11 =	vld.idx.msk [tilespmem:v39+s16+$0x0], $0xffff  }
0x35e: {  	v45 =	vadd.s32 $0x6C00, v8;
	s3 =	sor.u32 s17, s15;
	s4 =	sadd.s32 $0x14680, s22;
	[tilespmem:s26+$0x0] =	vst v4;
	v13 =	vld.idx.msk [tilespmem:v40+s16+$0x0], $0xffff  }
0x35f: {  	v47 =	vadd.s32 $0x6C00, v7;
	s5 =	sor.u32 s21, s4;
	v46 =	vld.idx.msk [tilespmem:v41+s16+$0x0], $0xffff;
	[tilespmem:s3+$0x0] =	vst v15  }
0x360: {  	v48 =	vadd.s32 $0x6E00, v3;
	s6 =	sadd.s32 $0x14680, s24;
	v16 =	vld.idx.msk [tilespmem:v42+s16+$0x0], $0xffff;
	s1 =	sor.u32 s20, s4;
	[tilespmem:s5+$0x0] =	vst v17  }
0x361: {  	v49 =	vadd.s32 $0x6E00, v2;
	s7 =	sor.u32 s23, s6;
	[tilespmem:s1+$0x0] =	vst v10;
	v12 =	vld.idx.msk [tilespmem:v43+s16+$0x0], $0xffff  }
0x362: {  	v50 =	vadd.s32 $0x6E00, v6;
	s8 =	sadd.s32 $0x14700, s19;
	s0 =	sor.u32 s12, s6;
	v9 =	vld.idx.msk [tilespmem:v44+s16+$0x0], $0xffff;
	[tilespmem:s7+$0x0] =	vst v11  }
0x363: {  	v51 =	vadd.s32 $0x6E00, v5;
	s9 =	sor.u32 s18, s8;
	[tilespmem:s0+$0x0] =	vst v13;
	v4 =	vld.idx.msk [tilespmem:v45+s16+$0x0], $0xffff  }
0x364: {  	v52 =	vadd.s32 $0x6E00, v8;
	s11 =	sadd.s32 $0x14700, s22;
	s10 =	sor.u32 s17, s8;
	[tilespmem:s9+$0x0] =	vst v46;
	v53 =	vld.idx.msk [tilespmem:v47+s16+$0x0], $0xffff  }
0x365: {  	v55 =	vadd.s32 $0x6E00, v7;
	s13 =	sor.u32 s21, s11;
	v54 =	vld.idx.msk [tilespmem:v48+s16+$0x0], $0xffff;
	[tilespmem:s10+$0x0] =	vst v16  }
0x366: {  	v56 =	vadd.s32 $0x7000, v3;
	s14 =	sadd.s32 $0x14700, s24;
	v17 =	vld.idx.msk [tilespmem:v49+s16+$0x0], $0xffff;
	s1 =	sor.u32 s20, s11;
	[tilespmem:s13+$0x0] =	vst v12  }
0x367: {  	v57 =	vadd.s32 $0x7000, v2;
	s15 =	sor.u32 s23, s14;
	[tilespmem:s1+$0x0] =	vst v9;
	v10 =	vld.idx.msk [tilespmem:v50+s16+$0x0], $0xffff  }
0x368: {  	v58 =	vadd.s32 $0x7000, v6;
	s25 =	sadd.s32 $0x14780, s19;
	s0 =	sor.u32 s12, s14;
	v11 =	vld.idx.msk [tilespmem:v51+s16+$0x0], $0xffff;
	[tilespmem:s15+$0x0] =	vst v4  }
0x369: {  	v59 =	vadd.s32 $0x7000, v5;
	s26 =	sor.u32 s18, s25;
	[tilespmem:s0+$0x0] =	vst v53;
	v13 =	vld.idx.msk [tilespmem:v52+s16+$0x0], $0xffff  }
0x36a: {  	v60 =	vadd.s32 $0x7000, v8;
	s28 =	sor.u32 s17, s25;
	s29 =	sadd.s32 $0x14780, s22;
	[tilespmem:s26+$0x0] =	vst v54;
	v61 =	vld.idx.msk [tilespmem:v55+s16+$0x0], $0xffff  }
0x36b: {  	v63 =	vadd.s32 $0x7000, v7;
	s30 =	sor.u32 s21, s29;
	v62 =	vld.idx.msk [tilespmem:v56+s16+$0x0], $0xffff;
	[tilespmem:s28+$0x0] =	vst v17  }
0x36c: {  	v21 =	vadd.s32 $0x7200, v3;
	s31 =	sadd.s32 $0x14780, s24;
	v12 =	vld.idx.msk [tilespmem:v57+s16+$0x0], $0xffff;
	s1 =	sor.u32 s20, s29;
	[tilespmem:s30+$0x0] =	vst v10  }
0x36d: {  	v22 =	vadd.s32 $0x7200, v2;
	s2 =	sor.u32 s23, s31;
	[tilespmem:s1+$0x0] =	vst v11;
	v9 =	vld.idx.msk [tilespmem:v58+s16+$0x0], $0xffff  }
0x36e: {  	v23 =	vadd.s32 $0x7200, v6;
	s3 =	sadd.s32 $0x16400, s19;
	s0 =	sor.u32 s12, s31;
	v4 =	vld.idx.msk [tilespmem:v59+s16+$0x0], $0xffff;
	[tilespmem:s2+$0x0] =	vst v13  }
0x36f: {  	v24 =	vadd.s32 $0x7200, v5;
	s4 =	sor.u32 s18, s3;
	[tilespmem:s0+$0x0] =	vst v61;
	v14 =	vld.idx.msk [tilespmem:v60+s16+$0x0], $0xffff  }
0x370: {  	v25 =	vadd.s32 $0x7200, v8;
	s6 =	sadd.s32 $0x16400, s22;
	s5 =	sor.u32 s17, s3;
	[tilespmem:s4+$0x0] =	vst v62;
	v26 =	vld.idx.msk [tilespmem:v63+s16+$0x0], $0xffff  }
0x371: {  	v28 =	vadd.s32 $0x7200, v7;
	s7 =	sor.u32 s21, s6;
	v27 =	vld.idx.msk [tilespmem:v21+s16+$0x0], $0xffff;
	[tilespmem:s5+$0x0] =	vst v12  }
0x372: {  	v29 =	vadd.s32 $0x7400, v3;
	s8 =	sadd.s32 $0x16400, s24;
	v10 =	vld.idx.msk [tilespmem:v22+s16+$0x0], $0xffff;
	s1 =	sor.u32 s20, s6;
	[tilespmem:s7+$0x0] =	vst v9  }
0x373: {  	v30 =	vadd.s32 $0x7400, v2;
	s9 =	sor.u32 s23, s8;
	[tilespmem:s1+$0x0] =	vst v4;
	v11 =	vld.idx.msk [tilespmem:v23+s16+$0x0], $0xffff  }
0x374: {  	v31 =	vadd.s32 $0x7400, v6;
	s10 =	sadd.s32 $0x16480, s19;
	s0 =	sor.u32 s12, s8;
	v13 =	vld.idx.msk [tilespmem:v24+s16+$0x0], $0xffff;
	[tilespmem:s9+$0x0] =	vst v14  }
0x375: {  	v32 =	vadd.s32 $0x7400, v5;
	s11 =	sor.u32 s18, s10;
	[tilespmem:s0+$0x0] =	vst v26;
	v15 =	vld.idx.msk [tilespmem:v25+s16+$0x0], $0xffff  }
0x376: {  	v33 =	vadd.s32 $0x7400, v8;
	s14 =	sadd.s32 $0x16480, s22;
	s13 =	sor.u32 s17, s10;
	[tilespmem:s11+$0x0] =	vst v27;
	v12 =	vld.idx.msk [tilespmem:v28+s16+$0x0], $0xffff  }
0x377: {  	v34 =	vadd.s32 $0x7400, v7;
	s15 =	sor.u32 s21, s14;
	v17 =	vld.idx.msk [tilespmem:v29+s16+$0x0], $0xffff;
	[tilespmem:s13+$0x0] =	vst v10  }
0x378: {  	v35 =	vadd.s32 $0x7600, v3;
	s25 =	sadd.s32 $0x16480, s24;
	v9 =	vld.idx.msk [tilespmem:v30+s16+$0x0], $0xffff;
	s1 =	sor.u32 s20, s14;
	[tilespmem:s15+$0x0] =	vst v11  }
0x379: {  	v36 =	vadd.s32 $0x7600, v2;
	s26 =	sor.u32 s23, s25;
	[tilespmem:s1+$0x0] =	vst v13;
	v4 =	vld.idx.msk [tilespmem:v31+s16+$0x0], $0xffff  }
0x37a: {  	v37 =	vadd.s32 $0x7600, v6;
	s28 =	sadd.s32 $0x16500, s19;
	s0 =	sor.u32 s12, s25;
	v14 =	vld.idx.msk [tilespmem:v32+s16+$0x0], $0xffff;
	[tilespmem:s26+$0x0] =	vst v15  }
0x37b: {  	v38 =	vadd.s32 $0x7600, v5;
	s29 =	sor.u32 s18, s28;
	[tilespmem:s0+$0x0] =	vst v12;
	v16 =	vld.idx.msk [tilespmem:v33+s16+$0x0], $0xffff  }
0x37c: {  	v39 =	vadd.s32 $0x7600, v8;
	s31 =	sadd.s32 $0x16500, s22;
	s30 =	sor.u32 s17, s28;
	[tilespmem:s29+$0x0] =	vst v17;
	v10 =	vld.idx.msk [tilespmem:v34+s16+$0x0], $0xffff  }
0x37d: {  	v40 =	vadd.s32 $0x7600, v7;
	s2 =	sor.u32 s21, s31;
	v17 =	vld.idx.msk [tilespmem:v35+s16+$0x0], $0xffff;
	[tilespmem:s30+$0x0] =	vst v9  }
0x37e: {  	v41 =	vadd.s32 $0x7800, v3;
	s3 =	sadd.s32 $0x16500, s24;
	v11 =	vld.idx.msk [tilespmem:v36+s16+$0x0], $0xffff;
	s1 =	sor.u32 s20, s31;
	[tilespmem:s2+$0x0] =	vst v4  }
0x37f: {  	v42 =	vadd.s32 $0x7800, v2;
	s4 =	sor.u32 s23, s3;
	[tilespmem:s1+$0x0] =	vst v14;
	v13 =	vld.idx.msk [tilespmem:v37+s16+$0x0], $0xffff  }
0x380: {  	v43 =	vadd.s32 $0x7800, v6;
	s5 =	sadd.s32 $0x16580, s19;
	s0 =	sor.u32 s12, s3;
	v15 =	vld.idx.msk [tilespmem:v38+s16+$0x0], $0xffff;
	[tilespmem:s4+$0x0] =	vst v16  }
0x381: {  	v44 =	vadd.s32 $0x7800, v5;
	s6 =	sor.u32 s18, s5;
	[tilespmem:s0+$0x0] =	vst v10;
	v12 =	vld.idx.msk [tilespmem:v39+s16+$0x0], $0xffff  }
0x382: {  	v45 =	vadd.s32 $0x7800, v8;
	s8 =	sadd.s32 $0x16580, s22;
	s7 =	sor.u32 s17, s5;
	[tilespmem:s6+$0x0] =	vst v17;
	v9 =	vld.idx.msk [tilespmem:v40+s16+$0x0], $0xffff  }
0x383: {  	v46 =	vadd.s32 $0x7800, v7;
	s9 =	sor.u32 s21, s8;
	v17 =	vld.idx.msk [tilespmem:v41+s16+$0x0], $0xffff;
	[tilespmem:s7+$0x0] =	vst v11  }
0x384: {  	v47 =	vadd.s32 $0x7A00, v3;
	s10 =	sadd.s32 $0x16580, s24;
	v4 =	vld.idx.msk [tilespmem:v42+s16+$0x0], $0xffff;
	s1 =	sor.u32 s20, s8;
	[tilespmem:s9+$0x0] =	vst v13  }
0x385: {  	v48 =	vadd.s32 $0x7A00, v2;
	s11 =	sor.u32 s23, s10;
	[tilespmem:s1+$0x0] =	vst v15;
	v14 =	vld.idx.msk [tilespmem:v43+s16+$0x0], $0xffff  }
0x386: {  	v49 =	vadd.s32 $0x7A00, v6;
	s13 =	sadd.s32 $0x16600, s19;
	s0 =	sor.u32 s12, s10;
	v16 =	vld.idx.msk [tilespmem:v44+s16+$0x0], $0xffff;
	[tilespmem:s11+$0x0] =	vst v12  }
0x387: {  	v50 =	vadd.s32 $0x7A00, v5;
	s14 =	sor.u32 s18, s13;
	[tilespmem:s0+$0x0] =	vst v9;
	v10 =	vld.idx.msk [tilespmem:v45+s16+$0x0], $0xffff  }
0x388: {  	v51 =	vadd.s32 $0x7A00, v8;
	s25 =	sadd.s32 $0x16600, s22;
	s15 =	sor.u32 s17, s13;
	[tilespmem:s14+$0x0] =	vst v17;
	v11 =	vld.idx.msk [tilespmem:v46+s16+$0x0], $0xffff  }
0x389: {  	v52 =	vadd.s32 $0x7A00, v7;
	s26 =	sor.u32 s21, s25;
	v17 =	vld.idx.msk [tilespmem:v47+s16+$0x0], $0xffff;
	[tilespmem:s15+$0x0] =	vst v4  }
0x38a: {  	v53 =	vadd.s32 $0x7C00, v3;
	s28 =	sadd.s32 $0x16600, s24;
	v13 =	vld.idx.msk [tilespmem:v48+s16+$0x0], $0xffff;
	s1 =	sor.u32 s20, s25;
	[tilespmem:s26+$0x0] =	vst v14  }
0x38b: {  	v54 =	vadd.s32 $0x7C00, v2;
	s29 =	sor.u32 s23, s28;
	[tilespmem:s1+$0x0] =	vst v16;
	v15 =	vld.idx.msk [tilespmem:v49+s16+$0x0], $0xffff  }
0x38c: {  	v55 =	vadd.s32 $0x7C00, v6;
	s30 =	sadd.s32 $0x16680, s19;
	s0 =	sor.u32 s12, s28;
	v12 =	vld.idx.msk [tilespmem:v50+s16+$0x0], $0xffff;
	[tilespmem:s29+$0x0] =	vst v10  }
0x38d: {  	v56 =	vadd.s32 $0x7C00, v5;
	s31 =	sor.u32 s18, s30;
	[tilespmem:s0+$0x0] =	vst v11;
	v9 =	vld.idx.msk [tilespmem:v51+s16+$0x0], $0xffff  }
0x38e: {  	v57 =	vadd.s32 $0x7C00, v8;
	s2 =	sadd.s32 $0x16680, s22;
	[tilespmem:s31+$0x0] =	vst v17;
	s1 =	sor.u32 s17, s30;
	v4 =	vld.idx.msk [tilespmem:v52+s16+$0x0], $0xffff  }
0x38f: {  	v58 =	vadd.s32 $0x7C00, v7;
	s3 =	sor.u32 s21, s2;
	v17 =	vld.idx.msk [tilespmem:v53+s16+$0x0], $0xffff;
	[tilespmem:s1+$0x0] =	vst v13  }
0x390: {  	v3 =	vadd.s32 $0x7E00, v3;
	s5 =	sadd.s32 $0x16680, s24;
	s4 =	sor.u32 s20, s2;
	v14 =	vld.idx.msk [tilespmem:v54+s16+$0x0], $0xffff;
	[tilespmem:s3+$0x0] =	vst v15  }
0x391: {  	v2 =	vadd.s32 $0x7E00, v2;
	s6 =	sor.u32 s23, s5;
	[tilespmem:s4+$0x0] =	vst v12;
	v15 =	vld.idx.msk [tilespmem:v55+s16+$0x0], $0xffff  }
0x392: {  	v59 =	vadd.s32 $0x7E00, v6;
	s7 =	sadd.s32 $0x16700, s19;
	s8 =	sor.u32 s12, s5;
	v10 =	vld.idx.msk [tilespmem:v56+s16+$0x0], $0xffff;
	[tilespmem:s6+$0x0] =	vst v9  }
0x393: {  	v60 =	vadd.s32 $0x7E00, v5;
	s9 =	sor.u32 s18, s7;
	[tilespmem:s8+$0x0] =	vst v4;
	v9 =	vld.idx.msk [tilespmem:v57+s16+$0x0], $0xffff  }
0x394: {  	v61 =	vadd.s32 $0x7E00, v8;
	s10 =	sor.u32 s17, s7;
	s11 =	sadd.s32 $0x16700, s22;
	[tilespmem:s9+$0x0] =	vst v17;
	v62 =	vld.idx.msk [tilespmem:v58+s16+$0x0], $0xffff  }
0x395: {  	v63 =	vadd.s32 $0x7E00, v7;
	s13 =	sor.u32 s21, s11;
	v3 =	vld.idx.msk [tilespmem:v3+s16+$0x0], $0xffff;
	[tilespmem:s10+$0x0] =	vst v14  }
0x396: {  	s14 =	sadd.s32 $0x16700, s24;
	s1 =	sor.u32 s20, s11;
	v2 =	vld.idx.msk [tilespmem:v2+s16+$0x0], $0xffff;
	[tilespmem:s13+$0x0] =	vst v15  }
0x397: {  	s15 =	sor.u32 s23, s14;
	[tilespmem:s1+$0x0] =	vst v10;
	v6 =	vld.idx.msk [tilespmem:v59+s16+$0x0], $0xffff  }
0x398: {  	s19 =	sadd.s32 $0x16780, s19;
	s0 =	sor.u32 s12, s14;
	v5 =	vld.idx.msk [tilespmem:v60+s16+$0x0], $0xffff;
	[tilespmem:s15+$0x0] =	vst v9  }
0x399: {  	s25 =	sor.u32 s18, s19;
	[tilespmem:s0+$0x0] =	vst v62;
	v4 =	vld.idx.msk [tilespmem:v61+s16+$0x0], $0xffff  }
0x39a: {  	s28 =	sadd.s32 $0x16780, s22;
	s26 =	sor.u32 s17, s19;
	[tilespmem:s25+$0x0] =	vst v3;
	v3 =	vld.idx.msk [tilespmem:v63+s16+$0x0], $0xffff  }
0x39b: {  	s29 =	sor.u32 s21, s28;
	[tilespmem:s26+$0x0] =	vst v2  }
0x39c: {  	s30 =	sadd.s32 $0x16780, s24;
	s1 =	sor.u32 s20, s28;
	[tilespmem:s29+$0x0] =	vst v6  }
0x39d: {  	s31 =	sor.u32 s23, s30;
	[tilespmem:s1+$0x0] =	vst v5  }
0x39e: {  	s0 =	sor.u32 s12, s30;
	[tilespmem:s31+$0x0] =	vst v4  }
0x39f: {  	s4 =	simm.s32 $0x18400;
	s1 =	simm.s32 $0x0;
	[tilespmem:s0+$0x0] =	vst v3;
	s0 =	simm.s32 $0x40  }
.LBB2_5:
0x3a0: {  	p1 =	sne.s32 s0, $0xFC0;
	v2 =	vld [tilespmem:s1+$0x8000];
	_ =	sdelay $0x3  }
.Ltmp1:
0x3a1: {  	(pc) =	sbr.rel @p1 .LBB2_5-.Ltmp1, $2  }
0x3a2: {  	_ =	sdelay $0x2  }
0x3a3: {  	s1 =	sshra.s32 s0, $0x2;
	s0 =	sadd.s32 $0x40, s0;
	[tilespmem:v2+s4+$0x0] =	vst.idx.add.f32.msk $0xffff, v1  }
0x3a4: {  	v2 =	vld [tilespmem:s1+$0x8000];
	_ =	sdelay $0x5  }
0x3a5: {  	s0 =	rddreg [dreg:$0xb]  }
0x3a6: {  	s30 =	rddreg [dreg:$0x5];
	s0 =	sshll.u32 s0, $0xD  }
0x3a7: {  	s31 =	simm.s32 $0x0;
	s2 =	simm.s32 $0x8400;
	s0 =	sadd.s32 s30, s0;
	[tilespmem:v2+s4+$0x0] =	vst.idx.add.f32.msk $0xffff, v1  }
0x3a8: {  	[hbm4b:s0+s31] =	stream.linear.scatter [tilespmem:s2], [sflag:$0x1], $0x10000, $0x38;
	[tilespmem:$0x18600] =	vst v63  }
.Ltmp2:
0x3a9: {  	_ = 	snop;
	(pc) =	sbr.rel @p0 .LBB2_2-.Ltmp2, $4  }
0x3aa: {  	s0 =	simm.s32 $0x1  }
0x3ab: {  	_ =	swait.ge [sflag:s0], $0x10000  }
0x3ac: {  	[sflag:s0] =	ssyncset.done $0x0  }
0x3ad: {  	p1 =	por $0x0, $0x0;
	s2 =	simm.s32 $0x1;
	[sflag:s0] =	ssyncadd.s32 $0xFFFF0000  }
0x3ae: {  	s0 =	rddreg [dreg:$0x8];
	s1 =	simm.s32 $0x80;
	s3 =	simm.s32 $0x400  }
0x3af: {  	[hbm4b:s0+s1] =	stream.strided.scatter [tilespmem:s4], [sflag:$0x1], $0x200, s3, s1, $0x38;
	[tilespmem:$0x18600] =	vst v63  }
0x3b0: {  	_ =	swait.ge [sflag:s2], $0x200  }
0x3b1: {  	s30 =	rddreg [dreg:$0xa]  }
0x3b2: {  	s31 =	rddreg [dreg:$0x9];
	s1 =	sadd.s32 $0x1, s30  }
0x3b3: {  	p0 =	sne.s32 s1, s31  }
.Ltmp3:
0x3b4: {  	_ = 	snop;
	(pc) =	sbr.rel @p0 .LBB2_1-.Ltmp3, $3  }
0x3b5: {  	_ =	sdelay $0x1  }
0x3b6: {  	[sflag:s2] =	ssyncset.done $0x0  }
0x3b7: {  	[sflag:s2] =	ssyncadd.s32 $0xFFFFFE00  }
0x3b8: {  	_ =	sfence.sel $0x180000  }
0x3b9: {  	[bflag:$0x0] =	sbarrier.arrive $0xFFFF  }
0x3ba: {  	_ =	strace $0x90000047  }
0x3bb: {  	s0 =	stileid.u32;
	[bflag:$0x2] =	sbarrier.arrive $0xFFFF  }
0x3bc: {  	p0 =	sne.s32 s0, $0x0;
	s0 =	rddreg [dreg:$0x2]  }
0x3bd: {  	s0 =	sadd.s32 @!p0 $0x100000, s0  }
0x3be: {  	[sflag:s0] =	ssyncadd.tile.s32 @!p0 $0x1;
	_ =	shalt  }
.Lfunc_end2:
_tile_overlayer_lowered:
.L_overlay_start_2:
0x3bf: {  	(tag) =	ssettag $0x2  }
0x3c0: {  	s0 =	rddreg [dreg:$0x0];
	s2 =	stileid.u32  }
0x3c1: {  	s1 =	rddreg [dreg:$0x1];
	p0 =	sne.s32 s2, $0x0  }
0x3c2: {  	s3 =	rddreg [dreg:$0x2];
	[bflag:$0x3] =	sbarrier.arrive $0xFFFF;
	s2 =	simm.s32 @!p0 $0x1C01  }
0x3c3: {  	[timem:s3], [sflag:s2] =	dma.local @!p0 [hbm:s0], s1  }
0x3c4: {  	s0 =	simm.s32 @!p0 $0x1  }
0x3c5: {  	_ =	swait.ge @!p0 [sflag:s0], s1  }
0x3c6: {  	s1 =	ssub.s32 @!p0 $0x0, s1;
	[sflag:s0] =	ssyncset.done @!p0 $0x0  }
0x3c7: {  	[sflag:s0] =	ssyncadd.s32 @!p0 s1  }
0x3c8: {  	[bflag:$0x3] =	sbarrier.arrive $0xFFFF  }
0x3c9: {  	_ =	shalt  }

</sc_bundles>
